<compile_context>
chip_gen: v7x
topology: tpu7x:2x2x1
jax: 0.10.2.dev20260603
libtpu: 0.0.44.dev20260713+nightly
codegen_flags: <defaults>
</compile_context>

<pallas_src>
import functools

import jax
import jax.numpy as jnp
import numpy as np
from jax import lax
from jax.experimental import pallas as pl
from jax.experimental.pallas import tpu as pltpu
from jax.experimental.pallas import tpu_sc as plsc

N = 10000
E = 160000
F = 128
EMB = 128
RBF = 16
SBF = 128
H = 8
DH = 16
L = 2
G = 64

BE = 2000
NEB = E // BE
BN = 2000
NNB = N // BN

NC = 2
NS = 16
NW = NC * NS
NPAD = 10240
NZT = NPAD // NS

ND = F + 2 * H

CEW = E // NW
CCH = 200
CNCH = CEW // CCH

REW = E // NS
RCH = 200
RNCH = REW // RCH


def _silu(x):
    return x * jax.nn.sigmoid(x)


def _edge_pre_body(attr, sbf, w0, b0, w1, b1, we0, be0, we1, be1, ws0, ws1,
                   es0_o, es1_o):
    h = _silu(attr[...] @ w0[...] + b0[...])
    ea = h @ w1[...] + b1[...]
    pad = jnp.zeros((ea.shape[0], H), jnp.float32)
    sbv = sbf[...]
    es0_o[...] = jnp.concatenate(
        [ea @ we0[...] + be0[...], sbv @ ws0[...], pad], axis=1)
    es1_o[...] = jnp.concatenate(
        [ea @ we1[...] + be1[...], sbv @ ws1[...], pad], axis=1)


def _edge_pre(edge_attr, edge_sbf, p):
    row = lambda i: (i, 0)
    full = lambda i: (0, 0)
    eb = pl.BlockSpec((BE, F), row)
    wb = pl.BlockSpec((F, F), full)
    bb = pl.BlockSpec((1, F), full)
    sb = pl.BlockSpec((F, H), full)
    ob = pl.BlockSpec((BE, ND), row)
    return pl.pallas_call(
        _edge_pre_body,
        grid=(NEB,),
        in_specs=[eb, eb, wb, bb, wb, bb, wb, bb, wb, bb, sb, sb],
        out_specs=[ob, ob],
        out_shape=[
            jax.ShapeDtypeStruct((E, ND), jnp.float32),
            jax.ShapeDtypeStruct((E, ND), jnp.float32),
        ],
    )(edge_attr, edge_sbf,
      p['edgenn'][0]['W'], p['edgenn'][0]['b'][None, :],
      p['edgenn'][1]['W'], p['edgenn'][1]['b'][None, :],
      p['convs'][0]['e']['W'], p['convs'][0]['e']['b'][None, :],
      p['convs'][1]['e']['W'], p['convs'][1]['e']['b'][None, :],
      p['convs'][0]['sbf'], p['convs'][1]['sbf'])


def _qkv_body(x, wq, bq, wk, bk, wv, bv, q_o, kv_o):
    xv = x[...]
    q_o[...] = xv @ wq[...] + bq[...]
    k = xv @ wk[...] + bk[...]
    v = xv @ wv[...] + bv[...]
    kv_o[...] = jnp.concatenate([k, v], axis=1)


def _qkv(x, cp):
    row = lambda i: (i, 0)
    full = lambda i: (0, 0)
    nb = pl.BlockSpec((BN, F), row)
    wb = pl.BlockSpec((F, F), full)
    bb = pl.BlockSpec((1, F), full)
    return pl.pallas_call(
        _qkv_body,
        grid=(NNB,),
        in_specs=[nb, wb, bb, wb, bb, wb, bb],
        out_specs=[nb, pl.BlockSpec((BN, 2 * F), row)],
        out_shape=[jax.ShapeDtypeStruct((N, F), jnp.float32),
                   jax.ShapeDtypeStruct((N, 2 * F), jnp.float32)],
    )(x, cp['q']['W'], cp['q']['b'][None, :],
      cp['k']['W'], cp['k']['b'][None, :],
      cp['v']['W'], cp['v']['b'][None, :])


FCH = 40
FNCH = CEW // FCH
_GDN = lax.GatherDimensionNumbers(offset_dims=(), collapsed_slice_dims=(0,),
                                  start_index_map=(0,))


def _splat(vec, idx):
    return lax.gather(vec, idx, _GDN, (1,),
                      mode=lax.GatherScatterMode.PROMISE_IN_BOUNDS)


def _sc_convmsg_body(q_hbm, kv_hbm, es_hbm, src_r, dst_r, num_o, wex_o,
                     srcbuf, dstbuf, qb0, qb1, kb0, kb1, eb0, eb1,
                     nb0, nb1, wb0, wb1,
                     sq0, sq1, sk0, sk1, se0, se1, sn0, sn1, sv0, sv1):
    c = lax.axis_index("c")
    s = lax.axis_index("s")
    w = c * NS + s
    pltpu.sync_copy(src_r.at[w], srcbuf)
    pltpu.sync_copy(dst_r.at[w], dstbuf)

    ins = [(qb0, kb0, eb0, sq0, sk0, se0), (qb1, kb1, eb1, sq1, sk1, se1)]
    outs = [(nb0, wb0, sn0, sv0), (nb1, wb1, sn1, sv1)]

    lanes = lax.iota(jnp.int32, DH)
    perms = [(lanes ^ k).reshape(DH, 1) for k in (1, 2, 4, 8)]

    def allsum(x):
        for pm in perms:
            x = x + _splat(x, pm)
        return x

    def issue_in(j, qb, kb, eb, sq, sk, se):
        pltpu.async_copy(q_hbm.at[dstbuf.at[pl.ds(j * FCH, FCH)]], qb, sq)
        pltpu.async_copy(kv_hbm.at[srcbuf.at[pl.ds(j * FCH, FCH)]], kb, sk)
        pltpu.async_copy(es_hbm.at[pl.ds(w * CEW + j * FCH, FCH)], eb, se)

    issue_in(0, *ins[0])

    def process(j, par):
        qb, kb, eb, sq, sk, se = ins[par]
        nb, wb, sn, sv = outs[par]
        pltpu.make_async_copy(
            q_hbm.at[dstbuf.at[pl.ds(j * FCH, FCH)]], qb, sq).wait()
        pltpu.make_async_copy(
            kv_hbm.at[srcbuf.at[pl.ds(j * FCH, FCH)]], kb, sk).wait()
        pltpu.make_async_copy(
            es_hbm.at[pl.ds(w * CEW + j * FCH, FCH)], eb, se).wait()

        @pl.when(j + 1 < FNCH)
        def _():
            issue_in(j + 1, *ins[1 - par])

        @pl.when(j >= 2)
        def _():
            base2 = w * CEW + (j - 2) * FCH
            pltpu.make_async_copy(nb, num_o.at[pl.ds(base2, FCH)], sn).wait()
            pltpu.make_async_copy(wb, wex_o.at[pl.ds(base2, FCH)], sv).wait()

        def edge(i, carry):
            slv = eb[i, pl.ds(F, DH)]
            lg = slv * 0.0
            for h in range(H):
                off = h * DH
                eh = eb[i, pl.ds(off, DH)]
                qh = qb[i, pl.ds(off, DH)]
                kh = kb[i, pl.ds(off, DH)] + eh
                vh = kb[i, pl.ds(F + off, DH)] + eh
                tot = allsum(qh * kh)
                lg = jnp.where(lanes == h, tot, lg)
                nb[i, pl.ds(off, DH)] = vh
            wb[i, pl.ds(0, DH)] = lg * 0.25 + slv
            return carry

        lax.fori_loop(0, FCH, edge, 0)
        base = w * CEW + j * FCH
        pltpu.async_copy(nb, num_o.at[pl.ds(base, FCH)], sn)
        pltpu.async_copy(wb, wex_o.at[pl.ds(base, FCH)], sv)

    def chunk(j, carry):
        @pl.when(j % 2 == 0)
        def _():
            process(j, 0)

        @pl.when(j % 2 == 1)
        def _():
            process(j, 1)

        return carry

    lax.fori_loop(0, FNCH, chunk, 0)

    for j in (FNCH - 2, FNCH - 1):
        nb, wb, sn, sv = outs[j % 2]
        base = w * CEW + j * FCH
        pltpu.make_async_copy(nb, num_o.at[pl.ds(base, FCH)], sn).wait()
        pltpu.make_async_copy(wb, wex_o.at[pl.ds(base, FCH)], sv).wait()


def _sc_convmsg(q, kv, es, src_r, dst_r):
    mesh = plsc.VectorSubcoreMesh(core_axis_name="c", subcore_axis_name="s")
    return pl.kernel(
        _sc_convmsg_body,
        out_type=[jax.ShapeDtypeStruct((E, F), jnp.float32),
                  jax.ShapeDtypeStruct((E, DH), jnp.float32)],
        mesh=mesh,
        scratch_types=[
            pltpu.VMEM((CEW,), jnp.int32),
            pltpu.VMEM((CEW,), jnp.int32),
            pltpu.VMEM((FCH, F), jnp.float32),
            pltpu.VMEM((FCH, F), jnp.float32),
            pltpu.VMEM((FCH, 2 * F), jnp.float32),
            pltpu.VMEM((FCH, 2 * F), jnp.float32),
            pltpu.VMEM((FCH, ND), jnp.float32),
            pltpu.VMEM((FCH, ND), jnp.float32),
            pltpu.VMEM((FCH, F), jnp.float32),
            pltpu.VMEM((FCH, F), jnp.float32),
            pltpu.VMEM((FCH, DH), jnp.float32),
            pltpu.VMEM((FCH, DH), jnp.float32),
        ] + [pltpu.SemaphoreType.DMA] * 10,
    )(q, kv, es, src_r, dst_r)


def _edge_w_body(vadd, lg, mexp, num_o, wex_o):
    wex = jnp.exp(lg[...][:, :H]) @ mexp[...]
    wex_o[...] = wex
    num_o[...] = wex * vadd[...]


def _edge_w(vadd, lg, mexp):
    row = lambda i: (i, 0)
    full = lambda i: (0, 0)
    fb = pl.BlockSpec((BE, F), row)
    return pl.pallas_call(
        _edge_w_body,
        grid=(NEB,),
        in_specs=[fb, pl.BlockSpec((BE, DH), row),
                  pl.BlockSpec((H, F), full)],
        out_specs=[fb, fb],
        out_shape=[jax.ShapeDtypeStruct((E, F), jnp.float32),
                   jax.ShapeDtypeStruct((E, F), jnp.float32)],
    )(vadd, lg, mexp)


def _sc_convscatter_body(num_hbm, wex_hbm, dst_r, zeros, num_o, wex_o,
                         acc, dstbuf, rowbuf):
    c = lax.axis_index("c")
    s = lax.axis_index("s")
    pltpu.sync_copy(dst_r.at[s], dstbuf)
    pltpu.sync_copy(zeros.at[pl.ds(s * NZT, NZT)], acc.at[pl.ds(s * NZT, NZT)])
    plsc.subcore_barrier()

    def chunk(j, src_hbm):
        base = s * REW + j * RCH
        pltpu.sync_copy(src_hbm.at[pl.ds(base, RCH)], rowbuf)
        pltpu.sync_copy(rowbuf, acc.at[dstbuf.at[pl.ds(j * RCH, RCH)]],
                        add=True)

    @pl.when(c == 0)
    def _():
        def body(j, carry):
            chunk(j, num_hbm)
            return carry
        lax.fori_loop(0, RNCH, body, 0)

    @pl.when(c == 1)
    def _():
        def body(j, carry):
            chunk(j, wex_hbm)
            return carry
        lax.fori_loop(0, RNCH, body, 0)

    plsc.subcore_barrier()

    @pl.when(c == 0)
    def _():
        pltpu.sync_copy(acc.at[pl.ds(s * NZT, NZT)],
                        num_o.at[pl.ds(s * NZT, NZT)])

    @pl.when(c == 1)
    def _():
        pltpu.sync_copy(acc.at[pl.ds(s * NZT, NZT)],
                        wex_o.at[pl.ds(s * NZT, NZT)])


def _sc_convscatter(num, wex, dst_r, zeros_f):
    mesh = plsc.VectorSubcoreMesh(core_axis_name="c", subcore_axis_name="s")
    return pl.kernel(
        _sc_convscatter_body,
        out_type=[jax.ShapeDtypeStruct((NPAD, F), jnp.float32),
                  jax.ShapeDtypeStruct((NPAD, F), jnp.float32)],
        mesh=mesh,
        scratch_types=[
            pltpu.VMEM_SHARED((NPAD, F), jnp.float32),
            pltpu.VMEM((REW,), jnp.int32),
            pltpu.VMEM((RCH, F), jnp.float32),
        ],
    )(num, wex, dst_r, zeros_f)


def _node_phase_body(num, wex, res0, rbf, P, mexp, wr, wo, bo,
                     wbf0, bbf0, wbf1, bbf1, wd, bd,
                     wa00, ba00, wa01, ba01, wa10, ba10, wa11, ba11,
                     out_o):
    agg = num[...] / (wex[...] + 1e-16)
    gate = rbf[...] @ wr[...]
    t = (agg * gate) @ wo[...] + bo[...]

    Pv = P[...]
    cnt = jnp.sum(Pv, axis=0)
    denom = jnp.maximum(cnt, 1.0) * float(F)
    s_g = lax.dot_general(Pv, t, (((0,), (0,)), ((), ())))
    mean_g = jnp.sum(s_g, axis=1) / denom
    mean_n = Pv @ mean_g[:, None]
    xc = t - mean_n
    r = jnp.sum(xc * xc, axis=1, keepdims=True)
    v_g = lax.dot_general(Pv, r, (((0,), (0,)), ((), ())))
    var_g = v_g / denom[:, None]
    var_n = Pv @ var_g
    t = xc / jnp.sqrt(var_n + 1e-8)

    h = _silu(t @ wbf0[...] + bbf0[...])
    h = _silu(h @ wbf1[...] + bbf1[...])
    t = t + h
    t = _silu(t @ wd[...] + bd[...])
    t = t + res0[...]
    h = _silu(t @ wa00[...] + ba00[...])
    h = _silu(h @ wa01[...] + ba01[...])
    t = t + h
    h = _silu(t @ wa10[...] + ba10[...])
    h = _silu(h @ wa11[...] + ba11[...])
    out_o[...] = t + h


def _node_phase(num, wex, res0, node_rbf, P, mexp, p, li):
    cp = p['convs'][li]
    bf = p['bf_skip'][li]
    af = p['af_skip'][li]
    def b(shape):
        return pl.BlockSpec(shape, lambda: (0,) * len(shape))
    args = [
        num, wex, res0, node_rbf, P, mexp,
        cp['rbf'], cp['o']['W'], cp['o']['b'][None, :],
        bf[0]['W'], bf[0]['b'][None, :], bf[1]['W'], bf[1]['b'][None, :],
        p['dense_bf'][li]['W'], p['dense_bf'][li]['b'][None, :],
        af[0][0]['W'], af[0][0]['b'][None, :], af[0][1]['W'], af[0][1]['b'][None, :],
        af[1][0]['W'], af[1][0]['b'][None, :], af[1][1]['W'], af[1][1]['b'][None, :],
    ]
    in_specs = [b(tuple(a.shape)) for a in args]
    return pl.pallas_call(
        _node_phase_body,
        in_specs=in_specs,
        out_specs=b((N, F)),
        out_shape=jax.ShapeDtypeStruct((N, F), jnp.float32),
    )(*args)


def _readout_pre_body(x, rbf, wu, bu, wg, y0_o, y1_o):
    up = _silu(x[...] @ wu[...] + bu[...])
    gate = _silu(rbf[...] @ wg[...])
    y = up * gate
    y0_o[...] = y[:, :F]
    y1_o[...] = y[:, F:]


def _readout_pre(x, node_rbf, p):
    row = lambda i: (i, 0)
    full = lambda i: (0, 0)
    return pl.pallas_call(
        _readout_pre_body,
        grid=(NNB,),
        in_specs=[pl.BlockSpec((BN, F), row), pl.BlockSpec((BN, RBF), row),
                  pl.BlockSpec((F, 2 * F), full), pl.BlockSpec((1, 2 * F), full),
                  pl.BlockSpec((RBF, 2 * F), full)],
        out_specs=[pl.BlockSpec((BN, F), row), pl.BlockSpec((BN, F), row)],
        out_shape=[jax.ShapeDtypeStruct((N, F), jnp.float32),
                   jax.ShapeDtypeStruct((N, F), jnp.float32)],
    )(x, node_rbf, p['up']['W'], p['up']['b'][None, :],
      p['readout']['gate'])


def _sc_readout_body(y0_hbm, y1_hbm, src_r, dst_r, zeros, h0_o, h1_o,
                     acc, srcbuf, dstbuf, rows, sem):
    c = lax.axis_index("c")
    s = lax.axis_index("s")
    pltpu.sync_copy(src_r.at[s], srcbuf)
    pltpu.sync_copy(dst_r.at[s], dstbuf)
    pltpu.sync_copy(zeros.at[pl.ds(s * NZT, NZT)], acc.at[pl.ds(s * NZT, NZT)])
    plsc.subcore_barrier()

    def chunk(j, y_hbm):
        pltpu.async_copy(y_hbm.at[srcbuf.at[pl.ds(j * RCH, RCH)]], rows,
                         sem).wait()
        pltpu.sync_copy(rows, acc.at[dstbuf.at[pl.ds(j * RCH, RCH)]],
                        add=True)

    @pl.when(c == 0)
    def _():
        def body(j, carry):
            chunk(j, y0_hbm)
            return carry
        lax.fori_loop(0, RNCH, body, 0)

    @pl.when(c == 1)
    def _():
        def body(j, carry):
            chunk(j, y1_hbm)
            return carry
        lax.fori_loop(0, RNCH, body, 0)

    plsc.subcore_barrier()

    @pl.when(c == 0)
    def _():
        pltpu.sync_copy(acc.at[pl.ds(s * NZT, NZT)], h0_o.at[pl.ds(s * NZT, NZT)])

    @pl.when(c == 1)
    def _():
        pltpu.sync_copy(acc.at[pl.ds(s * NZT, NZT)], h1_o.at[pl.ds(s * NZT, NZT)])


def _sc_readout(y0, y1, src_r, dst_r, zeros_f):
    mesh = plsc.VectorSubcoreMesh(core_axis_name="c", subcore_axis_name="s")
    return pl.kernel(
        _sc_readout_body,
        out_type=[jax.ShapeDtypeStruct((NPAD, F), jnp.float32),
                  jax.ShapeDtypeStruct((NPAD, F), jnp.float32)],
        mesh=mesh,
        scratch_types=[
            pltpu.VMEM_SHARED((NPAD, F), jnp.float32),
            pltpu.VMEM((REW,), jnp.int32),
            pltpu.VMEM((REW,), jnp.int32),
            pltpu.VMEM((RCH, F), jnp.float32),
            pltpu.SemaphoreType.DMA,
        ],
    )(y0, y1, src_r, dst_r, zeros_f)


def _readout_post_body(h0, h1, P0, w0, b0, w1, b1, w2, b2, wo, bo, out_o):
    t = jnp.concatenate([h0[...], h1[...]], axis=1)
    t = _silu(t @ w0[...] + b0[...])
    t = _silu(t @ w1[...] + b1[...])
    t = _silu(t @ w2[...] + b2[...])
    Pv = P0[...]
    cnt = jnp.sum(Pv, axis=0)
    pooled = lax.dot_general(Pv, t, (((0,), (0,)), ((), ())))
    pooled = pooled / jnp.maximum(cnt, 1.0)[:, None]
    out_o[...] = pooled @ wo[...] + bo[...]


def _readout_post(h0, h1, P0, p):
    rp = p['readout']
    def b(shape):
        return pl.BlockSpec(shape, lambda: (0,) * len(shape))
    args = [h0, h1, P0,
            rp['mlp'][0]['W'], rp['mlp'][0]['b'][None, :],
            rp['mlp'][1]['W'], rp['mlp'][1]['b'][None, :],
            rp['mlp'][2]['W'], rp['mlp'][2]['b'][None, :],
            rp['out']['W'], rp['out']['b'][None, :]]
    return pl.pallas_call(
        _readout_post_body,
        in_specs=[b(tuple(a.shape)) for a in args],
        out_specs=b((G, 1)),
        out_shape=jax.ShapeDtypeStruct((G, 1), jnp.float32),
    )(*args)


def kernel(x, edge_attr, edge_sbf, node_rbf, edge_index, batch, edge_index_0,
           atom_batch, params):
    p = params
    src_r = edge_index[0].reshape(NW, CEW)
    dst_r = edge_index[1].reshape(NW, CEW)
    dst_rs = edge_index[1].reshape(NS, REW)
    src0_r = edge_index_0[0].reshape(NS, REW)
    dst0_s = edge_index_0[1].reshape(NS, REW)

    mred = np.zeros((F, H), np.float32)
    for h in range(H):
        mred[h * DH:(h + 1) * DH, h] = 1.0
    mred = jnp.asarray(mred)
    mexp = jnp.asarray(mred.T)

    P = jax.nn.one_hot(batch, G, dtype=jnp.float32)
    P0 = jax.nn.one_hot(atom_batch, G, dtype=jnp.float32)
    zeros_f = jnp.zeros((NPAD, F), jnp.float32)

    es0, es1 = _edge_pre(edge_attr, edge_sbf, p)
    ess = [es0, es1]

    out = x
    for li in range(L):
        q, kv = _qkv(out, p['convs'][li])
        vadd, lg = _sc_convmsg(q, kv, ess[li], src_r, dst_r)
        num, wex = _edge_w(vadd, lg, mexp)
        num_a, wex_a = _sc_convscatter(num, wex, dst_rs, zeros_f)
        out = _node_phase(num_a[:N], wex_a[:N], out, node_rbf, P, mexp, p, li)

    y0, y1 = _readout_pre(out, node_rbf, p)
    h0, h1 = _sc_readout(y0, y1, src0_r, dst0_s, zeros_f)
    res = _readout_post(h0[:N], h1[:N], P0, p)
    return res.reshape(-1)

# --- scband reference (transcript-rebuilt; emitter-appended) ---
"""Pipeline reference for scband-sbftransformer-global-23313082483589 (READ-ONLY COPY).

The authoritative reference and input builder live on the scoring server;
editing this copy changes nothing except your own understanding.
"""

import jax, jax.numpy as jnp
import numpy as np

N = 10000
E = 160000
F = 128
EMB = 128
RBF = 16
SBF = 8 * RBF
H = 8
DH = F // H
L = 2
G = 64

def _glorot(key, shape):
    fan = float(sum(shape))
    return (jax.random.normal(key, shape, jnp.float32) * jnp.sqrt(2.0 / fan)).astype(jnp.float32)

def _make_params(key):
    c = [0]
    def nk():
        c[0] += 1
        return jax.random.fold_in(key, c[0])
    def lin(din, dout):
        return {'W': _glorot(nk(), (din, dout)), 'b': jnp.zeros((dout,), jnp.float32)}
    params = {
        'edgenn': [lin(EMB, EMB), lin(EMB, EMB)],
        'convs': [{
            'q': lin(F, F), 'k': lin(F, F), 'v': lin(F, F), 'e': lin(EMB, F),
            'sbf': _glorot(nk(), (SBF, H)), 'rbf': _glorot(nk(), (RBF, F)),
            'o': lin(F, F),
        } for _ in range(L)],
        'bf_skip': [[lin(F, F), lin(F, F)] for _ in range(L)],
        'dense_bf': [lin(F, F) for _ in range(L)],
        'af_skip': [[[lin(F, F), lin(F, F)], [lin(F, F), lin(F, F)]] for _ in range(L)],
        'up': lin(F, 2 * F),
        'readout': {'gate': _glorot(nk(), (RBF, 2 * F)),
                    'mlp': [lin(2 * F, 2 * F) for _ in range(3)],
                    'out': lin(2 * F, 1)},
    }
    return params

def _lin(x, p):
    return x @ p['W'] + p['b']

def _silu(x):
    return x * jax.nn.sigmoid(x)

def _residual(x, p):
    h = _silu(_lin(x, p[0]))
    h = _silu(_lin(h, p[1]))
    return x + h

def _graph_layernorm(x, batch, eps=1e-8):
    cnt = jax.ops.segment_sum(jnp.ones((x.shape[0],), x.dtype), batch, G)
    denom = jnp.maximum(cnt, 1.0) * x.shape[1]
    mean = jax.ops.segment_sum(x.sum(axis=1), batch, G) / denom
    xc = x - mean[batch][:, None]
    var = jax.ops.segment_sum((xc * xc).sum(axis=1), batch, G) / denom
    return xc / jnp.sqrt(var + eps)[batch][:, None]

def _conv(p, sbf, rbf, x, edge_index, edge_attr):
    src, dst = edge_index[0], edge_index[1]
    q = _lin(x, p['q'])[dst].reshape(-1, H, DH)
    ee = _lin(edge_attr, p['e'])
    k = (_lin(x, p['k'])[src] + ee).reshape(-1, H, DH)
    v = (_lin(x, p['v'])[src] + ee).reshape(-1, H, DH)
    logit = (q * k).sum(axis=-1) / jnp.sqrt(float(DH)) + sbf @ p['sbf']
    m = jax.ops.segment_max(logit, dst, x.shape[0])
    ex = jnp.exp(logit - m[dst])
    den = jax.ops.segment_sum(ex, dst, x.shape[0])
    alpha = ex / (den[dst] + 1e-16)
    msg = (alpha[:, :, None] * v).reshape(-1, F)
    agg = jax.ops.segment_sum(msg, dst, x.shape[0])
    gate = rbf @ p['rbf']
    return _lin(agg * gate, p['o'])

def _forward(x, edge_attr, edge_sbf, node_rbf, edge_index, batch, edge_index_0, atom_batch, params):
    ea = _lin(_silu(_lin(edge_attr, params['edgenn'][0])), params['edgenn'][1])
    out = x
    for i in range(L):
        res0 = out
        out = _conv(params['convs'][i], edge_sbf, node_rbf, out, edge_index, ea)
        out = _graph_layernorm(out, batch)
        out = _residual(out, params['bf_skip'][i])
        out = _silu(_lin(out, params['dense_bf'][i]))
        out = out + res0
        out = _residual(out, params['af_skip'][i][0])
        out = _residual(out, params['af_skip'][i][1])
    out = _silu(_lin(out, params['up']))
    rp = params['readout']
    gate = _silu(node_rbf @ rp['gate'])
    src0, dst0 = edge_index_0[0], edge_index_0[1]
    h = jax.ops.segment_sum((out * gate)[src0], dst0, atom_batch.shape[0])
    for lp in rp['mlp']:
        h = _silu(_lin(h, lp))
    cnt = jax.ops.segment_sum(jnp.ones((atom_batch.shape[0],), h.dtype), atom_batch, G)
    pooled = jax.ops.segment_sum(h, atom_batch, G) / jnp.maximum(cnt, 1.0)[:, None]
    res = _lin(pooled, rp['out'])
    return res.reshape(-1)

def setup_inputs(seed: int = 0):
    key = jax.random.key(seed)
    ks = jax.random.split(key, 10)
    return {
        'x': jax.random.normal(ks[0], (N, F), jnp.float32),
        'edge_attr': jax.random.normal(ks[1], (E, EMB), jnp.float32),
        'edge_sbf': jax.random.uniform(ks[2], (E, SBF), jnp.float32),
        'node_rbf': jax.random.uniform(ks[3], (N, RBF), jnp.float32),
        'edge_index': jax.random.randint(ks[4], (2, E), 0, N),
        'batch': jnp.sort(jax.random.randint(ks[5], (N,), 0, G)),
        'edge_index_0': jax.random.randint(ks[6], (2, E), 0, N),
        'atom_batch': jnp.sort(jax.random.randint(ks[7], (N,), 0, G)),
        'params': _make_params(ks[8]),
    }

def reference(x, edge_attr, edge_sbf, node_rbf, edge_index, batch, edge_index_0, atom_batch, params):
    return _forward(x, edge_attr, edge_sbf, node_rbf, edge_index, batch, edge_index_0, atom_batch, params)

if __name__ == "__main__":
    import jax
    _d = setup_inputs()
    print(jax.jit(kernel)(*tuple(_d.values())))

</pallas_src>

<mosaic_0001>
#map = affine_map<(d0, d1) -> (0, 0)>
module attributes {stable_mosaic.version = 14 : i64} {
  func.func @_sc_convmsg_body(%arg0: i32, %arg1: i32, %arg2: memref<10000x128xf32, #tpu.memory_space<hbm>>, %arg3: memref<10000x256xf32, #tpu.memory_space<hbm>>, %arg4: memref<160000x144xf32, #tpu.memory_space<hbm>>, %arg5: memref<32x5000xi32, #tpu.memory_space<hbm>>, %arg6: memref<32x5000xi32, #tpu.memory_space<hbm>>, %arg7: memref<160000x128xf32, #tpu.memory_space<hbm>>, %arg8: memref<160000x16xf32, #tpu.memory_space<hbm>>, %arg9: memref<5000xi32, #tpu.memory_space<vmem>>, %arg10: memref<5000xi32, #tpu.memory_space<vmem>>, %arg11: memref<40x128xf32, #tpu.memory_space<vmem>>, %arg12: memref<40x128xf32, #tpu.memory_space<vmem>>, %arg13: memref<40x256xf32, #tpu.memory_space<vmem>>, %arg14: memref<40x256xf32, #tpu.memory_space<vmem>>, %arg15: memref<40x144xf32, #tpu.memory_space<vmem>>, %arg16: memref<40x144xf32, #tpu.memory_space<vmem>>, %arg17: memref<40x128xf32, #tpu.memory_space<vmem>>, %arg18: memref<40x128xf32, #tpu.memory_space<vmem>>, %arg19: memref<40x16xf32, #tpu.memory_space<vmem>>, %arg20: memref<40x16xf32, #tpu.memory_space<vmem>>, %arg21: memref<!tpu.dma_semaphore, #tpu.memory_space<semaphore_mem>>, %arg22: memref<!tpu.dma_semaphore, #tpu.memory_space<semaphore_mem>>, %arg23: memref<!tpu.dma_semaphore, #tpu.memory_space<semaphore_mem>>, %arg24: memref<!tpu.dma_semaphore, #tpu.memory_space<semaphore_mem>>, %arg25: memref<!tpu.dma_semaphore, #tpu.memory_space<semaphore_mem>>, %arg26: memref<!tpu.dma_semaphore, #tpu.memory_space<semaphore_mem>>, %arg27: memref<!tpu.dma_semaphore, #tpu.memory_space<semaphore_mem>>, %arg28: memref<!tpu.dma_semaphore, #tpu.memory_space<semaphore_mem>>, %arg29: memref<!tpu.dma_semaphore, #tpu.memory_space<semaphore_mem>>, %arg30: memref<!tpu.dma_semaphore, #tpu.memory_space<semaphore_mem>>) attributes {dimension_semantics = [#tpu.dimension_semantics<core_parallel>, #tpu.dimension_semantics<subcore_parallel>], iteration_bounds = array<i64: 2, 16>, scalar_prefetch = 0 : i64, scratch_operands = 22 : i64, tpu.core_type = #tpu.core_type<sc_vector_subcore>, window_params = [{transform_indices = #map}, {transform_indices = #map}, {transform_indices = #map}, {transform_indices = #map}, {transform_indices = #map}, {transform_indices = #map}, {transform_indices = #map}]} {
    %mul3A = arith.constant 16 : i32
    %mul3A_0 = arith.muli %arg0, %mul3A : i32
    %add3A = arith.addi %mul3A_0, %arg1 : i32
    "tpu.region"() ({
      %run_scoped3A = tpu.sem_alloc : memref<!tpu.dma_semaphore, #tpu.memory_space<semaphore_mem>>
      %dma_start3A_60 = arith.constant 0 : i32
      %dma_start3A_61 = tpu.memref_slice %arg5[%add3A, %dma_start3A_60] : memref<32x5000xi32, #tpu.memory_space<hbm>> -> memref<1x5000xi32, #tpu.memory_space<hbm>>
      %dma_start3A_62 = tpu.memref_squeeze %dma_start3A_61 : memref<1x5000xi32, #tpu.memory_space<hbm>> -> memref<5000xi32, #tpu.memory_space<hbm>>
      %dma_start3A_63 = arith.constant 0 : i32
      %dma_start3A_64 = tpu.memref_slice %arg5[%add3A, %dma_start3A_63] : memref<32x5000xi32, #tpu.memory_space<hbm>> -> memref<1x5000xi32, #tpu.memory_space<hbm>>
      %dma_start3A_65 = tpu.memref_squeeze %dma_start3A_64 : memref<1x5000xi32, #tpu.memory_space<hbm>> -> memref<5000xi32, #tpu.memory_space<hbm>>
      tpu.enqueue_dma source(%dma_start3A_65 : memref<5000xi32, #tpu.memory_space<hbm>>) target(%arg9 : memref<5000xi32, #tpu.memory_space<vmem>>) target_semaphore(%run_scoped3A : memref<!tpu.dma_semaphore, #tpu.memory_space<semaphore_mem>>)
      %dma_wait3A_66 = arith.constant 0 : i32
      %dma_wait3A_67 = tpu.memref_slice %arg5[%add3A, %dma_wait3A_66] : memref<32x5000xi32, #tpu.memory_space<hbm>> -> memref<1x5000xi32, #tpu.memory_space<hbm>>
      %dma_wait3A_68 = tpu.memref_squeeze %dma_wait3A_67 : memref<1x5000xi32, #tpu.memory_space<hbm>> -> memref<5000xi32, #tpu.memory_space<hbm>>
      %dma_wait3A_69 = arith.constant 0 : i32
      %dma_wait3A_70 = tpu.memref_slice %arg5[%add3A, %dma_wait3A_69] : memref<32x5000xi32, #tpu.memory_space<hbm>> -> memref<1x5000xi32, #tpu.memory_space<hbm>>
      %dma_wait3A_71 = tpu.memref_squeeze %dma_wait3A_70 : memref<1x5000xi32, #tpu.memory_space<hbm>> -> memref<5000xi32, #tpu.memory_space<hbm>>
      tpu.wait_dma2 semaphore(%run_scoped3A : memref<!tpu.dma_semaphore, #tpu.memory_space<semaphore_mem>>) src(%dma_wait3A_71 : memref<5000xi32, #tpu.memory_space<hbm>>) dst(%arg9 : memref<5000xi32, #tpu.memory_space<vmem>>)
      tpu.yield
    }) : () -> ()
    "tpu.region"() ({
      %run_scoped3A = tpu.sem_alloc : memref<!tpu.dma_semaphore, #tpu.memory_space<semaphore_mem>>
      %dma_start3A_60 = arith.constant 0 : i32
      %dma_start3A_61 = tpu.memref_slice %arg6[%add3A, %dma_start3A_60] : memref<32x5000xi32, #tpu.memory_space<hbm>> -> memref<1x5000xi32, #tpu.memory_space<hbm>>
      %dma_start3A_62 = tpu.memref_squeeze %dma_start3A_61 : memref<1x5000xi32, #tpu.memory_space<hbm>> -> memref<5000xi32, #tpu.memory_space<hbm>>
      %dma_start3A_63 = arith.constant 0 : i32
      %dma_start3A_64 = tpu.memref_slice %arg6[%add3A, %dma_start3A_63] : memref<32x5000xi32, #tpu.memory_space<hbm>> -> memref<1x5000xi32, #tpu.memory_space<hbm>>
      %dma_start3A_65 = tpu.memref_squeeze %dma_start3A_64 : memref<1x5000xi32, #tpu.memory_space<hbm>> -> memref<5000xi32, #tpu.memory_space<hbm>>
      tpu.enqueue_dma source(%dma_start3A_65 : memref<5000xi32, #tpu.memory_space<hbm>>) target(%arg10 : memref<5000xi32, #tpu.memory_space<vmem>>) target_semaphore(%run_scoped3A : memref<!tpu.dma_semaphore, #tpu.memory_space<semaphore_mem>>)
      %dma_wait3A_66 = arith.constant 0 : i32
      %dma_wait3A_67 = tpu.memref_slice %arg6[%add3A, %dma_wait3A_66] : memref<32x5000xi32, #tpu.memory_space<hbm>> -> memref<1x5000xi32, #tpu.memory_space<hbm>>
      %dma_wait3A_68 = tpu.memref_squeeze %dma_wait3A_67 : memref<1x5000xi32, #tpu.memory_space<hbm>> -> memref<5000xi32, #tpu.memory_space<hbm>>
      %dma_wait3A_69 = arith.constant 0 : i32
      %dma_wait3A_70 = tpu.memref_slice %arg6[%add3A, %dma_wait3A_69] : memref<32x5000xi32, #tpu.memory_space<hbm>> -> memref<1x5000xi32, #tpu.memory_space<hbm>>
      %dma_wait3A_71 = tpu.memref_squeeze %dma_wait3A_70 : memref<1x5000xi32, #tpu.memory_space<hbm>> -> memref<5000xi32, #tpu.memory_space<hbm>>
      tpu.wait_dma2 semaphore(%run_scoped3A : memref<!tpu.dma_semaphore, #tpu.memory_space<semaphore_mem>>) src(%dma_wait3A_71 : memref<5000xi32, #tpu.memory_space<hbm>>) dst(%arg10 : memref<5000xi32, #tpu.memory_space<vmem>>)
      tpu.yield
    }) : () -> ()
    %iota3A = tpu.iota {dimensions = array<i32: 0>} : vector<16xi32>
    %xor3A = arith.constant 1 : i32
    %xor3A_1 = vector.broadcast %xor3A : i32 to vector<16xi32>
    %xor3A_2 = arith.xori %iota3A, %xor3A_1 : vector<16xi32>
    %reshape3A = vector.shape_cast %xor3A_2 : vector<16xi32> to vector<16x1xi32>
    %xor3A_3 = arith.constant 2 : i32
    %xor3A_4 = vector.broadcast %xor3A_3 : i32 to vector<16xi32>
    %xor3A_5 = arith.xori %iota3A, %xor3A_4 : vector<16xi32>
    %reshape3A_6 = vector.shape_cast %xor3A_5 : vector<16xi32> to vector<16x1xi32>
    %xor3A_7 = arith.constant 4 : i32
    %xor3A_8 = vector.broadcast %xor3A_7 : i32 to vector<16xi32>
    %xor3A_9 = arith.xori %iota3A, %xor3A_8 : vector<16xi32>
    %reshape3A_10 = vector.shape_cast %xor3A_9 : vector<16xi32> to vector<16x1xi32>
    %xor3A_11 = arith.constant 8 : i32
    %xor3A_12 = vector.broadcast %xor3A_11 : i32 to vector<16xi32>
    %xor3A_13 = arith.xori %iota3A, %xor3A_12 : vector<16xi32>
    %reshape3A_14 = vector.shape_cast %xor3A_13 : vector<16xi32> to vector<16x1xi32>
    %dma_start3A = arith.constant 0 : i32
    %dma_start3A_15 = tpu.memref_slice %arg10[%dma_start3A] : memref<5000xi32, #tpu.memory_space<vmem>> -> memref<40xi32, #tpu.memory_space<vmem>>
    %dma_start3A_16 = arith.constant 0 : i32
    %dma_start3A_17 = arith.constant 0 : i32
    %dma_start3A_18 = tpu.memref_slice %arg2[%dma_start3A_16, %dma_start3A_17] : memref<10000x128xf32, #tpu.memory_space<hbm>> -> memref<10000x128xf32, #tpu.memory_space<hbm>>
    tpu.enqueue_indirect_dma source(%dma_start3A_18 : memref<10000x128xf32, #tpu.memory_space<hbm>>) target(%arg11 : memref<40x128xf32, #tpu.memory_space<vmem>>) offsets(%dma_start3A_15 : memref<40xi32, #tpu.memory_space<vmem>>) semaphore(%arg21 : memref<!tpu.dma_semaphore, #tpu.memory_space<semaphore_mem>>)
    %dma_start3A_19 = arith.constant 0 : i32
    %dma_start3A_20 = tpu.memref_slice %arg9[%dma_start3A_19] : memref<5000xi32, #tpu.memory_space<vmem>> -> memref<40xi32, #tpu.memory_space<vmem>>
    %dma_start3A_21 = arith.constant 0 : i32
    %dma_start3A_22 = arith.constant 0 : i32
    %dma_start3A_23 = tpu.memref_slice %arg3[%dma_start3A_21, %dma_start3A_22] : memref<10000x256xf32, #tpu.memory_space<hbm>> -> memref<10000x256xf32, #tpu.memory_space<hbm>>
    tpu.enqueue_indirect_dma source(%dma_start3A_23 : memref<10000x256xf32, #tpu.memory_space<hbm>>) target(%arg13 : memref<40x256xf32, #tpu.memory_space<vmem>>) offsets(%dma_start3A_20 : memref<40xi32, #tpu.memory_space<vmem>>) semaphore(%arg23 : memref<!tpu.dma_semaphore, #tpu.memory_space<semaphore_mem>>)
    %mul3A_24 = arith.constant 5000 : i32
    %mul3A_25 = arith.muli %add3A, %mul3A_24 : i32
    %add3A_26 = arith.constant 0 : i32
    %add3A_27 = arith.addi %mul3A_25, %add3A_26 : i32
    %dma_start3A_28 = arith.constant 0 : i32
    %dma_start3A_29 = tpu.memref_slice %arg4[%add3A_27, %dma_start3A_28] : memref<160000x144xf32, #tpu.memory_space<hbm>> -> memref<40x144xf32, #tpu.memory_space<hbm>>
    %dma_start3A_30 = arith.constant 0 : i32
    %dma_start3A_31 = tpu.memref_slice %arg4[%add3A_27, %dma_start3A_30] : memref<160000x144xf32, #tpu.memory_space<hbm>> -> memref<40x144xf32, #tpu.memory_space<hbm>>
    tpu.enqueue_dma source(%dma_start3A_31 : memref<40x144xf32, #tpu.memory_space<hbm>>) target(%arg15 : memref<40x144xf32, #tpu.memory_space<vmem>>) target_semaphore(%arg25 : memref<!tpu.dma_semaphore, #tpu.memory_space<semaphore_mem>>)
    %scan3A = arith.constant 0 : i32
    %scan3A_32 = arith.constant 0 : i32
    %scan3A_33 = arith.constant 125 : i32
    %scan3A_34 = arith.addi %scan3A_32, %scan3A_33 : i32
    %scan3A_35 = arith.constant 1 : i32
    scf.for %scan3A_60 = %scan3A_32 to %scan3A_34 step %scan3A_35  : i32 {
      %jit3A = arith.constant 2 : i32
      %eq3A = arith.constant 0 : i32
      %eq3A_61 = arith.cmpi eq, %jit3A, %eq3A : i32
      %jit3A_62 = arith.constant 1 : i32
      %select_n3A = arith.select %eq3A_61, %jit3A_62, %jit3A : i32
      %rem3A = arith.remsi %scan3A_60, %select_n3A : i32
      %ne3A = arith.constant 0 : i32
      %ne3A_63 = arith.cmpi ne, %rem3A, %ne3A : i32
      %lt3A = arith.constant 0 : i32
      %lt3A_64 = arith.cmpi slt, %rem3A, %lt3A : i32
      %lt3A_65 = arith.constant 0 : i32
      %lt3A_66 = arith.cmpi slt, %select_n3A, %lt3A_65 : i32
      %ne3A_67 = arith.xori %lt3A_64, %lt3A_66 : i1
      %and3A = arith.andi %ne3A_67, %ne3A_63 : i1
      %add3A_68 = arith.addi %rem3A, %select_n3A : i32
      %select_n3A_69 = arith.select %and3A, %add3A_68, %rem3A : i32
      %eq3A_70 = arith.constant 0 : i32
      %eq3A_71 = arith.cmpi eq, %select_n3A_69, %eq3A_70 : i32
      %convert_element_type3A = arith.extui %eq3A_71 : i1 to i32
      %cond3A = arith.constant 0 : i32
      %cond3A_72 = arith.cmpi ne, %convert_element_type3A, %cond3A : i32
      scf.if %cond3A_72 {
        %mul3A_94 = arith.constant 40 : i32
        %mul3A_95 = arith.muli %scan3A_60, %mul3A_94 : i32
        %dma_wait3A_96 = tpu.memref_slice %arg10[%mul3A_95] : memref<5000xi32, #tpu.memory_space<vmem>> -> memref<40xi32, #tpu.memory_space<vmem>>
        %dma_wait3A_97 = arith.constant 0 : i32
        %dma_wait3A_98 = arith.constant 0 : i32
        %dma_wait3A_99 = tpu.memref_slice %arg2[%dma_wait3A_97, %dma_wait3A_98] : memref<10000x128xf32, #tpu.memory_space<hbm>> -> memref<10000x128xf32, #tpu.memory_space<hbm>>
        tpu.wait_indirect_dma semaphore(%arg21 : memref<!tpu.dma_semaphore, #tpu.memory_space<semaphore_mem>>) src(%dma_wait3A_99 : memref<10000x128xf32, #tpu.memory_space<hbm>>) dst(%arg11 : memref<40x128xf32, #tpu.memory_space<vmem>>)
        %mul3A_100 = arith.constant 40 : i32
        %mul3A_101 = arith.muli %scan3A_60, %mul3A_100 : i32
        %dma_wait3A_102 = tpu.memref_slice %arg9[%mul3A_101] : memref<5000xi32, #tpu.memory_space<vmem>> -> memref<40xi32, #tpu.memory_space<vmem>>
        %dma_wait3A_103 = arith.constant 0 : i32
        %dma_wait3A_104 = arith.constant 0 : i32
        %dma_wait3A_105 = tpu.memref_slice %arg3[%dma_wait3A_103, %dma_wait3A_104] : memref<10000x256xf32, #tpu.memory_space<hbm>> -> memref<10000x256xf32, #tpu.memory_space<hbm>>
        tpu.wait_indirect_dma semaphore(%arg23 : memref<!tpu.dma_semaphore, #tpu.memory_space<semaphore_mem>>) src(%dma_wait3A_105 : memref<10000x256xf32, #tpu.memory_space<hbm>>) dst(%arg13 : memref<40x256xf32, #tpu.memory_space<vmem>>)
        %mul3A_106 = arith.constant 5000 : i32
        %mul3A_107 = arith.muli %add3A, %mul3A_106 : i32
        %mul3A_108 = arith.constant 40 : i32
        %mul3A_109 = arith.muli %scan3A_60, %mul3A_108 : i32
        %add3A_110 = arith.addi %mul3A_107, %mul3A_109 : i32
        %dma_wait3A_111 = arith.constant 0 : i32
        %dma_wait3A_112 = tpu.memref_slice %arg4[%add3A_110, %dma_wait3A_111] : memref<160000x144xf32, #tpu.memory_space<hbm>> -> memref<40x144xf32, #tpu.memory_space<hbm>>
        %dma_wait3A_113 = arith.constant 0 : i32
        %dma_wait3A_114 = tpu.memref_slice %arg4[%add3A_110, %dma_wait3A_113] : memref<160000x144xf32, #tpu.memory_space<hbm>> -> memref<40x144xf32, #tpu.memory_space<hbm>>
        tpu.wait_dma2 semaphore(%arg25 : memref<!tpu.dma_semaphore, #tpu.memory_space<semaphore_mem>>) src(%dma_wait3A_114 : memref<40x144xf32, #tpu.memory_space<hbm>>) dst(%arg15 : memref<40x144xf32, #tpu.memory_space<vmem>>)
        %add3A_115 = arith.constant 1 : i32
        %add3A_116 = arith.addi %scan3A_60, %add3A_115 : i32
        %lt3A_117 = arith.constant 125 : i32
        %lt3A_118 = arith.cmpi slt, %add3A_116, %lt3A_117 : i32
        %convert_element_type3A_119 = arith.extui %lt3A_118 : i1 to i32
        %cond3A_120 = arith.constant 0 : i32
        %cond3A_121 = arith.cmpi ne, %convert_element_type3A_119, %cond3A_120 : i32
        scf.if %cond3A_121 {
          %add3A_145 = arith.constant 1 : i32
          %add3A_146 = arith.addi %scan3A_60, %add3A_145 : i32
          %mul3A_147 = arith.constant 40 : i32
          %mul3A_148 = arith.muli %add3A_146, %mul3A_147 : i32
          %dma_start3A_149 = tpu.memref_slice %arg10[%mul3A_148] : memref<5000xi32, #tpu.memory_space<vmem>> -> memref<40xi32, #tpu.memory_space<vmem>>
          %dma_start3A_150 = arith.constant 0 : i32
          %dma_start3A_151 = arith.constant 0 : i32
          %dma_start3A_152 = tpu.memref_slice %arg2[%dma_start3A_150, %dma_start3A_151] : memref<10000x128xf32, #tpu.memory_space<hbm>> -> memref<10000x128xf32, #tpu.memory_space<hbm>>
          tpu.enqueue_indirect_dma source(%dma_start3A_152 : memref<10000x128xf32, #tpu.memory_space<hbm>>) target(%arg12 : memref<40x128xf32, #tpu.memory_space<vmem>>) offsets(%dma_start3A_149 : memref<40xi32, #tpu.memory_space<vmem>>) semaphore(%arg22 : memref<!tpu.dma_semaphore, #tpu.memory_space<semaphore_mem>>)
          %mul3A_153 = arith.constant 40 : i32
          %mul3A_154 = arith.muli %add3A_146, %mul3A_153 : i32
          %dma_start3A_155 = tpu.memref_slice %arg9[%mul3A_154] : memref<5000xi32, #tpu.memory_space<vmem>> -> memref<40xi32, #tpu.memory_space<vmem>>
          %dma_start3A_156 = arith.constant 0 : i32
          %dma_start3A_157 = arith.constant 0 : i32
          %dma_start3A_158 = tpu.memref_slice %arg3[%dma_start3A_156, %dma_start3A_157] : memref<10000x256xf32, #tpu.memory_space<hbm>> -> memref<10000x256xf32, #tpu.memory_space<hbm>>
          tpu.enqueue_indirect_dma source(%dma_start3A_158 : memref<10000x256xf32, #tpu.memory_space<hbm>>) target(%arg14 : memref<40x256xf32, #tpu.memory_space<vmem>>) offsets(%dma_start3A_155 : memref<40xi32, #tpu.memory_space<vmem>>) semaphore(%arg24 : memref<!tpu.dma_semaphore, #tpu.memory_space<semaphore_mem>>)
          %mul3A_159 = arith.constant 5000 : i32
          %mul3A_160 = arith.muli %add3A, %mul3A_159 : i32
          %mul3A_161 = arith.constant 40 : i32
          %mul3A_162 = arith.muli %add3A_146, %mul3A_161 : i32
          %add3A_163 = arith.addi %mul3A_160, %mul3A_162 : i32
          %dma_start3A_164 = arith.constant 0 : i32
          %dma_start3A_165 = tpu.memref_slice %arg4[%add3A_163, %dma_start3A_164] : memref<160000x144xf32, #tpu.memory_space<hbm>> -> memref<40x144xf32, #tpu.memory_space<hbm>>
          %dma_start3A_166 = arith.constant 0 : i32
          %dma_start3A_167 = tpu.memref_slice %arg4[%add3A_163, %dma_start3A_166] : memref<160000x144xf32, #tpu.memory_space<hbm>> -> memref<40x144xf32, #tpu.memory_space<hbm>>
          tpu.enqueue_dma source(%dma_start3A_167 : memref<40x144xf32, #tpu.memory_space<hbm>>) target(%arg16 : memref<40x144xf32, #tpu.memory_space<vmem>>) target_semaphore(%arg26 : memref<!tpu.dma_semaphore, #tpu.memory_space<semaphore_mem>>)
        } else {
        }
        %ge3A = arith.constant 2 : i32
        %ge3A_122 = arith.cmpi sge, %scan3A_60, %ge3A : i32
        %convert_element_type3A_123 = arith.extui %ge3A_122 : i1 to i32
        %cond3A_124 = arith.constant 0 : i32
        %cond3A_125 = arith.cmpi ne, %convert_element_type3A_123, %cond3A_124 : i32
        scf.if %cond3A_125 {
          %mul3A_145 = arith.constant 5000 : i32
          %mul3A_146 = arith.muli %add3A, %mul3A_145 : i32
          %sub3A = arith.constant 2 : i32
          %sub3A_147 = arith.subi %scan3A_60, %sub3A : i32
          %mul3A_148 = arith.constant 40 : i32
          %mul3A_149 = arith.muli %sub3A_147, %mul3A_148 : i32
          %add3A_150 = arith.addi %mul3A_146, %mul3A_149 : i32
          %dma_wait3A_151 = arith.constant 0 : i32
          %dma_wait3A_152 = tpu.memref_slice %arg7[%add3A_150, %dma_wait3A_151] : memref<160000x128xf32, #tpu.memory_space<hbm>> -> memref<40x128xf32, #tpu.memory_space<hbm>>
          %dma_wait3A_153 = arith.constant 0 : i32
          %dma_wait3A_154 = tpu.memref_slice %arg7[%add3A_150, %dma_wait3A_153] : memref<160000x128xf32, #tpu.memory_space<hbm>> -> memref<40x128xf32, #tpu.memory_space<hbm>>
          tpu.wait_dma2 semaphore(%arg27 : memref<!tpu.dma_semaphore, #tpu.memory_space<semaphore_mem>>) src(%arg17 : memref<40x128xf32, #tpu.memory_space<vmem>>) dst(%dma_wait3A_154 : memref<40x128xf32, #tpu.memory_space<hbm>>)
          %dma_wait3A_155 = arith.constant 0 : i32
          %dma_wait3A_156 = tpu.memref_slice %arg8[%add3A_150, %dma_wait3A_155] : memref<160000x16xf32, #tpu.memory_space<hbm>> -> memref<40x16xf32, #tpu.memory_space<hbm>>
          %dma_wait3A_157 = arith.constant 0 : i32
          %dma_wait3A_158 = tpu.memref_slice %arg8[%add3A_150, %dma_wait3A_157] : memref<160000x16xf32, #tpu.memory_space<hbm>> -> memref<40x16xf32, #tpu.memory_space<hbm>>
          tpu.wait_dma2 semaphore(%arg29 : memref<!tpu.dma_semaphore, #tpu.memory_space<semaphore_mem>>) src(%arg19 : memref<40x16xf32, #tpu.memory_space<vmem>>) dst(%dma_wait3A_158 : memref<40x16xf32, #tpu.memory_space<hbm>>)
        } else {
        }
        %scan3A_126 = arith.constant 0 : i32
        %scan3A_127 = arith.constant 0 : i32
        %scan3A_128 = arith.constant 40 : i32
        %scan3A_129 = arith.addi %scan3A_127, %scan3A_128 : i32
        %scan3A_130 = arith.constant 1 : i32
        scf.for %scan3A_145 = %scan3A_127 to %scan3A_129 step %scan3A_130  : i32 {
          %get3A = arith.index_cast %scan3A_145 : i32 to index
          %get3A_146 = arith.constant 128 : index
          %get3A_147 = tpu.vector_load %arg15[%get3A, %get3A_146] {strides = array<i32>} : memref<40x144xf32, #tpu.memory_space<vmem>>, vector<1x16xf32>,
          %get3A_148 = vector.shape_cast %get3A_147 : vector<1x16xf32> to vector<16xf32>
          %mul3A_149 = arith.constant 0.000000e+00 : f32
          %mul3A_150 = vector.broadcast %mul3A_149 : f32 to vector<16xf32>
          %mul3A_151 = arith.mulf %get3A_148, %mul3A_150 : vector<16xf32>
          %get3A_152 = arith.index_cast %scan3A_145 : i32 to index
          %get3A_153 = arith.constant 0 : index
          %get3A_154 = tpu.vector_load %arg15[%get3A_152, %get3A_153] {strides = array<i32>} : memref<40x144xf32, #tpu.memory_space<vmem>>, vector<1x16xf32>,
          %get3A_155 = vector.shape_cast %get3A_154 : vector<1x16xf32> to vector<16xf32>
          %get3A_156 = arith.index_cast %scan3A_145 : i32 to index
          %get3A_157 = arith.constant 0 : index
          %get3A_158 = tpu.vector_load %arg11[%get3A_156, %get3A_157] {strides = array<i32>} : memref<40x128xf32, #tpu.memory_space<vmem>>, vector<1x16xf32>,
          %get3A_159 = vector.shape_cast %get3A_158 : vector<1x16xf32> to vector<16xf32>
          %get3A_160 = arith.index_cast %scan3A_145 : i32 to index
          %get3A_161 = arith.constant 0 : index
          %get3A_162 = tpu.vector_load %arg13[%get3A_160, %get3A_161] {strides = array<i32>} : memref<40x256xf32, #tpu.memory_space<vmem>>, vector<1x16xf32>,
          %get3A_163 = vector.shape_cast %get3A_162 : vector<1x16xf32> to vector<16xf32>
          %add3A_164 = arith.addf %get3A_163, %get3A_155 : vector<16xf32>
          %get3A_165 = arith.index_cast %scan3A_145 : i32 to index
          %get3A_166 = arith.constant 128 : index
          %get3A_167 = tpu.vector_load %arg13[%get3A_165, %get3A_166] {strides = array<i32>} : memref<40x256xf32, #tpu.memory_space<vmem>>, vector<1x16xf32>,
          %get3A_168 = vector.shape_cast %get3A_167 : vector<1x16xf32> to vector<16xf32>
          %add3A_169 = arith.addf %get3A_168, %get3A_155 : vector<16xf32>
          %mul3A_170 = arith.mulf %get3A_159, %add3A_164 : vector<16xf32>
          %gather3A = vector.shape_cast %reshape3A : vector<16x1xi32> to vector<16xi32>
          %gather3A_171 = tpu.dynamic_gather %mul3A_170[%gather3A] in [0] : vector<16xf32>, vector<16xi32> -> vector<16xf32>
          %add3A_172 = arith.addf %mul3A_170, %gather3A_171 : vector<16xf32>
          %gather3A_173 = vector.shape_cast %reshape3A_6 : vector<16x1xi32> to vector<16xi32>
          %gather3A_174 = tpu.dynamic_gather %add3A_172[%gather3A_173] in [0] : vector<16xf32>, vector<16xi32> -> vector<16xf32>
          %add3A_175 = arith.addf %add3A_172, %gather3A_174 : vector<16xf32>
          %gather3A_176 = vector.shape_cast %reshape3A_10 : vector<16x1xi32> to vector<16xi32>
          %gather3A_177 = tpu.dynamic_gather %add3A_175[%gather3A_176] in [0] : vector<16xf32>, vector<16xi32> -> vector<16xf32>
          %add3A_178 = arith.addf %add3A_175, %gather3A_177 : vector<16xf32>
          %gather3A_179 = vector.shape_cast %reshape3A_14 : vector<16x1xi32> to vector<16xi32>
          %gather3A_180 = tpu.dynamic_gather %add3A_178[%gather3A_179] in [0] : vector<16xf32>, vector<16xi32> -> vector<16xf32>
          %add3A_181 = arith.addf %add3A_178, %gather3A_180 : vector<16xf32>
          %eq3A_182 = arith.constant 0 : i32
          %eq3A_183 = vector.broadcast %eq3A_182 : i32 to vector<16xi32>
          %eq3A_184 = arith.cmpi eq, %iota3A, %eq3A_183 : vector<16xi32>
          %select_n3A_185 = arith.select %eq3A_184, %add3A_181, %mul3A_151 : vector<16xi1>, vector<16xf32>
          %swap3A = arith.index_cast %scan3A_145 : i32 to index
          %swap3A_186 = arith.constant 0 : index
          %swap3A_187 = tpu.vector_load %arg17[%swap3A, %swap3A_186] {strides = array<i32>} : memref<40x128xf32, #tpu.memory_space<vmem>>, vector<1x16xf32>,
          %swap3A_188 = vector.shape_cast %swap3A_187 : vector<1x16xf32> to vector<16xf32>
          %swap3A_189 = vector.shape_cast %add3A_169 : vector<16xf32> to vector<1x16xf32>
          tpu.vector_store %arg17[%swap3A, %swap3A_186], %swap3A_189 {strides = array<i32>} : memref<40x128xf32, #tpu.memory_space<vmem>>, vector<1x16xf32>,
          %get3A_190 = arith.index_cast %scan3A_145 : i32 to index
          %get3A_191 = arith.constant 16 : index
          %get3A_192 = tpu.vector_load %arg15[%get3A_190, %get3A_191] {strides = array<i32>} : memref<40x144xf32, #tpu.memory_space<vmem>>, vector<1x16xf32>,
          %get3A_193 = vector.shape_cast %get3A_192 : vector<1x16xf32> to vector<16xf32>
          %get3A_194 = arith.index_cast %scan3A_145 : i32 to index
          %get3A_195 = arith.constant 16 : index
          %get3A_196 = tpu.vector_load %arg11[%get3A_194, %get3A_195] {strides = array<i32>} : memref<40x128xf32, #tpu.memory_space<vmem>>, vector<1x16xf32>,
          %get3A_197 = vector.shape_cast %get3A_196 : vector<1x16xf32> to vector<16xf32>
          %get3A_198 = arith.index_cast %scan3A_145 : i32 to index
          %get3A_199 = arith.constant 16 : index
          %get3A_200 = tpu.vector_load %arg13[%get3A_198, %get3A_199] {strides = array<i32>} : memref<40x256xf32, #tpu.memory_space<vmem>>, vector<1x16xf32>,
          %get3A_201 = vector.shape_cast %get3A_200 : vector<1x16xf32> to vector<16xf32>
          %add3A_202 = arith.addf %get3A_201, %get3A_193 : vector<16xf32>
          %get3A_203 = arith.index_cast %scan3A_145 : i32 to index
          %get3A_204 = arith.constant 144 : index
          %get3A_205 = tpu.vector_load %arg13[%get3A_203, %get3A_204] {strides = array<i32>} : memref<40x256xf32, #tpu.memory_space<vmem>>, vector<1x16xf32>,
          %get3A_206 = vector.shape_cast %get3A_205 : vector<1x16xf32> to vector<16xf32>
          %add3A_207 = arith.addf %get3A_206, %get3A_193 : vector<16xf32>
          %mul3A_208 = arith.mulf %get3A_197, %add3A_202 : vector<16xf32>
          %gather3A_209 = vector.shape_cast %reshape3A : vector<16x1xi32> to vector<16xi32>
          %gather3A_210 = tpu.dynamic_gather %mul3A_208[%gather3A_209] in [0] : vector<16xf32>, vector<16xi32> -> vector<16xf32>
          %add3A_211 = arith.addf %mul3A_208, %gather3A_210 : vector<16xf32>
          %gather3A_212 = vector.shape_cast %reshape3A_6 : vector<16x1xi32> to vector<16xi32>
          %gather3A_213 = tpu.dynamic_gather %add3A_211[%gather3A_212] in [0] : vector<16xf32>, vector<16xi32> -> vector<16xf32>
          %add3A_214 = arith.addf %add3A_211, %gather3A_213 : vector<16xf32>
          %gather3A_215 = vector.shape_cast %reshape3A_10 : vector<16x1xi32> to vector<16xi32>
          %gather3A_216 = tpu.dynamic_gather %add3A_214[%gather3A_215] in [0] : vector<16xf32>, vector<16xi32> -> vector<16xf32>
          %add3A_217 = arith.addf %add3A_214, %gather3A_216 : vector<16xf32>
          %gather3A_218 = vector.shape_cast %reshape3A_14 : vector<16x1xi32> to vector<16xi32>
          %gather3A_219 = tpu.dynamic_gather %add3A_217[%gather3A_218] in [0] : vector<16xf32>, vector<16xi32> -> vector<16xf32>
          %add3A_220 = arith.addf %add3A_217, %gather3A_219 : vector<16xf32>
          %eq3A_221 = arith.constant 1 : i32
          %eq3A_222 = vector.broadcast %eq3A_221 : i32 to vector<16xi32>
          %eq3A_223 = arith.cmpi eq, %iota3A, %eq3A_222 : vector<16xi32>
          %select_n3A_224 = arith.select %eq3A_223, %add3A_220, %select_n3A_185 : vector<16xi1>, vector<16xf32>
          %swap3A_225 = arith.index_cast %scan3A_145 : i32 to index
          %swap3A_226 = arith.constant 16 : index
          %swap3A_227 = tpu.vector_load %arg17[%swap3A_225, %swap3A_226] {strides = array<i32>} : memref<40x128xf32, #tpu.memory_space<vmem>>, vector<1x16xf32>,
          %swap3A_228 = vector.shape_cast %swap3A_227 : vector<1x16xf32> to vector<16xf32>
          %swap3A_229 = vector.shape_cast %add3A_207 : vector<16xf32> to vector<1x16xf32>
          tpu.vector_store %arg17[%swap3A_225, %swap3A_226], %swap3A_229 {strides = array<i32>} : memref<40x128xf32, #tpu.memory_space<vmem>>, vector<1x16xf32>,
          %get3A_230 = arith.index_cast %scan3A_145 : i32 to index
          %get3A_231 = arith.constant 32 : index
          %get3A_232 = tpu.vector_load %arg15[%get3A_230, %get3A_231] {strides = array<i32>} : memref<40x144xf32, #tpu.memory_space<vmem>>, vector<1x16xf32>,
          %get3A_233 = vector.shape_cast %get3A_232 : vector<1x16xf32> to vector<16xf32>
          %get3A_234 = arith.index_cast %scan3A_145 : i32 to index
          %get3A_235 = arith.constant 32 : index
          %get3A_236 = tpu.vector_load %arg11[%get3A_234, %get3A_235] {strides = array<i32>} : memref<40x128xf32, #tpu.memory_space<vmem>>, vector<1x16xf32>,
          %get3A_237 = vector.shape_cast %get3A_236 : vector<1x16xf32> to vector<16xf32>
          %get3A_238 = arith.index_cast %scan3A_145 : i32 to index
          %get3A_239 = arith.constant 32 : index
          %get3A_240 = tpu.vector_load %arg13[%get3A_238, %get3A_239] {strides = array<i32>} : memref<40x256xf32, #tpu.memory_space<vmem>>, vector<1x16xf32>,
          %get3A_241 = vector.shape_cast %get3A_240 : vector<1x16xf32> to vector<16xf32>
          %add3A_242 = arith.addf %get3A_241, %get3A_233 : vector<16xf32>
          %get3A_243 = arith.index_cast %scan3A_145 : i32 to index
          %get3A_244 = arith.constant 160 : index
          %get3A_245 = tpu.vector_load %arg13[%get3A_243, %get3A_244] {strides = array<i32>} : memref<40x256xf32, #tpu.memory_space<vmem>>, vector<1x16xf32>,
          %get3A_246 = vector.shape_cast %get3A_245 : vector<1x16xf32> to vector<16xf32>
          %add3A_247 = arith.addf %get3A_246, %get3A_233 : vector<16xf32>
          %mul3A_248 = arith.mulf %get3A_237, %add3A_242 : vector<16xf32>
          %gather3A_249 = vector.shape_cast %reshape3A : vector<16x1xi32> to vector<16xi32>
          %gather3A_250 = tpu.dynamic_gather %mul3A_248[%gather3A_249] in [0] : vector<16xf32>, vector<16xi32> -> vector<16xf32>
          %add3A_251 = arith.addf %mul3A_248, %gather3A_250 : vector<16xf32>
          %gather3A_252 = vector.shape_cast %reshape3A_6 : vector<16x1xi32> to vector<16xi32>
          %gather3A_253 = tpu.dynamic_gather %add3A_251[%gather3A_252] in [0] : vector<16xf32>, vector<16xi32> -> vector<16xf32>
          %add3A_254 = arith.addf %add3A_251, %gather3A_253 : vector<16xf32>
          %gather3A_255 = vector.shape_cast %reshape3A_10 : vector<16x1xi32> to vector<16xi32>
          %gather3A_256 = tpu.dynamic_gather %add3A_254[%gather3A_255] in [0] : vector<16xf32>, vector<16xi32> -> vector<16xf32>
          %add3A_257 = arith.addf %add3A_254, %gather3A_256 : vector<16xf32>
          %gather3A_258 = vector.shape_cast %reshape3A_14 : vector<16x1xi32> to vector<16xi32>
          %gather3A_259 = tpu.dynamic_gather %add3A_257[%gather3A_258] in [0] : vector<16xf32>, vector<16xi32> -> vector<16xf32>
          %add3A_260 = arith.addf %add3A_257, %gather3A_259 : vector<16xf32>
          %eq3A_261 = arith.constant 2 : i32
          %eq3A_262 = vector.broadcast %eq3A_261 : i32 to vector<16xi32>
          %eq3A_263 = arith.cmpi eq, %iota3A, %eq3A_262 : vector<16xi32>
          %select_n3A_264 = arith.select %eq3A_263, %add3A_260, %select_n3A_224 : vector<16xi1>, vector<16xf32>
          %swap3A_265 = arith.index_cast %scan3A_145 : i32 to index
          %swap3A_266 = arith.constant 32 : index
          %swap3A_267 = tpu.vector_load %arg17[%swap3A_265, %swap3A_266] {strides = array<i32>} : memref<40x128xf32, #tpu.memory_space<vmem>>, vector<1x16xf32>,
          %swap3A_268 = vector.shape_cast %swap3A_267 : vector<1x16xf32> to vector<16xf32>
          %swap3A_269 = vector.shape_cast %add3A_247 : vector<16xf32> to vector<1x16xf32>
          tpu.vector_store %arg17[%swap3A_265, %swap3A_266], %swap3A_269 {strides = array<i32>} : memref<40x128xf32, #tpu.memory_space<vmem>>, vector<1x16xf32>,
          %get3A_270 = arith.index_cast %scan3A_145 : i32 to index
          %get3A_271 = arith.constant 48 : index
          %get3A_272 = tpu.vector_load %arg15[%get3A_270, %get3A_271] {strides = array<i32>} : memref<40x144xf32, #tpu.memory_space<vmem>>, vector<1x16xf32>,
          %get3A_273 = vector.shape_cast %get3A_272 : vector<1x16xf32> to vector<16xf32>
          %get3A_274 = arith.index_cast %scan3A_145 : i32 to index
          %get3A_275 = arith.constant 48 : index
          %get3A_276 = tpu.vector_load %arg11[%get3A_274, %get3A_275] {strides = array<i32>} : memref<40x128xf32, #tpu.memory_space<vmem>>, vector<1x16xf32>,
          %get3A_277 = vector.shape_cast %get3A_276 : vector<1x16xf32> to vector<16xf32>
          %get3A_278 = arith.index_cast %scan3A_145 : i32 to index
          %get3A_279 = arith.constant 48 : index
          %get3A_280 = tpu.vector_load %arg13[%get3A_278, %get3A_279] {strides = array<i32>} : memref<40x256xf32, #tpu.memory_space<vmem>>, vector<1x16xf32>,
          %get3A_281 = vector.shape_cast %get3A_280 : vector<1x16xf32> to vector<16xf32>
          %add3A_282 = arith.addf %get3A_281, %get3A_273 : vector<16xf32>
          %get3A_283 = arith.index_cast %scan3A_145 : i32 to index
          %get3A_284 = arith.constant 176 : index
          %get3A_285 = tpu.vector_load %arg13[%get3A_283, %get3A_284] {strides = array<i32>} : memref<40x256xf32, #tpu.memory_space<vmem>>, vector<1x16xf32>,
          %get3A_286 = vector.shape_cast %get3A_285 : vector<1x16xf32> to vector<16xf32>
          %add3A_287 = arith.addf %get3A_286, %get3A_273 : vector<16xf32>
          %mul3A_288 = arith.mulf %get3A_277, %add3A_282 : vector<16xf32>
          %gather3A_289 = vector.shape_cast %reshape3A : vector<16x1xi32> to vector<16xi32>
          %gather3A_290 = tpu.dynamic_gather %mul3A_288[%gather3A_289] in [0] : vector<16xf32>, vector<16xi32> -> vector<16xf32>
          %add3A_291 = arith.addf %mul3A_288, %gather3A_290 : vector<16xf32>
          %gather3A_292 = vector.shape_cast %reshape3A_6 : vector<16x1xi32> to vector<16xi32>
          %gather3A_293 = tpu.dynamic_gather %add3A_291[%gather3A_292] in [0] : vector<16xf32>, vector<16xi32> -> vector<16xf32>
          %add3A_294 = arith.addf %add3A_291, %gather3A_293 : vector<16xf32>
          %gather3A_295 = vector.shape_cast %reshape3A_10 : vector<16x1xi32> to vector<16xi32>
          %gather3A_296 = tpu.dynamic_gather %add3A_294[%gather3A_295] in [0] : vector<16xf32>, vector<16xi32> -> vector<16xf32>
          %add3A_297 = arith.addf %add3A_294, %gather3A_296 : vector<16xf32>
          %gather3A_298 = vector.shape_cast %reshape3A_14 : vector<16x1xi32> to vector<16xi32>
          %gather3A_299 = tpu.dynamic_gather %add3A_297[%gather3A_298] in [0] : vector<16xf32>, vector<16xi32> -> vector<16xf32>
          %add3A_300 = arith.addf %add3A_297, %gather3A_299 : vector<16xf32>
          %eq3A_301 = arith.constant 3 : i32
          %eq3A_302 = vector.broadcast %eq3A_301 : i32 to vector<16xi32>
          %eq3A_303 = arith.cmpi eq, %iota3A, %eq3A_302 : vector<16xi32>
          %select_n3A_304 = arith.select %eq3A_303, %add3A_300, %select_n3A_264 : vector<16xi1>, vector<16xf32>
          %swap3A_305 = arith.index_cast %scan3A_145 : i32 to index
          %swap3A_306 = arith.constant 48 : index
          %swap3A_307 = tpu.vector_load %arg17[%swap3A_305, %swap3A_306] {strides = array<i32>} : memref<40x128xf32, #tpu.memory_space<vmem>>, vector<1x16xf32>,
          %swap3A_308 = vector.shape_cast %swap3A_307 : vector<1x16xf32> to vector<16xf32>
          %swap3A_309 = vector.shape_cast %add3A_287 : vector<16xf32> to vector<1x16xf32>
          tpu.vector_store %arg17[%swap3A_305, %swap3A_306], %swap3A_309 {strides = array<i32>} : memref<40x128xf32, #tpu.memory_space<vmem>>, vector<1x16xf32>,
          %get3A_310 = arith.index_cast %scan3A_145 : i32 to index
          %get3A_311 = arith.constant 64 : index
          %get3A_312 = tpu.vector_load %arg15[%get3A_310, %get3A_311] {strides = array<i32>} : memref<40x144xf32, #tpu.memory_space<vmem>>, vector<1x16xf32>,
          %get3A_313 = vector.shape_cast %get3A_312 : vector<1x16xf32> to vector<16xf32>
          %get3A_314 = arith.index_cast %scan3A_145 : i32 to index
          %get3A_315 = arith.constant 64 : index
          %get3A_316 = tpu.vector_load %arg11[%get3A_314, %get3A_315] {strides = array<i32>} : memref<40x128xf32, #tpu.memory_space<vmem>>, vector<1x16xf32>,
          %get3A_317 = vector.shape_cast %get3A_316 : vector<1x16xf32> to vector<16xf32>
          %get3A_318 = arith.index_cast %scan3A_145 : i32 to index
          %get3A_319 = arith.constant 64 : index
          %get3A_320 = tpu.vector_load %arg13[%get3A_318, %get3A_319] {strides = array<i32>} : memref<40x256xf32, #tpu.memory_space<vmem>>, vector<1x16xf32>,
          %get3A_321 = vector.shape_cast %get3A_320 : vector<1x16xf32> to vector<16xf32>
          %add3A_322 = arith.addf %get3A_321, %get3A_313 : vector<16xf32>
          %get3A_323 = arith.index_cast %scan3A_145 : i32 to index
          %get3A_324 = arith.constant 192 : index
          %get3A_325 = tpu.vector_load %arg13[%get3A_323, %get3A_324] {strides = array<i32>} : memref<40x256xf32, #tpu.memory_space<vmem>>, vector<1x16xf32>,
          %get3A_326 = vector.shape_cast %get3A_325 : vector<1x16xf32> to vector<16xf32>
          %add3A_327 = arith.addf %get3A_326, %get3A_313 : vector<16xf32>
          %mul3A_328 = arith.mulf %get3A_317, %add3A_322 : vector<16xf32>
          %gather3A_329 = vector.shape_cast %reshape3A : vector<16x1xi32> to vector<16xi32>
          %gather3A_330 = tpu.dynamic_gather %mul3A_328[%gather3A_329] in [0] : vector<16xf32>, vector<16xi32> -> vector<16xf32>
          %add3A_331 = arith.addf %mul3A_328, %gather3A_330 : vector<16xf32>
          %gather3A_332 = vector.shape_cast %reshape3A_6 : vector<16x1xi32> to vector<16xi32>
          %gather3A_333 = tpu.dynamic_gather %add3A_331[%gather3A_332] in [0] : vector<16xf32>, vector<16xi32> -> vector<16xf32>
          %add3A_334 = arith.addf %add3A_331, %gather3A_333 : vector<16xf32>
          %gather3A_335 = vector.shape_cast %reshape3A_10 : vector<16x1xi32> to vector<16xi32>
          %gather3A_336 = tpu.dynamic_gather %add3A_334[%gather3A_335] in [0] : vector<16xf32>, vector<16xi32> -> vector<16xf32>
          %add3A_337 = arith.addf %add3A_334, %gather3A_336 : vector<16xf32>
          %gather3A_338 = vector.shape_cast %reshape3A_14 : vector<16x1xi32> to vector<16xi32>
          %gather3A_339 = tpu.dynamic_gather %add3A_337[%gather3A_338] in [0] : vector<16xf32>, vector<16xi32> -> vector<16xf32>
          %add3A_340 = arith.addf %add3A_337, %gather3A_339 : vector<16xf32>
          %eq3A_341 = arith.constant 4 : i32
          %eq3A_342 = vector.broadcast %eq3A_341 : i32 to vector<16xi32>
          %eq3A_343 = arith.cmpi eq, %iota3A, %eq3A_342 : vector<16xi32>
          %select_n3A_344 = arith.select %eq3A_343, %add3A_340, %select_n3A_304 : vector<16xi1>, vector<16xf32>
          %swap3A_345 = arith.index_cast %scan3A_145 : i32 to index
          %swap3A_346 = arith.constant 64 : index
          %swap3A_347 = tpu.vector_load %arg17[%swap3A_345, %swap3A_346] {strides = array<i32>} : memref<40x128xf32, #tpu.memory_space<vmem>>, vector<1x16xf32>,
          %swap3A_348 = vector.shape_cast %swap3A_347 : vector<1x16xf32> to vector<16xf32>
          %swap3A_349 = vector.shape_cast %add3A_327 : vector<16xf32> to vector<1x16xf32>
          tpu.vector_store %arg17[%swap3A_345, %swap3A_346], %swap3A_349 {strides = array<i32>} : memref<40x128xf32, #tpu.memory_space<vmem>>, vector<1x16xf32>,
          %get3A_350 = arith.index_cast %scan3A_145 : i32 to index
          %get3A_351 = arith.constant 80 : index
          %get3A_352 = tpu.vector_load %arg15[%get3A_350, %get3A_351] {strides = array<i32>} : memref<40x144xf32, #tpu.memory_space<vmem>>, vector<1x16xf32>,
          %get3A_353 = vector.shape_cast %get3A_352 : vector<1x16xf32> to vector<16xf32>
          %get3A_354 = arith.index_cast %scan3A_145 : i32 to index
          %get3A_355 = arith.constant 80 : index
          %get3A_356 = tpu.vector_load %arg11[%get3A_354, %get3A_355] {strides = array<i32>} : memref<40x128xf32, #tpu.memory_space<vmem>>, vector<1x16xf32>,
          %get3A_357 = vector.shape_cast %get3A_356 : vector<1x16xf32> to vector<16xf32>
          %get3A_358 = arith.index_cast %scan3A_145 : i32 to index
          %get3A_359 = arith.constant 80 : index
          %get3A_360 = tpu.vector_load %arg13[%get3A_358, %get3A_359] {strides = array<i32>} : memref<40x256xf32, #tpu.memory_space<vmem>>, vector<1x16xf32>,
          %get3A_361 = vector.shape_cast %get3A_360 : vector<1x16xf32> to vector<16xf32>
          %add3A_362 = arith.addf %get3A_361, %get3A_353 : vector<16xf32>
          %get3A_363 = arith.index_cast %scan3A_145 : i32 to index
          %get3A_364 = arith.constant 208 : index
          %get3A_365 = tpu.vector_load %arg13[%get3A_363, %get3A_364] {strides = array<i32>} : memref<40x256xf32, #tpu.memory_space<vmem>>, vector<1x16xf32>,
          %get3A_366 = vector.shape_cast %get3A_365 : vector<1x16xf32> to vector<16xf32>
          %add3A_367 = arith.addf %get3A_366, %get3A_353 : vector<16xf32>
          %mul3A_368 = arith.mulf %get3A_357, %add3A_362 : vector<16xf32>
          %gather3A_369 = vector.shape_cast %reshape3A : vector<16x1xi32> to vector<16xi32>
          %gather3A_370 = tpu.dynamic_gather %mul3A_368[%gather3A_369] in [0] : vector<16xf32>, vector<16xi32> -> vector<16xf32>
          %add3A_371 = arith.addf %mul3A_368, %gather3A_370 : vector<16xf32>
          %gather3A_372 = vector.shape_cast %reshape3A_6 : vector<16x1xi32> to vector<16xi32>
          %gather3A_373 = tpu.dynamic_gather %add3A_371[%gather3A_372] in [0] : vector<16xf32>, vector<16xi32> -> vector<16xf32>
          %add3A_374 = arith.addf %add3A_371, %gather3A_373 : vector<16xf32>
          %gather3A_375 = vector.shape_cast %reshape3A_10 : vector<16x1xi32> to vector<16xi32>
          %gather3A_376 = tpu.dynamic_gather %add3A_374[%gather3A_375] in [0] : vector<16xf32>, vector<16xi32> -> vector<16xf32>
          %add3A_377 = arith.addf %add3A_374, %gather3A_376 : vector<16xf32>
          %gather3A_378 = vector.shape_cast %reshape3A_14 : vector<16x1xi32> to vector<16xi32>
          %gather3A_379 = tpu.dynamic_gather %add3A_377[%gather3A_378] in [0] : vector<16xf32>, vector<16xi32> -> vector<16xf32>
          %add3A_380 = arith.addf %add3A_377, %gather3A_379 : vector<16xf32>
          %eq3A_381 = arith.constant 5 : i32
          %eq3A_382 = vector.broadcast %eq3A_381 : i32 to vector<16xi32>
          %eq3A_383 = arith.cmpi eq, %iota3A, %eq3A_382 : vector<16xi32>
          %select_n3A_384 = arith.select %eq3A_383, %add3A_380, %select_n3A_344 : vector<16xi1>, vector<16xf32>
          %swap3A_385 = arith.index_cast %scan3A_145 : i32 to index
          %swap3A_386 = arith.constant 80 : index
          %swap3A_387 = tpu.vector_load %arg17[%swap3A_385, %swap3A_386] {strides = array<i32>} : memref<40x128xf32, #tpu.memory_space<vmem>>, vector<1x16xf32>,
          %swap3A_388 = vector.shape_cast %swap3A_387 : vector<1x16xf32> to vector<16xf32>
          %swap3A_389 = vector.shape_cast %add3A_367 : vector<16xf32> to vector<1x16xf32>
          tpu.vector_store %arg17[%swap3A_385, %swap3A_386], %swap3A_389 {strides = array<i32>} : memref<40x128xf32, #tpu.memory_space<vmem>>, vector<1x16xf32>,
          %get3A_390 = arith.index_cast %scan3A_145 : i32 to index
          %get3A_391 = arith.constant 96 : index
          %get3A_392 = tpu.vector_load %arg15[%get3A_390, %get3A_391] {strides = array<i32>} : memref<40x144xf32, #tpu.memory_space<vmem>>, vector<1x16xf32>,
          %get3A_393 = vector.shape_cast %get3A_392 : vector<1x16xf32> to vector<16xf32>
          %get3A_394 = arith.index_cast %scan3A_145 : i32 to index
          %get3A_395 = arith.constant 96 : index
          %get3A_396 = tpu.vector_load %arg11[%get3A_394, %get3A_395] {strides = array<i32>} : memref<40x128xf32, #tpu.memory_space<vmem>>, vector<1x16xf32>,
          %get3A_397 = vector.shape_cast %get3A_396 : vector<1x16xf32> to vector<16xf32>
          %get3A_398 = arith.index_cast %scan3A_145 : i32 to index
          %get3A_399 = arith.constant 96 : index
          %get3A_400 = tpu.vector_load %arg13[%get3A_398, %get3A_399] {strides = array<i32>} : memref<40x256xf32, #tpu.memory_space<vmem>>, vector<1x16xf32>,
          %get3A_401 = vector.shape_cast %get3A_400 : vector<1x16xf32> to vector<16xf32>
          %add3A_402 = arith.addf %get3A_401, %get3A_393 : vector<16xf32>
          %get3A_403 = arith.index_cast %scan3A_145 : i32 to index
          %get3A_404 = arith.constant 224 : index
          %get3A_405 = tpu.vector_load %arg13[%get3A_403, %get3A_404] {strides = array<i32>} : memref<40x256xf32, #tpu.memory_space<vmem>>, vector<1x16xf32>,
          %get3A_406 = vector.shape_cast %get3A_405 : vector<1x16xf32> to vector<16xf32>
          %add3A_407 = arith.addf %get3A_406, %get3A_393 : vector<16xf32>
          %mul3A_408 = arith.mulf %get3A_397, %add3A_402 : vector<16xf32>
          %gather3A_409 = vector.shape_cast %reshape3A : vector<16x1xi32> to vector<16xi32>
          %gather3A_410 = tpu.dynamic_gather %mul3A_408[%gather3A_409] in [0] : vector<16xf32>, vector<16xi32> -> vector<16xf32>
          %add3A_411 = arith.addf %mul3A_408, %gather3A_410 : vector<16xf32>
          %gather3A_412 = vector.shape_cast %reshape3A_6 : vector<16x1xi32> to vector<16xi32>
          %gather3A_413 = tpu.dynamic_gather %add3A_411[%gather3A_412] in [0] : vector<16xf32>, vector<16xi32> -> vector<16xf32>
          %add3A_414 = arith.addf %add3A_411, %gather3A_413 : vector<16xf32>
          %gather3A_415 = vector.shape_cast %reshape3A_10 : vector<16x1xi32> to vector<16xi32>
          %gather3A_416 = tpu.dynamic_gather %add3A_414[%gather3A_415] in [0] : vector<16xf32>, vector<16xi32> -> vector<16xf32>
          %add3A_417 = arith.addf %add3A_414, %gather3A_416 : vector<16xf32>
          %gather3A_418 = vector.shape_cast %reshape3A_14 : vector<16x1xi32> to vector<16xi32>
          %gather3A_419 = tpu.dynamic_gather %add3A_417[%gather3A_418] in [0] : vector<16xf32>, vector<16xi32> -> vector<16xf32>
          %add3A_420 = arith.addf %add3A_417, %gather3A_419 : vector<16xf32>
          %eq3A_421 = arith.constant 6 : i32
          %eq3A_422 = vector.broadcast %eq3A_421 : i32 to vector<16xi32>
          %eq3A_423 = arith.cmpi eq, %iota3A, %eq3A_422 : vector<16xi32>
          %select_n3A_424 = arith.select %eq3A_423, %add3A_420, %select_n3A_384 : vector<16xi1>, vector<16xf32>
          %swap3A_425 = arith.index_cast %scan3A_145 : i32 to index
          %swap3A_426 = arith.constant 96 : index
          %swap3A_427 = tpu.vector_load %arg17[%swap3A_425, %swap3A_426] {strides = array<i32>} : memref<40x128xf32, #tpu.memory_space<vmem>>, vector<1x16xf32>,
          %swap3A_428 = vector.shape_cast %swap3A_427 : vector<1x16xf32> to vector<16xf32>
          %swap3A_429 = vector.shape_cast %add3A_407 : vector<16xf32> to vector<1x16xf32>
          tpu.vector_store %arg17[%swap3A_425, %swap3A_426], %swap3A_429 {strides = array<i32>} : memref<40x128xf32, #tpu.memory_space<vmem>>, vector<1x16xf32>,
          %get3A_430 = arith.index_cast %scan3A_145 : i32 to index
          %get3A_431 = arith.constant 112 : index
          %get3A_432 = tpu.vector_load %arg15[%get3A_430, %get3A_431] {strides = array<i32>} : memref<40x144xf32, #tpu.memory_space<vmem>>, vector<1x16xf32>,
          %get3A_433 = vector.shape_cast %get3A_432 : vector<1x16xf32> to vector<16xf32>
          %get3A_434 = arith.index_cast %scan3A_145 : i32 to index
          %get3A_435 = arith.constant 112 : index
          %get3A_436 = tpu.vector_load %arg11[%get3A_434, %get3A_435] {strides = array<i32>} : memref<40x128xf32, #tpu.memory_space<vmem>>, vector<1x16xf32>,
          %get3A_437 = vector.shape_cast %get3A_436 : vector<1x16xf32> to vector<16xf32>
          %get3A_438 = arith.index_cast %scan3A_145 : i32 to index
          %get3A_439 = arith.constant 112 : index
          %get3A_440 = tpu.vector_load %arg13[%get3A_438, %get3A_439] {strides = array<i32>} : memref<40x256xf32, #tpu.memory_space<vmem>>, vector<1x16xf32>,
          %get3A_441 = vector.shape_cast %get3A_440 : vector<1x16xf32> to vector<16xf32>
          %add3A_442 = arith.addf %get3A_441, %get3A_433 : vector<16xf32>
          %get3A_443 = arith.index_cast %scan3A_145 : i32 to index
          %get3A_444 = arith.constant 240 : index
          %get3A_445 = tpu.vector_load %arg13[%get3A_443, %get3A_444] {strides = array<i32>} : memref<40x256xf32, #tpu.memory_space<vmem>>, vector<1x16xf32>,
          %get3A_446 = vector.shape_cast %get3A_445 : vector<1x16xf32> to vector<16xf32>
          %add3A_447 = arith.addf %get3A_446, %get3A_433 : vector<16xf32>
          %mul3A_448 = arith.mulf %get3A_437, %add3A_442 : vector<16xf32>
          %gather3A_449 = vector.shape_cast %reshape3A : vector<16x1xi32> to vector<16xi32>
          %gather3A_450 = tpu.dynamic_gather %mul3A_448[%gather3A_449] in [0] : vector<16xf32>, vector<16xi32> -> vector<16xf32>
          %add3A_451 = arith.addf %mul3A_448, %gather3A_450 : vector<16xf32>
          %gather3A_452 = vector.shape_cast %reshape3A_6 : vector<16x1xi32> to vector<16xi32>
          %gather3A_453 = tpu.dynamic_gather %add3A_451[%gather3A_452] in [0] : vector<16xf32>, vector<16xi32> -> vector<16xf32>
          %add3A_454 = arith.addf %add3A_451, %gather3A_453 : vector<16xf32>
          %gather3A_455 = vector.shape_cast %reshape3A_10 : vector<16x1xi32> to vector<16xi32>
          %gather3A_456 = tpu.dynamic_gather %add3A_454[%gather3A_455] in [0] : vector<16xf32>, vector<16xi32> -> vector<16xf32>
          %add3A_457 = arith.addf %add3A_454, %gather3A_456 : vector<16xf32>
          %gather3A_458 = vector.shape_cast %reshape3A_14 : vector<16x1xi32> to vector<16xi32>
          %gather3A_459 = tpu.dynamic_gather %add3A_457[%gather3A_458] in [0] : vector<16xf32>, vector<16xi32> -> vector<16xf32>
          %add3A_460 = arith.addf %add3A_457, %gather3A_459 : vector<16xf32>
          %eq3A_461 = arith.constant 7 : i32
          %eq3A_462 = vector.broadcast %eq3A_461 : i32 to vector<16xi32>
          %eq3A_463 = arith.cmpi eq, %iota3A, %eq3A_462 : vector<16xi32>
          %select_n3A_464 = arith.select %eq3A_463, %add3A_460, %select_n3A_424 : vector<16xi1>, vector<16xf32>
          %swap3A_465 = arith.index_cast %scan3A_145 : i32 to index
          %swap3A_466 = arith.constant 112 : index
          %swap3A_467 = tpu.vector_load %arg17[%swap3A_465, %swap3A_466] {strides = array<i32>} : memref<40x128xf32, #tpu.memory_space<vmem>>, vector<1x16xf32>,
          %swap3A_468 = vector.shape_cast %swap3A_467 : vector<1x16xf32> to vector<16xf32>
          %swap3A_469 = vector.shape_cast %add3A_447 : vector<16xf32> to vector<1x16xf32>
          tpu.vector_store %arg17[%swap3A_465, %swap3A_466], %swap3A_469 {strides = array<i32>} : memref<40x128xf32, #tpu.memory_space<vmem>>, vector<1x16xf32>,
          %mul3A_470 = arith.constant 2.500000e-01 : f32
          %mul3A_471 = vector.broadcast %mul3A_470 : f32 to vector<16xf32>
          %mul3A_472 = arith.mulf %select_n3A_464, %mul3A_471 : vector<16xf32>
          %add3A_473 = arith.addf %mul3A_472, %get3A_148 : vector<16xf32>
          %swap3A_474 = arith.index_cast %scan3A_145 : i32 to index
          %swap3A_475 = arith.constant 0 : index
          %swap3A_476 = tpu.vector_load %arg19[%swap3A_474, %swap3A_475] {strides = array<i32>} : memref<40x16xf32, #tpu.memory_space<vmem>>, vector<1x16xf32>,
          %swap3A_477 = vector.shape_cast %swap3A_476 : vector<1x16xf32> to vector<16xf32>
          %swap3A_478 = vector.shape_cast %add3A_473 : vector<16xf32> to vector<1x16xf32>
          tpu.vector_store %arg19[%swap3A_474, %swap3A_475], %swap3A_478 {strides = array<i32>} : memref<40x16xf32, #tpu.memory_space<vmem>>, vector<1x16xf32>,
        }
        %scan3A_131 = arith.constant 40 : i32
        %mul3A_132 = arith.constant 5000 : i32
        %mul3A_133 = arith.muli %add3A, %mul3A_132 : i32
        %mul3A_134 = arith.constant 40 : i32
        %mul3A_135 = arith.muli %scan3A_60, %mul3A_134 : i32
        %add3A_136 = arith.addi %mul3A_133, %mul3A_135 : i32
        %dma_start3A_137 = arith.constant 0 : i32
        %dma_start3A_138 = tpu.memref_slice %arg7[%add3A_136, %dma_start3A_137] : memref<160000x128xf32, #tpu.memory_space<hbm>> -> memref<40x128xf32, #tpu.memory_space<hbm>>
        %dma_start3A_139 = arith.constant 0 : i32
        %dma_start3A_140 = tpu.memref_slice %arg7[%add3A_136, %dma_start3A_139] : memref<160000x128xf32, #tpu.memory_space<hbm>> -> memref<40x128xf32, #tpu.memory_space<hbm>>
        tpu.enqueue_dma source(%arg17 : memref<40x128xf32, #tpu.memory_space<vmem>>) target(%dma_start3A_140 : memref<40x128xf32, #tpu.memory_space<hbm>>) target_semaphore(%arg27 : memref<!tpu.dma_semaphore, #tpu.memory_space<semaphore_mem>>)
        %dma_start3A_141 = arith.constant 0 : i32
        %dma_start3A_142 = tpu.memref_slice %arg8[%add3A_136, %dma_start3A_141] : memref<160000x16xf32, #tpu.memory_space<hbm>> -> memref<40x16xf32, #tpu.memory_space<hbm>>
        %dma_start3A_143 = arith.constant 0 : i32
        %dma_start3A_144 = tpu.memref_slice %arg8[%add3A_136, %dma_start3A_143] : memref<160000x16xf32, #tpu.memory_space<hbm>> -> memref<40x16xf32, #tpu.memory_space<hbm>>
        tpu.enqueue_dma source(%arg19 : memref<40x16xf32, #tpu.memory_space<vmem>>) target(%dma_start3A_144 : memref<40x16xf32, #tpu.memory_space<hbm>>) target_semaphore(%arg29 : memref<!tpu.dma_semaphore, #tpu.memory_space<semaphore_mem>>)
      } else {
      }
      %jit3A_73 = arith.constant 2 : i32
      %eq3A_74 = arith.constant 0 : i32
      %eq3A_75 = arith.cmpi eq, %jit3A_73, %eq3A_74 : i32
      %jit3A_76 = arith.constant 1 : i32
      %select_n3A_77 = arith.select %eq3A_75, %jit3A_76, %jit3A_73 : i32
      %rem3A_78 = arith.remsi %scan3A_60, %select_n3A_77 : i32
      %ne3A_79 = arith.constant 0 : i32
      %ne3A_80 = arith.cmpi ne, %rem3A_78, %ne3A_79 : i32
      %lt3A_81 = arith.constant 0 : i32
      %lt3A_82 = arith.cmpi slt, %rem3A_78, %lt3A_81 : i32
      %lt3A_83 = arith.constant 0 : i32
      %lt3A_84 = arith.cmpi slt, %select_n3A_77, %lt3A_83 : i32
      %ne3A_85 = arith.xori %lt3A_82, %lt3A_84 : i1
      %and3A_86 = arith.andi %ne3A_85, %ne3A_80 : i1
      %add3A_87 = arith.addi %rem3A_78, %select_n3A_77 : i32
      %select_n3A_88 = arith.select %and3A_86, %add3A_87, %rem3A_78 : i32
      %eq3A_89 = arith.constant 1 : i32
      %eq3A_90 = arith.cmpi eq, %select_n3A_88, %eq3A_89 : i32
      %convert_element_type3A_91 = arith.extui %eq3A_90 : i1 to i32
      %cond3A_92 = arith.constant 0 : i32
      %cond3A_93 = arith.cmpi ne, %convert_element_type3A_91, %cond3A_92 : i32
      scf.if %cond3A_93 {
        %mul3A_94 = arith.constant 40 : i32
        %mul3A_95 = arith.muli %scan3A_60, %mul3A_94 : i32
        %dma_wait3A_96 = tpu.memref_slice %arg10[%mul3A_95] : memref<5000xi32, #tpu.memory_space<vmem>> -> memref<40xi32, #tpu.memory_space<vmem>>
        %dma_wait3A_97 = arith.constant 0 : i32
        %dma_wait3A_98 = arith.constant 0 : i32
        %dma_wait3A_99 = tpu.memref_slice %arg2[%dma_wait3A_97, %dma_wait3A_98] : memref<10000x128xf32, #tpu.memory_space<hbm>> -> memref<10000x128xf32, #tpu.memory_space<hbm>>
        tpu.wait_indirect_dma semaphore(%arg22 : memref<!tpu.dma_semaphore, #tpu.memory_space<semaphore_mem>>) src(%dma_wait3A_99 : memref<10000x128xf32, #tpu.memory_space<hbm>>) dst(%arg12 : memref<40x128xf32, #tpu.memory_space<vmem>>)
        %mul3A_100 = arith.constant 40 : i32
        %mul3A_101 = arith.muli %scan3A_60, %mul3A_100 : i32
        %dma_wait3A_102 = tpu.memref_slice %arg9[%mul3A_101] : memref<5000xi32, #tpu.memory_space<vmem>> -> memref<40xi32, #tpu.memory_space<vmem>>
        %dma_wait3A_103 = arith.constant 0 : i32
        %dma_wait3A_104 = arith.constant 0 : i32
        %dma_wait3A_105 = tpu.memref_slice %arg3[%dma_wait3A_103, %dma_wait3A_104] : memref<10000x256xf32, #tpu.memory_space<hbm>> -> memref<10000x256xf32, #tpu.memory_space<hbm>>
        tpu.wait_indirect_dma semaphore(%arg24 : memref<!tpu.dma_semaphore, #tpu.memory_space<semaphore_mem>>) src(%dma_wait3A_105 : memref<10000x256xf32, #tpu.memory_space<hbm>>) dst(%arg14 : memref<40x256xf32, #tpu.memory_space<vmem>>)
        %mul3A_106 = arith.constant 5000 : i32
        %mul3A_107 = arith.muli %add3A, %mul3A_106 : i32
        %mul3A_108 = arith.constant 40 : i32
        %mul3A_109 = arith.muli %scan3A_60, %mul3A_108 : i32
        %add3A_110 = arith.addi %mul3A_107, %mul3A_109 : i32
        %dma_wait3A_111 = arith.constant 0 : i32
        %dma_wait3A_112 = tpu.memref_slice %arg4[%add3A_110, %dma_wait3A_111] : memref<160000x144xf32, #tpu.memory_space<hbm>> -> memref<40x144xf32, #tpu.memory_space<hbm>>
        %dma_wait3A_113 = arith.constant 0 : i32
        %dma_wait3A_114 = tpu.memref_slice %arg4[%add3A_110, %dma_wait3A_113] : memref<160000x144xf32, #tpu.memory_space<hbm>> -> memref<40x144xf32, #tpu.memory_space<hbm>>
        tpu.wait_dma2 semaphore(%arg26 : memref<!tpu.dma_semaphore, #tpu.memory_space<semaphore_mem>>) src(%dma_wait3A_114 : memref<40x144xf32, #tpu.memory_space<hbm>>) dst(%arg16 : memref<40x144xf32, #tpu.memory_space<vmem>>)
        %add3A_115 = arith.constant 1 : i32
        %add3A_116 = arith.addi %scan3A_60, %add3A_115 : i32
        %lt3A_117 = arith.constant 125 : i32
        %lt3A_118 = arith.cmpi slt, %add3A_116, %lt3A_117 : i32
        %convert_element_type3A_119 = arith.extui %lt3A_118 : i1 to i32
        %cond3A_120 = arith.constant 0 : i32
        %cond3A_121 = arith.cmpi ne, %convert_element_type3A_119, %cond3A_120 : i32
        scf.if %cond3A_121 {
          %add3A_145 = arith.constant 1 : i32
          %add3A_146 = arith.addi %scan3A_60, %add3A_145 : i32
          %mul3A_147 = arith.constant 40 : i32
          %mul3A_148 = arith.muli %add3A_146, %mul3A_147 : i32
          %dma_start3A_149 = tpu.memref_slice %arg10[%mul3A_148] : memref<5000xi32, #tpu.memory_space<vmem>> -> memref<40xi32, #tpu.memory_space<vmem>>
          %dma_start3A_150 = arith.constant 0 : i32
          %dma_start3A_151 = arith.constant 0 : i32
          %dma_start3A_152 = tpu.memref_slice %arg2[%dma_start3A_150, %dma_start3A_151] : memref<10000x128xf32, #tpu.memory_space<hbm>> -> memref<10000x128xf32, #tpu.memory_space<hbm>>
          tpu.enqueue_indirect_dma source(%dma_start3A_152 : memref<10000x128xf32, #tpu.memory_space<hbm>>) target(%arg11 : memref<40x128xf32, #tpu.memory_space<vmem>>) offsets(%dma_start3A_149 : memref<40xi32, #tpu.memory_space<vmem>>) semaphore(%arg21 : memref<!tpu.dma_semaphore, #tpu.memory_space<semaphore_mem>>)
          %mul3A_153 = arith.constant 40 : i32
          %mul3A_154 = arith.muli %add3A_146, %mul3A_153 : i32
          %dma_start3A_155 = tpu.memref_slice %arg9[%mul3A_154] : memref<5000xi32, #tpu.memory_space<vmem>> -> memref<40xi32, #tpu.memory_space<vmem>>
          %dma_start3A_156 = arith.constant 0 : i32
          %dma_start3A_157 = arith.constant 0 : i32
          %dma_start3A_158 = tpu.memref_slice %arg3[%dma_start3A_156, %dma_start3A_157] : memref<10000x256xf32, #tpu.memory_space<hbm>> -> memref<10000x256xf32, #tpu.memory_space<hbm>>
          tpu.enqueue_indirect_dma source(%dma_start3A_158 : memref<10000x256xf32, #tpu.memory_space<hbm>>) target(%arg13 : memref<40x256xf32, #tpu.memory_space<vmem>>) offsets(%dma_start3A_155 : memref<40xi32, #tpu.memory_space<vmem>>) semaphore(%arg23 : memref<!tpu.dma_semaphore, #tpu.memory_space<semaphore_mem>>)
          %mul3A_159 = arith.constant 5000 : i32
          %mul3A_160 = arith.muli %add3A, %mul3A_159 : i32
          %mul3A_161 = arith.constant 40 : i32
          %mul3A_162 = arith.muli %add3A_146, %mul3A_161 : i32
          %add3A_163 = arith.addi %mul3A_160, %mul3A_162 : i32
          %dma_start3A_164 = arith.constant 0 : i32
          %dma_start3A_165 = tpu.memref_slice %arg4[%add3A_163, %dma_start3A_164] : memref<160000x144xf32, #tpu.memory_space<hbm>> -> memref<40x144xf32, #tpu.memory_space<hbm>>
          %dma_start3A_166 = arith.constant 0 : i32
          %dma_start3A_167 = tpu.memref_slice %arg4[%add3A_163, %dma_start3A_166] : memref<160000x144xf32, #tpu.memory_space<hbm>> -> memref<40x144xf32, #tpu.memory_space<hbm>>
          tpu.enqueue_dma source(%dma_start3A_167 : memref<40x144xf32, #tpu.memory_space<hbm>>) target(%arg15 : memref<40x144xf32, #tpu.memory_space<vmem>>) target_semaphore(%arg25 : memref<!tpu.dma_semaphore, #tpu.memory_space<semaphore_mem>>)
        } else {
        }
        %ge3A = arith.constant 2 : i32
        %ge3A_122 = arith.cmpi sge, %scan3A_60, %ge3A : i32
        %convert_element_type3A_123 = arith.extui %ge3A_122 : i1 to i32
        %cond3A_124 = arith.constant 0 : i32
        %cond3A_125 = arith.cmpi ne, %convert_element_type3A_123, %cond3A_124 : i32
        scf.if %cond3A_125 {
          %mul3A_145 = arith.constant 5000 : i32
          %mul3A_146 = arith.muli %add3A, %mul3A_145 : i32
          %sub3A = arith.constant 2 : i32
          %sub3A_147 = arith.subi %scan3A_60, %sub3A : i32
          %mul3A_148 = arith.constant 40 : i32
          %mul3A_149 = arith.muli %sub3A_147, %mul3A_148 : i32
          %add3A_150 = arith.addi %mul3A_146, %mul3A_149 : i32
          %dma_wait3A_151 = arith.constant 0 : i32
          %dma_wait3A_152 = tpu.memref_slice %arg7[%add3A_150, %dma_wait3A_151] : memref<160000x128xf32, #tpu.memory_space<hbm>> -> memref<40x128xf32, #tpu.memory_space<hbm>>
          %dma_wait3A_153 = arith.constant 0 : i32
          %dma_wait3A_154 = tpu.memref_slice %arg7[%add3A_150, %dma_wait3A_153] : memref<160000x128xf32, #tpu.memory_space<hbm>> -> memref<40x128xf32, #tpu.memory_space<hbm>>
          tpu.wait_dma2 semaphore(%arg28 : memref<!tpu.dma_semaphore, #tpu.memory_space<semaphore_mem>>) src(%arg18 : memref<40x128xf32, #tpu.memory_space<vmem>>) dst(%dma_wait3A_154 : memref<40x128xf32, #tpu.memory_space<hbm>>)
          %dma_wait3A_155 = arith.constant 0 : i32
          %dma_wait3A_156 = tpu.memref_slice %arg8[%add3A_150, %dma_wait3A_155] : memref<160000x16xf32, #tpu.memory_space<hbm>> -> memref<40x16xf32, #tpu.memory_space<hbm>>
          %dma_wait3A_157 = arith.constant 0 : i32
          %dma_wait3A_158 = tpu.memref_slice %arg8[%add3A_150, %dma_wait3A_157] : memref<160000x16xf32, #tpu.memory_space<hbm>> -> memref<40x16xf32, #tpu.memory_space<hbm>>
          tpu.wait_dma2 semaphore(%arg30 : memref<!tpu.dma_semaphore, #tpu.memory_space<semaphore_mem>>) src(%arg20 : memref<40x16xf32, #tpu.memory_space<vmem>>) dst(%dma_wait3A_158 : memref<40x16xf32, #tpu.memory_space<hbm>>)
        } else {
        }
        %scan3A_126 = arith.constant 0 : i32
        %scan3A_127 = arith.constant 0 : i32
        %scan3A_128 = arith.constant 40 : i32
        %scan3A_129 = arith.addi %scan3A_127, %scan3A_128 : i32
        %scan3A_130 = arith.constant 1 : i32
        scf.for %scan3A_145 = %scan3A_127 to %scan3A_129 step %scan3A_130  : i32 {
          %get3A = arith.index_cast %scan3A_145 : i32 to index
          %get3A_146 = arith.constant 128 : index
          %get3A_147 = tpu.vector_load %arg16[%get3A, %get3A_146] {strides = array<i32>} : memref<40x144xf32, #tpu.memory_space<vmem>>, vector<1x16xf32>,
          %get3A_148 = vector.shape_cast %get3A_147 : vector<1x16xf32> to vector<16xf32>
          %mul3A_149 = arith.constant 0.000000e+00 : f32
          %mul3A_150 = vector.broadcast %mul3A_149 : f32 to vector<16xf32>
          %mul3A_151 = arith.mulf %get3A_148, %mul3A_150 : vector<16xf32>
          %get3A_152 = arith.index_cast %scan3A_145 : i32 to index
          %get3A_153 = arith.constant 0 : index
          %get3A_154 = tpu.vector_load %arg16[%get3A_152, %get3A_153] {strides = array<i32>} : memref<40x144xf32, #tpu.memory_space<vmem>>, vector<1x16xf32>,
          %get3A_155 = vector.shape_cast %get3A_154 : vector<1x16xf32> to vector<16xf32>
          %get3A_156 = arith.index_cast %scan3A_145 : i32 to index
          %get3A_157 = arith.constant 0 : index
          %get3A_158 = tpu.vector_load %arg12[%get3A_156, %get3A_157] {strides = array<i32>} : memref<40x128xf32, #tpu.memory_space<vmem>>, vector<1x16xf32>,
          %get3A_159 = vector.shape_cast %get3A_158 : vector<1x16xf32> to vector<16xf32>
          %get3A_160 = arith.index_cast %scan3A_145 : i32 to index
          %get3A_161 = arith.constant 0 : index
          %get3A_162 = tpu.vector_load %arg14[%get3A_160, %get3A_161] {strides = array<i32>} : memref<40x256xf32, #tpu.memory_space<vmem>>, vector<1x16xf32>,
          %get3A_163 = vector.shape_cast %get3A_162 : vector<1x16xf32> to vector<16xf32>
          %add3A_164 = arith.addf %get3A_163, %get3A_155 : vector<16xf32>
          %get3A_165 = arith.index_cast %scan3A_145 : i32 to index
          %get3A_166 = arith.constant 128 : index
          %get3A_167 = tpu.vector_load %arg14[%get3A_165, %get3A_166] {strides = array<i32>} : memref<40x256xf32, #tpu.memory_space<vmem>>, vector<1x16xf32>,
          %get3A_168 = vector.shape_cast %get3A_167 : vector<1x16xf32> to vector<16xf32>
          %add3A_169 = arith.addf %get3A_168, %get3A_155 : vector<16xf32>
          %mul3A_170 = arith.mulf %get3A_159, %add3A_164 : vector<16xf32>
          %gather3A = vector.shape_cast %reshape3A : vector<16x1xi32> to vector<16xi32>
          %gather3A_171 = tpu.dynamic_gather %mul3A_170[%gather3A] in [0] : vector<16xf32>, vector<16xi32> -> vector<16xf32>
          %add3A_172 = arith.addf %mul3A_170, %gather3A_171 : vector<16xf32>
          %gather3A_173 = vector.shape_cast %reshape3A_6 : vector<16x1xi32> to vector<16xi32>
          %gather3A_174 = tpu.dynamic_gather %add3A_172[%gather3A_173] in [0] : vector<16xf32>, vector<16xi32> -> vector<16xf32>
          %add3A_175 = arith.addf %add3A_172, %gather3A_174 : vector<16xf32>
          %gather3A_176 = vector.shape_cast %reshape3A_10 : vector<16x1xi32> to vector<16xi32>
          %gather3A_177 = tpu.dynamic_gather %add3A_175[%gather3A_176] in [0] : vector<16xf32>, vector<16xi32> -> vector<16xf32>
          %add3A_178 = arith.addf %add3A_175, %gather3A_177 : vector<16xf32>
          %gather3A_179 = vector.shape_cast %reshape3A_14 : vector<16x1xi32> to vector<16xi32>
          %gather3A_180 = tpu.dynamic_gather %add3A_178[%gather3A_179] in [0] : vector<16xf32>, vector<16xi32> -> vector<16xf32>
          %add3A_181 = arith.addf %add3A_178, %gather3A_180 : vector<16xf32>
          %eq3A_182 = arith.constant 0 : i32
          %eq3A_183 = vector.broadcast %eq3A_182 : i32 to vector<16xi32>
          %eq3A_184 = arith.cmpi eq, %iota3A, %eq3A_183 : vector<16xi32>
          %select_n3A_185 = arith.select %eq3A_184, %add3A_181, %mul3A_151 : vector<16xi1>, vector<16xf32>
          %swap3A = arith.index_cast %scan3A_145 : i32 to index
          %swap3A_186 = arith.constant 0 : index
          %swap3A_187 = tpu.vector_load %arg18[%swap3A, %swap3A_186] {strides = array<i32>} : memref<40x128xf32, #tpu.memory_space<vmem>>, vector<1x16xf32>,
          %swap3A_188 = vector.shape_cast %swap3A_187 : vector<1x16xf32> to vector<16xf32>
          %swap3A_189 = vector.shape_cast %add3A_169 : vector<16xf32> to vector<1x16xf32>
          tpu.vector_store %arg18[%swap3A, %swap3A_186], %swap3A_189 {strides = array<i32>} : memref<40x128xf32, #tpu.memory_space<vmem>>, vector<1x16xf32>,
          %get3A_190 = arith.index_cast %scan3A_145 : i32 to index
          %get3A_191 = arith.constant 16 : index
          %get3A_192 = tpu.vector_load %arg16[%get3A_190, %get3A_191] {strides = array<i32>} : memref<40x144xf32, #tpu.memory_space<vmem>>, vector<1x16xf32>,
          %get3A_193 = vector.shape_cast %get3A_192 : vector<1x16xf32> to vector<16xf32>
          %get3A_194 = arith.index_cast %scan3A_145 : i32 to index
          %get3A_195 = arith.constant 16 : index
          %get3A_196 = tpu.vector_load %arg12[%get3A_194, %get3A_195] {strides = array<i32>} : memref<40x128xf32, #tpu.memory_space<vmem>>, vector<1x16xf32>,
          %get3A_197 = vector.shape_cast %get3A_196 : vector<1x16xf32> to vector<16xf32>
          %get3A_198 = arith.index_cast %scan3A_145 : i32 to index
          %get3A_199 = arith.constant 16 : index
          %get3A_200 = tpu.vector_load %arg14[%get3A_198, %get3A_199] {strides = array<i32>} : memref<40x256xf32, #tpu.memory_space<vmem>>, vector<1x16xf32>,
          %get3A_201 = vector.shape_cast %get3A_200 : vector<1x16xf32> to vector<16xf32>
          %add3A_202 = arith.addf %get3A_201, %get3A_193 : vector<16xf32>
          %get3A_203 = arith.index_cast %scan3A_145 : i32 to index
          %get3A_204 = arith.constant 144 : index
          %get3A_205 = tpu.vector_load %arg14[%get3A_203, %get3A_204] {strides = array<i32>} : memref<40x256xf32, #tpu.memory_space<vmem>>, vector<1x16xf32>,
          %get3A_206 = vector.shape_cast %get3A_205 : vector<1x16xf32> to vector<16xf32>
          %add3A_207 = arith.addf %get3A_206, %get3A_193 : vector<16xf32>
          %mul3A_208 = arith.mulf %get3A_197, %add3A_202 : vector<16xf32>
          %gather3A_209 = vector.shape_cast %reshape3A : vector<16x1xi32> to vector<16xi32>
          %gather3A_210 = tpu.dynamic_gather %mul3A_208[%gather3A_209] in [0] : vector<16xf32>, vector<16xi32> -> vector<16xf32>
          %add3A_211 = arith.addf %mul3A_208, %gather3A_210 : vector<16xf32>
          %gather3A_212 = vector.shape_cast %reshape3A_6 : vector<16x1xi32> to vector<16xi32>
          %gather3A_213 = tpu.dynamic_gather %add3A_211[%gather3A_212] in [0] : vector<16xf32>, vector<16xi32> -> vector<16xf32>
          %add3A_214 = arith.addf %add3A_211, %gather3A_213 : vector<16xf32>
          %gather3A_215 = vector.shape_cast %reshape3A_10 : vector<16x1xi32> to vector<16xi32>
          %gather3A_216 = tpu.dynamic_gather %add3A_214[%gather3A_215] in [0] : vector<16xf32>, vector<16xi32> -> vector<16xf32>
          %add3A_217 = arith.addf %add3A_214, %gather3A_216 : vector<16xf32>
          %gather3A_218 = vector.shape_cast %reshape3A_14 : vector<16x1xi32> to vector<16xi32>
          %gather3A_219 = tpu.dynamic_gather %add3A_217[%gather3A_218] in [0] : vector<16xf32>, vector<16xi32> -> vector<16xf32>
          %add3A_220 = arith.addf %add3A_217, %gather3A_219 : vector<16xf32>
          %eq3A_221 = arith.constant 1 : i32
          %eq3A_222 = vector.broadcast %eq3A_221 : i32 to vector<16xi32>
          %eq3A_223 = arith.cmpi eq, %iota3A, %eq3A_222 : vector<16xi32>
          %select_n3A_224 = arith.select %eq3A_223, %add3A_220, %select_n3A_185 : vector<16xi1>, vector<16xf32>
          %swap3A_225 = arith.index_cast %scan3A_145 : i32 to index
          %swap3A_226 = arith.constant 16 : index
          %swap3A_227 = tpu.vector_load %arg18[%swap3A_225, %swap3A_226] {strides = array<i32>} : memref<40x128xf32, #tpu.memory_space<vmem>>, vector<1x16xf32>,
          %swap3A_228 = vector.shape_cast %swap3A_227 : vector<1x16xf32> to vector<16xf32>
          %swap3A_229 = vector.shape_cast %add3A_207 : vector<16xf32> to vector<1x16xf32>
          tpu.vector_store %arg18[%swap3A_225, %swap3A_226], %swap3A_229 {strides = array<i32>} : memref<40x128xf32, #tpu.memory_space<vmem>>, vector<1x16xf32>,
          %get3A_230 = arith.index_cast %scan3A_145 : i32 to index
          %get3A_231 = arith.constant 32 : index
          %get3A_232 = tpu.vector_load %arg16[%get3A_230, %get3A_231] {strides = array<i32>} : memref<40x144xf32, #tpu.memory_space<vmem>>, vector<1x16xf32>,
          %get3A_233 = vector.shape_cast %get3A_232 : vector<1x16xf32> to vector<16xf32>
          %get3A_234 = arith.index_cast %scan3A_145 : i32 to index
          %get3A_235 = arith.constant 32 : index
          %get3A_236 = tpu.vector_load %arg12[%get3A_234, %get3A_235] {strides = array<i32>} : memref<40x128xf32, #tpu.memory_space<vmem>>, vector<1x16xf32>,
          %get3A_237 = vector.shape_cast %get3A_236 : vector<1x16xf32> to vector<16xf32>
          %get3A_238 = arith.index_cast %scan3A_145 : i32 to index
          %get3A_239 = arith.constant 32 : index
          %get3A_240 = tpu.vector_load %arg14[%get3A_238, %get3A_239] {strides = array<i32>} : memref<40x256xf32, #tpu.memory_space<vmem>>, vector<1x16xf32>,
          %get3A_241 = vector.shape_cast %get3A_240 : vector<1x16xf32> to vector<16xf32>
          %add3A_242 = arith.addf %get3A_241, %get3A_233 : vector<16xf32>
          %get3A_243 = arith.index_cast %scan3A_145 : i32 to index
          %get3A_244 = arith.constant 160 : index
          %get3A_245 = tpu.vector_load %arg14[%get3A_243, %get3A_244] {strides = array<i32>} : memref<40x256xf32, #tpu.memory_space<vmem>>, vector<1x16xf32>,
          %get3A_246 = vector.shape_cast %get3A_245 : vector<1x16xf32> to vector<16xf32>
          %add3A_247 = arith.addf %get3A_246, %get3A_233 : vector<16xf32>
          %mul3A_248 = arith.mulf %get3A_237, %add3A_242 : vector<16xf32>
          %gather3A_249 = vector.shape_cast %reshape3A : vector<16x1xi32> to vector<16xi32>
          %gather3A_250 = tpu.dynamic_gather %mul3A_248[%gather3A_249] in [0] : vector<16xf32>, vector<16xi32> -> vector<16xf32>
          %add3A_251 = arith.addf %mul3A_248, %gather3A_250 : vector<16xf32>
          %gather3A_252 = vector.shape_cast %reshape3A_6 : vector<16x1xi32> to vector<16xi32>
          %gather3A_253 = tpu.dynamic_gather %add3A_251[%gather3A_252] in [0] : vector<16xf32>, vector<16xi32> -> vector<16xf32>
          %add3A_254 = arith.addf %add3A_251, %gather3A_253 : vector<16xf32>
          %gather3A_255 = vector.shape_cast %reshape3A_10 : vector<16x1xi32> to vector<16xi32>
          %gather3A_256 = tpu.dynamic_gather %add3A_254[%gather3A_255] in [0] : vector<16xf32>, vector<16xi32> -> vector<16xf32>
          %add3A_257 = arith.addf %add3A_254, %gather3A_256 : vector<16xf32>
          %gather3A_258 = vector.shape_cast %reshape3A_14 : vector<16x1xi32> to vector<16xi32>
          %gather3A_259 = tpu.dynamic_gather %add3A_257[%gather3A_258] in [0] : vector<16xf32>, vector<16xi32> -> vector<16xf32>
          %add3A_260 = arith.addf %add3A_257, %gather3A_259 : vector<16xf32>
          %eq3A_261 = arith.constant 2 : i32
          %eq3A_262 = vector.broadcast %eq3A_261 : i32 to vector<16xi32>
          %eq3A_263 = arith.cmpi eq, %iota3A, %eq3A_262 : vector<16xi32>
          %select_n3A_264 = arith.select %eq3A_263, %add3A_260, %select_n3A_224 : vector<16xi1>, vector<16xf32>
          %swap3A_265 = arith.index_cast %scan3A_145 : i32 to index
          %swap3A_266 = arith.constant 32 : index
          %swap3A_267 = tpu.vector_load %arg18[%swap3A_265, %swap3A_266] {strides = array<i32>} : memref<40x128xf32, #tpu.memory_space<vmem>>, vector<1x16xf32>,
          %swap3A_268 = vector.shape_cast %swap3A_267 : vector<1x16xf32> to vector<16xf32>
          %swap3A_269 = vector.shape_cast %add3A_247 : vector<16xf32> to vector<1x16xf32>
          tpu.vector_store %arg18[%swap3A_265, %swap3A_266], %swap3A_269 {strides = array<i32>} : memref<40x128xf32, #tpu.memory_space<vmem>>, vector<1x16xf32>,
          %get3A_270 = arith.index_cast %scan3A_145 : i32 to index
          %get3A_271 = arith.constant 48 : index
          %get3A_272 = tpu.vector_load %arg16[%get3A_270, %get3A_271] {strides = array<i32>} : memref<40x144xf32, #tpu.memory_space<vmem>>, vector<1x16xf32>,
          %get3A_273 = vector.shape_cast %get3A_272 : vector<1x16xf32> to vector<16xf32>
          %get3A_274 = arith.index_cast %scan3A_145 : i32 to index
          %get3A_275 = arith.constant 48 : index
          %get3A_276 = tpu.vector_load %arg12[%get3A_274, %get3A_275] {strides = array<i32>} : memref<40x128xf32, #tpu.memory_space<vmem>>, vector<1x16xf32>,
          %get3A_277 = vector.shape_cast %get3A_276 : vector<1x16xf32> to vector<16xf32>
          %get3A_278 = arith.index_cast %scan3A_145 : i32 to index
          %get3A_279 = arith.constant 48 : index
          %get3A_280 = tpu.vector_load %arg14[%get3A_278, %get3A_279] {strides = array<i32>} : memref<40x256xf32, #tpu.memory_space<vmem>>, vector<1x16xf32>,
          %get3A_281 = vector.shape_cast %get3A_280 : vector<1x16xf32> to vector<16xf32>
          %add3A_282 = arith.addf %get3A_281, %get3A_273 : vector<16xf32>
          %get3A_283 = arith.index_cast %scan3A_145 : i32 to index
          %get3A_284 = arith.constant 176 : index
          %get3A_285 = tpu.vector_load %arg14[%get3A_283, %get3A_284] {strides = array<i32>} : memref<40x256xf32, #tpu.memory_space<vmem>>, vector<1x16xf32>,
          %get3A_286 = vector.shape_cast %get3A_285 : vector<1x16xf32> to vector<16xf32>
          %add3A_287 = arith.addf %get3A_286, %get3A_273 : vector<16xf32>
          %mul3A_288 = arith.mulf %get3A_277, %add3A_282 : vector<16xf32>
          %gather3A_289 = vector.shape_cast %reshape3A : vector<16x1xi32> to vector<16xi32>
          %gather3A_290 = tpu.dynamic_gather %mul3A_288[%gather3A_289] in [0] : vector<16xf32>, vector<16xi32> -> vector<16xf32>
          %add3A_291 = arith.addf %mul3A_288, %gather3A_290 : vector<16xf32>
          %gather3A_292 = vector.shape_cast %reshape3A_6 : vector<16x1xi32> to vector<16xi32>
          %gather3A_293 = tpu.dynamic_gather %add3A_291[%gather3A_292] in [0] : vector<16xf32>, vector<16xi32> -> vector<16xf32>
          %add3A_294 = arith.addf %add3A_291, %gather3A_293 : vector<16xf32>
          %gather3A_295 = vector.shape_cast %reshape3A_10 : vector<16x1xi32> to vector<16xi32>
          %gather3A_296 = tpu.dynamic_gather %add3A_294[%gather3A_295] in [0] : vector<16xf32>, vector<16xi32> -> vector<16xf32>
          %add3A_297 = arith.addf %add3A_294, %gather3A_296 : vector<16xf32>
          %gather3A_298 = vector.shape_cast %reshape3A_14 : vector<16x1xi32> to vector<16xi32>
          %gather3A_299 = tpu.dynamic_gather %add3A_297[%gather3A_298] in [0] : vector<16xf32>, vector<16xi32> -> vector<16xf32>
          %add3A_300 = arith.addf %add3A_297, %gather3A_299 : vector<16xf32>
          %eq3A_301 = arith.constant 3 : i32
          %eq3A_302 = vector.broadcast %eq3A_301 : i32 to vector<16xi32>
          %eq3A_303 = arith.cmpi eq, %iota3A, %eq3A_302 : vector<16xi32>
          %select_n3A_304 = arith.select %eq3A_303, %add3A_300, %select_n3A_264 : vector<16xi1>, vector<16xf32>
          %swap3A_305 = arith.index_cast %scan3A_145 : i32 to index
          %swap3A_306 = arith.constant 48 : index
          %swap3A_307 = tpu.vector_load %arg18[%swap3A_305, %swap3A_306] {strides = array<i32>} : memref<40x128xf32, #tpu.memory_space<vmem>>, vector<1x16xf32>,
          %swap3A_308 = vector.shape_cast %swap3A_307 : vector<1x16xf32> to vector<16xf32>
          %swap3A_309 = vector.shape_cast %add3A_287 : vector<16xf32> to vector<1x16xf32>
          tpu.vector_store %arg18[%swap3A_305, %swap3A_306], %swap3A_309 {strides = array<i32>} : memref<40x128xf32, #tpu.memory_space<vmem>>, vector<1x16xf32>,
          %get3A_310 = arith.index_cast %scan3A_145 : i32 to index
          %get3A_311 = arith.constant 64 : index
          %get3A_312 = tpu.vector_load %arg16[%get3A_310, %get3A_311] {strides = array<i32>} : memref<40x144xf32, #tpu.memory_space<vmem>>, vector<1x16xf32>,
          %get3A_313 = vector.shape_cast %get3A_312 : vector<1x16xf32> to vector<16xf32>
          %get3A_314 = arith.index_cast %scan3A_145 : i32 to index
          %get3A_315 = arith.constant 64 : index
          %get3A_316 = tpu.vector_load %arg12[%get3A_314, %get3A_315] {strides = array<i32>} : memref<40x128xf32, #tpu.memory_space<vmem>>, vector<1x16xf32>,
          %get3A_317 = vector.shape_cast %get3A_316 : vector<1x16xf32> to vector<16xf32>
          %get3A_318 = arith.index_cast %scan3A_145 : i32 to index
          %get3A_319 = arith.constant 64 : index
          %get3A_320 = tpu.vector_load %arg14[%get3A_318, %get3A_319] {strides = array<i32>} : memref<40x256xf32, #tpu.memory_space<vmem>>, vector<1x16xf32>,
          %get3A_321 = vector.shape_cast %get3A_320 : vector<1x16xf32> to vector<16xf32>
          %add3A_322 = arith.addf %get3A_321, %get3A_313 : vector<16xf32>
          %get3A_323 = arith.index_cast %scan3A_145 : i32 to index
          %get3A_324 = arith.constant 192 : index
          %get3A_325 = tpu.vector_load %arg14[%get3A_323, %get3A_324] {strides = array<i32>} : memref<40x256xf32, #tpu.memory_space<vmem>>, vector<1x16xf32>,
          %get3A_326 = vector.shape_cast %get3A_325 : vector<1x16xf32> to vector<16xf32>
          %add3A_327 = arith.addf %get3A_326, %get3A_313 : vector<16xf32>
          %mul3A_328 = arith.mulf %get3A_317, %add3A_322 : vector<16xf32>
          %gather3A_329 = vector.shape_cast %reshape3A : vector<16x1xi32> to vector<16xi32>
          %gather3A_330 = tpu.dynamic_gather %mul3A_328[%gather3A_329] in [0] : vector<16xf32>, vector<16xi32> -> vector<16xf32>
          %add3A_331 = arith.addf %mul3A_328, %gather3A_330 : vector<16xf32>
          %gather3A_332 = vector.shape_cast %reshape3A_6 : vector<16x1xi32> to vector<16xi32>
          %gather3A_333 = tpu.dynamic_gather %add3A_331[%gather3A_332] in [0] : vector<16xf32>, vector<16xi32> -> vector<16xf32>
          %add3A_334 = arith.addf %add3A_331, %gather3A_333 : vector<16xf32>
          %gather3A_335 = vector.shape_cast %reshape3A_10 : vector<16x1xi32> to vector<16xi32>
          %gather3A_336 = tpu.dynamic_gather %add3A_334[%gather3A_335] in [0] : vector<16xf32>, vector<16xi32> -> vector<16xf32>
          %add3A_337 = arith.addf %add3A_334, %gather3A_336 : vector<16xf32>
          %gather3A_338 = vector.shape_cast %reshape3A_14 : vector<16x1xi32> to vector<16xi32>
          %gather3A_339 = tpu.dynamic_gather %add3A_337[%gather3A_338] in [0] : vector<16xf32>, vector<16xi32> -> vector<16xf32>
          %add3A_340 = arith.addf %add3A_337, %gather3A_339 : vector<16xf32>
          %eq3A_341 = arith.constant 4 : i32
          %eq3A_342 = vector.broadcast %eq3A_341 : i32 to vector<16xi32>
          %eq3A_343 = arith.cmpi eq, %iota3A, %eq3A_342 : vector<16xi32>
          %select_n3A_344 = arith.select %eq3A_343, %add3A_340, %select_n3A_304 : vector<16xi1>, vector<16xf32>
          %swap3A_345 = arith.index_cast %scan3A_145 : i32 to index
          %swap3A_346 = arith.constant 64 : index
          %swap3A_347 = tpu.vector_load %arg18[%swap3A_345, %swap3A_346] {strides = array<i32>} : memref<40x128xf32, #tpu.memory_space<vmem>>, vector<1x16xf32>,
          %swap3A_348 = vector.shape_cast %swap3A_347 : vector<1x16xf32> to vector<16xf32>
          %swap3A_349 = vector.shape_cast %add3A_327 : vector<16xf32> to vector<1x16xf32>
          tpu.vector_store %arg18[%swap3A_345, %swap3A_346], %swap3A_349 {strides = array<i32>} : memref<40x128xf32, #tpu.memory_space<vmem>>, vector<1x16xf32>,
          %get3A_350 = arith.index_cast %scan3A_145 : i32 to index
          %get3A_351 = arith.constant 80 : index
          %get3A_352 = tpu.vector_load %arg16[%get3A_350, %get3A_351] {strides = array<i32>} : memref<40x144xf32, #tpu.memory_space<vmem>>, vector<1x16xf32>,
          %get3A_353 = vector.shape_cast %get3A_352 : vector<1x16xf32> to vector<16xf32>
          %get3A_354 = arith.index_cast %scan3A_145 : i32 to index
          %get3A_355 = arith.constant 80 : index
          %get3A_356 = tpu.vector_load %arg12[%get3A_354, %get3A_355] {strides = array<i32>} : memref<40x128xf32, #tpu.memory_space<vmem>>, vector<1x16xf32>,
          %get3A_357 = vector.shape_cast %get3A_356 : vector<1x16xf32> to vector<16xf32>
          %get3A_358 = arith.index_cast %scan3A_145 : i32 to index
          %get3A_359 = arith.constant 80 : index
          %get3A_360 = tpu.vector_load %arg14[%get3A_358, %get3A_359] {strides = array<i32>} : memref<40x256xf32, #tpu.memory_space<vmem>>, vector<1x16xf32>,
          %get3A_361 = vector.shape_cast %get3A_360 : vector<1x16xf32> to vector<16xf32>
          %add3A_362 = arith.addf %get3A_361, %get3A_353 : vector<16xf32>
          %get3A_363 = arith.index_cast %scan3A_145 : i32 to index
          %get3A_364 = arith.constant 208 : index
          %get3A_365 = tpu.vector_load %arg14[%get3A_363, %get3A_364] {strides = array<i32>} : memref<40x256xf32, #tpu.memory_space<vmem>>, vector<1x16xf32>,
          %get3A_366 = vector.shape_cast %get3A_365 : vector<1x16xf32> to vector<16xf32>
          %add3A_367 = arith.addf %get3A_366, %get3A_353 : vector<16xf32>
          %mul3A_368 = arith.mulf %get3A_357, %add3A_362 : vector<16xf32>
          %gather3A_369 = vector.shape_cast %reshape3A : vector<16x1xi32> to vector<16xi32>
          %gather3A_370 = tpu.dynamic_gather %mul3A_368[%gather3A_369] in [0] : vector<16xf32>, vector<16xi32> -> vector<16xf32>
          %add3A_371 = arith.addf %mul3A_368, %gather3A_370 : vector<16xf32>
          %gather3A_372 = vector.shape_cast %reshape3A_6 : vector<16x1xi32> to vector<16xi32>
          %gather3A_373 = tpu.dynamic_gather %add3A_371[%gather3A_372] in [0] : vector<16xf32>, vector<16xi32> -> vector<16xf32>
          %add3A_374 = arith.addf %add3A_371, %gather3A_373 : vector<16xf32>
          %gather3A_375 = vector.shape_cast %reshape3A_10 : vector<16x1xi32> to vector<16xi32>
          %gather3A_376 = tpu.dynamic_gather %add3A_374[%gather3A_375] in [0] : vector<16xf32>, vector<16xi32> -> vector<16xf32>
          %add3A_377 = arith.addf %add3A_374, %gather3A_376 : vector<16xf32>
          %gather3A_378 = vector.shape_cast %reshape3A_14 : vector<16x1xi32> to vector<16xi32>
          %gather3A_379 = tpu.dynamic_gather %add3A_377[%gather3A_378] in [0] : vector<16xf32>, vector<16xi32> -> vector<16xf32>
          %add3A_380 = arith.addf %add3A_377, %gather3A_379 : vector<16xf32>
          %eq3A_381 = arith.constant 5 : i32
          %eq3A_382 = vector.broadcast %eq3A_381 : i32 to vector<16xi32>
          %eq3A_383 = arith.cmpi eq, %iota3A, %eq3A_382 : vector<16xi32>
          %select_n3A_384 = arith.select %eq3A_383, %add3A_380, %select_n3A_344 : vector<16xi1>, vector<16xf32>
          %swap3A_385 = arith.index_cast %scan3A_145 : i32 to index
          %swap3A_386 = arith.constant 80 : index
          %swap3A_387 = tpu.vector_load %arg18[%swap3A_385, %swap3A_386] {strides = array<i32>} : memref<40x128xf32, #tpu.memory_space<vmem>>, vector<1x16xf32>,
          %swap3A_388 = vector.shape_cast %swap3A_387 : vector<1x16xf32> to vector<16xf32>
          %swap3A_389 = vector.shape_cast %add3A_367 : vector<16xf32> to vector<1x16xf32>
          tpu.vector_store %arg18[%swap3A_385, %swap3A_386], %swap3A_389 {strides = array<i32>} : memref<40x128xf32, #tpu.memory_space<vmem>>, vector<1x16xf32>,
          %get3A_390 = arith.index_cast %scan3A_145 : i32 to index
          %get3A_391 = arith.constant 96 : index
          %get3A_392 = tpu.vector_load %arg16[%get3A_390, %get3A_391] {strides = array<i32>} : memref<40x144xf32, #tpu.memory_space<vmem>>, vector<1x16xf32>,
          %get3A_393 = vector.shape_cast %get3A_392 : vector<1x16xf32> to vector<16xf32>
          %get3A_394 = arith.index_cast %scan3A_145 : i32 to index
          %get3A_395 = arith.constant 96 : index
          %get3A_396 = tpu.vector_load %arg12[%get3A_394, %get3A_395] {strides = array<i32>} : memref<40x128xf32, #tpu.memory_space<vmem>>, vector<1x16xf32>,
          %get3A_397 = vector.shape_cast %get3A_396 : vector<1x16xf32> to vector<16xf32>
          %get3A_398 = arith.index_cast %scan3A_145 : i32 to index
          %get3A_399 = arith.constant 96 : index
          %get3A_400 = tpu.vector_load %arg14[%get3A_398, %get3A_399] {strides = array<i32>} : memref<40x256xf32, #tpu.memory_space<vmem>>, vector<1x16xf32>,
          %get3A_401 = vector.shape_cast %get3A_400 : vector<1x16xf32> to vector<16xf32>
          %add3A_402 = arith.addf %get3A_401, %get3A_393 : vector<16xf32>
          %get3A_403 = arith.index_cast %scan3A_145 : i32 to index
          %get3A_404 = arith.constant 224 : index
          %get3A_405 = tpu.vector_load %arg14[%get3A_403, %get3A_404] {strides = array<i32>} : memref<40x256xf32, #tpu.memory_space<vmem>>, vector<1x16xf32>,
          %get3A_406 = vector.shape_cast %get3A_405 : vector<1x16xf32> to vector<16xf32>
          %add3A_407 = arith.addf %get3A_406, %get3A_393 : vector<16xf32>
          %mul3A_408 = arith.mulf %get3A_397, %add3A_402 : vector<16xf32>
          %gather3A_409 = vector.shape_cast %reshape3A : vector<16x1xi32> to vector<16xi32>
          %gather3A_410 = tpu.dynamic_gather %mul3A_408[%gather3A_409] in [0] : vector<16xf32>, vector<16xi32> -> vector<16xf32>
          %add3A_411 = arith.addf %mul3A_408, %gather3A_410 : vector<16xf32>
          %gather3A_412 = vector.shape_cast %reshape3A_6 : vector<16x1xi32> to vector<16xi32>
          %gather3A_413 = tpu.dynamic_gather %add3A_411[%gather3A_412] in [0] : vector<16xf32>, vector<16xi32> -> vector<16xf32>
          %add3A_414 = arith.addf %add3A_411, %gather3A_413 : vector<16xf32>
          %gather3A_415 = vector.shape_cast %reshape3A_10 : vector<16x1xi32> to vector<16xi32>
          %gather3A_416 = tpu.dynamic_gather %add3A_414[%gather3A_415] in [0] : vector<16xf32>, vector<16xi32> -> vector<16xf32>
          %add3A_417 = arith.addf %add3A_414, %gather3A_416 : vector<16xf32>
          %gather3A_418 = vector.shape_cast %reshape3A_14 : vector<16x1xi32> to vector<16xi32>
          %gather3A_419 = tpu.dynamic_gather %add3A_417[%gather3A_418] in [0] : vector<16xf32>, vector<16xi32> -> vector<16xf32>
          %add3A_420 = arith.addf %add3A_417, %gather3A_419 : vector<16xf32>
          %eq3A_421 = arith.constant 6 : i32
          %eq3A_422 = vector.broadcast %eq3A_421 : i32 to vector<16xi32>
          %eq3A_423 = arith.cmpi eq, %iota3A, %eq3A_422 : vector<16xi32>
          %select_n3A_424 = arith.select %eq3A_423, %add3A_420, %select_n3A_384 : vector<16xi1>, vector<16xf32>
          %swap3A_425 = arith.index_cast %scan3A_145 : i32 to index
          %swap3A_426 = arith.constant 96 : index
          %swap3A_427 = tpu.vector_load %arg18[%swap3A_425, %swap3A_426] {strides = array<i32>} : memref<40x128xf32, #tpu.memory_space<vmem>>, vector<1x16xf32>,
          %swap3A_428 = vector.shape_cast %swap3A_427 : vector<1x16xf32> to vector<16xf32>
          %swap3A_429 = vector.shape_cast %add3A_407 : vector<16xf32> to vector<1x16xf32>
          tpu.vector_store %arg18[%swap3A_425, %swap3A_426], %swap3A_429 {strides = array<i32>} : memref<40x128xf32, #tpu.memory_space<vmem>>, vector<1x16xf32>,
          %get3A_430 = arith.index_cast %scan3A_145 : i32 to index
          %get3A_431 = arith.constant 112 : index
          %get3A_432 = tpu.vector_load %arg16[%get3A_430, %get3A_431] {strides = array<i32>} : memref<40x144xf32, #tpu.memory_space<vmem>>, vector<1x16xf32>,
          %get3A_433 = vector.shape_cast %get3A_432 : vector<1x16xf32> to vector<16xf32>
          %get3A_434 = arith.index_cast %scan3A_145 : i32 to index
          %get3A_435 = arith.constant 112 : index
          %get3A_436 = tpu.vector_load %arg12[%get3A_434, %get3A_435] {strides = array<i32>} : memref<40x128xf32, #tpu.memory_space<vmem>>, vector<1x16xf32>,
          %get3A_437 = vector.shape_cast %get3A_436 : vector<1x16xf32> to vector<16xf32>
          %get3A_438 = arith.index_cast %scan3A_145 : i32 to index
          %get3A_439 = arith.constant 112 : index
          %get3A_440 = tpu.vector_load %arg14[%get3A_438, %get3A_439] {strides = array<i32>} : memref<40x256xf32, #tpu.memory_space<vmem>>, vector<1x16xf32>,
          %get3A_441 = vector.shape_cast %get3A_440 : vector<1x16xf32> to vector<16xf32>
          %add3A_442 = arith.addf %get3A_441, %get3A_433 : vector<16xf32>
          %get3A_443 = arith.index_cast %scan3A_145 : i32 to index
          %get3A_444 = arith.constant 240 : index
          %get3A_445 = tpu.vector_load %arg14[%get3A_443, %get3A_444] {strides = array<i32>} : memref<40x256xf32, #tpu.memory_space<vmem>>, vector<1x16xf32>,
          %get3A_446 = vector.shape_cast %get3A_445 : vector<1x16xf32> to vector<16xf32>
          %add3A_447 = arith.addf %get3A_446, %get3A_433 : vector<16xf32>
          %mul3A_448 = arith.mulf %get3A_437, %add3A_442 : vector<16xf32>
          %gather3A_449 = vector.shape_cast %reshape3A : vector<16x1xi32> to vector<16xi32>
          %gather3A_450 = tpu.dynamic_gather %mul3A_448[%gather3A_449] in [0] : vector<16xf32>, vector<16xi32> -> vector<16xf32>
          %add3A_451 = arith.addf %mul3A_448, %gather3A_450 : vector<16xf32>
          %gather3A_452 = vector.shape_cast %reshape3A_6 : vector<16x1xi32> to vector<16xi32>
          %gather3A_453 = tpu.dynamic_gather %add3A_451[%gather3A_452] in [0] : vector<16xf32>, vector<16xi32> -> vector<16xf32>
          %add3A_454 = arith.addf %add3A_451, %gather3A_453 : vector<16xf32>
          %gather3A_455 = vector.shape_cast %reshape3A_10 : vector<16x1xi32> to vector<16xi32>
          %gather3A_456 = tpu.dynamic_gather %add3A_454[%gather3A_455] in [0] : vector<16xf32>, vector<16xi32> -> vector<16xf32>
          %add3A_457 = arith.addf %add3A_454, %gather3A_456 : vector<16xf32>
          %gather3A_458 = vector.shape_cast %reshape3A_14 : vector<16x1xi32> to vector<16xi32>
          %gather3A_459 = tpu.dynamic_gather %add3A_457[%gather3A_458] in [0] : vector<16xf32>, vector<16xi32> -> vector<16xf32>
          %add3A_460 = arith.addf %add3A_457, %gather3A_459 : vector<16xf32>
          %eq3A_461 = arith.constant 7 : i32
          %eq3A_462 = vector.broadcast %eq3A_461 : i32 to vector<16xi32>
          %eq3A_463 = arith.cmpi eq, %iota3A, %eq3A_462 : vector<16xi32>
          %select_n3A_464 = arith.select %eq3A_463, %add3A_460, %select_n3A_424 : vector<16xi1>, vector<16xf32>
          %swap3A_465 = arith.index_cast %scan3A_145 : i32 to index
          %swap3A_466 = arith.constant 112 : index
          %swap3A_467 = tpu.vector_load %arg18[%swap3A_465, %swap3A_466] {strides = array<i32>} : memref<40x128xf32, #tpu.memory_space<vmem>>, vector<1x16xf32>,
          %swap3A_468 = vector.shape_cast %swap3A_467 : vector<1x16xf32> to vector<16xf32>
          %swap3A_469 = vector.shape_cast %add3A_447 : vector<16xf32> to vector<1x16xf32>
          tpu.vector_store %arg18[%swap3A_465, %swap3A_466], %swap3A_469 {strides = array<i32>} : memref<40x128xf32, #tpu.memory_space<vmem>>, vector<1x16xf32>,
          %mul3A_470 = arith.constant 2.500000e-01 : f32
          %mul3A_471 = vector.broadcast %mul3A_470 : f32 to vector<16xf32>
          %mul3A_472 = arith.mulf %select_n3A_464, %mul3A_471 : vector<16xf32>
          %add3A_473 = arith.addf %mul3A_472, %get3A_148 : vector<16xf32>
          %swap3A_474 = arith.index_cast %scan3A_145 : i32 to index
          %swap3A_475 = arith.constant 0 : index
          %swap3A_476 = tpu.vector_load %arg20[%swap3A_474, %swap3A_475] {strides = array<i32>} : memref<40x16xf32, #tpu.memory_space<vmem>>, vector<1x16xf32>,
          %swap3A_477 = vector.shape_cast %swap3A_476 : vector<1x16xf32> to vector<16xf32>
          %swap3A_478 = vector.shape_cast %add3A_473 : vector<16xf32> to vector<1x16xf32>
          tpu.vector_store %arg20[%swap3A_474, %swap3A_475], %swap3A_478 {strides = array<i32>} : memref<40x16xf32, #tpu.memory_space<vmem>>, vector<1x16xf32>,
        }
        %scan3A_131 = arith.constant 40 : i32
        %mul3A_132 = arith.constant 5000 : i32
        %mul3A_133 = arith.muli %add3A, %mul3A_132 : i32
        %mul3A_134 = arith.constant 40 : i32
        %mul3A_135 = arith.muli %scan3A_60, %mul3A_134 : i32
        %add3A_136 = arith.addi %mul3A_133, %mul3A_135 : i32
        %dma_start3A_137 = arith.constant 0 : i32
        %dma_start3A_138 = tpu.memref_slice %arg7[%add3A_136, %dma_start3A_137] : memref<160000x128xf32, #tpu.memory_space<hbm>> -> memref<40x128xf32, #tpu.memory_space<hbm>>
        %dma_start3A_139 = arith.constant 0 : i32
        %dma_start3A_140 = tpu.memref_slice %arg7[%add3A_136, %dma_start3A_139] : memref<160000x128xf32, #tpu.memory_space<hbm>> -> memref<40x128xf32, #tpu.memory_space<hbm>>
        tpu.enqueue_dma source(%arg18 : memref<40x128xf32, #tpu.memory_space<vmem>>) target(%dma_start3A_140 : memref<40x128xf32, #tpu.memory_space<hbm>>) target_semaphore(%arg28 : memref<!tpu.dma_semaphore, #tpu.memory_space<semaphore_mem>>)
        %dma_start3A_141 = arith.constant 0 : i32
        %dma_start3A_142 = tpu.memref_slice %arg8[%add3A_136, %dma_start3A_141] : memref<160000x16xf32, #tpu.memory_space<hbm>> -> memref<40x16xf32, #tpu.memory_space<hbm>>
        %dma_start3A_143 = arith.constant 0 : i32
        %dma_start3A_144 = tpu.memref_slice %arg8[%add3A_136, %dma_start3A_143] : memref<160000x16xf32, #tpu.memory_space<hbm>> -> memref<40x16xf32, #tpu.memory_space<hbm>>
        tpu.enqueue_dma source(%arg20 : memref<40x16xf32, #tpu.memory_space<vmem>>) target(%dma_start3A_144 : memref<40x16xf32, #tpu.memory_space<hbm>>) target_semaphore(%arg30 : memref<!tpu.dma_semaphore, #tpu.memory_space<semaphore_mem>>)
      } else {
      }
    }
    %scan3A_36 = arith.constant 125 : i32
    %mul3A_37 = arith.constant 5000 : i32
    %mul3A_38 = arith.muli %add3A, %mul3A_37 : i32
    %add3A_39 = arith.constant 4920 : i32
    %add3A_40 = arith.addi %mul3A_38, %add3A_39 : i32
    %dma_wait3A = arith.constant 0 : i32
    %dma_wait3A_41 = tpu.memref_slice %arg7[%add3A_40, %dma_wait3A] : memref<160000x128xf32, #tpu.memory_space<hbm>> -> memref<40x128xf32, #tpu.memory_space<hbm>>
    %dma_wait3A_42 = arith.constant 0 : i32
    %dma_wait3A_43 = tpu.memref_slice %arg7[%add3A_40, %dma_wait3A_42] : memref<160000x128xf32, #tpu.memory_space<hbm>> -> memref<40x128xf32, #tpu.memory_space<hbm>>
    tpu.wait_dma2 semaphore(%arg28 : memref<!tpu.dma_semaphore, #tpu.memory_space<semaphore_mem>>) src(%arg18 : memref<40x128xf32, #tpu.memory_space<vmem>>) dst(%dma_wait3A_43 : memref<40x128xf32, #tpu.memory_space<hbm>>)
    %dma_wait3A_44 = arith.constant 0 : i32
    %dma_wait3A_45 = tpu.memref_slice %arg8[%add3A_40, %dma_wait3A_44] : memref<160000x16xf32, #tpu.memory_space<hbm>> -> memref<40x16xf32, #tpu.memory_space<hbm>>
    %dma_wait3A_46 = arith.constant 0 : i32
    %dma_wait3A_47 = tpu.memref_slice %arg8[%add3A_40, %dma_wait3A_46] : memref<160000x16xf32, #tpu.memory_space<hbm>> -> memref<40x16xf32, #tpu.memory_space<hbm>>
    tpu.wait_dma2 semaphore(%arg30 : memref<!tpu.dma_semaphore, #tpu.memory_space<semaphore_mem>>) src(%arg20 : memref<40x16xf32, #tpu.memory_space<vmem>>) dst(%dma_wait3A_47 : memref<40x16xf32, #tpu.memory_space<hbm>>)
    %mul3A_48 = arith.constant 5000 : i32
    %mul3A_49 = arith.muli %add3A, %mul3A_48 : i32
    %add3A_50 = arith.constant 4960 : i32
    %add3A_51 = arith.addi %mul3A_49, %add3A_50 : i32
    %dma_wait3A_52 = arith.constant 0 : i32
    %dma_wait3A_53 = tpu.memref_slice %arg7[%add3A_51, %dma_wait3A_52] : memref<160000x128xf32, #tpu.memory_space<hbm>> -> memref<40x128xf32, #tpu.memory_space<hbm>>
    %dma_wait3A_54 = arith.constant 0 : i32
    %dma_wait3A_55 = tpu.memref_slice %arg7[%add3A_51, %dma_wait3A_54] : memref<160000x128xf32, #tpu.memory_space<hbm>> -> memref<40x128xf32, #tpu.memory_space<hbm>>
    tpu.wait_dma2 semaphore(%arg27 : memref<!tpu.dma_semaphore, #tpu.memory_space<semaphore_mem>>) src(%arg17 : memref<40x128xf32, #tpu.memory_space<vmem>>) dst(%dma_wait3A_55 : memref<40x128xf32, #tpu.memory_space<hbm>>)
    %dma_wait3A_56 = arith.constant 0 : i32
    %dma_wait3A_57 = tpu.memref_slice %arg8[%add3A_51, %dma_wait3A_56] : memref<160000x16xf32, #tpu.memory_space<hbm>> -> memref<40x16xf32, #tpu.memory_space<hbm>>
    %dma_wait3A_58 = arith.constant 0 : i32
    %dma_wait3A_59 = tpu.memref_slice %arg8[%add3A_51, %dma_wait3A_58] : memref<160000x16xf32, #tpu.memory_space<hbm>> -> memref<40x16xf32, #tpu.memory_space<hbm>>
    tpu.wait_dma2 semaphore(%arg29 : memref<!tpu.dma_semaphore, #tpu.memory_space<semaphore_mem>>) src(%arg19 : memref<40x16xf32, #tpu.memory_space<vmem>>) dst(%dma_wait3A_59 : memref<40x16xf32, #tpu.memory_space<hbm>>)
    return
  }
}

#map = affine_map<(d0, d1) -> (0, 0)>
module attributes {stable_mosaic.version = 14 : i64} {
  func.func @_sc_convmsg_body(%arg0: i32, %arg1: i32, %arg2: memref<10000x128xf32, #tpu.memory_space<hbm>>, %arg3: memref<10000x256xf32, #tpu.memory_space<hbm>>, %arg4: memref<160000x144xf32, #tpu.memory_space<hbm>>, %arg5: memref<32x5000xi32, #tpu.memory_space<hbm>>, %arg6: memref<32x5000xi32, #tpu.memory_space<hbm>>, %arg7: memref<160000x128xf32, #tpu.memory_space<hbm>>, %arg8: memref<160000x16xf32, #tpu.memory_space<hbm>>, %arg9: memref<5000xi32, #tpu.memory_space<vmem>>, %arg10: memref<5000xi32, #tpu.memory_space<vmem>>, %arg11: memref<40x128xf32, #tpu.memory_space<vmem>>, %arg12: memref<40x128xf32, #tpu.memory_space<vmem>>, %arg13: memref<40x256xf32, #tpu.memory_space<vmem>>, %arg14: memref<40x256xf32, #tpu.memory_space<vmem>>, %arg15: memref<40x144xf32, #tpu.memory_space<vmem>>, %arg16: memref<40x144xf32, #tpu.memory_space<vmem>>, %arg17: memref<40x128xf32, #tpu.memory_space<vmem>>, %arg18: memref<40x128xf32, #tpu.memory_space<vmem>>, %arg19: memref<40x16xf32, #tpu.memory_space<vmem>>, %arg20: memref<40x16xf32, #tpu.memory_space<vmem>>, %arg21: memref<!tpu.dma_semaphore, #tpu.memory_space<semaphore_mem>>, %arg22: memref<!tpu.dma_semaphore, #tpu.memory_space<semaphore_mem>>, %arg23: memref<!tpu.dma_semaphore, #tpu.memory_space<semaphore_mem>>, %arg24: memref<!tpu.dma_semaphore, #tpu.memory_space<semaphore_mem>>, %arg25: memref<!tpu.dma_semaphore, #tpu.memory_space<semaphore_mem>>, %arg26: memref<!tpu.dma_semaphore, #tpu.memory_space<semaphore_mem>>, %arg27: memref<!tpu.dma_semaphore, #tpu.memory_space<semaphore_mem>>, %arg28: memref<!tpu.dma_semaphore, #tpu.memory_space<semaphore_mem>>, %arg29: memref<!tpu.dma_semaphore, #tpu.memory_space<semaphore_mem>>, %arg30: memref<!tpu.dma_semaphore, #tpu.memory_space<semaphore_mem>>) attributes {dimension_semantics = [#tpu.dimension_semantics<core_parallel>, #tpu.dimension_semantics<subcore_parallel>], iteration_bounds = array<i64: 2, 16>, scalar_prefetch = 0 : i64, scratch_operands = 22 : i64, tpu.core_type = #tpu.core_type<sc_vector_subcore>, window_params = [{transform_indices = #map}, {transform_indices = #map}, {transform_indices = #map}, {transform_indices = #map}, {transform_indices = #map}, {transform_indices = #map}, {transform_indices = #map}]} {
    %mul3A = arith.constant 16 : i32
    %mul3A_0 = arith.muli %arg0, %mul3A : i32
    %add3A = arith.addi %mul3A_0, %arg1 : i32
    "tpu.region"() ({
      %run_scoped3A = tpu.sem_alloc : memref<!tpu.dma_semaphore, #tpu.memory_space<semaphore_mem>>
      %dma_start3A_60 = arith.constant 0 : i32
      %dma_start3A_61 = tpu.memref_slice %arg5[%add3A, %dma_start3A_60] : memref<32x5000xi32, #tpu.memory_space<hbm>> -> memref<1x5000xi32, #tpu.memory_space<hbm>>
      %dma_start3A_62 = tpu.memref_squeeze %dma_start3A_61 : memref<1x5000xi32, #tpu.memory_space<hbm>> -> memref<5000xi32, #tpu.memory_space<hbm>>
      %dma_start3A_63 = arith.constant 0 : i32
      %dma_start3A_64 = tpu.memref_slice %arg5[%add3A, %dma_start3A_63] : memref<32x5000xi32, #tpu.memory_space<hbm>> -> memref<1x5000xi32, #tpu.memory_space<hbm>>
      %dma_start3A_65 = tpu.memref_squeeze %dma_start3A_64 : memref<1x5000xi32, #tpu.memory_space<hbm>> -> memref<5000xi32, #tpu.memory_space<hbm>>
      tpu.enqueue_dma source(%dma_start3A_65 : memref<5000xi32, #tpu.memory_space<hbm>>) target(%arg9 : memref<5000xi32, #tpu.memory_space<vmem>>) target_semaphore(%run_scoped3A : memref<!tpu.dma_semaphore, #tpu.memory_space<semaphore_mem>>)
      %dma_wait3A_66 = arith.constant 0 : i32
      %dma_wait3A_67 = tpu.memref_slice %arg5[%add3A, %dma_wait3A_66] : memref<32x5000xi32, #tpu.memory_space<hbm>> -> memref<1x5000xi32, #tpu.memory_space<hbm>>
      %dma_wait3A_68 = tpu.memref_squeeze %dma_wait3A_67 : memref<1x5000xi32, #tpu.memory_space<hbm>> -> memref<5000xi32, #tpu.memory_space<hbm>>
      %dma_wait3A_69 = arith.constant 0 : i32
      %dma_wait3A_70 = tpu.memref_slice %arg5[%add3A, %dma_wait3A_69] : memref<32x5000xi32, #tpu.memory_space<hbm>> -> memref<1x5000xi32, #tpu.memory_space<hbm>>
      %dma_wait3A_71 = tpu.memref_squeeze %dma_wait3A_70 : memref<1x5000xi32, #tpu.memory_space<hbm>> -> memref<5000xi32, #tpu.memory_space<hbm>>
      tpu.wait_dma2 semaphore(%run_scoped3A : memref<!tpu.dma_semaphore, #tpu.memory_space<semaphore_mem>>) src(%dma_wait3A_71 : memref<5000xi32, #tpu.memory_space<hbm>>) dst(%arg9 : memref<5000xi32, #tpu.memory_space<vmem>>)
      tpu.yield
    }) : () -> ()
    "tpu.region"() ({
      %run_scoped3A = tpu.sem_alloc : memref<!tpu.dma_semaphore, #tpu.memory_space<semaphore_mem>>
      %dma_start3A_60 = arith.constant 0 : i32
      %dma_start3A_61 = tpu.memref_slice %arg6[%add3A, %dma_start3A_60] : memref<32x5000xi32, #tpu.memory_space<hbm>> -> memref<1x5000xi32, #tpu.memory_space<hbm>>
      %dma_start3A_62 = tpu.memref_squeeze %dma_start3A_61 : memref<1x5000xi32, #tpu.memory_space<hbm>> -> memref<5000xi32, #tpu.memory_space<hbm>>
      %dma_start3A_63 = arith.constant 0 : i32
      %dma_start3A_64 = tpu.memref_slice %arg6[%add3A, %dma_start3A_63] : memref<32x5000xi32, #tpu.memory_space<hbm>> -> memref<1x5000xi32, #tpu.memory_space<hbm>>
      %dma_start3A_65 = tpu.memref_squeeze %dma_start3A_64 : memref<1x5000xi32, #tpu.memory_space<hbm>> -> memref<5000xi32, #tpu.memory_space<hbm>>
      tpu.enqueue_dma source(%dma_start3A_65 : memref<5000xi32, #tpu.memory_space<hbm>>) target(%arg10 : memref<5000xi32, #tpu.memory_space<vmem>>) target_semaphore(%run_scoped3A : memref<!tpu.dma_semaphore, #tpu.memory_space<semaphore_mem>>)
      %dma_wait3A_66 = arith.constant 0 : i32
      %dma_wait3A_67 = tpu.memref_slice %arg6[%add3A, %dma_wait3A_66] : memref<32x5000xi32, #tpu.memory_space<hbm>> -> memref<1x5000xi32, #tpu.memory_space<hbm>>
      %dma_wait3A_68 = tpu.memref_squeeze %dma_wait3A_67 : memref<1x5000xi32, #tpu.memory_space<hbm>> -> memref<5000xi32, #tpu.memory_space<hbm>>
      %dma_wait3A_69 = arith.constant 0 : i32
      %dma_wait3A_70 = tpu.memref_slice %arg6[%add3A, %dma_wait3A_69] : memref<32x5000xi32, #tpu.memory_space<hbm>> -> memref<1x5000xi32, #tpu.memory_space<hbm>>
      %dma_wait3A_71 = tpu.memref_squeeze %dma_wait3A_70 : memref<1x5000xi32, #tpu.memory_space<hbm>> -> memref<5000xi32, #tpu.memory_space<hbm>>
      tpu.wait_dma2 semaphore(%run_scoped3A : memref<!tpu.dma_semaphore, #tpu.memory_space<semaphore_mem>>) src(%dma_wait3A_71 : memref<5000xi32, #tpu.memory_space<hbm>>) dst(%arg10 : memref<5000xi32, #tpu.memory_space<vmem>>)
      tpu.yield
    }) : () -> ()
    %iota3A = tpu.iota {dimensions = array<i32: 0>} : vector<16xi32>
    %xor3A = arith.constant 1 : i32
    %xor3A_1 = vector.broadcast %xor3A : i32 to vector<16xi32>
    %xor3A_2 = arith.xori %iota3A, %xor3A_1 : vector<16xi32>
    %reshape3A = vector.shape_cast %xor3A_2 : vector<16xi32> to vector<16x1xi32>
    %xor3A_3 = arith.constant 2 : i32
    %xor3A_4 = vector.broadcast %xor3A_3 : i32 to vector<16xi32>
    %xor3A_5 = arith.xori %iota3A, %xor3A_4 : vector<16xi32>
    %reshape3A_6 = vector.shape_cast %xor3A_5 : vector<16xi32> to vector<16x1xi32>
    %xor3A_7 = arith.constant 4 : i32
    %xor3A_8 = vector.broadcast %xor3A_7 : i32 to vector<16xi32>
    %xor3A_9 = arith.xori %iota3A, %xor3A_8 : vector<16xi32>
    %reshape3A_10 = vector.shape_cast %xor3A_9 : vector<16xi32> to vector<16x1xi32>
    %xor3A_11 = arith.constant 8 : i32
    %xor3A_12 = vector.broadcast %xor3A_11 : i32 to vector<16xi32>
    %xor3A_13 = arith.xori %iota3A, %xor3A_12 : vector<16xi32>
    %reshape3A_14 = vector.shape_cast %xor3A_13 : vector<16xi32> to vector<16x1xi32>
    %dma_start3A = arith.constant 0 : i32
    %dma_start3A_15 = tpu.memref_slice %arg10[%dma_start3A] : memref<5000xi32, #tpu.memory_space<vmem>> -> memref<40xi32, #tpu.memory_space<vmem>>
    %dma_start3A_16 = arith.constant 0 : i32
    %dma_start3A_17 = arith.constant 0 : i32
    %dma_start3A_18 = tpu.memref_slice %arg2[%dma_start3A_16, %dma_start3A_17] : memref<10000x128xf32, #tpu.memory_space<hbm>> -> memref<10000x128xf32, #tpu.memory_space<hbm>>
    tpu.enqueue_indirect_dma source(%dma_start3A_18 : memref<10000x128xf32, #tpu.memory_space<hbm>>) target(%arg11 : memref<40x128xf32, #tpu.memory_space<vmem>>) offsets(%dma_start3A_15 : memref<40xi32, #tpu.memory_space<vmem>>) semaphore(%arg21 : memref<!tpu.dma_semaphore, #tpu.memory_space<semaphore_mem>>)
    %dma_start3A_19 = arith.constant 0 : i32
    %dma_start3A_20 = tpu.memref_slice %arg9[%dma_start3A_19] : memref<5000xi32, #tpu.memory_space<vmem>> -> memref<40xi32, #tpu.memory_space<vmem>>
    %dma_start3A_21 = arith.constant 0 : i32
    %dma_start3A_22 = arith.constant 0 : i32
    %dma_start3A_23 = tpu.memref_slice %arg3[%dma_start3A_21, %dma_start3A_22] : memref<10000x256xf32, #tpu.memory_space<hbm>> -> memref<10000x256xf32, #tpu.memory_space<hbm>>
    tpu.enqueue_indirect_dma source(%dma_start3A_23 : memref<10000x256xf32, #tpu.memory_space<hbm>>) target(%arg13 : memref<40x256xf32, #tpu.memory_space<vmem>>) offsets(%dma_start3A_20 : memref<40xi32, #tpu.memory_space<vmem>>) semaphore(%arg23 : memref<!tpu.dma_semaphore, #tpu.memory_space<semaphore_mem>>)
    %mul3A_24 = arith.constant 5000 : i32
    %mul3A_25 = arith.muli %add3A, %mul3A_24 : i32
    %add3A_26 = arith.constant 0 : i32
    %add3A_27 = arith.addi %mul3A_25, %add3A_26 : i32
    %dma_start3A_28 = arith.constant 0 : i32
    %dma_start3A_29 = tpu.memref_slice %arg4[%add3A_27, %dma_start3A_28] : memref<160000x144xf32, #tpu.memory_space<hbm>> -> memref<40x144xf32, #tpu.memory_space<hbm>>
    %dma_start3A_30 = arith.constant 0 : i32
    %dma_start3A_31 = tpu.memref_slice %arg4[%add3A_27, %dma_start3A_30] : memref<160000x144xf32, #tpu.memory_space<hbm>> -> memref<40x144xf32, #tpu.memory_space<hbm>>
    tpu.enqueue_dma source(%dma_start3A_31 : memref<40x144xf32, #tpu.memory_space<hbm>>) target(%arg15 : memref<40x144xf32, #tpu.memory_space<vmem>>) target_semaphore(%arg25 : memref<!tpu.dma_semaphore, #tpu.memory_space<semaphore_mem>>)
    %scan3A = arith.constant 0 : i32
    %scan3A_32 = arith.constant 0 : i32
    %scan3A_33 = arith.constant 125 : i32
    %scan3A_34 = arith.addi %scan3A_32, %scan3A_33 : i32
    %scan3A_35 = arith.constant 1 : i32
    scf.for %scan3A_60 = %scan3A_32 to %scan3A_34 step %scan3A_35  : i32 {
      %jit3A = arith.constant 2 : i32
      %eq3A = arith.constant 0 : i32
      %eq3A_61 = arith.cmpi eq, %jit3A, %eq3A : i32
      %jit3A_62 = arith.constant 1 : i32
      %select_n3A = arith.select %eq3A_61, %jit3A_62, %jit3A : i32
      %rem3A = arith.remsi %scan3A_60, %select_n3A : i32
      %ne3A = arith.constant 0 : i32
      %ne3A_63 = arith.cmpi ne, %rem3A, %ne3A : i32
      %lt3A = arith.constant 0 : i32
      %lt3A_64 = arith.cmpi slt, %rem3A, %lt3A : i32
      %lt3A_65 = arith.constant 0 : i32
      %lt3A_66 = arith.cmpi slt, %select_n3A, %lt3A_65 : i32
      %ne3A_67 = arith.xori %lt3A_64, %lt3A_66 : i1
      %and3A = arith.andi %ne3A_67, %ne3A_63 : i1
      %add3A_68 = arith.addi %rem3A, %select_n3A : i32
      %select_n3A_69 = arith.select %and3A, %add3A_68, %rem3A : i32
      %eq3A_70 = arith.constant 0 : i32
      %eq3A_71 = arith.cmpi eq, %select_n3A_69, %eq3A_70 : i32
      %convert_element_type3A = arith.extui %eq3A_71 : i1 to i32
      %cond3A = arith.constant 0 : i32
      %cond3A_72 = arith.cmpi ne, %convert_element_type3A, %cond3A : i32
      scf.if %cond3A_72 {
        %mul3A_94 = arith.constant 40 : i32
        %mul3A_95 = arith.muli %scan3A_60, %mul3A_94 : i32
        %dma_wait3A_96 = tpu.memref_slice %arg10[%mul3A_95] : memref<5000xi32, #tpu.memory_space<vmem>> -> memref<40xi32, #tpu.memory_space<vmem>>
        %dma_wait3A_97 = arith.constant 0 : i32
        %dma_wait3A_98 = arith.constant 0 : i32
        %dma_wait3A_99 = tpu.memref_slice %arg2[%dma_wait3A_97, %dma_wait3A_98] : memref<10000x128xf32, #tpu.memory_space<hbm>> -> memref<10000x128xf32, #tpu.memory_space<hbm>>
        tpu.wait_indirect_dma semaphore(%arg21 : memref<!tpu.dma_semaphore, #tpu.memory_space<semaphore_mem>>) src(%dma_wait3A_99 : memref<10000x128xf32, #tpu.memory_space<hbm>>) dst(%arg11 : memref<40x128xf32, #tpu.memory_space<vmem>>)
        %mul3A_100 = arith.constant 40 : i32
        %mul3A_101 = arith.muli %scan3A_60, %mul3A_100 : i32
        %dma_wait3A_102 = tpu.memref_slice %arg9[%mul3A_101] : memref<5000xi32, #tpu.memory_space<vmem>> -> memref<40xi32, #tpu.memory_space<vmem>>
        %dma_wait3A_103 = arith.constant 0 : i32
        %dma_wait3A_104 = arith.constant 0 : i32
        %dma_wait3A_105 = tpu.memref_slice %arg3[%dma_wait3A_103, %dma_wait3A_104] : memref<10000x256xf32, #tpu.memory_space<hbm>> -> memref<10000x256xf32, #tpu.memory_space<hbm>>
        tpu.wait_indirect_dma semaphore(%arg23 : memref<!tpu.dma_semaphore, #tpu.memory_space<semaphore_mem>>) src(%dma_wait3A_105 : memref<10000x256xf32, #tpu.memory_space<hbm>>) dst(%arg13 : memref<40x256xf32, #tpu.memory_space<vmem>>)
        %mul3A_106 = arith.constant 5000 : i32
        %mul3A_107 = arith.muli %add3A, %mul3A_106 : i32
        %mul3A_108 = arith.constant 40 : i32
        %mul3A_109 = arith.muli %scan3A_60, %mul3A_108 : i32
        %add3A_110 = arith.addi %mul3A_107, %mul3A_109 : i32
        %dma_wait3A_111 = arith.constant 0 : i32
        %dma_wait3A_112 = tpu.memref_slice %arg4[%add3A_110, %dma_wait3A_111] : memref<160000x144xf32, #tpu.memory_space<hbm>> -> memref<40x144xf32, #tpu.memory_space<hbm>>
        %dma_wait3A_113 = arith.constant 0 : i32
        %dma_wait3A_114 = tpu.memref_slice %arg4[%add3A_110, %dma_wait3A_113] : memref<160000x144xf32, #tpu.memory_space<hbm>> -> memref<40x144xf32, #tpu.memory_space<hbm>>
        tpu.wait_dma2 semaphore(%arg25 : memref<!tpu.dma_semaphore, #tpu.memory_space<semaphore_mem>>) src(%dma_wait3A_114 : memref<40x144xf32, #tpu.memory_space<hbm>>) dst(%arg15 : memref<40x144xf32, #tpu.memory_space<vmem>>)
        %add3A_115 = arith.constant 1 : i32
        %add3A_116 = arith.addi %scan3A_60, %add3A_115 : i32
        %lt3A_117 = arith.constant 125 : i32
        %lt3A_118 = arith.cmpi slt, %add3A_116, %lt3A_117 : i32
        %convert_element_type3A_119 = arith.extui %lt3A_118 : i1 to i32
        %cond3A_120 = arith.constant 0 : i32
        %cond3A_121 = arith.cmpi ne, %convert_element_type3A_119, %cond3A_120 : i32
        scf.if %cond3A_121 {
          %add3A_145 = arith.constant 1 : i32
          %add3A_146 = arith.addi %scan3A_60, %add3A_145 : i32
          %mul3A_147 = arith.constant 40 : i32
          %mul3A_148 = arith.muli %add3A_146, %mul3A_147 : i32
          %dma_start3A_149 = tpu.memref_slice %arg10[%mul3A_148] : memref<5000xi32, #tpu.memory_space<vmem>> -> memref<40xi32, #tpu.memory_space<vmem>>
          %dma_start3A_150 = arith.constant 0 : i32
          %dma_start3A_151 = arith.constant 0 : i32
          %dma_start3A_152 = tpu.memref_slice %arg2[%dma_start3A_150, %dma_start3A_151] : memref<10000x128xf32, #tpu.memory_space<hbm>> -> memref<10000x128xf32, #tpu.memory_space<hbm>>
          tpu.enqueue_indirect_dma source(%dma_start3A_152 : memref<10000x128xf32, #tpu.memory_space<hbm>>) target(%arg12 : memref<40x128xf32, #tpu.memory_space<vmem>>) offsets(%dma_start3A_149 : memref<40xi32, #tpu.memory_space<vmem>>) semaphore(%arg22 : memref<!tpu.dma_semaphore, #tpu.memory_space<semaphore_mem>>)
          %mul3A_153 = arith.constant 40 : i32
          %mul3A_154 = arith.muli %add3A_146, %mul3A_153 : i32
          %dma_start3A_155 = tpu.memref_slice %arg9[%mul3A_154] : memref<5000xi32, #tpu.memory_space<vmem>> -> memref<40xi32, #tpu.memory_space<vmem>>
          %dma_start3A_156 = arith.constant 0 : i32
          %dma_start3A_157 = arith.constant 0 : i32
          %dma_start3A_158 = tpu.memref_slice %arg3[%dma_start3A_156, %dma_start3A_157] : memref<10000x256xf32, #tpu.memory_space<hbm>> -> memref<10000x256xf32, #tpu.memory_space<hbm>>
          tpu.enqueue_indirect_dma source(%dma_start3A_158 : memref<10000x256xf32, #tpu.memory_space<hbm>>) target(%arg14 : memref<40x256xf32, #tpu.memory_space<vmem>>) offsets(%dma_start3A_155 : memref<40xi32, #tpu.memory_space<vmem>>) semaphore(%arg24 : memref<!tpu.dma_semaphore, #tpu.memory_space<semaphore_mem>>)
          %mul3A_159 = arith.constant 5000 : i32
          %mul3A_160 = arith.muli %add3A, %mul3A_159 : i32
          %mul3A_161 = arith.constant 40 : i32
          %mul3A_162 = arith.muli %add3A_146, %mul3A_161 : i32
          %add3A_163 = arith.addi %mul3A_160, %mul3A_162 : i32
          %dma_start3A_164 = arith.constant 0 : i32
          %dma_start3A_165 = tpu.memref_slice %arg4[%add3A_163, %dma_start3A_164] : memref<160000x144xf32, #tpu.memory_space<hbm>> -> memref<40x144xf32, #tpu.memory_space<hbm>>
          %dma_start3A_166 = arith.constant 0 : i32
          %dma_start3A_167 = tpu.memref_slice %arg4[%add3A_163, %dma_start3A_166] : memref<160000x144xf32, #tpu.memory_space<hbm>> -> memref<40x144xf32, #tpu.memory_space<hbm>>
          tpu.enqueue_dma source(%dma_start3A_167 : memref<40x144xf32, #tpu.memory_space<hbm>>) target(%arg16 : memref<40x144xf32, #tpu.memory_space<vmem>>) target_semaphore(%arg26 : memref<!tpu.dma_semaphore, #tpu.memory_space<semaphore_mem>>)
        } else {
        }
        %ge3A = arith.constant 2 : i32
        %ge3A_122 = arith.cmpi sge, %scan3A_60, %ge3A : i32
        %convert_element_type3A_123 = arith.extui %ge3A_122 : i1 to i32
        %cond3A_124 = arith.constant 0 : i32
        %cond3A_125 = arith.cmpi ne, %convert_element_type3A_123, %cond3A_124 : i32
        scf.if %cond3A_125 {
          %mul3A_145 = arith.constant 5000 : i32
          %mul3A_146 = arith.muli %add3A, %mul3A_145 : i32
          %sub3A = arith.constant 2 : i32
          %sub3A_147 = arith.subi %scan3A_60, %sub3A : i32
          %mul3A_148 = arith.constant 40 : i32
          %mul3A_149 = arith.muli %sub3A_147, %mul3A_148 : i32
          %add3A_150 = arith.addi %mul3A_146, %mul3A_149 : i32
          %dma_wait3A_151 = arith.constant 0 : i32
          %dma_wait3A_152 = tpu.memref_slice %arg7[%add3A_150, %dma_wait3A_151] : memref<160000x128xf32, #tpu.memory_space<hbm>> -> memref<40x128xf32, #tpu.memory_space<hbm>>
          %dma_wait3A_153 = arith.constant 0 : i32
          %dma_wait3A_154 = tpu.memref_slice %arg7[%add3A_150, %dma_wait3A_153] : memref<160000x128xf32, #tpu.memory_space<hbm>> -> memref<40x128xf32, #tpu.memory_space<hbm>>
          tpu.wait_dma2 semaphore(%arg27 : memref<!tpu.dma_semaphore, #tpu.memory_space<semaphore_mem>>) src(%arg17 : memref<40x128xf32, #tpu.memory_space<vmem>>) dst(%dma_wait3A_154 : memref<40x128xf32, #tpu.memory_space<hbm>>)
          %dma_wait3A_155 = arith.constant 0 : i32
          %dma_wait3A_156 = tpu.memref_slice %arg8[%add3A_150, %dma_wait3A_155] : memref<160000x16xf32, #tpu.memory_space<hbm>> -> memref<40x16xf32, #tpu.memory_space<hbm>>
          %dma_wait3A_157 = arith.constant 0 : i32
          %dma_wait3A_158 = tpu.memref_slice %arg8[%add3A_150, %dma_wait3A_157] : memref<160000x16xf32, #tpu.memory_space<hbm>> -> memref<40x16xf32, #tpu.memory_space<hbm>>
          tpu.wait_dma2 semaphore(%arg29 : memref<!tpu.dma_semaphore, #tpu.memory_space<semaphore_mem>>) src(%arg19 : memref<40x16xf32, #tpu.memory_space<vmem>>) dst(%dma_wait3A_158 : memref<40x16xf32, #tpu.memory_space<hbm>>)
        } else {
        }
        %scan3A_126 = arith.constant 0 : i32
        %scan3A_127 = arith.constant 0 : i32
        %scan3A_128 = arith.constant 40 : i32
        %scan3A_129 = arith.addi %scan3A_127, %scan3A_128 : i32
        %scan3A_130 = arith.constant 1 : i32
        scf.for %scan3A_145 = %scan3A_127 to %scan3A_129 step %scan3A_130  : i32 {
          %get3A = arith.index_cast %scan3A_145 : i32 to index
          %get3A_146 = arith.constant 128 : index
          %get3A_147 = tpu.vector_load %arg15[%get3A, %get3A_146] {strides = array<i32>} : memref<40x144xf32, #tpu.memory_space<vmem>>, vector<1x16xf32>,
          %get3A_148 = vector.shape_cast %get3A_147 : vector<1x16xf32> to vector<16xf32>
          %mul3A_149 = arith.constant 0.000000e+00 : f32
          %mul3A_150 = vector.broadcast %mul3A_149 : f32 to vector<16xf32>
          %mul3A_151 = arith.mulf %get3A_148, %mul3A_150 : vector<16xf32>
          %get3A_152 = arith.index_cast %scan3A_145 : i32 to index
          %get3A_153 = arith.constant 0 : index
          %get3A_154 = tpu.vector_load %arg15[%get3A_152, %get3A_153] {strides = array<i32>} : memref<40x144xf32, #tpu.memory_space<vmem>>, vector<1x16xf32>,
          %get3A_155 = vector.shape_cast %get3A_154 : vector<1x16xf32> to vector<16xf32>
          %get3A_156 = arith.index_cast %scan3A_145 : i32 to index
          %get3A_157 = arith.constant 0 : index
          %get3A_158 = tpu.vector_load %arg11[%get3A_156, %get3A_157] {strides = array<i32>} : memref<40x128xf32, #tpu.memory_space<vmem>>, vector<1x16xf32>,
          %get3A_159 = vector.shape_cast %get3A_158 : vector<1x16xf32> to vector<16xf32>
          %get3A_160 = arith.index_cast %scan3A_145 : i32 to index
          %get3A_161 = arith.constant 0 : index
          %get3A_162 = tpu.vector_load %arg13[%get3A_160, %get3A_161] {strides = array<i32>} : memref<40x256xf32, #tpu.memory_space<vmem>>, vector<1x16xf32>,
          %get3A_163 = vector.shape_cast %get3A_162 : vector<1x16xf32> to vector<16xf32>
          %add3A_164 = arith.addf %get3A_163, %get3A_155 : vector<16xf32>
          %get3A_165 = arith.index_cast %scan3A_145 : i32 to index
          %get3A_166 = arith.constant 128 : index
          %get3A_167 = tpu.vector_load %arg13[%get3A_165, %get3A_166] {strides = array<i32>} : memref<40x256xf32, #tpu.memory_space<vmem>>, vector<1x16xf32>,
          %get3A_168 = vector.shape_cast %get3A_167 : vector<1x16xf32> to vector<16xf32>
          %add3A_169 = arith.addf %get3A_168, %get3A_155 : vector<16xf32>
          %mul3A_170 = arith.mulf %get3A_159, %add3A_164 : vector<16xf32>
          %gather3A = vector.shape_cast %reshape3A : vector<16x1xi32> to vector<16xi32>
          %gather3A_171 = tpu.dynamic_gather %mul3A_170[%gather3A] in [0] : vector<16xf32>, vector<16xi32> -> vector<16xf32>
          %add3A_172 = arith.addf %mul3A_170, %gather3A_171 : vector<16xf32>
          %gather3A_173 = vector.shape_cast %reshape3A_6 : vector<16x1xi32> to vector<16xi32>
          %gather3A_174 = tpu.dynamic_gather %add3A_172[%gather3A_173] in [0] : vector<16xf32>, vector<16xi32> -> vector<16xf32>
          %add3A_175 = arith.addf %add3A_172, %gather3A_174 : vector<16xf32>
          %gather3A_176 = vector.shape_cast %reshape3A_10 : vector<16x1xi32> to vector<16xi32>
          %gather3A_177 = tpu.dynamic_gather %add3A_175[%gather3A_176] in [0] : vector<16xf32>, vector<16xi32> -> vector<16xf32>
          %add3A_178 = arith.addf %add3A_175, %gather3A_177 : vector<16xf32>
          %gather3A_179 = vector.shape_cast %reshape3A_14 : vector<16x1xi32> to vector<16xi32>
          %gather3A_180 = tpu.dynamic_gather %add3A_178[%gather3A_179] in [0] : vector<16xf32>, vector<16xi32> -> vector<16xf32>
          %add3A_181 = arith.addf %add3A_178, %gather3A_180 : vector<16xf32>
          %eq3A_182 = arith.constant 0 : i32
          %eq3A_183 = vector.broadcast %eq3A_182 : i32 to vector<16xi32>
          %eq3A_184 = arith.cmpi eq, %iota3A, %eq3A_183 : vector<16xi32>
          %select_n3A_185 = arith.select %eq3A_184, %add3A_181, %mul3A_151 : vector<16xi1>, vector<16xf32>
          %swap3A = arith.index_cast %scan3A_145 : i32 to index
          %swap3A_186 = arith.constant 0 : index
          %swap3A_187 = tpu.vector_load %arg17[%swap3A, %swap3A_186] {strides = array<i32>} : memref<40x128xf32, #tpu.memory_space<vmem>>, vector<1x16xf32>,
          %swap3A_188 = vector.shape_cast %swap3A_187 : vector<1x16xf32> to vector<16xf32>
          %swap3A_189 = vector.shape_cast %add3A_169 : vector<16xf32> to vector<1x16xf32>
          tpu.vector_store %arg17[%swap3A, %swap3A_186], %swap3A_189 {strides = array<i32>} : memref<40x128xf32, #tpu.memory_space<vmem>>, vector<1x16xf32>,
          %get3A_190 = arith.index_cast %scan3A_145 : i32 to index
          %get3A_191 = arith.constant 16 : index
          %get3A_192 = tpu.vector_load %arg15[%get3A_190, %get3A_191] {strides = array<i32>} : memref<40x144xf32, #tpu.memory_space<vmem>>, vector<1x16xf32>,
          %get3A_193 = vector.shape_cast %get3A_192 : vector<1x16xf32> to vector<16xf32>
          %get3A_194 = arith.index_cast %scan3A_145 : i32 to index
          %get3A_195 = arith.constant 16 : index
          %get3A_196 = tpu.vector_load %arg11[%get3A_194, %get3A_195] {strides = array<i32>} : memref<40x128xf32, #tpu.memory_space<vmem>>, vector<1x16xf32>,
          %get3A_197 = vector.shape_cast %get3A_196 : vector<1x16xf32> to vector<16xf32>
          %get3A_198 = arith.index_cast %scan3A_145 : i32 to index
          %get3A_199 = arith.constant 16 : index
          %get3A_200 = tpu.vector_load %arg13[%get3A_198, %get3A_199] {strides = array<i32>} : memref<40x256xf32, #tpu.memory_space<vmem>>, vector<1x16xf32>,
          %get3A_201 = vector.shape_cast %get3A_200 : vector<1x16xf32> to vector<16xf32>
          %add3A_202 = arith.addf %get3A_201, %get3A_193 : vector<16xf32>
          %get3A_203 = arith.index_cast %scan3A_145 : i32 to index
          %get3A_204 = arith.constant 144 : index
          %get3A_205 = tpu.vector_load %arg13[%get3A_203, %get3A_204] {strides = array<i32>} : memref<40x256xf32, #tpu.memory_space<vmem>>, vector<1x16xf32>,
          %get3A_206 = vector.shape_cast %get3A_205 : vector<1x16xf32> to vector<16xf32>
          %add3A_207 = arith.addf %get3A_206, %get3A_193 : vector<16xf32>
          %mul3A_208 = arith.mulf %get3A_197, %add3A_202 : vector<16xf32>
          %gather3A_209 = vector.shape_cast %reshape3A : vector<16x1xi32> to vector<16xi32>
          %gather3A_210 = tpu.dynamic_gather %mul3A_208[%gather3A_209] in [0] : vector<16xf32>, vector<16xi32> -> vector<16xf32>
          %add3A_211 = arith.addf %mul3A_208, %gather3A_210 : vector<16xf32>
          %gather3A_212 = vector.shape_cast %reshape3A_6 : vector<16x1xi32> to vector<16xi32>
          %gather3A_213 = tpu.dynamic_gather %add3A_211[%gather3A_212] in [0] : vector<16xf32>, vector<16xi32> -> vector<16xf32>
          %add3A_214 = arith.addf %add3A_211, %gather3A_213 : vector<16xf32>
          %gather3A_215 = vector.shape_cast %reshape3A_10 : vector<16x1xi32> to vector<16xi32>
          %gather3A_216 = tpu.dynamic_gather %add3A_214[%gather3A_215] in [0] : vector<16xf32>, vector<16xi32> -> vector<16xf32>
          %add3A_217 = arith.addf %add3A_214, %gather3A_216 : vector<16xf32>
          %gather3A_218 = vector.shape_cast %reshape3A_14 : vector<16x1xi32> to vector<16xi32>
          %gather3A_219 = tpu.dynamic_gather %add3A_217[%gather3A_218] in [0] : vector<16xf32>, vector<16xi32> -> vector<16xf32>
          %add3A_220 = arith.addf %add3A_217, %gather3A_219 : vector<16xf32>
          %eq3A_221 = arith.constant 1 : i32
          %eq3A_222 = vector.broadcast %eq3A_221 : i32 to vector<16xi32>
          %eq3A_223 = arith.cmpi eq, %iota3A, %eq3A_222 : vector<16xi32>
          %select_n3A_224 = arith.select %eq3A_223, %add3A_220, %select_n3A_185 : vector<16xi1>, vector<16xf32>
          %swap3A_225 = arith.index_cast %scan3A_145 : i32 to index
          %swap3A_226 = arith.constant 16 : index
          %swap3A_227 = tpu.vector_load %arg17[%swap3A_225, %swap3A_226] {strides = array<i32>} : memref<40x128xf32, #tpu.memory_space<vmem>>, vector<1x16xf32>,
          %swap3A_228 = vector.shape_cast %swap3A_227 : vector<1x16xf32> to vector<16xf32>
          %swap3A_229 = vector.shape_cast %add3A_207 : vector<16xf32> to vector<1x16xf32>
          tpu.vector_store %arg17[%swap3A_225, %swap3A_226], %swap3A_229 {strides = array<i32>} : memref<40x128xf32, #tpu.memory_space<vmem>>, vector<1x16xf32>,
          %get3A_230 = arith.index_cast %scan3A_145 : i32 to index
          %get3A_231 = arith.constant 32 : index
          %get3A_232 = tpu.vector_load %arg15[%get3A_230, %get3A_231] {strides = array<i32>} : memref<40x144xf32, #tpu.memory_space<vmem>>, vector<1x16xf32>,
          %get3A_233 = vector.shape_cast %get3A_232 : vector<1x16xf32> to vector<16xf32>
          %get3A_234 = arith.index_cast %scan3A_145 : i32 to index
          %get3A_235 = arith.constant 32 : index
          %get3A_236 = tpu.vector_load %arg11[%get3A_234, %get3A_235] {strides = array<i32>} : memref<40x128xf32, #tpu.memory_space<vmem>>, vector<1x16xf32>,
          %get3A_237 = vector.shape_cast %get3A_236 : vector<1x16xf32> to vector<16xf32>
          %get3A_238 = arith.index_cast %scan3A_145 : i32 to index
          %get3A_239 = arith.constant 32 : index
          %get3A_240 = tpu.vector_load %arg13[%get3A_238, %get3A_239] {strides = array<i32>} : memref<40x256xf32, #tpu.memory_space<vmem>>, vector<1x16xf32>,
          %get3A_241 = vector.shape_cast %get3A_240 : vector<1x16xf32> to vector<16xf32>
          %add3A_242 = arith.addf %get3A_241, %get3A_233 : vector<16xf32>
          %get3A_243 = arith.index_cast %scan3A_145 : i32 to index
          %get3A_244 = arith.constant 160 : index
          %get3A_245 = tpu.vector_load %arg13[%get3A_243, %get3A_244] {strides = array<i32>} : memref<40x256xf32, #tpu.memory_space<vmem>>, vector<1x16xf32>,
          %get3A_246 = vector.shape_cast %get3A_245 : vector<1x16xf32> to vector<16xf32>
          %add3A_247 = arith.addf %get3A_246, %get3A_233 : vector<16xf32>
          %mul3A_248 = arith.mulf %get3A_237, %add3A_242 : vector<16xf32>
          %gather3A_249 = vector.shape_cast %reshape3A : vector<16x1xi32> to vector<16xi32>
          %gather3A_250 = tpu.dynamic_gather %mul3A_248[%gather3A_249] in [0] : vector<16xf32>, vector<16xi32> -> vector<16xf32>
          %add3A_251 = arith.addf %mul3A_248, %gather3A_250 : vector<16xf32>
          %gather3A_252 = vector.shape_cast %reshape3A_6 : vector<16x1xi32> to vector<16xi32>
          %gather3A_253 = tpu.dynamic_gather %add3A_251[%gather3A_252] in [0] : vector<16xf32>, vector<16xi32> -> vector<16xf32>
          %add3A_254 = arith.addf %add3A_251, %gather3A_253 : vector<16xf32>
          %gather3A_255 = vector.shape_cast %reshape3A_10 : vector<16x1xi32> to vector<16xi32>
          %gather3A_256 = tpu.dynamic_gather %add3A_254[%gather3A_255] in [0] : vector<16xf32>, vector<16xi32> -> vector<16xf32>
          %add3A_257 = arith.addf %add3A_254, %gather3A_256 : vector<16xf32>
          %gather3A_258 = vector.shape_cast %reshape3A_14 : vector<16x1xi32> to vector<16xi32>
          %gather3A_259 = tpu.dynamic_gather %add3A_257[%gather3A_258] in [0] : vector<16xf32>, vector<16xi32> -> vector<16xf32>
          %add3A_260 = arith.addf %add3A_257, %gather3A_259 : vector<16xf32>
          %eq3A_261 = arith.constant 2 : i32
          %eq3A_262 = vector.broadcast %eq3A_261 : i32 to vector<16xi32>
          %eq3A_263 = arith.cmpi eq, %iota3A, %eq3A_262 : vector<16xi32>
          %select_n3A_264 = arith.select %eq3A_263, %add3A_260, %select_n3A_224 : vector<16xi1>, vector<16xf32>
          %swap3A_265 = arith.index_cast %scan3A_145 : i32 to index
          %swap3A_266 = arith.constant 32 : index
          %swap3A_267 = tpu.vector_load %arg17[%swap3A_265, %swap3A_266] {strides = array<i32>} : memref<40x128xf32, #tpu.memory_space<vmem>>, vector<1x16xf32>,
          %swap3A_268 = vector.shape_cast %swap3A_267 : vector<1x16xf32> to vector<16xf32>
          %swap3A_269 = vector.shape_cast %add3A_247 : vector<16xf32> to vector<1x16xf32>
          tpu.vector_store %arg17[%swap3A_265, %swap3A_266], %swap3A_269 {strides = array<i32>} : memref<40x128xf32, #tpu.memory_space<vmem>>, vector<1x16xf32>,
          %get3A_270 = arith.index_cast %scan3A_145 : i32 to index
          %get3A_271 = arith.constant 48 : index
          %get3A_272 = tpu.vector_load %arg15[%get3A_270, %get3A_271] {strides = array<i32>} : memref<40x144xf32, #tpu.memory_space<vmem>>, vector<1x16xf32>,
          %get3A_273 = vector.shape_cast %get3A_272 : vector<1x16xf32> to vector<16xf32>
          %get3A_274 = arith.index_cast %scan3A_145 : i32 to index
          %get3A_275 = arith.constant 48 : index
          %get3A_276 = tpu.vector_load %arg11[%get3A_274, %get3A_275] {strides = array<i32>} : memref<40x128xf32, #tpu.memory_space<vmem>>, vector<1x16xf32>,
          %get3A_277 = vector.shape_cast %get3A_276 : vector<1x16xf32> to vector<16xf32>
          %get3A_278 = arith.index_cast %scan3A_145 : i32 to index
          %get3A_279 = arith.constant 48 : index
          %get3A_280 = tpu.vector_load %arg13[%get3A_278, %get3A_279] {strides = array<i32>} : memref<40x256xf32, #tpu.memory_space<vmem>>, vector<1x16xf32>,
          %get3A_281 = vector.shape_cast %get3A_280 : vector<1x16xf32> to vector<16xf32>
          %add3A_282 = arith.addf %get3A_281, %get3A_273 : vector<16xf32>
          %get3A_283 = arith.index_cast %scan3A_145 : i32 to index
          %get3A_284 = arith.constant 176 : index
          %get3A_285 = tpu.vector_load %arg13[%get3A_283, %get3A_284] {strides = array<i32>} : memref<40x256xf32, #tpu.memory_space<vmem>>, vector<1x16xf32>,
          %get3A_286 = vector.shape_cast %get3A_285 : vector<1x16xf32> to vector<16xf32>
          %add3A_287 = arith.addf %get3A_286, %get3A_273 : vector<16xf32>
          %mul3A_288 = arith.mulf %get3A_277, %add3A_282 : vector<16xf32>
          %gather3A_289 = vector.shape_cast %reshape3A : vector<16x1xi32> to vector<16xi32>
          %gather3A_290 = tpu.dynamic_gather %mul3A_288[%gather3A_289] in [0] : vector<16xf32>, vector<16xi32> -> vector<16xf32>
          %add3A_291 = arith.addf %mul3A_288, %gather3A_290 : vector<16xf32>
          %gather3A_292 = vector.shape_cast %reshape3A_6 : vector<16x1xi32> to vector<16xi32>
          %gather3A_293 = tpu.dynamic_gather %add3A_291[%gather3A_292] in [0] : vector<16xf32>, vector<16xi32> -> vector<16xf32>
          %add3A_294 = arith.addf %add3A_291, %gather3A_293 : vector<16xf32>
          %gather3A_295 = vector.shape_cast %reshape3A_10 : vector<16x1xi32> to vector<16xi32>
          %gather3A_296 = tpu.dynamic_gather %add3A_294[%gather3A_295] in [0] : vector<16xf32>, vector<16xi32> -> vector<16xf32>
          %add3A_297 = arith.addf %add3A_294, %gather3A_296 : vector<16xf32>
          %gather3A_298 = vector.shape_cast %reshape3A_14 : vector<16x1xi32> to vector<16xi32>
          %gather3A_299 = tpu.dynamic_gather %add3A_297[%gather3A_298] in [0] : vector<16xf32>, vector<16xi32> -> vector<16xf32>
          %add3A_300 = arith.addf %add3A_297, %gather3A_299 : vector<16xf32>
          %eq3A_301 = arith.constant 3 : i32
          %eq3A_302 = vector.broadcast %eq3A_301 : i32 to vector<16xi32>
          %eq3A_303 = arith.cmpi eq, %iota3A, %eq3A_302 : vector<16xi32>
          %select_n3A_304 = arith.select %eq3A_303, %add3A_300, %select_n3A_264 : vector<16xi1>, vector<16xf32>
          %swap3A_305 = arith.index_cast %scan3A_145 : i32 to index
          %swap3A_306 = arith.constant 48 : index
          %swap3A_307 = tpu.vector_load %arg17[%swap3A_305, %swap3A_306] {strides = array<i32>} : memref<40x128xf32, #tpu.memory_space<vmem>>, vector<1x16xf32>,
          %swap3A_308 = vector.shape_cast %swap3A_307 : vector<1x16xf32> to vector<16xf32>
          %swap3A_309 = vector.shape_cast %add3A_287 : vector<16xf32> to vector<1x16xf32>
          tpu.vector_store %arg17[%swap3A_305, %swap3A_306], %swap3A_309 {strides = array<i32>} : memref<40x128xf32, #tpu.memory_space<vmem>>, vector<1x16xf32>,
          %get3A_310 = arith.index_cast %scan3A_145 : i32 to index
          %get3A_311 = arith.constant 64 : index
          %get3A_312 = tpu.vector_load %arg15[%get3A_310, %get3A_311] {strides = array<i32>} : memref<40x144xf32, #tpu.memory_space<vmem>>, vector<1x16xf32>,
          %get3A_313 = vector.shape_cast %get3A_312 : vector<1x16xf32> to vector<16xf32>
          %get3A_314 = arith.index_cast %scan3A_145 : i32 to index
          %get3A_315 = arith.constant 64 : index
          %get3A_316 = tpu.vector_load %arg11[%get3A_314, %get3A_315] {strides = array<i32>} : memref<40x128xf32, #tpu.memory_space<vmem>>, vector<1x16xf32>,
          %get3A_317 = vector.shape_cast %get3A_316 : vector<1x16xf32> to vector<16xf32>
          %get3A_318 = arith.index_cast %scan3A_145 : i32 to index
          %get3A_319 = arith.constant 64 : index
          %get3A_320 = tpu.vector_load %arg13[%get3A_318, %get3A_319] {strides = array<i32>} : memref<40x256xf32, #tpu.memory_space<vmem>>, vector<1x16xf32>,
          %get3A_321 = vector.shape_cast %get3A_320 : vector<1x16xf32> to vector<16xf32>
          %add3A_322 = arith.addf %get3A_321, %get3A_313 : vector<16xf32>
          %get3A_323 = arith.index_cast %scan3A_145 : i32 to index
          %get3A_324 = arith.constant 192 : index
          %get3A_325 = tpu.vector_load %arg13[%get3A_323, %get3A_324] {strides = array<i32>} : memref<40x256xf32, #tpu.memory_space<vmem>>, vector<1x16xf32>,
          %get3A_326 = vector.shape_cast %get3A_325 : vector<1x16xf32> to vector<16xf32>
          %add3A_327 = arith.addf %get3A_326, %get3A_313 : vector<16xf32>
          %mul3A_328 = arith.mulf %get3A_317, %add3A_322 : vector<16xf32>
          %gather3A_329 = vector.shape_cast %reshape3A : vector<16x1xi32> to vector<16xi32>
          %gather3A_330 = tpu.dynamic_gather %mul3A_328[%gather3A_329] in [0] : vector<16xf32>, vector<16xi32> -> vector<16xf32>
          %add3A_331 = arith.addf %mul3A_328, %gather3A_330 : vector<16xf32>
          %gather3A_332 = vector.shape_cast %reshape3A_6 : vector<16x1xi32> to vector<16xi32>
          %gather3A_333 = tpu.dynamic_gather %add3A_331[%gather3A_332] in [0] : vector<16xf32>, vector<16xi32> -> vector<16xf32>
          %add3A_334 = arith.addf %add3A_331, %gather3A_333 : vector<16xf32>
          %gather3A_335 = vector.shape_cast %reshape3A_10 : vector<16x1xi32> to vector<16xi32>
          %gather3A_336 = tpu.dynamic_gather %add3A_334[%gather3A_335] in [0] : vector<16xf32>, vector<16xi32> -> vector<16xf32>
          %add3A_337 = arith.addf %add3A_334, %gather3A_336 : vector<16xf32>
          %gather3A_338 = vector.shape_cast %reshape3A_14 : vector<16x1xi32> to vector<16xi32>
          %gather3A_339 = tpu.dynamic_gather %add3A_337[%gather3A_338] in [0] : vector<16xf32>, vector<16xi32> -> vector<16xf32>
          %add3A_340 = arith.addf %add3A_337, %gather3A_339 : vector<16xf32>
          %eq3A_341 = arith.constant 4 : i32
          %eq3A_342 = vector.broadcast %eq3A_341 : i32 to vector<16xi32>
          %eq3A_343 = arith.cmpi eq, %iota3A, %eq3A_342 : vector<16xi32>
          %select_n3A_344 = arith.select %eq3A_343, %add3A_340, %select_n3A_304 : vector<16xi1>, vector<16xf32>
          %swap3A_345 = arith.index_cast %scan3A_145 : i32 to index
          %swap3A_346 = arith.constant 64 : index
          %swap3A_347 = tpu.vector_load %arg17[%swap3A_345, %swap3A_346] {strides = array<i32>} : memref<40x128xf32, #tpu.memory_space<vmem>>, vector<1x16xf32>,
          %swap3A_348 = vector.shape_cast %swap3A_347 : vector<1x16xf32> to vector<16xf32>
          %swap3A_349 = vector.shape_cast %add3A_327 : vector<16xf32> to vector<1x16xf32>
          tpu.vector_store %arg17[%swap3A_345, %swap3A_346], %swap3A_349 {strides = array<i32>} : memref<40x128xf32, #tpu.memory_space<vmem>>, vector<1x16xf32>,
          %get3A_350 = arith.index_cast %scan3A_145 : i32 to index
          %get3A_351 = arith.constant 80 : index
          %get3A_352 = tpu.vector_load %arg15[%get3A_350, %get3A_351] {strides = array<i32>} : memref<40x144xf32, #tpu.memory_space<vmem>>, vector<1x16xf32>,
          %get3A_353 = vector.shape_cast %get3A_352 : vector<1x16xf32> to vector<16xf32>
          %get3A_354 = arith.index_cast %scan3A_145 : i32 to index
          %get3A_355 = arith.constant 80 : index
          %get3A_356 = tpu.vector_load %arg11[%get3A_354, %get3A_355] {strides = array<i32>} : memref<40x128xf32, #tpu.memory_space<vmem>>, vector<1x16xf32>,
          %get3A_357 = vector.shape_cast %get3A_356 : vector<1x16xf32> to vector<16xf32>
          %get3A_358 = arith.index_cast %scan3A_145 : i32 to index
          %get3A_359 = arith.constant 80 : index
          %get3A_360 = tpu.vector_load %arg13[%get3A_358, %get3A_359] {strides = array<i32>} : memref<40x256xf32, #tpu.memory_space<vmem>>, vector<1x16xf32>,
          %get3A_361 = vector.shape_cast %get3A_360 : vector<1x16xf32> to vector<16xf32>
          %add3A_362 = arith.addf %get3A_361, %get3A_353 : vector<16xf32>
          %get3A_363 = arith.index_cast %scan3A_145 : i32 to index
          %get3A_364 = arith.constant 208 : index
          %get3A_365 = tpu.vector_load %arg13[%get3A_363, %get3A_364] {strides = array<i32>} : memref<40x256xf32, #tpu.memory_space<vmem>>, vector<1x16xf32>,
          %get3A_366 = vector.shape_cast %get3A_365 : vector<1x16xf32> to vector<16xf32>
          %add3A_367 = arith.addf %get3A_366, %get3A_353 : vector<16xf32>
          %mul3A_368 = arith.mulf %get3A_357, %add3A_362 : vector<16xf32>
          %gather3A_369 = vector.shape_cast %reshape3A : vector<16x1xi32> to vector<16xi32>
          %gather3A_370 = tpu.dynamic_gather %mul3A_368[%gather3A_369] in [0] : vector<16xf32>, vector<16xi32> -> vector<16xf32>
          %add3A_371 = arith.addf %mul3A_368, %gather3A_370 : vector<16xf32>
          %gather3A_372 = vector.shape_cast %reshape3A_6 : vector<16x1xi32> to vector<16xi32>
          %gather3A_373 = tpu.dynamic_gather %add3A_371[%gather3A_372] in [0] : vector<16xf32>, vector<16xi32> -> vector<16xf32>
          %add3A_374 = arith.addf %add3A_371, %gather3A_373 : vector<16xf32>
          %gather3A_375 = vector.shape_cast %reshape3A_10 : vector<16x1xi32> to vector<16xi32>
          %gather3A_376 = tpu.dynamic_gather %add3A_374[%gather3A_375] in [0] : vector<16xf32>, vector<16xi32> -> vector<16xf32>
          %add3A_377 = arith.addf %add3A_374, %gather3A_376 : vector<16xf32>
          %gather3A_378 = vector.shape_cast %reshape3A_14 : vector<16x1xi32> to vector<16xi32>
          %gather3A_379 = tpu.dynamic_gather %add3A_377[%gather3A_378] in [0] : vector<16xf32>, vector<16xi32> -> vector<16xf32>
          %add3A_380 = arith.addf %add3A_377, %gather3A_379 : vector<16xf32>
          %eq3A_381 = arith.constant 5 : i32
          %eq3A_382 = vector.broadcast %eq3A_381 : i32 to vector<16xi32>
          %eq3A_383 = arith.cmpi eq, %iota3A, %eq3A_382 : vector<16xi32>
          %select_n3A_384 = arith.select %eq3A_383, %add3A_380, %select_n3A_344 : vector<16xi1>, vector<16xf32>
          %swap3A_385 = arith.index_cast %scan3A_145 : i32 to index
          %swap3A_386 = arith.constant 80 : index
          %swap3A_387 = tpu.vector_load %arg17[%swap3A_385, %swap3A_386] {strides = array<i32>} : memref<40x128xf32, #tpu.memory_space<vmem>>, vector<1x16xf32>,
          %swap3A_388 = vector.shape_cast %swap3A_387 : vector<1x16xf32> to vector<16xf32>
          %swap3A_389 = vector.shape_cast %add3A_367 : vector<16xf32> to vector<1x16xf32>
          tpu.vector_store %arg17[%swap3A_385, %swap3A_386], %swap3A_389 {strides = array<i32>} : memref<40x128xf32, #tpu.memory_space<vmem>>, vector<1x16xf32>,
          %get3A_390 = arith.index_cast %scan3A_145 : i32 to index
          %get3A_391 = arith.constant 96 : index
          %get3A_392 = tpu.vector_load %arg15[%get3A_390, %get3A_391] {strides = array<i32>} : memref<40x144xf32, #tpu.memory_space<vmem>>, vector<1x16xf32>,
          %get3A_393 = vector.shape_cast %get3A_392 : vector<1x16xf32> to vector<16xf32>
          %get3A_394 = arith.index_cast %scan3A_145 : i32 to index
          %get3A_395 = arith.constant 96 : index
          %get3A_396 = tpu.vector_load %arg11[%get3A_394, %get3A_395] {strides = array<i32>} : memref<40x128xf32, #tpu.memory_space<vmem>>, vector<1x16xf32>,
          %get3A_397 = vector.shape_cast %get3A_396 : vector<1x16xf32> to vector<16xf32>
          %get3A_398 = arith.index_cast %scan3A_145 : i32 to index
          %get3A_399 = arith.constant 96 : index
          %get3A_400 = tpu.vector_load %arg13[%get3A_398, %get3A_399] {strides = array<i32>} : memref<40x256xf32, #tpu.memory_space<vmem>>, vector<1x16xf32>,
          %get3A_401 = vector.shape_cast %get3A_400 : vector<1x16xf32> to vector<16xf32>
          %add3A_402 = arith.addf %get3A_401, %get3A_393 : vector<16xf32>
          %get3A_403 = arith.index_cast %scan3A_145 : i32 to index
          %get3A_404 = arith.constant 224 : index
          %get3A_405 = tpu.vector_load %arg13[%get3A_403, %get3A_404] {strides = array<i32>} : memref<40x256xf32, #tpu.memory_space<vmem>>, vector<1x16xf32>,
          %get3A_406 = vector.shape_cast %get3A_405 : vector<1x16xf32> to vector<16xf32>
          %add3A_407 = arith.addf %get3A_406, %get3A_393 : vector<16xf32>
          %mul3A_408 = arith.mulf %get3A_397, %add3A_402 : vector<16xf32>
          %gather3A_409 = vector.shape_cast %reshape3A : vector<16x1xi32> to vector<16xi32>
          %gather3A_410 = tpu.dynamic_gather %mul3A_408[%gather3A_409] in [0] : vector<16xf32>, vector<16xi32> -> vector<16xf32>
          %add3A_411 = arith.addf %mul3A_408, %gather3A_410 : vector<16xf32>
          %gather3A_412 = vector.shape_cast %reshape3A_6 : vector<16x1xi32> to vector<16xi32>
          %gather3A_413 = tpu.dynamic_gather %add3A_411[%gather3A_412] in [0] : vector<16xf32>, vector<16xi32> -> vector<16xf32>
          %add3A_414 = arith.addf %add3A_411, %gather3A_413 : vector<16xf32>
          %gather3A_415 = vector.shape_cast %reshape3A_10 : vector<16x1xi32> to vector<16xi32>
          %gather3A_416 = tpu.dynamic_gather %add3A_414[%gather3A_415] in [0] : vector<16xf32>, vector<16xi32> -> vector<16xf32>
          %add3A_417 = arith.addf %add3A_414, %gather3A_416 : vector<16xf32>
          %gather3A_418 = vector.shape_cast %reshape3A_14 : vector<16x1xi32> to vector<16xi32>
          %gather3A_419 = tpu.dynamic_gather %add3A_417[%gather3A_418] in [0] : vector<16xf32>, vector<16xi32> -> vector<16xf32>
          %add3A_420 = arith.addf %add3A_417, %gather3A_419 : vector<16xf32>
          %eq3A_421 = arith.constant 6 : i32
          %eq3A_422 = vector.broadcast %eq3A_421 : i32 to vector<16xi32>
          %eq3A_423 = arith.cmpi eq, %iota3A, %eq3A_422 : vector<16xi32>
          %select_n3A_424 = arith.select %eq3A_423, %add3A_420, %select_n3A_384 : vector<16xi1>, vector<16xf32>
          %swap3A_425 = arith.index_cast %scan3A_145 : i32 to index
          %swap3A_426 = arith.constant 96 : index
          %swap3A_427 = tpu.vector_load %arg17[%swap3A_425, %swap3A_426] {strides = array<i32>} : memref<40x128xf32, #tpu.memory_space<vmem>>, vector<1x16xf32>,
          %swap3A_428 = vector.shape_cast %swap3A_427 : vector<1x16xf32> to vector<16xf32>
          %swap3A_429 = vector.shape_cast %add3A_407 : vector<16xf32> to vector<1x16xf32>
          tpu.vector_store %arg17[%swap3A_425, %swap3A_426], %swap3A_429 {strides = array<i32>} : memref<40x128xf32, #tpu.memory_space<vmem>>, vector<1x16xf32>,
          %get3A_430 = arith.index_cast %scan3A_145 : i32 to index
          %get3A_431 = arith.constant 112 : index
          %get3A_432 = tpu.vector_load %arg15[%get3A_430, %get3A_431] {strides = array<i32>} : memref<40x144xf32, #tpu.memory_space<vmem>>, vector<1x16xf32>,
          %get3A_433 = vector.shape_cast %get3A_432 : vector<1x16xf32> to vector<16xf32>
          %get3A_434 = arith.index_cast %scan3A_145 : i32 to index
          %get3A_435 = arith.constant 112 : index
          %get3A_436 = tpu.vector_load %arg11[%get3A_434, %get3A_435] {strides = array<i32>} : memref<40x128xf32, #tpu.memory_space<vmem>>, vector<1x16xf32>,
          %get3A_437 = vector.shape_cast %get3A_436 : vector<1x16xf32> to vector<16xf32>
          %get3A_438 = arith.index_cast %scan3A_145 : i32 to index
          %get3A_439 = arith.constant 112 : index
          %get3A_440 = tpu.vector_load %arg13[%get3A_438, %get3A_439] {strides = array<i32>} : memref<40x256xf32, #tpu.memory_space<vmem>>, vector<1x16xf32>,
          %get3A_441 = vector.shape_cast %get3A_440 : vector<1x16xf32> to vector<16xf32>
          %add3A_442 = arith.addf %get3A_441, %get3A_433 : vector<16xf32>
          %get3A_443 = arith.index_cast %scan3A_145 : i32 to index
          %get3A_444 = arith.constant 240 : index
          %get3A_445 = tpu.vector_load %arg13[%get3A_443, %get3A_444] {strides = array<i32>} : memref<40x256xf32, #tpu.memory_space<vmem>>, vector<1x16xf32>,
          %get3A_446 = vector.shape_cast %get3A_445 : vector<1x16xf32> to vector<16xf32>
          %add3A_447 = arith.addf %get3A_446, %get3A_433 : vector<16xf32>
          %mul3A_448 = arith.mulf %get3A_437, %add3A_442 : vector<16xf32>
          %gather3A_449 = vector.shape_cast %reshape3A : vector<16x1xi32> to vector<16xi32>
          %gather3A_450 = tpu.dynamic_gather %mul3A_448[%gather3A_449] in [0] : vector<16xf32>, vector<16xi32> -> vector<16xf32>
          %add3A_451 = arith.addf %mul3A_448, %gather3A_450 : vector<16xf32>
          %gather3A_452 = vector.shape_cast %reshape3A_6 : vector<16x1xi32> to vector<16xi32>
          %gather3A_453 = tpu.dynamic_gather %add3A_451[%gather3A_452] in [0] : vector<16xf32>, vector<16xi32> -> vector<16xf32>
          %add3A_454 = arith.addf %add3A_451, %gather3A_453 : vector<16xf32>
          %gather3A_455 = vector.shape_cast %reshape3A_10 : vector<16x1xi32> to vector<16xi32>
          %gather3A_456 = tpu.dynamic_gather %add3A_454[%gather3A_455] in [0] : vector<16xf32>, vector<16xi32> -> vector<16xf32>
          %add3A_457 = arith.addf %add3A_454, %gather3A_456 : vector<16xf32>
          %gather3A_458 = vector.shape_cast %reshape3A_14 : vector<16x1xi32> to vector<16xi32>
          %gather3A_459 = tpu.dynamic_gather %add3A_457[%gather3A_458] in [0] : vector<16xf32>, vector<16xi32> -> vector<16xf32>
          %add3A_460 = arith.addf %add3A_457, %gather3A_459 : vector<16xf32>
          %eq3A_461 = arith.constant 7 : i32
          %eq3A_462 = vector.broadcast %eq3A_461 : i32 to vector<16xi32>
          %eq3A_463 = arith.cmpi eq, %iota3A, %eq3A_462 : vector<16xi32>
          %select_n3A_464 = arith.select %eq3A_463, %add3A_460, %select_n3A_424 : vector<16xi1>, vector<16xf32>
          %swap3A_465 = arith.index_cast %scan3A_145 : i32 to index
          %swap3A_466 = arith.constant 112 : index
          %swap3A_467 = tpu.vector_load %arg17[%swap3A_465, %swap3A_466] {strides = array<i32>} : memref<40x128xf32, #tpu.memory_space<vmem>>, vector<1x16xf32>,
          %swap3A_468 = vector.shape_cast %swap3A_467 : vector<1x16xf32> to vector<16xf32>
          %swap3A_469 = vector.shape_cast %add3A_447 : vector<16xf32> to vector<1x16xf32>
          tpu.vector_store %arg17[%swap3A_465, %swap3A_466], %swap3A_469 {strides = array<i32>} : memref<40x128xf32, #tpu.memory_space<vmem>>, vector<1x16xf32>,
          %mul3A_470 = arith.constant 2.500000e-01 : f32
          %mul3A_471 = vector.broadcast %mul3A_470 : f32 to vector<16xf32>
          %mul3A_472 = arith.mulf %select_n3A_464, %mul3A_471 : vector<16xf32>
          %add3A_473 = arith.addf %mul3A_472, %get3A_148 : vector<16xf32>
          %swap3A_474 = arith.index_cast %scan3A_145 : i32 to index
          %swap3A_475 = arith.constant 0 : index
          %swap3A_476 = tpu.vector_load %arg19[%swap3A_474, %swap3A_475] {strides = array<i32>} : memref<40x16xf32, #tpu.memory_space<vmem>>, vector<1x16xf32>,
          %swap3A_477 = vector.shape_cast %swap3A_476 : vector<1x16xf32> to vector<16xf32>
          %swap3A_478 = vector.shape_cast %add3A_473 : vector<16xf32> to vector<1x16xf32>
          tpu.vector_store %arg19[%swap3A_474, %swap3A_475], %swap3A_478 {strides = array<i32>} : memref<40x16xf32, #tpu.memory_space<vmem>>, vector<1x16xf32>,
        }
        %scan3A_131 = arith.constant 40 : i32
        %mul3A_132 = arith.constant 5000 : i32
        %mul3A_133 = arith.muli %add3A, %mul3A_132 : i32
        %mul3A_134 = arith.constant 40 : i32
        %mul3A_135 = arith.muli %scan3A_60, %mul3A_134 : i32
        %add3A_136 = arith.addi %mul3A_133, %mul3A_135 : i32
        %dma_start3A_137 = arith.constant 0 : i32
        %dma_start3A_138 = tpu.memref_slice %arg7[%add3A_136, %dma_start3A_137] : memref<160000x128xf32, #tpu.memory_space<hbm>> -> memref<40x128xf32, #tpu.memory_space<hbm>>
        %dma_start3A_139 = arith.constant 0 : i32
        %dma_start3A_140 = tpu.memref_slice %arg7[%add3A_136, %dma_start3A_139] : memref<160000x128xf32, #tpu.memory_space<hbm>> -> memref<40x128xf32, #tpu.memory_space<hbm>>
        tpu.enqueue_dma source(%arg17 : memref<40x128xf32, #tpu.memory_space<vmem>>) target(%dma_start3A_140 : memref<40x128xf32, #tpu.memory_space<hbm>>) target_semaphore(%arg27 : memref<!tpu.dma_semaphore, #tpu.memory_space<semaphore_mem>>)
        %dma_start3A_141 = arith.constant 0 : i32
        %dma_start3A_142 = tpu.memref_slice %arg8[%add3A_136, %dma_start3A_141] : memref<160000x16xf32, #tpu.memory_space<hbm>> -> memref<40x16xf32, #tpu.memory_space<hbm>>
        %dma_start3A_143 = arith.constant 0 : i32
        %dma_start3A_144 = tpu.memref_slice %arg8[%add3A_136, %dma_start3A_143] : memref<160000x16xf32, #tpu.memory_space<hbm>> -> memref<40x16xf32, #tpu.memory_space<hbm>>
        tpu.enqueue_dma source(%arg19 : memref<40x16xf32, #tpu.memory_space<vmem>>) target(%dma_start3A_144 : memref<40x16xf32, #tpu.memory_space<hbm>>) target_semaphore(%arg29 : memref<!tpu.dma_semaphore, #tpu.memory_space<semaphore_mem>>)
      } else {
      }
      %jit3A_73 = arith.constant 2 : i32
      %eq3A_74 = arith.constant 0 : i32
      %eq3A_75 = arith.cmpi eq, %jit3A_73, %eq3A_74 : i32
      %jit3A_76 = arith.constant 1 : i32
      %select_n3A_77 = arith.select %eq3A_75, %jit3A_76, %jit3A_73 : i32
      %rem3A_78 = arith.remsi %scan3A_60, %select_n3A_77 : i32
      %ne3A_79 = arith.constant 0 : i32
      %ne3A_80 = arith.cmpi ne, %rem3A_78, %ne3A_79 : i32
      %lt3A_81 = arith.constant 0 : i32
      %lt3A_82 = arith.cmpi slt, %rem3A_78, %lt3A_81 : i32
      %lt3A_83 = arith.constant 0 : i32
      %lt3A_84 = arith.cmpi slt, %select_n3A_77, %lt3A_83 : i32
      %ne3A_85 = arith.xori %lt3A_82, %lt3A_84 : i1
      %and3A_86 = arith.andi %ne3A_85, %ne3A_80 : i1
      %add3A_87 = arith.addi %rem3A_78, %select_n3A_77 : i32
      %select_n3A_88 = arith.select %and3A_86, %add3A_87, %rem3A_78 : i32
      %eq3A_89 = arith.constant 1 : i32
      %eq3A_90 = arith.cmpi eq, %select_n3A_88, %eq3A_89 : i32
      %convert_element_type3A_91 = arith.extui %eq3A_90 : i1 to i32
      %cond3A_92 = arith.constant 0 : i32
      %cond3A_93 = arith.cmpi ne, %convert_element_type3A_91, %cond3A_92 : i32
      scf.if %cond3A_93 {
        %mul3A_94 = arith.constant 40 : i32
        %mul3A_95 = arith.muli %scan3A_60, %mul3A_94 : i32
        %dma_wait3A_96 = tpu.memref_slice %arg10[%mul3A_95] : memref<5000xi32, #tpu.memory_space<vmem>> -> memref<40xi32, #tpu.memory_space<vmem>>
        %dma_wait3A_97 = arith.constant 0 : i32
        %dma_wait3A_98 = arith.constant 0 : i32
        %dma_wait3A_99 = tpu.memref_slice %arg2[%dma_wait3A_97, %dma_wait3A_98] : memref<10000x128xf32, #tpu.memory_space<hbm>> -> memref<10000x128xf32, #tpu.memory_space<hbm>>
        tpu.wait_indirect_dma semaphore(%arg22 : memref<!tpu.dma_semaphore, #tpu.memory_space<semaphore_mem>>) src(%dma_wait3A_99 : memref<10000x128xf32, #tpu.memory_space<hbm>>) dst(%arg12 : memref<40x128xf32, #tpu.memory_space<vmem>>)
        %mul3A_100 = arith.constant 40 : i32
        %mul3A_101 = arith.muli %scan3A_60, %mul3A_100 : i32
        %dma_wait3A_102 = tpu.memref_slice %arg9[%mul3A_101] : memref<5000xi32, #tpu.memory_space<vmem>> -> memref<40xi32, #tpu.memory_space<vmem>>
        %dma_wait3A_103 = arith.constant 0 : i32
        %dma_wait3A_104 = arith.constant 0 : i32
        %dma_wait3A_105 = tpu.memref_slice %arg3[%dma_wait3A_103, %dma_wait3A_104] : memref<10000x256xf32, #tpu.memory_space<hbm>> -> memref<10000x256xf32, #tpu.memory_space<hbm>>
        tpu.wait_indirect_dma semaphore(%arg24 : memref<!tpu.dma_semaphore, #tpu.memory_space<semaphore_mem>>) src(%dma_wait3A_105 : memref<10000x256xf32, #tpu.memory_space<hbm>>) dst(%arg14 : memref<40x256xf32, #tpu.memory_space<vmem>>)
        %mul3A_106 = arith.constant 5000 : i32
        %mul3A_107 = arith.muli %add3A, %mul3A_106 : i32
        %mul3A_108 = arith.constant 40 : i32
        %mul3A_109 = arith.muli %scan3A_60, %mul3A_108 : i32
        %add3A_110 = arith.addi %mul3A_107, %mul3A_109 : i32
        %dma_wait3A_111 = arith.constant 0 : i32
        %dma_wait3A_112 = tpu.memref_slice %arg4[%add3A_110, %dma_wait3A_111] : memref<160000x144xf32, #tpu.memory_space<hbm>> -> memref<40x144xf32, #tpu.memory_space<hbm>>
        %dma_wait3A_113 = arith.constant 0 : i32
        %dma_wait3A_114 = tpu.memref_slice %arg4[%add3A_110, %dma_wait3A_113] : memref<160000x144xf32, #tpu.memory_space<hbm>> -> memref<40x144xf32, #tpu.memory_space<hbm>>
        tpu.wait_dma2 semaphore(%arg26 : memref<!tpu.dma_semaphore, #tpu.memory_space<semaphore_mem>>) src(%dma_wait3A_114 : memref<40x144xf32, #tpu.memory_space<hbm>>) dst(%arg16 : memref<40x144xf32, #tpu.memory_space<vmem>>)
        %add3A_115 = arith.constant 1 : i32
        %add3A_116 = arith.addi %scan3A_60, %add3A_115 : i32
        %lt3A_117 = arith.constant 125 : i32
        %lt3A_118 = arith.cmpi slt, %add3A_116, %lt3A_117 : i32
        %convert_element_type3A_119 = arith.extui %lt3A_118 : i1 to i32
        %cond3A_120 = arith.constant 0 : i32
        %cond3A_121 = arith.cmpi ne, %convert_element_type3A_119, %cond3A_120 : i32
        scf.if %cond3A_121 {
          %add3A_145 = arith.constant 1 : i32
          %add3A_146 = arith.addi %scan3A_60, %add3A_145 : i32
          %mul3A_147 = arith.constant 40 : i32
          %mul3A_148 = arith.muli %add3A_146, %mul3A_147 : i32
          %dma_start3A_149 = tpu.memref_slice %arg10[%mul3A_148] : memref<5000xi32, #tpu.memory_space<vmem>> -> memref<40xi32, #tpu.memory_space<vmem>>
          %dma_start3A_150 = arith.constant 0 : i32
          %dma_start3A_151 = arith.constant 0 : i32
          %dma_start3A_152 = tpu.memref_slice %arg2[%dma_start3A_150, %dma_start3A_151] : memref<10000x128xf32, #tpu.memory_space<hbm>> -> memref<10000x128xf32, #tpu.memory_space<hbm>>
          tpu.enqueue_indirect_dma source(%dma_start3A_152 : memref<10000x128xf32, #tpu.memory_space<hbm>>) target(%arg11 : memref<40x128xf32, #tpu.memory_space<vmem>>) offsets(%dma_start3A_149 : memref<40xi32, #tpu.memory_space<vmem>>) semaphore(%arg21 : memref<!tpu.dma_semaphore, #tpu.memory_space<semaphore_mem>>)
          %mul3A_153 = arith.constant 40 : i32
          %mul3A_154 = arith.muli %add3A_146, %mul3A_153 : i32
          %dma_start3A_155 = tpu.memref_slice %arg9[%mul3A_154] : memref<5000xi32, #tpu.memory_space<vmem>> -> memref<40xi32, #tpu.memory_space<vmem>>
          %dma_start3A_156 = arith.constant 0 : i32
          %dma_start3A_157 = arith.constant 0 : i32
          %dma_start3A_158 = tpu.memref_slice %arg3[%dma_start3A_156, %dma_start3A_157] : memref<10000x256xf32, #tpu.memory_space<hbm>> -> memref<10000x256xf32, #tpu.memory_space<hbm>>
          tpu.enqueue_indirect_dma source(%dma_start3A_158 : memref<10000x256xf32, #tpu.memory_space<hbm>>) target(%arg13 : memref<40x256xf32, #tpu.memory_space<vmem>>) offsets(%dma_start3A_155 : memref<40xi32, #tpu.memory_space<vmem>>) semaphore(%arg23 : memref<!tpu.dma_semaphore, #tpu.memory_space<semaphore_mem>>)
          %mul3A_159 = arith.constant 5000 : i32
          %mul3A_160 = arith.muli %add3A, %mul3A_159 : i32
          %mul3A_161 = arith.constant 40 : i32
          %mul3A_162 = arith.muli %add3A_146, %mul3A_161 : i32
          %add3A_163 = arith.addi %mul3A_160, %mul3A_162 : i32
          %dma_start3A_164 = arith.constant 0 : i32
          %dma_start3A_165 = tpu.memref_slice %arg4[%add3A_163, %dma_start3A_164] : memref<160000x144xf32, #tpu.memory_space<hbm>> -> memref<40x144xf32, #tpu.memory_space<hbm>>
          %dma_start3A_166 = arith.constant 0 : i32
          %dma_start3A_167 = tpu.memref_slice %arg4[%add3A_163, %dma_start3A_166] : memref<160000x144xf32, #tpu.memory_space<hbm>> -> memref<40x144xf32, #tpu.memory_space<hbm>>
          tpu.enqueue_dma source(%dma_start3A_167 : memref<40x144xf32, #tpu.memory_space<hbm>>) target(%arg15 : memref<40x144xf32, #tpu.memory_space<vmem>>) target_semaphore(%arg25 : memref<!tpu.dma_semaphore, #tpu.memory_space<semaphore_mem>>)
        } else {
        }
        %ge3A = arith.constant 2 : i32
        %ge3A_122 = arith.cmpi sge, %scan3A_60, %ge3A : i32
        %convert_element_type3A_123 = arith.extui %ge3A_122 : i1 to i32
        %cond3A_124 = arith.constant 0 : i32
        %cond3A_125 = arith.cmpi ne, %convert_element_type3A_123, %cond3A_124 : i32
        scf.if %cond3A_125 {
          %mul3A_145 = arith.constant 5000 : i32
          %mul3A_146 = arith.muli %add3A, %mul3A_145 : i32
          %sub3A = arith.constant 2 : i32
          %sub3A_147 = arith.subi %scan3A_60, %sub3A : i32
          %mul3A_148 = arith.constant 40 : i32
          %mul3A_149 = arith.muli %sub3A_147, %mul3A_148 : i32
          %add3A_150 = arith.addi %mul3A_146, %mul3A_149 : i32
          %dma_wait3A_151 = arith.constant 0 : i32
          %dma_wait3A_152 = tpu.memref_slice %arg7[%add3A_150, %dma_wait3A_151] : memref<160000x128xf32, #tpu.memory_space<hbm>> -> memref<40x128xf32, #tpu.memory_space<hbm>>
          %dma_wait3A_153 = arith.constant 0 : i32
          %dma_wait3A_154 = tpu.memref_slice %arg7[%add3A_150, %dma_wait3A_153] : memref<160000x128xf32, #tpu.memory_space<hbm>> -> memref<40x128xf32, #tpu.memory_space<hbm>>
          tpu.wait_dma2 semaphore(%arg28 : memref<!tpu.dma_semaphore, #tpu.memory_space<semaphore_mem>>) src(%arg18 : memref<40x128xf32, #tpu.memory_space<vmem>>) dst(%dma_wait3A_154 : memref<40x128xf32, #tpu.memory_space<hbm>>)
          %dma_wait3A_155 = arith.constant 0 : i32
          %dma_wait3A_156 = tpu.memref_slice %arg8[%add3A_150, %dma_wait3A_155] : memref<160000x16xf32, #tpu.memory_space<hbm>> -> memref<40x16xf32, #tpu.memory_space<hbm>>
          %dma_wait3A_157 = arith.constant 0 : i32
          %dma_wait3A_158 = tpu.memref_slice %arg8[%add3A_150, %dma_wait3A_157] : memref<160000x16xf32, #tpu.memory_space<hbm>> -> memref<40x16xf32, #tpu.memory_space<hbm>>
          tpu.wait_dma2 semaphore(%arg30 : memref<!tpu.dma_semaphore, #tpu.memory_space<semaphore_mem>>) src(%arg20 : memref<40x16xf32, #tpu.memory_space<vmem>>) dst(%dma_wait3A_158 : memref<40x16xf32, #tpu.memory_space<hbm>>)
        } else {
        }
        %scan3A_126 = arith.constant 0 : i32
        %scan3A_127 = arith.constant 0 : i32
        %scan3A_128 = arith.constant 40 : i32
        %scan3A_129 = arith.addi %scan3A_127, %scan3A_128 : i32
        %scan3A_130 = arith.constant 1 : i32
        scf.for %scan3A_145 = %scan3A_127 to %scan3A_129 step %scan3A_130  : i32 {
          %get3A = arith.index_cast %scan3A_145 : i32 to index
          %get3A_146 = arith.constant 128 : index
          %get3A_147 = tpu.vector_load %arg16[%get3A, %get3A_146] {strides = array<i32>} : memref<40x144xf32, #tpu.memory_space<vmem>>, vector<1x16xf32>,
          %get3A_148 = vector.shape_cast %get3A_147 : vector<1x16xf32> to vector<16xf32>
          %mul3A_149 = arith.constant 0.000000e+00 : f32
          %mul3A_150 = vector.broadcast %mul3A_149 : f32 to vector<16xf32>
          %mul3A_151 = arith.mulf %get3A_148, %mul3A_150 : vector<16xf32>
          %get3A_152 = arith.index_cast %scan3A_145 : i32 to index
          %get3A_153 = arith.constant 0 : index
          %get3A_154 = tpu.vector_load %arg16[%get3A_152, %get3A_153] {strides = array<i32>} : memref<40x144xf32, #tpu.memory_space<vmem>>, vector<1x16xf32>,
          %get3A_155 = vector.shape_cast %get3A_154 : vector<1x16xf32> to vector<16xf32>
          %get3A_156 = arith.index_cast %scan3A_145 : i32 to index
          %get3A_157 = arith.constant 0 : index
          %get3A_158 = tpu.vector_load %arg12[%get3A_156, %get3A_157] {strides = array<i32>} : memref<40x128xf32, #tpu.memory_space<vmem>>, vector<1x16xf32>,
          %get3A_159 = vector.shape_cast %get3A_158 : vector<1x16xf32> to vector<16xf32>
          %get3A_160 = arith.index_cast %scan3A_145 : i32 to index
          %get3A_161 = arith.constant 0 : index
          %get3A_162 = tpu.vector_load %arg14[%get3A_160, %get3A_161] {strides = array<i32>} : memref<40x256xf32, #tpu.memory_space<vmem>>, vector<1x16xf32>,
          %get3A_163 = vector.shape_cast %get3A_162 : vector<1x16xf32> to vector<16xf32>
          %add3A_164 = arith.addf %get3A_163, %get3A_155 : vector<16xf32>
          %get3A_165 = arith.index_cast %scan3A_145 : i32 to index
          %get3A_166 = arith.constant 128 : index
          %get3A_167 = tpu.vector_load %arg14[%get3A_165, %get3A_166] {strides = array<i32>} : memref<40x256xf32, #tpu.memory_space<vmem>>, vector<1x16xf32>,
          %get3A_168 = vector.shape_cast %get3A_167 : vector<1x16xf32> to vector<16xf32>
          %add3A_169 = arith.addf %get3A_168, %get3A_155 : vector<16xf32>
          %mul3A_170 = arith.mulf %get3A_159, %add3A_164 : vector<16xf32>
          %gather3A = vector.shape_cast %reshape3A : vector<16x1xi32> to vector<16xi32>
          %gather3A_171 = tpu.dynamic_gather %mul3A_170[%gather3A] in [0] : vector<16xf32>, vector<16xi32> -> vector<16xf32>
          %add3A_172 = arith.addf %mul3A_170, %gather3A_171 : vector<16xf32>
          %gather3A_173 = vector.shape_cast %reshape3A_6 : vector<16x1xi32> to vector<16xi32>
          %gather3A_174 = tpu.dynamic_gather %add3A_172[%gather3A_173] in [0] : vector<16xf32>, vector<16xi32> -> vector<16xf32>
          %add3A_175 = arith.addf %add3A_172, %gather3A_174 : vector<16xf32>
          %gather3A_176 = vector.shape_cast %reshape3A_10 : vector<16x1xi32> to vector<16xi32>
          %gather3A_177 = tpu.dynamic_gather %add3A_175[%gather3A_176] in [0] : vector<16xf32>, vector<16xi32> -> vector<16xf32>
          %add3A_178 = arith.addf %add3A_175, %gather3A_177 : vector<16xf32>
          %gather3A_179 = vector.shape_cast %reshape3A_14 : vector<16x1xi32> to vector<16xi32>
          %gather3A_180 = tpu.dynamic_gather %add3A_178[%gather3A_179] in [0] : vector<16xf32>, vector<16xi32> -> vector<16xf32>
          %add3A_181 = arith.addf %add3A_178, %gather3A_180 : vector<16xf32>
          %eq3A_182 = arith.constant 0 : i32
          %eq3A_183 = vector.broadcast %eq3A_182 : i32 to vector<16xi32>
          %eq3A_184 = arith.cmpi eq, %iota3A, %eq3A_183 : vector<16xi32>
          %select_n3A_185 = arith.select %eq3A_184, %add3A_181, %mul3A_151 : vector<16xi1>, vector<16xf32>
          %swap3A = arith.index_cast %scan3A_145 : i32 to index
          %swap3A_186 = arith.constant 0 : index
          %swap3A_187 = tpu.vector_load %arg18[%swap3A, %swap3A_186] {strides = array<i32>} : memref<40x128xf32, #tpu.memory_space<vmem>>, vector<1x16xf32>,
          %swap3A_188 = vector.shape_cast %swap3A_187 : vector<1x16xf32> to vector<16xf32>
          %swap3A_189 = vector.shape_cast %add3A_169 : vector<16xf32> to vector<1x16xf32>
          tpu.vector_store %arg18[%swap3A, %swap3A_186], %swap3A_189 {strides = array<i32>} : memref<40x128xf32, #tpu.memory_space<vmem>>, vector<1x16xf32>,
          %get3A_190 = arith.index_cast %scan3A_145 : i32 to index
          %get3A_191 = arith.constant 16 : index
          %get3A_192 = tpu.vector_load %arg16[%get3A_190, %get3A_191] {strides = array<i32>} : memref<40x144xf32, #tpu.memory_space<vmem>>, vector<1x16xf32>,
          %get3A_193 = vector.shape_cast %get3A_192 : vector<1x16xf32> to vector<16xf32>
          %get3A_194 = arith.index_cast %scan3A_145 : i32 to index
          %get3A_195 = arith.constant 16 : index
          %get3A_196 = tpu.vector_load %arg12[%get3A_194, %get3A_195] {strides = array<i32>} : memref<40x128xf32, #tpu.memory_space<vmem>>, vector<1x16xf32>,
          %get3A_197 = vector.shape_cast %get3A_196 : vector<1x16xf32> to vector<16xf32>
          %get3A_198 = arith.index_cast %scan3A_145 : i32 to index
          %get3A_199 = arith.constant 16 : index
          %get3A_200 = tpu.vector_load %arg14[%get3A_198, %get3A_199] {strides = array<i32>} : memref<40x256xf32, #tpu.memory_space<vmem>>, vector<1x16xf32>,
          %get3A_201 = vector.shape_cast %get3A_200 : vector<1x16xf32> to vector<16xf32>
          %add3A_202 = arith.addf %get3A_201, %get3A_193 : vector<16xf32>
          %get3A_203 = arith.index_cast %scan3A_145 : i32 to index
          %get3A_204 = arith.constant 144 : index
          %get3A_205 = tpu.vector_load %arg14[%get3A_203, %get3A_204] {strides = array<i32>} : memref<40x256xf32, #tpu.memory_space<vmem>>, vector<1x16xf32>,
          %get3A_206 = vector.shape_cast %get3A_205 : vector<1x16xf32> to vector<16xf32>
          %add3A_207 = arith.addf %get3A_206, %get3A_193 : vector<16xf32>
          %mul3A_208 = arith.mulf %get3A_197, %add3A_202 : vector<16xf32>
          %gather3A_209 = vector.shape_cast %reshape3A : vector<16x1xi32> to vector<16xi32>
          %gather3A_210 = tpu.dynamic_gather %mul3A_208[%gather3A_209] in [0] : vector<16xf32>, vector<16xi32> -> vector<16xf32>
          %add3A_211 = arith.addf %mul3A_208, %gather3A_210 : vector<16xf32>
          %gather3A_212 = vector.shape_cast %reshape3A_6 : vector<16x1xi32> to vector<16xi32>
          %gather3A_213 = tpu.dynamic_gather %add3A_211[%gather3A_212] in [0] : vector<16xf32>, vector<16xi32> -> vector<16xf32>
          %add3A_214 = arith.addf %add3A_211, %gather3A_213 : vector<16xf32>
          %gather3A_215 = vector.shape_cast %reshape3A_10 : vector<16x1xi32> to vector<16xi32>
          %gather3A_216 = tpu.dynamic_gather %add3A_214[%gather3A_215] in [0] : vector<16xf32>, vector<16xi32> -> vector<16xf32>
          %add3A_217 = arith.addf %add3A_214, %gather3A_216 : vector<16xf32>
          %gather3A_218 = vector.shape_cast %reshape3A_14 : vector<16x1xi32> to vector<16xi32>
          %gather3A_219 = tpu.dynamic_gather %add3A_217[%gather3A_218] in [0] : vector<16xf32>, vector<16xi32> -> vector<16xf32>
          %add3A_220 = arith.addf %add3A_217, %gather3A_219 : vector<16xf32>
          %eq3A_221 = arith.constant 1 : i32
          %eq3A_222 = vector.broadcast %eq3A_221 : i32 to vector<16xi32>
          %eq3A_223 = arith.cmpi eq, %iota3A, %eq3A_222 : vector<16xi32>
          %select_n3A_224 = arith.select %eq3A_223, %add3A_220, %select_n3A_185 : vector<16xi1>, vector<16xf32>
          %swap3A_225 = arith.index_cast %scan3A_145 : i32 to index
          %swap3A_226 = arith.constant 16 : index
          %swap3A_227 = tpu.vector_load %arg18[%swap3A_225, %swap3A_226] {strides = array<i32>} : memref<40x128xf32, #tpu.memory_space<vmem>>, vector<1x16xf32>,
          %swap3A_228 = vector.shape_cast %swap3A_227 : vector<1x16xf32> to vector<16xf32>
          %swap3A_229 = vector.shape_cast %add3A_207 : vector<16xf32> to vector<1x16xf32>
          tpu.vector_store %arg18[%swap3A_225, %swap3A_226], %swap3A_229 {strides = array<i32>} : memref<40x128xf32, #tpu.memory_space<vmem>>, vector<1x16xf32>,
          %get3A_230 = arith.index_cast %scan3A_145 : i32 to index
          %get3A_231 = arith.constant 32 : index
          %get3A_232 = tpu.vector_load %arg16[%get3A_230, %get3A_231] {strides = array<i32>} : memref<40x144xf32, #tpu.memory_space<vmem>>, vector<1x16xf32>,
          %get3A_233 = vector.shape_cast %get3A_232 : vector<1x16xf32> to vector<16xf32>
          %get3A_234 = arith.index_cast %scan3A_145 : i32 to index
          %get3A_235 = arith.constant 32 : index
          %get3A_236 = tpu.vector_load %arg12[%get3A_234, %get3A_235] {strides = array<i32>} : memref<40x128xf32, #tpu.memory_space<vmem>>, vector<1x16xf32>,
          %get3A_237 = vector.shape_cast %get3A_236 : vector<1x16xf32> to vector<16xf32>
          %get3A_238 = arith.index_cast %scan3A_145 : i32 to index
          %get3A_239 = arith.constant 32 : index
          %get3A_240 = tpu.vector_load %arg14[%get3A_238, %get3A_239] {strides = array<i32>} : memref<40x256xf32, #tpu.memory_space<vmem>>, vector<1x16xf32>,
          %get3A_241 = vector.shape_cast %get3A_240 : vector<1x16xf32> to vector<16xf32>
          %add3A_242 = arith.addf %get3A_241, %get3A_233 : vector<16xf32>
          %get3A_243 = arith.index_cast %scan3A_145 : i32 to index
          %get3A_244 = arith.constant 160 : index
          %get3A_245 = tpu.vector_load %arg14[%get3A_243, %get3A_244] {strides = array<i32>} : memref<40x256xf32, #tpu.memory_space<vmem>>, vector<1x16xf32>,
          %get3A_246 = vector.shape_cast %get3A_245 : vector<1x16xf32> to vector<16xf32>
          %add3A_247 = arith.addf %get3A_246, %get3A_233 : vector<16xf32>
          %mul3A_248 = arith.mulf %get3A_237, %add3A_242 : vector<16xf32>
          %gather3A_249 = vector.shape_cast %reshape3A : vector<16x1xi32> to vector<16xi32>
          %gather3A_250 = tpu.dynamic_gather %mul3A_248[%gather3A_249] in [0] : vector<16xf32>, vector<16xi32> -> vector<16xf32>
          %add3A_251 = arith.addf %mul3A_248, %gather3A_250 : vector<16xf32>
          %gather3A_252 = vector.shape_cast %reshape3A_6 : vector<16x1xi32> to vector<16xi32>
          %gather3A_253 = tpu.dynamic_gather %add3A_251[%gather3A_252] in [0] : vector<16xf32>, vector<16xi32> -> vector<16xf32>
          %add3A_254 = arith.addf %add3A_251, %gather3A_253 : vector<16xf32>
          %gather3A_255 = vector.shape_cast %reshape3A_10 : vector<16x1xi32> to vector<16xi32>
          %gather3A_256 = tpu.dynamic_gather %add3A_254[%gather3A_255] in [0] : vector<16xf32>, vector<16xi32> -> vector<16xf32>
          %add3A_257 = arith.addf %add3A_254, %gather3A_256 : vector<16xf32>
          %gather3A_258 = vector.shape_cast %reshape3A_14 : vector<16x1xi32> to vector<16xi32>
          %gather3A_259 = tpu.dynamic_gather %add3A_257[%gather3A_258] in [0] : vector<16xf32>, vector<16xi32> -> vector<16xf32>
          %add3A_260 = arith.addf %add3A_257, %gather3A_259 : vector<16xf32>
          %eq3A_261 = arith.constant 2 : i32
          %eq3A_262 = vector.broadcast %eq3A_261 : i32 to vector<16xi32>
          %eq3A_263 = arith.cmpi eq, %iota3A, %eq3A_262 : vector<16xi32>
          %select_n3A_264 = arith.select %eq3A_263, %add3A_260, %select_n3A_224 : vector<16xi1>, vector<16xf32>
          %swap3A_265 = arith.index_cast %scan3A_145 : i32 to index
          %swap3A_266 = arith.constant 32 : index
          %swap3A_267 = tpu.vector_load %arg18[%swap3A_265, %swap3A_266] {strides = array<i32>} : memref<40x128xf32, #tpu.memory_space<vmem>>, vector<1x16xf32>,
          %swap3A_268 = vector.shape_cast %swap3A_267 : vector<1x16xf32> to vector<16xf32>
          %swap3A_269 = vector.shape_cast %add3A_247 : vector<16xf32> to vector<1x16xf32>
          tpu.vector_store %arg18[%swap3A_265, %swap3A_266], %swap3A_269 {strides = array<i32>} : memref<40x128xf32, #tpu.memory_space<vmem>>, vector<1x16xf32>,
          %get3A_270 = arith.index_cast %scan3A_145 : i32 to index
          %get3A_271 = arith.constant 48 : index
          %get3A_272 = tpu.vector_load %arg16[%get3A_270, %get3A_271] {strides = array<i32>} : memref<40x144xf32, #tpu.memory_space<vmem>>, vector<1x16xf32>,
          %get3A_273 = vector.shape_cast %get3A_272 : vector<1x16xf32> to vector<16xf32>
          %get3A_274 = arith.index_cast %scan3A_145 : i32 to index
          %get3A_275 = arith.constant 48 : index
          %get3A_276 = tpu.vector_load %arg12[%get3A_274, %get3A_275] {strides = array<i32>} : memref<40x128xf32, #tpu.memory_space<vmem>>, vector<1x16xf32>,
          %get3A_277 = vector.shape_cast %get3A_276 : vector<1x16xf32> to vector<16xf32>
          %get3A_278 = arith.index_cast %scan3A_145 : i32 to index
          %get3A_279 = arith.constant 48 : index
          %get3A_280 = tpu.vector_load %arg14[%get3A_278, %get3A_279] {strides = array<i32>} : memref<40x256xf32, #tpu.memory_space<vmem>>, vector<1x16xf32>,
          %get3A_281 = vector.shape_cast %get3A_280 : vector<1x16xf32> to vector<16xf32>
          %add3A_282 = arith.addf %get3A_281, %get3A_273 : vector<16xf32>
          %get3A_283 = arith.index_cast %scan3A_145 : i32 to index
          %get3A_284 = arith.constant 176 : index
          %get3A_285 = tpu.vector_load %arg14[%get3A_283, %get3A_284] {strides = array<i32>} : memref<40x256xf32, #tpu.memory_space<vmem>>, vector<1x16xf32>,
          %get3A_286 = vector.shape_cast %get3A_285 : vector<1x16xf32> to vector<16xf32>
          %add3A_287 = arith.addf %get3A_286, %get3A_273 : vector<16xf32>
          %mul3A_288 = arith.mulf %get3A_277, %add3A_282 : vector<16xf32>
          %gather3A_289 = vector.shape_cast %reshape3A : vector<16x1xi32> to vector<16xi32>
          %gather3A_290 = tpu.dynamic_gather %mul3A_288[%gather3A_289] in [0] : vector<16xf32>, vector<16xi32> -> vector<16xf32>
          %add3A_291 = arith.addf %mul3A_288, %gather3A_290 : vector<16xf32>
          %gather3A_292 = vector.shape_cast %reshape3A_6 : vector<16x1xi32> to vector<16xi32>
          %gather3A_293 = tpu.dynamic_gather %add3A_291[%gather3A_292] in [0] : vector<16xf32>, vector<16xi32> -> vector<16xf32>
          %add3A_294 = arith.addf %add3A_291, %gather3A_293 : vector<16xf32>
          %gather3A_295 = vector.shape_cast %reshape3A_10 : vector<16x1xi32> to vector<16xi32>
          %gather3A_296 = tpu.dynamic_gather %add3A_294[%gather3A_295] in [0] : vector<16xf32>, vector<16xi32> -> vector<16xf32>
          %add3A_297 = arith.addf %add3A_294, %gather3A_296 : vector<16xf32>
          %gather3A_298 = vector.shape_cast %reshape3A_14 : vector<16x1xi32> to vector<16xi32>
          %gather3A_299 = tpu.dynamic_gather %add3A_297[%gather3A_298] in [0] : vector<16xf32>, vector<16xi32> -> vector<16xf32>
          %add3A_300 = arith.addf %add3A_297, %gather3A_299 : vector<16xf32>
          %eq3A_301 = arith.constant 3 : i32
          %eq3A_302 = vector.broadcast %eq3A_301 : i32 to vector<16xi32>
          %eq3A_303 = arith.cmpi eq, %iota3A, %eq3A_302 : vector<16xi32>
          %select_n3A_304 = arith.select %eq3A_303, %add3A_300, %select_n3A_264 : vector<16xi1>, vector<16xf32>
          %swap3A_305 = arith.index_cast %scan3A_145 : i32 to index
          %swap3A_306 = arith.constant 48 : index
          %swap3A_307 = tpu.vector_load %arg18[%swap3A_305, %swap3A_306] {strides = array<i32>} : memref<40x128xf32, #tpu.memory_space<vmem>>, vector<1x16xf32>,
          %swap3A_308 = vector.shape_cast %swap3A_307 : vector<1x16xf32> to vector<16xf32>
          %swap3A_309 = vector.shape_cast %add3A_287 : vector<16xf32> to vector<1x16xf32>
          tpu.vector_store %arg18[%swap3A_305, %swap3A_306], %swap3A_309 {strides = array<i32>} : memref<40x128xf32, #tpu.memory_space<vmem>>, vector<1x16xf32>,
          %get3A_310 = arith.index_cast %scan3A_145 : i32 to index
          %get3A_311 = arith.constant 64 : index
          %get3A_312 = tpu.vector_load %arg16[%get3A_310, %get3A_311] {strides = array<i32>} : memref<40x144xf32, #tpu.memory_space<vmem>>, vector<1x16xf32>,
          %get3A_313 = vector.shape_cast %get3A_312 : vector<1x16xf32> to vector<16xf32>
          %get3A_314 = arith.index_cast %scan3A_145 : i32 to index
          %get3A_315 = arith.constant 64 : index
          %get3A_316 = tpu.vector_load %arg12[%get3A_314, %get3A_315] {strides = array<i32>} : memref<40x128xf32, #tpu.memory_space<vmem>>, vector<1x16xf32>,
          %get3A_317 = vector.shape_cast %get3A_316 : vector<1x16xf32> to vector<16xf32>
          %get3A_318 = arith.index_cast %scan3A_145 : i32 to index
          %get3A_319 = arith.constant 64 : index
          %get3A_320 = tpu.vector_load %arg14[%get3A_318, %get3A_319] {strides = array<i32>} : memref<40x256xf32, #tpu.memory_space<vmem>>, vector<1x16xf32>,
          %get3A_321 = vector.shape_cast %get3A_320 : vector<1x16xf32> to vector<16xf32>
          %add3A_322 = arith.addf %get3A_321, %get3A_313 : vector<16xf32>
          %get3A_323 = arith.index_cast %scan3A_145 : i32 to index
          %get3A_324 = arith.constant 192 : index
          %get3A_325 = tpu.vector_load %arg14[%get3A_323, %get3A_324] {strides = array<i32>} : memref<40x256xf32, #tpu.memory_space<vmem>>, vector<1x16xf32>,
          %get3A_326 = vector.shape_cast %get3A_325 : vector<1x16xf32> to vector<16xf32>
          %add3A_327 = arith.addf %get3A_326, %get3A_313 : vector<16xf32>
          %mul3A_328 = arith.mulf %get3A_317, %add3A_322 : vector<16xf32>
          %gather3A_329 = vector.shape_cast %reshape3A : vector<16x1xi32> to vector<16xi32>
          %gather3A_330 = tpu.dynamic_gather %mul3A_328[%gather3A_329] in [0] : vector<16xf32>, vector<16xi32> -> vector<16xf32>
          %add3A_331 = arith.addf %mul3A_328, %gather3A_330 : vector<16xf32>
          %gather3A_332 = vector.shape_cast %reshape3A_6 : vector<16x1xi32> to vector<16xi32>
          %gather3A_333 = tpu.dynamic_gather %add3A_331[%gather3A_332] in [0] : vector<16xf32>, vector<16xi32> -> vector<16xf32>
          %add3A_334 = arith.addf %add3A_331, %gather3A_333 : vector<16xf32>
          %gather3A_335 = vector.shape_cast %reshape3A_10 : vector<16x1xi32> to vector<16xi32>
          %gather3A_336 = tpu.dynamic_gather %add3A_334[%gather3A_335] in [0] : vector<16xf32>, vector<16xi32> -> vector<16xf32>
          %add3A_337 = arith.addf %add3A_334, %gather3A_336 : vector<16xf32>
          %gather3A_338 = vector.shape_cast %reshape3A_14 : vector<16x1xi32> to vector<16xi32>
          %gather3A_339 = tpu.dynamic_gather %add3A_337[%gather3A_338] in [0] : vector<16xf32>, vector<16xi32> -> vector<16xf32>
          %add3A_340 = arith.addf %add3A_337, %gather3A_339 : vector<16xf32>
          %eq3A_341 = arith.constant 4 : i32
          %eq3A_342 = vector.broadcast %eq3A_341 : i32 to vector<16xi32>
          %eq3A_343 = arith.cmpi eq, %iota3A, %eq3A_342 : vector<16xi32>
          %select_n3A_344 = arith.select %eq3A_343, %add3A_340, %select_n3A_304 : vector<16xi1>, vector<16xf32>
          %swap3A_345 = arith.index_cast %scan3A_145 : i32 to index
          %swap3A_346 = arith.constant 64 : index
          %swap3A_347 = tpu.vector_load %arg18[%swap3A_345, %swap3A_346] {strides = array<i32>} : memref<40x128xf32, #tpu.memory_space<vmem>>, vector<1x16xf32>,
          %swap3A_348 = vector.shape_cast %swap3A_347 : vector<1x16xf32> to vector<16xf32>
          %swap3A_349 = vector.shape_cast %add3A_327 : vector<16xf32> to vector<1x16xf32>
          tpu.vector_store %arg18[%swap3A_345, %swap3A_346], %swap3A_349 {strides = array<i32>} : memref<40x128xf32, #tpu.memory_space<vmem>>, vector<1x16xf32>,
          %get3A_350 = arith.index_cast %scan3A_145 : i32 to index
          %get3A_351 = arith.constant 80 : index
          %get3A_352 = tpu.vector_load %arg16[%get3A_350, %get3A_351] {strides = array<i32>} : memref<40x144xf32, #tpu.memory_space<vmem>>, vector<1x16xf32>,
          %get3A_353 = vector.shape_cast %get3A_352 : vector<1x16xf32> to vector<16xf32>
          %get3A_354 = arith.index_cast %scan3A_145 : i32 to index
          %get3A_355 = arith.constant 80 : index
          %get3A_356 = tpu.vector_load %arg12[%get3A_354, %get3A_355] {strides = array<i32>} : memref<40x128xf32, #tpu.memory_space<vmem>>, vector<1x16xf32>,
          %get3A_357 = vector.shape_cast %get3A_356 : vector<1x16xf32> to vector<16xf32>
          %get3A_358 = arith.index_cast %scan3A_145 : i32 to index
          %get3A_359 = arith.constant 80 : index
          %get3A_360 = tpu.vector_load %arg14[%get3A_358, %get3A_359] {strides = array<i32>} : memref<40x256xf32, #tpu.memory_space<vmem>>, vector<1x16xf32>,
          %get3A_361 = vector.shape_cast %get3A_360 : vector<1x16xf32> to vector<16xf32>
          %add3A_362 = arith.addf %get3A_361, %get3A_353 : vector<16xf32>
          %get3A_363 = arith.index_cast %scan3A_145 : i32 to index
          %get3A_364 = arith.constant 208 : index
          %get3A_365 = tpu.vector_load %arg14[%get3A_363, %get3A_364] {strides = array<i32>} : memref<40x256xf32, #tpu.memory_space<vmem>>, vector<1x16xf32>,
          %get3A_366 = vector.shape_cast %get3A_365 : vector<1x16xf32> to vector<16xf32>
          %add3A_367 = arith.addf %get3A_366, %get3A_353 : vector<16xf32>
          %mul3A_368 = arith.mulf %get3A_357, %add3A_362 : vector<16xf32>
          %gather3A_369 = vector.shape_cast %reshape3A : vector<16x1xi32> to vector<16xi32>
          %gather3A_370 = tpu.dynamic_gather %mul3A_368[%gather3A_369] in [0] : vector<16xf32>, vector<16xi32> -> vector<16xf32>
          %add3A_371 = arith.addf %mul3A_368, %gather3A_370 : vector<16xf32>
          %gather3A_372 = vector.shape_cast %reshape3A_6 : vector<16x1xi32> to vector<16xi32>
          %gather3A_373 = tpu.dynamic_gather %add3A_371[%gather3A_372] in [0] : vector<16xf32>, vector<16xi32> -> vector<16xf32>
          %add3A_374 = arith.addf %add3A_371, %gather3A_373 : vector<16xf32>
          %gather3A_375 = vector.shape_cast %reshape3A_10 : vector<16x1xi32> to vector<16xi32>
          %gather3A_376 = tpu.dynamic_gather %add3A_374[%gather3A_375] in [0] : vector<16xf32>, vector<16xi32> -> vector<16xf32>
          %add3A_377 = arith.addf %add3A_374, %gather3A_376 : vector<16xf32>
          %gather3A_378 = vector.shape_cast %reshape3A_14 : vector<16x1xi32> to vector<16xi32>
          %gather3A_379 = tpu.dynamic_gather %add3A_377[%gather3A_378] in [0] : vector<16xf32>, vector<16xi32> -> vector<16xf32>
          %add3A_380 = arith.addf %add3A_377, %gather3A_379 : vector<16xf32>
          %eq3A_381 = arith.constant 5 : i32
          %eq3A_382 = vector.broadcast %eq3A_381 : i32 to vector<16xi32>
          %eq3A_383 = arith.cmpi eq, %iota3A, %eq3A_382 : vector<16xi32>
          %select_n3A_384 = arith.select %eq3A_383, %add3A_380, %select_n3A_344 : vector<16xi1>, vector<16xf32>
          %swap3A_385 = arith.index_cast %scan3A_145 : i32 to index
          %swap3A_386 = arith.constant 80 : index
          %swap3A_387 = tpu.vector_load %arg18[%swap3A_385, %swap3A_386] {strides = array<i32>} : memref<40x128xf32, #tpu.memory_space<vmem>>, vector<1x16xf32>,
          %swap3A_388 = vector.shape_cast %swap3A_387 : vector<1x16xf32> to vector<16xf32>
          %swap3A_389 = vector.shape_cast %add3A_367 : vector<16xf32> to vector<1x16xf32>
          tpu.vector_store %arg18[%swap3A_385, %swap3A_386], %swap3A_389 {strides = array<i32>} : memref<40x128xf32, #tpu.memory_space<vmem>>, vector<1x16xf32>,
          %get3A_390 = arith.index_cast %scan3A_145 : i32 to index
          %get3A_391 = arith.constant 96 : index
          %get3A_392 = tpu.vector_load %arg16[%get3A_390, %get3A_391] {strides = array<i32>} : memref<40x144xf32, #tpu.memory_space<vmem>>, vector<1x16xf32>,
          %get3A_393 = vector.shape_cast %get3A_392 : vector<1x16xf32> to vector<16xf32>
          %get3A_394 = arith.index_cast %scan3A_145 : i32 to index
          %get3A_395 = arith.constant 96 : index
          %get3A_396 = tpu.vector_load %arg12[%get3A_394, %get3A_395] {strides = array<i32>} : memref<40x128xf32, #tpu.memory_space<vmem>>, vector<1x16xf32>,
          %get3A_397 = vector.shape_cast %get3A_396 : vector<1x16xf32> to vector<16xf32>
          %get3A_398 = arith.index_cast %scan3A_145 : i32 to index
          %get3A_399 = arith.constant 96 : index
          %get3A_400 = tpu.vector_load %arg14[%get3A_398, %get3A_399] {strides = array<i32>} : memref<40x256xf32, #tpu.memory_space<vmem>>, vector<1x16xf32>,
          %get3A_401 = vector.shape_cast %get3A_400 : vector<1x16xf32> to vector<16xf32>
          %add3A_402 = arith.addf %get3A_401, %get3A_393 : vector<16xf32>
          %get3A_403 = arith.index_cast %scan3A_145 : i32 to index
          %get3A_404 = arith.constant 224 : index
          %get3A_405 = tpu.vector_load %arg14[%get3A_403, %get3A_404] {strides = array<i32>} : memref<40x256xf32, #tpu.memory_space<vmem>>, vector<1x16xf32>,
          %get3A_406 = vector.shape_cast %get3A_405 : vector<1x16xf32> to vector<16xf32>
          %add3A_407 = arith.addf %get3A_406, %get3A_393 : vector<16xf32>
          %mul3A_408 = arith.mulf %get3A_397, %add3A_402 : vector<16xf32>
          %gather3A_409 = vector.shape_cast %reshape3A : vector<16x1xi32> to vector<16xi32>
          %gather3A_410 = tpu.dynamic_gather %mul3A_408[%gather3A_409] in [0] : vector<16xf32>, vector<16xi32> -> vector<16xf32>
          %add3A_411 = arith.addf %mul3A_408, %gather3A_410 : vector<16xf32>
          %gather3A_412 = vector.shape_cast %reshape3A_6 : vector<16x1xi32> to vector<16xi32>
          %gather3A_413 = tpu.dynamic_gather %add3A_411[%gather3A_412] in [0] : vector<16xf32>, vector<16xi32> -> vector<16xf32>
          %add3A_414 = arith.addf %add3A_411, %gather3A_413 : vector<16xf32>
          %gather3A_415 = vector.shape_cast %reshape3A_10 : vector<16x1xi32> to vector<16xi32>
          %gather3A_416 = tpu.dynamic_gather %add3A_414[%gather3A_415] in [0] : vector<16xf32>, vector<16xi32> -> vector<16xf32>
          %add3A_417 = arith.addf %add3A_414, %gather3A_416 : vector<16xf32>
          %gather3A_418 = vector.shape_cast %reshape3A_14 : vector<16x1xi32> to vector<16xi32>
          %gather3A_419 = tpu.dynamic_gather %add3A_417[%gather3A_418] in [0] : vector<16xf32>, vector<16xi32> -> vector<16xf32>
          %add3A_420 = arith.addf %add3A_417, %gather3A_419 : vector<16xf32>
          %eq3A_421 = arith.constant 6 : i32
          %eq3A_422 = vector.broadcast %eq3A_421 : i32 to vector<16xi32>
          %eq3A_423 = arith.cmpi eq, %iota3A, %eq3A_422 : vector<16xi32>
          %select_n3A_424 = arith.select %eq3A_423, %add3A_420, %select_n3A_384 : vector<16xi1>, vector<16xf32>
          %swap3A_425 = arith.index_cast %scan3A_145 : i32 to index
          %swap3A_426 = arith.constant 96 : index
          %swap3A_427 = tpu.vector_load %arg18[%swap3A_425, %swap3A_426] {strides = array<i32>} : memref<40x128xf32, #tpu.memory_space<vmem>>, vector<1x16xf32>,
          %swap3A_428 = vector.shape_cast %swap3A_427 : vector<1x16xf32> to vector<16xf32>
          %swap3A_429 = vector.shape_cast %add3A_407 : vector<16xf32> to vector<1x16xf32>
          tpu.vector_store %arg18[%swap3A_425, %swap3A_426], %swap3A_429 {strides = array<i32>} : memref<40x128xf32, #tpu.memory_space<vmem>>, vector<1x16xf32>,
          %get3A_430 = arith.index_cast %scan3A_145 : i32 to index
          %get3A_431 = arith.constant 112 : index
          %get3A_432 = tpu.vector_load %arg16[%get3A_430, %get3A_431] {strides = array<i32>} : memref<40x144xf32, #tpu.memory_space<vmem>>, vector<1x16xf32>,
          %get3A_433 = vector.shape_cast %get3A_432 : vector<1x16xf32> to vector<16xf32>
          %get3A_434 = arith.index_cast %scan3A_145 : i32 to index
          %get3A_435 = arith.constant 112 : index
          %get3A_436 = tpu.vector_load %arg12[%get3A_434, %get3A_435] {strides = array<i32>} : memref<40x128xf32, #tpu.memory_space<vmem>>, vector<1x16xf32>,
          %get3A_437 = vector.shape_cast %get3A_436 : vector<1x16xf32> to vector<16xf32>
          %get3A_438 = arith.index_cast %scan3A_145 : i32 to index
          %get3A_439 = arith.constant 112 : index
          %get3A_440 = tpu.vector_load %arg14[%get3A_438, %get3A_439] {strides = array<i32>} : memref<40x256xf32, #tpu.memory_space<vmem>>, vector<1x16xf32>,
          %get3A_441 = vector.shape_cast %get3A_440 : vector<1x16xf32> to vector<16xf32>
          %add3A_442 = arith.addf %get3A_441, %get3A_433 : vector<16xf32>
          %get3A_443 = arith.index_cast %scan3A_145 : i32 to index
          %get3A_444 = arith.constant 240 : index
          %get3A_445 = tpu.vector_load %arg14[%get3A_443, %get3A_444] {strides = array<i32>} : memref<40x256xf32, #tpu.memory_space<vmem>>, vector<1x16xf32>,
          %get3A_446 = vector.shape_cast %get3A_445 : vector<1x16xf32> to vector<16xf32>
          %add3A_447 = arith.addf %get3A_446, %get3A_433 : vector<16xf32>
          %mul3A_448 = arith.mulf %get3A_437, %add3A_442 : vector<16xf32>
          %gather3A_449 = vector.shape_cast %reshape3A : vector<16x1xi32> to vector<16xi32>
          %gather3A_450 = tpu.dynamic_gather %mul3A_448[%gather3A_449] in [0] : vector<16xf32>, vector<16xi32> -> vector<16xf32>
          %add3A_451 = arith.addf %mul3A_448, %gather3A_450 : vector<16xf32>
          %gather3A_452 = vector.shape_cast %reshape3A_6 : vector<16x1xi32> to vector<16xi32>
          %gather3A_453 = tpu.dynamic_gather %add3A_451[%gather3A_452] in [0] : vector<16xf32>, vector<16xi32> -> vector<16xf32>
          %add3A_454 = arith.addf %add3A_451, %gather3A_453 : vector<16xf32>
          %gather3A_455 = vector.shape_cast %reshape3A_10 : vector<16x1xi32> to vector<16xi32>
          %gather3A_456 = tpu.dynamic_gather %add3A_454[%gather3A_455] in [0] : vector<16xf32>, vector<16xi32> -> vector<16xf32>
          %add3A_457 = arith.addf %add3A_454, %gather3A_456 : vector<16xf32>
          %gather3A_458 = vector.shape_cast %reshape3A_14 : vector<16x1xi32> to vector<16xi32>
          %gather3A_459 = tpu.dynamic_gather %add3A_457[%gather3A_458] in [0] : vector<16xf32>, vector<16xi32> -> vector<16xf32>
          %add3A_460 = arith.addf %add3A_457, %gather3A_459 : vector<16xf32>
          %eq3A_461 = arith.constant 7 : i32
          %eq3A_462 = vector.broadcast %eq3A_461 : i32 to vector<16xi32>
          %eq3A_463 = arith.cmpi eq, %iota3A, %eq3A_462 : vector<16xi32>
          %select_n3A_464 = arith.select %eq3A_463, %add3A_460, %select_n3A_424 : vector<16xi1>, vector<16xf32>
          %swap3A_465 = arith.index_cast %scan3A_145 : i32 to index
          %swap3A_466 = arith.constant 112 : index
          %swap3A_467 = tpu.vector_load %arg18[%swap3A_465, %swap3A_466] {strides = array<i32>} : memref<40x128xf32, #tpu.memory_space<vmem>>, vector<1x16xf32>,
          %swap3A_468 = vector.shape_cast %swap3A_467 : vector<1x16xf32> to vector<16xf32>
          %swap3A_469 = vector.shape_cast %add3A_447 : vector<16xf32> to vector<1x16xf32>
          tpu.vector_store %arg18[%swap3A_465, %swap3A_466], %swap3A_469 {strides = array<i32>} : memref<40x128xf32, #tpu.memory_space<vmem>>, vector<1x16xf32>,
          %mul3A_470 = arith.constant 2.500000e-01 : f32
          %mul3A_471 = vector.broadcast %mul3A_470 : f32 to vector<16xf32>
          %mul3A_472 = arith.mulf %select_n3A_464, %mul3A_471 : vector<16xf32>
          %add3A_473 = arith.addf %mul3A_472, %get3A_148 : vector<16xf32>
          %swap3A_474 = arith.index_cast %scan3A_145 : i32 to index
          %swap3A_475 = arith.constant 0 : index
          %swap3A_476 = tpu.vector_load %arg20[%swap3A_474, %swap3A_475] {strides = array<i32>} : memref<40x16xf32, #tpu.memory_space<vmem>>, vector<1x16xf32>,
          %swap3A_477 = vector.shape_cast %swap3A_476 : vector<1x16xf32> to vector<16xf32>
          %swap3A_478 = vector.shape_cast %add3A_473 : vector<16xf32> to vector<1x16xf32>
          tpu.vector_store %arg20[%swap3A_474, %swap3A_475], %swap3A_478 {strides = array<i32>} : memref<40x16xf32, #tpu.memory_space<vmem>>, vector<1x16xf32>,
        }
        %scan3A_131 = arith.constant 40 : i32
        %mul3A_132 = arith.constant 5000 : i32
        %mul3A_133 = arith.muli %add3A, %mul3A_132 : i32
        %mul3A_134 = arith.constant 40 : i32
        %mul3A_135 = arith.muli %scan3A_60, %mul3A_134 : i32
        %add3A_136 = arith.addi %mul3A_133, %mul3A_135 : i32
        %dma_start3A_137 = arith.constant 0 : i32
        %dma_start3A_138 = tpu.memref_slice %arg7[%add3A_136, %dma_start3A_137] : memref<160000x128xf32, #tpu.memory_space<hbm>> -> memref<40x128xf32, #tpu.memory_space<hbm>>
        %dma_start3A_139 = arith.constant 0 : i32
        %dma_start3A_140 = tpu.memref_slice %arg7[%add3A_136, %dma_start3A_139] : memref<160000x128xf32, #tpu.memory_space<hbm>> -> memref<40x128xf32, #tpu.memory_space<hbm>>
        tpu.enqueue_dma source(%arg18 : memref<40x128xf32, #tpu.memory_space<vmem>>) target(%dma_start3A_140 : memref<40x128xf32, #tpu.memory_space<hbm>>) target_semaphore(%arg28 : memref<!tpu.dma_semaphore, #tpu.memory_space<semaphore_mem>>)
        %dma_start3A_141 = arith.constant 0 : i32
        %dma_start3A_142 = tpu.memref_slice %arg8[%add3A_136, %dma_start3A_141] : memref<160000x16xf32, #tpu.memory_space<hbm>> -> memref<40x16xf32, #tpu.memory_space<hbm>>
        %dma_start3A_143 = arith.constant 0 : i32
        %dma_start3A_144 = tpu.memref_slice %arg8[%add3A_136, %dma_start3A_143] : memref<160000x16xf32, #tpu.memory_space<hbm>> -> memref<40x16xf32, #tpu.memory_space<hbm>>
        tpu.enqueue_dma source(%arg20 : memref<40x16xf32, #tpu.memory_space<vmem>>) target(%dma_start3A_144 : memref<40x16xf32, #tpu.memory_space<hbm>>) target_semaphore(%arg30 : memref<!tpu.dma_semaphore, #tpu.memory_space<semaphore_mem>>)
      } else {
      }
    }
    %scan3A_36 = arith.constant 125 : i32
    %mul3A_37 = arith.constant 5000 : i32
    %mul3A_38 = arith.muli %add3A, %mul3A_37 : i32
    %add3A_39 = arith.constant 4920 : i32
    %add3A_40 = arith.addi %mul3A_38, %add3A_39 : i32
    %dma_wait3A = arith.constant 0 : i32
    %dma_wait3A_41 = tpu.memref_slice %arg7[%add3A_40, %dma_wait3A] : memref<160000x128xf32, #tpu.memory_space<hbm>> -> memref<40x128xf32, #tpu.memory_space<hbm>>
    %dma_wait3A_42 = arith.constant 0 : i32
    %dma_wait3A_43 = tpu.memref_slice %arg7[%add3A_40, %dma_wait3A_42] : memref<160000x128xf32, #tpu.memory_space<hbm>> -> memref<40x128xf32, #tpu.memory_space<hbm>>
    tpu.wait_dma2 semaphore(%arg28 : memref<!tpu.dma_semaphore, #tpu.memory_space<semaphore_mem>>) src(%arg18 : memref<40x128xf32, #tpu.memory_space<vmem>>) dst(%dma_wait3A_43 : memref<40x128xf32, #tpu.memory_space<hbm>>)
    %dma_wait3A_44 = arith.constant 0 : i32
    %dma_wait3A_45 = tpu.memref_slice %arg8[%add3A_40, %dma_wait3A_44] : memref<160000x16xf32, #tpu.memory_space<hbm>> -> memref<40x16xf32, #tpu.memory_space<hbm>>
    %dma_wait3A_46 = arith.constant 0 : i32
    %dma_wait3A_47 = tpu.memref_slice %arg8[%add3A_40, %dma_wait3A_46] : memref<160000x16xf32, #tpu.memory_space<hbm>> -> memref<40x16xf32, #tpu.memory_space<hbm>>
    tpu.wait_dma2 semaphore(%arg30 : memref<!tpu.dma_semaphore, #tpu.memory_space<semaphore_mem>>) src(%arg20 : memref<40x16xf32, #tpu.memory_space<vmem>>) dst(%dma_wait3A_47 : memref<40x16xf32, #tpu.memory_space<hbm>>)
    %mul3A_48 = arith.constant 5000 : i32
    %mul3A_49 = arith.muli %add3A, %mul3A_48 : i32
    %add3A_50 = arith.constant 4960 : i32
    %add3A_51 = arith.addi %mul3A_49, %add3A_50 : i32
    %dma_wait3A_52 = arith.constant 0 : i32
    %dma_wait3A_53 = tpu.memref_slice %arg7[%add3A_51, %dma_wait3A_52] : memref<160000x128xf32, #tpu.memory_space<hbm>> -> memref<40x128xf32, #tpu.memory_space<hbm>>
    %dma_wait3A_54 = arith.constant 0 : i32
    %dma_wait3A_55 = tpu.memref_slice %arg7[%add3A_51, %dma_wait3A_54] : memref<160000x128xf32, #tpu.memory_space<hbm>> -> memref<40x128xf32, #tpu.memory_space<hbm>>
    tpu.wait_dma2 semaphore(%arg27 : memref<!tpu.dma_semaphore, #tpu.memory_space<semaphore_mem>>) src(%arg17 : memref<40x128xf32, #tpu.memory_space<vmem>>) dst(%dma_wait3A_55 : memref<40x128xf32, #tpu.memory_space<hbm>>)
    %dma_wait3A_56 = arith.constant 0 : i32
    %dma_wait3A_57 = tpu.memref_slice %arg8[%add3A_51, %dma_wait3A_56] : memref<160000x16xf32, #tpu.memory_space<hbm>> -> memref<40x16xf32, #tpu.memory_space<hbm>>
    %dma_wait3A_58 = arith.constant 0 : i32
    %dma_wait3A_59 = tpu.memref_slice %arg8[%add3A_51, %dma_wait3A_58] : memref<160000x16xf32, #tpu.memory_space<hbm>> -> memref<40x16xf32, #tpu.memory_space<hbm>>
    tpu.wait_dma2 semaphore(%arg29 : memref<!tpu.dma_semaphore, #tpu.memory_space<semaphore_mem>>) src(%arg19 : memref<40x16xf32, #tpu.memory_space<vmem>>) dst(%dma_wait3A_59 : memref<40x16xf32, #tpu.memory_space<hbm>>)
    return
  }
}

#map = affine_map<(d0, d1) -> (0, 0)>
module attributes {stable_mosaic.version = 14 : i64} {
  func.func @_sc_convscatter_body(%arg0: i32, %arg1: i32, %arg2: memref<160000x128xf32, #tpu.memory_space<hbm>>, %arg3: memref<160000x128xf32, #tpu.memory_space<hbm>>, %arg4: memref<16x10000xi32, #tpu.memory_space<hbm>>, %arg5: memref<10240x128xf32, #tpu.memory_space<hbm>>, %arg6: memref<10240x128xf32, #tpu.memory_space<hbm>>, %arg7: memref<10240x128xf32, #tpu.memory_space<hbm>>, %arg8: memref<10240x128xf32, #tpu.memory_space<vmem_shared>>, %arg9: memref<10000xi32, #tpu.memory_space<vmem>>, %arg10: memref<200x128xf32, #tpu.memory_space<vmem>>) attributes {dimension_semantics = [#tpu.dimension_semantics<core_parallel>, #tpu.dimension_semantics<subcore_parallel>], iteration_bounds = array<i64: 2, 16>, scalar_prefetch = 0 : i64, scratch_operands = 3 : i64, tpu.core_type = #tpu.core_type<sc_vector_subcore>, window_params = [{transform_indices = #map}, {transform_indices = #map}, {transform_indices = #map}, {transform_indices = #map}, {transform_indices = #map}, {transform_indices = #map}]} {
    "tpu.region"() ({
      %run_scoped3A = tpu.sem_alloc : memref<!tpu.dma_semaphore, #tpu.memory_space<semaphore_mem>>
      %dma_start3A = arith.constant 0 : i32
      %dma_start3A_21 = tpu.memref_slice %arg4[%arg1, %dma_start3A] : memref<16x10000xi32, #tpu.memory_space<hbm>> -> memref<1x10000xi32, #tpu.memory_space<hbm>>
      %dma_start3A_22 = tpu.memref_squeeze %dma_start3A_21 : memref<1x10000xi32, #tpu.memory_space<hbm>> -> memref<10000xi32, #tpu.memory_space<hbm>>
      %dma_start3A_23 = arith.constant 0 : i32
      %dma_start3A_24 = tpu.memref_slice %arg4[%arg1, %dma_start3A_23] : memref<16x10000xi32, #tpu.memory_space<hbm>> -> memref<1x10000xi32, #tpu.memory_space<hbm>>
      %dma_start3A_25 = tpu.memref_squeeze %dma_start3A_24 : memref<1x10000xi32, #tpu.memory_space<hbm>> -> memref<10000xi32, #tpu.memory_space<hbm>>
      tpu.enqueue_dma source(%dma_start3A_25 : memref<10000xi32, #tpu.memory_space<hbm>>) target(%arg9 : memref<10000xi32, #tpu.memory_space<vmem>>) target_semaphore(%run_scoped3A : memref<!tpu.dma_semaphore, #tpu.memory_space<semaphore_mem>>)
      %dma_wait3A = arith.constant 0 : i32
      %dma_wait3A_26 = tpu.memref_slice %arg4[%arg1, %dma_wait3A] : memref<16x10000xi32, #tpu.memory_space<hbm>> -> memref<1x10000xi32, #tpu.memory_space<hbm>>
      %dma_wait3A_27 = tpu.memref_squeeze %dma_wait3A_26 : memref<1x10000xi32, #tpu.memory_space<hbm>> -> memref<10000xi32, #tpu.memory_space<hbm>>
      %dma_wait3A_28 = arith.constant 0 : i32
      %dma_wait3A_29 = tpu.memref_slice %arg4[%arg1, %dma_wait3A_28] : memref<16x10000xi32, #tpu.memory_space<hbm>> -> memref<1x10000xi32, #tpu.memory_space<hbm>>
      %dma_wait3A_30 = tpu.memref_squeeze %dma_wait3A_29 : memref<1x10000xi32, #tpu.memory_space<hbm>> -> memref<10000xi32, #tpu.memory_space<hbm>>
      tpu.wait_dma2 semaphore(%run_scoped3A : memref<!tpu.dma_semaphore, #tpu.memory_space<semaphore_mem>>) src(%dma_wait3A_30 : memref<10000xi32, #tpu.memory_space<hbm>>) dst(%arg9 : memref<10000xi32, #tpu.memory_space<vmem>>)
      tpu.yield
    }) : () -> ()
    %mul3A = arith.constant 640 : i32
    %mul3A_0 = arith.muli %arg1, %mul3A : i32
    %mul3A_1 = arith.constant 640 : i32
    %mul3A_2 = arith.muli %arg1, %mul3A_1 : i32
    "tpu.region"() ({
      %run_scoped3A = tpu.sem_alloc : memref<!tpu.dma_semaphore, #tpu.memory_space<semaphore_mem>>
      %dma_start3A = arith.constant 0 : i32
      %dma_start3A_21 = tpu.memref_slice %arg8[%mul3A_2, %dma_start3A] : memref<10240x128xf32, #tpu.memory_space<vmem_shared>> -> memref<640x128xf32, #tpu.memory_space<vmem_shared>>
      %dma_start3A_22 = arith.constant 0 : i32
      %dma_start3A_23 = tpu.memref_slice %arg5[%mul3A_0, %dma_start3A_22] : memref<10240x128xf32, #tpu.memory_space<hbm>> -> memref<640x128xf32, #tpu.memory_space<hbm>>
      tpu.enqueue_dma source(%dma_start3A_23 : memref<640x128xf32, #tpu.memory_space<hbm>>) target(%dma_start3A_21 : memref<640x128xf32, #tpu.memory_space<vmem_shared>>) target_semaphore(%run_scoped3A : memref<!tpu.dma_semaphore, #tpu.memory_space<semaphore_mem>>)
      %dma_wait3A = arith.constant 0 : i32
      %dma_wait3A_24 = tpu.memref_slice %arg8[%mul3A_2, %dma_wait3A] : memref<10240x128xf32, #tpu.memory_space<vmem_shared>> -> memref<640x128xf32, #tpu.memory_space<vmem_shared>>
      %dma_wait3A_25 = arith.constant 0 : i32
      %dma_wait3A_26 = tpu.memref_slice %arg5[%mul3A_0, %dma_wait3A_25] : memref<10240x128xf32, #tpu.memory_space<hbm>> -> memref<640x128xf32, #tpu.memory_space<hbm>>
      tpu.wait_dma2 semaphore(%run_scoped3A : memref<!tpu.dma_semaphore, #tpu.memory_space<semaphore_mem>>) src(%dma_wait3A_26 : memref<640x128xf32, #tpu.memory_space<hbm>>) dst(%dma_wait3A_24 : memref<640x128xf32, #tpu.memory_space<vmem_shared>>)
      tpu.yield
    }) : () -> ()
    %barrier3A = arith.constant 0 : index
    tpu.barrier barrier_id(%barrier3A)
    %eq3A = arith.constant 0 : i32
    %eq3A_3 = arith.cmpi eq, %arg0, %eq3A : i32
    %convert_element_type3A = arith.extui %eq3A_3 : i1 to i32
    %cond3A = arith.constant 0 : i32
    %cond3A_4 = arith.cmpi ne, %convert_element_type3A, %cond3A : i32
    scf.if %cond3A_4 {
      %scan3A = arith.constant 0 : i32
      %scan3A_21 = arith.constant 0 : i32
      %scan3A_22 = arith.constant 50 : i32
      %scan3A_23 = arith.addi %scan3A_21, %scan3A_22 : i32
      %scan3A_24 = arith.constant 1 : i32
      scf.for %scan3A_26 = %scan3A_21 to %scan3A_23 step %scan3A_24  : i32 {
        %mul3A_27 = arith.constant 10000 : i32
        %mul3A_28 = arith.muli %arg1, %mul3A_27 : i32
        %mul3A_29 = arith.constant 200 : i32
        %mul3A_30 = arith.muli %scan3A_26, %mul3A_29 : i32
        %add3A = arith.addi %mul3A_28, %mul3A_30 : i32
        "tpu.region"() ({
          %run_scoped3A = tpu.sem_alloc : memref<!tpu.dma_semaphore, #tpu.memory_space<semaphore_mem>>
          %dma_start3A = arith.constant 0 : i32
          %dma_start3A_33 = tpu.memref_slice %arg2[%add3A, %dma_start3A] : memref<160000x128xf32, #tpu.memory_space<hbm>> -> memref<200x128xf32, #tpu.memory_space<hbm>>
          %dma_start3A_34 = arith.constant 0 : i32
          %dma_start3A_35 = tpu.memref_slice %arg2[%add3A, %dma_start3A_34] : memref<160000x128xf32, #tpu.memory_space<hbm>> -> memref<200x128xf32, #tpu.memory_space<hbm>>
          tpu.enqueue_dma source(%dma_start3A_35 : memref<200x128xf32, #tpu.memory_space<hbm>>) target(%arg10 : memref<200x128xf32, #tpu.memory_space<vmem>>) target_semaphore(%run_scoped3A : memref<!tpu.dma_semaphore, #tpu.memory_space<semaphore_mem>>)
          %dma_wait3A = arith.constant 0 : i32
          %dma_wait3A_36 = tpu.memref_slice %arg2[%add3A, %dma_wait3A] : memref<160000x128xf32, #tpu.memory_space<hbm>> -> memref<200x128xf32, #tpu.memory_space<hbm>>
          %dma_wait3A_37 = arith.constant 0 : i32
          %dma_wait3A_38 = tpu.memref_slice %arg2[%add3A, %dma_wait3A_37] : memref<160000x128xf32, #tpu.memory_space<hbm>> -> memref<200x128xf32, #tpu.memory_space<hbm>>
          tpu.wait_dma2 semaphore(%run_scoped3A : memref<!tpu.dma_semaphore, #tpu.memory_space<semaphore_mem>>) src(%dma_wait3A_38 : memref<200x128xf32, #tpu.memory_space<hbm>>) dst(%arg10 : memref<200x128xf32, #tpu.memory_space<vmem>>)
          tpu.yield
        }) : () -> ()
        %mul3A_31 = arith.constant 200 : i32
        %mul3A_32 = arith.muli %scan3A_26, %mul3A_31 : i32
        "tpu.region"() ({
          %run_scoped3A = tpu.sem_alloc : memref<!tpu.dma_semaphore, #tpu.memory_space<semaphore_mem>>
          %dma_start3A = tpu.memref_slice %arg9[%mul3A_32] : memref<10000xi32, #tpu.memory_space<vmem>> -> memref<200xi32, #tpu.memory_space<vmem>>
          %dma_start3A_33 = arith.constant 0 : i32
          %dma_start3A_34 = arith.constant 0 : i32
          %dma_start3A_35 = tpu.memref_slice %arg8[%dma_start3A_33, %dma_start3A_34] : memref<10240x128xf32, #tpu.memory_space<vmem_shared>> -> memref<10240x128xf32, #tpu.memory_space<vmem_shared>>
          tpu.enqueue_indirect_dma source(%arg10 : memref<200x128xf32, #tpu.memory_space<vmem>>) target(%dma_start3A_35 : memref<10240x128xf32, #tpu.memory_space<vmem_shared>>) offsets(%dma_start3A : memref<200xi32, #tpu.memory_space<vmem>>) semaphore(%run_scoped3A : memref<!tpu.dma_semaphore, #tpu.memory_space<semaphore_mem>>) {add = true}
          %dma_wait3A = tpu.memref_slice %arg9[%mul3A_32] : memref<10000xi32, #tpu.memory_space<vmem>> -> memref<200xi32, #tpu.memory_space<vmem>>
          %dma_wait3A_36 = arith.constant 0 : i32
          %dma_wait3A_37 = arith.constant 0 : i32
          %dma_wait3A_38 = tpu.memref_slice %arg8[%dma_wait3A_36, %dma_wait3A_37] : memref<10240x128xf32, #tpu.memory_space<vmem_shared>> -> memref<10240x128xf32, #tpu.memory_space<vmem_shared>>
          tpu.wait_indirect_dma semaphore(%run_scoped3A : memref<!tpu.dma_semaphore, #tpu.memory_space<semaphore_mem>>) src(%arg10 : memref<200x128xf32, #tpu.memory_space<vmem>>) dst(%dma_wait3A_38 : memref<10240x128xf32, #tpu.memory_space<vmem_shared>>)
          tpu.yield
        }) : () -> ()
      }
      %scan3A_25 = arith.constant 50 : i32
    } else {
    }
    %eq3A_5 = arith.constant 1 : i32
    %eq3A_6 = arith.cmpi eq, %arg0, %eq3A_5 : i32
    %convert_element_type3A_7 = arith.extui %eq3A_6 : i1 to i32
    %cond3A_8 = arith.constant 0 : i32
    %cond3A_9 = arith.cmpi ne, %convert_element_type3A_7, %cond3A_8 : i32
    scf.if %cond3A_9 {
      %scan3A = arith.constant 0 : i32
      %scan3A_21 = arith.constant 0 : i32
      %scan3A_22 = arith.constant 50 : i32
      %scan3A_23 = arith.addi %scan3A_21, %scan3A_22 : i32
      %scan3A_24 = arith.constant 1 : i32
      scf.for %scan3A_26 = %scan3A_21 to %scan3A_23 step %scan3A_24  : i32 {
        %mul3A_27 = arith.constant 10000 : i32
        %mul3A_28 = arith.muli %arg1, %mul3A_27 : i32
        %mul3A_29 = arith.constant 200 : i32
        %mul3A_30 = arith.muli %scan3A_26, %mul3A_29 : i32
        %add3A = arith.addi %mul3A_28, %mul3A_30 : i32
        "tpu.region"() ({
          %run_scoped3A = tpu.sem_alloc : memref<!tpu.dma_semaphore, #tpu.memory_space<semaphore_mem>>
          %dma_start3A = arith.constant 0 : i32
          %dma_start3A_33 = tpu.memref_slice %arg3[%add3A, %dma_start3A] : memref<160000x128xf32, #tpu.memory_space<hbm>> -> memref<200x128xf32, #tpu.memory_space<hbm>>
          %dma_start3A_34 = arith.constant 0 : i32
          %dma_start3A_35 = tpu.memref_slice %arg3[%add3A, %dma_start3A_34] : memref<160000x128xf32, #tpu.memory_space<hbm>> -> memref<200x128xf32, #tpu.memory_space<hbm>>
          tpu.enqueue_dma source(%dma_start3A_35 : memref<200x128xf32, #tpu.memory_space<hbm>>) target(%arg10 : memref<200x128xf32, #tpu.memory_space<vmem>>) target_semaphore(%run_scoped3A : memref<!tpu.dma_semaphore, #tpu.memory_space<semaphore_mem>>)
          %dma_wait3A = arith.constant 0 : i32
          %dma_wait3A_36 = tpu.memref_slice %arg3[%add3A, %dma_wait3A] : memref<160000x128xf32, #tpu.memory_space<hbm>> -> memref<200x128xf32, #tpu.memory_space<hbm>>
          %dma_wait3A_37 = arith.constant 0 : i32
          %dma_wait3A_38 = tpu.memref_slice %arg3[%add3A, %dma_wait3A_37] : memref<160000x128xf32, #tpu.memory_space<hbm>> -> memref<200x128xf32, #tpu.memory_space<hbm>>
          tpu.wait_dma2 semaphore(%run_scoped3A : memref<!tpu.dma_semaphore, #tpu.memory_space<semaphore_mem>>) src(%dma_wait3A_38 : memref<200x128xf32, #tpu.memory_space<hbm>>) dst(%arg10 : memref<200x128xf32, #tpu.memory_space<vmem>>)
          tpu.yield
        }) : () -> ()
        %mul3A_31 = arith.constant 200 : i32
        %mul3A_32 = arith.muli %scan3A_26, %mul3A_31 : i32
        "tpu.region"() ({
          %run_scoped3A = tpu.sem_alloc : memref<!tpu.dma_semaphore, #tpu.memory_space<semaphore_mem>>
          %dma_start3A = tpu.memref_slice %arg9[%mul3A_32] : memref<10000xi32, #tpu.memory_space<vmem>> -> memref<200xi32, #tpu.memory_space<vmem>>
          %dma_start3A_33 = arith.constant 0 : i32
          %dma_start3A_34 = arith.constant 0 : i32
          %dma_start3A_35 = tpu.memref_slice %arg8[%dma_start3A_33, %dma_start3A_34] : memref<10240x128xf32, #tpu.memory_space<vmem_shared>> -> memref<10240x128xf32, #tpu.memory_space<vmem_shared>>
          tpu.enqueue_indirect_dma source(%arg10 : memref<200x128xf32, #tpu.memory_space<vmem>>) target(%dma_start3A_35 : memref<10240x128xf32, #tpu.memory_space<vmem_shared>>) offsets(%dma_start3A : memref<200xi32, #tpu.memory_space<vmem>>) semaphore(%run_scoped3A : memref<!tpu.dma_semaphore, #tpu.memory_space<semaphore_mem>>) {add = true}
          %dma_wait3A = tpu.memref_slice %arg9[%mul3A_32] : memref<10000xi32, #tpu.memory_space<vmem>> -> memref<200xi32, #tpu.memory_space<vmem>>
          %dma_wait3A_36 = arith.constant 0 : i32
          %dma_wait3A_37 = arith.constant 0 : i32
          %dma_wait3A_38 = tpu.memref_slice %arg8[%dma_wait3A_36, %dma_wait3A_37] : memref<10240x128xf32, #tpu.memory_space<vmem_shared>> -> memref<10240x128xf32, #tpu.memory_space<vmem_shared>>
          tpu.wait_indirect_dma semaphore(%run_scoped3A : memref<!tpu.dma_semaphore, #tpu.memory_space<semaphore_mem>>) src(%arg10 : memref<200x128xf32, #tpu.memory_space<vmem>>) dst(%dma_wait3A_38 : memref<10240x128xf32, #tpu.memory_space<vmem_shared>>)
          tpu.yield
        }) : () -> ()
      }
      %scan3A_25 = arith.constant 50 : i32
    } else {
    }
    %barrier3A_10 = arith.constant 0 : index
    tpu.barrier barrier_id(%barrier3A_10)
    %eq3A_11 = arith.constant 0 : i32
    %eq3A_12 = arith.cmpi eq, %arg0, %eq3A_11 : i32
    %convert_element_type3A_13 = arith.extui %eq3A_12 : i1 to i32
    %cond3A_14 = arith.constant 0 : i32
    %cond3A_15 = arith.cmpi ne, %convert_element_type3A_13, %cond3A_14 : i32
    scf.if %cond3A_15 {
      %mul3A_21 = arith.constant 640 : i32
      %mul3A_22 = arith.muli %arg1, %mul3A_21 : i32
      %mul3A_23 = arith.constant 640 : i32
      %mul3A_24 = arith.muli %arg1, %mul3A_23 : i32
      "tpu.region"() ({
        %run_scoped3A = tpu.sem_alloc : memref<!tpu.dma_semaphore, #tpu.memory_space<semaphore_mem>>
        %dma_start3A = arith.constant 0 : i32
        %dma_start3A_25 = tpu.memref_slice %arg6[%mul3A_24, %dma_start3A] : memref<10240x128xf32, #tpu.memory_space<hbm>> -> memref<640x128xf32, #tpu.memory_space<hbm>>
        %dma_start3A_26 = arith.constant 0 : i32
        %dma_start3A_27 = tpu.memref_slice %arg8[%mul3A_22, %dma_start3A_26] : memref<10240x128xf32, #tpu.memory_space<vmem_shared>> -> memref<640x128xf32, #tpu.memory_space<vmem_shared>>
        tpu.enqueue_dma source(%dma_start3A_27 : memref<640x128xf32, #tpu.memory_space<vmem_shared>>) target(%dma_start3A_25 : memref<640x128xf32, #tpu.memory_space<hbm>>) target_semaphore(%run_scoped3A : memref<!tpu.dma_semaphore, #tpu.memory_space<semaphore_mem>>)
        %dma_wait3A = arith.constant 0 : i32
        %dma_wait3A_28 = tpu.memref_slice %arg6[%mul3A_24, %dma_wait3A] : memref<10240x128xf32, #tpu.memory_space<hbm>> -> memref<640x128xf32, #tpu.memory_space<hbm>>
        %dma_wait3A_29 = arith.constant 0 : i32
        %dma_wait3A_30 = tpu.memref_slice %arg8[%mul3A_22, %dma_wait3A_29] : memref<10240x128xf32, #tpu.memory_space<vmem_shared>> -> memref<640x128xf32, #tpu.memory_space<vmem_shared>>
        tpu.wait_dma2 semaphore(%run_scoped3A : memref<!tpu.dma_semaphore, #tpu.memory_space<semaphore_mem>>) src(%dma_wait3A_30 : memref<640x128xf32, #tpu.memory_space<vmem_shared>>) dst(%dma_wait3A_28 : memref<640x128xf32, #tpu.memory_space<hbm>>)
        tpu.yield
      }) : () -> ()
    } else {
    }
    %eq3A_16 = arith.constant 1 : i32
    %eq3A_17 = arith.cmpi eq, %arg0, %eq3A_16 : i32
    %convert_element_type3A_18 = arith.extui %eq3A_17 : i1 to i32
    %cond3A_19 = arith.constant 0 : i32
    %cond3A_20 = arith.cmpi ne, %convert_element_type3A_18, %cond3A_19 : i32
    scf.if %cond3A_20 {
      %mul3A_21 = arith.constant 640 : i32
      %mul3A_22 = arith.muli %arg1, %mul3A_21 : i32
      %mul3A_23 = arith.constant 640 : i32
      %mul3A_24 = arith.muli %arg1, %mul3A_23 : i32
      "tpu.region"() ({
        %run_scoped3A = tpu.sem_alloc : memref<!tpu.dma_semaphore, #tpu.memory_space<semaphore_mem>>
        %dma_start3A = arith.constant 0 : i32
        %dma_start3A_25 = tpu.memref_slice %arg7[%mul3A_24, %dma_start3A] : memref<10240x128xf32, #tpu.memory_space<hbm>> -> memref<640x128xf32, #tpu.memory_space<hbm>>
        %dma_start3A_26 = arith.constant 0 : i32
        %dma_start3A_27 = tpu.memref_slice %arg8[%mul3A_22, %dma_start3A_26] : memref<10240x128xf32, #tpu.memory_space<vmem_shared>> -> memref<640x128xf32, #tpu.memory_space<vmem_shared>>
        tpu.enqueue_dma source(%dma_start3A_27 : memref<640x128xf32, #tpu.memory_space<vmem_shared>>) target(%dma_start3A_25 : memref<640x128xf32, #tpu.memory_space<hbm>>) target_semaphore(%run_scoped3A : memref<!tpu.dma_semaphore, #tpu.memory_space<semaphore_mem>>)
        %dma_wait3A = arith.constant 0 : i32
        %dma_wait3A_28 = tpu.memref_slice %arg7[%mul3A_24, %dma_wait3A] : memref<10240x128xf32, #tpu.memory_space<hbm>> -> memref<640x128xf32, #tpu.memory_space<hbm>>
        %dma_wait3A_29 = arith.constant 0 : i32
        %dma_wait3A_30 = tpu.memref_slice %arg8[%mul3A_22, %dma_wait3A_29] : memref<10240x128xf32, #tpu.memory_space<vmem_shared>> -> memref<640x128xf32, #tpu.memory_space<vmem_shared>>
        tpu.wait_dma2 semaphore(%run_scoped3A : memref<!tpu.dma_semaphore, #tpu.memory_space<semaphore_mem>>) src(%dma_wait3A_30 : memref<640x128xf32, #tpu.memory_space<vmem_shared>>) dst(%dma_wait3A_28 : memref<640x128xf32, #tpu.memory_space<hbm>>)
        tpu.yield
      }) : () -> ()
    } else {
    }
    return
  }
}

#map = affine_map<(d0, d1) -> (0, 0)>
module attributes {stable_mosaic.version = 14 : i64} {
  func.func @_sc_convscatter_body(%arg0: i32, %arg1: i32, %arg2: memref<160000x128xf32, #tpu.memory_space<hbm>>, %arg3: memref<160000x128xf32, #tpu.memory_space<hbm>>, %arg4: memref<16x10000xi32, #tpu.memory_space<hbm>>, %arg5: memref<10240x128xf32, #tpu.memory_space<hbm>>, %arg6: memref<10240x128xf32, #tpu.memory_space<hbm>>, %arg7: memref<10240x128xf32, #tpu.memory_space<hbm>>, %arg8: memref<10240x128xf32, #tpu.memory_space<vmem_shared>>, %arg9: memref<10000xi32, #tpu.memory_space<vmem>>, %arg10: memref<200x128xf32, #tpu.memory_space<vmem>>) attributes {dimension_semantics = [#tpu.dimension_semantics<core_parallel>, #tpu.dimension_semantics<subcore_parallel>], iteration_bounds = array<i64: 2, 16>, scalar_prefetch = 0 : i64, scratch_operands = 3 : i64, tpu.core_type = #tpu.core_type<sc_vector_subcore>, window_params = [{transform_indices = #map}, {transform_indices = #map}, {transform_indices = #map}, {transform_indices = #map}, {transform_indices = #map}, {transform_indices = #map}]} {
    "tpu.region"() ({
      %run_scoped3A = tpu.sem_alloc : memref<!tpu.dma_semaphore, #tpu.memory_space<semaphore_mem>>
      %dma_start3A = arith.constant 0 : i32
      %dma_start3A_21 = tpu.memref_slice %arg4[%arg1, %dma_start3A] : memref<16x10000xi32, #tpu.memory_space<hbm>> -> memref<1x10000xi32, #tpu.memory_space<hbm>>
      %dma_start3A_22 = tpu.memref_squeeze %dma_start3A_21 : memref<1x10000xi32, #tpu.memory_space<hbm>> -> memref<10000xi32, #tpu.memory_space<hbm>>
      %dma_start3A_23 = arith.constant 0 : i32
      %dma_start3A_24 = tpu.memref_slice %arg4[%arg1, %dma_start3A_23] : memref<16x10000xi32, #tpu.memory_space<hbm>> -> memref<1x10000xi32, #tpu.memory_space<hbm>>
      %dma_start3A_25 = tpu.memref_squeeze %dma_start3A_24 : memref<1x10000xi32, #tpu.memory_space<hbm>> -> memref<10000xi32, #tpu.memory_space<hbm>>
      tpu.enqueue_dma source(%dma_start3A_25 : memref<10000xi32, #tpu.memory_space<hbm>>) target(%arg9 : memref<10000xi32, #tpu.memory_space<vmem>>) target_semaphore(%run_scoped3A : memref<!tpu.dma_semaphore, #tpu.memory_space<semaphore_mem>>)
      %dma_wait3A = arith.constant 0 : i32
      %dma_wait3A_26 = tpu.memref_slice %arg4[%arg1, %dma_wait3A] : memref<16x10000xi32, #tpu.memory_space<hbm>> -> memref<1x10000xi32, #tpu.memory_space<hbm>>
      %dma_wait3A_27 = tpu.memref_squeeze %dma_wait3A_26 : memref<1x10000xi32, #tpu.memory_space<hbm>> -> memref<10000xi32, #tpu.memory_space<hbm>>
      %dma_wait3A_28 = arith.constant 0 : i32
      %dma_wait3A_29 = tpu.memref_slice %arg4[%arg1, %dma_wait3A_28] : memref<16x10000xi32, #tpu.memory_space<hbm>> -> memref<1x10000xi32, #tpu.memory_space<hbm>>
      %dma_wait3A_30 = tpu.memref_squeeze %dma_wait3A_29 : memref<1x10000xi32, #tpu.memory_space<hbm>> -> memref<10000xi32, #tpu.memory_space<hbm>>
      tpu.wait_dma2 semaphore(%run_scoped3A : memref<!tpu.dma_semaphore, #tpu.memory_space<semaphore_mem>>) src(%dma_wait3A_30 : memref<10000xi32, #tpu.memory_space<hbm>>) dst(%arg9 : memref<10000xi32, #tpu.memory_space<vmem>>)
      tpu.yield
    }) : () -> ()
    %mul3A = arith.constant 640 : i32
    %mul3A_0 = arith.muli %arg1, %mul3A : i32
    %mul3A_1 = arith.constant 640 : i32
    %mul3A_2 = arith.muli %arg1, %mul3A_1 : i32
    "tpu.region"() ({
      %run_scoped3A = tpu.sem_alloc : memref<!tpu.dma_semaphore, #tpu.memory_space<semaphore_mem>>
      %dma_start3A = arith.constant 0 : i32
      %dma_start3A_21 = tpu.memref_slice %arg8[%mul3A_2, %dma_start3A] : memref<10240x128xf32, #tpu.memory_space<vmem_shared>> -> memref<640x128xf32, #tpu.memory_space<vmem_shared>>
      %dma_start3A_22 = arith.constant 0 : i32
      %dma_start3A_23 = tpu.memref_slice %arg5[%mul3A_0, %dma_start3A_22] : memref<10240x128xf32, #tpu.memory_space<hbm>> -> memref<640x128xf32, #tpu.memory_space<hbm>>
      tpu.enqueue_dma source(%dma_start3A_23 : memref<640x128xf32, #tpu.memory_space<hbm>>) target(%dma_start3A_21 : memref<640x128xf32, #tpu.memory_space<vmem_shared>>) target_semaphore(%run_scoped3A : memref<!tpu.dma_semaphore, #tpu.memory_space<semaphore_mem>>)
      %dma_wait3A = arith.constant 0 : i32
      %dma_wait3A_24 = tpu.memref_slice %arg8[%mul3A_2, %dma_wait3A] : memref<10240x128xf32, #tpu.memory_space<vmem_shared>> -> memref<640x128xf32, #tpu.memory_space<vmem_shared>>
      %dma_wait3A_25 = arith.constant 0 : i32
      %dma_wait3A_26 = tpu.memref_slice %arg5[%mul3A_0, %dma_wait3A_25] : memref<10240x128xf32, #tpu.memory_space<hbm>> -> memref<640x128xf32, #tpu.memory_space<hbm>>
      tpu.wait_dma2 semaphore(%run_scoped3A : memref<!tpu.dma_semaphore, #tpu.memory_space<semaphore_mem>>) src(%dma_wait3A_26 : memref<640x128xf32, #tpu.memory_space<hbm>>) dst(%dma_wait3A_24 : memref<640x128xf32, #tpu.memory_space<vmem_shared>>)
      tpu.yield
    }) : () -> ()
    %barrier3A = arith.constant 0 : index
    tpu.barrier barrier_id(%barrier3A)
    %eq3A = arith.constant 0 : i32
    %eq3A_3 = arith.cmpi eq, %arg0, %eq3A : i32
    %convert_element_type3A = arith.extui %eq3A_3 : i1 to i32
    %cond3A = arith.constant 0 : i32
    %cond3A_4 = arith.cmpi ne, %convert_element_type3A, %cond3A : i32
    scf.if %cond3A_4 {
      %scan3A = arith.constant 0 : i32
      %scan3A_21 = arith.constant 0 : i32
      %scan3A_22 = arith.constant 50 : i32
      %scan3A_23 = arith.addi %scan3A_21, %scan3A_22 : i32
      %scan3A_24 = arith.constant 1 : i32
      scf.for %scan3A_26 = %scan3A_21 to %scan3A_23 step %scan3A_24  : i32 {
        %mul3A_27 = arith.constant 10000 : i32
        %mul3A_28 = arith.muli %arg1, %mul3A_27 : i32
        %mul3A_29 = arith.constant 200 : i32
        %mul3A_30 = arith.muli %scan3A_26, %mul3A_29 : i32
        %add3A = arith.addi %mul3A_28, %mul3A_30 : i32
        "tpu.region"() ({
          %run_scoped3A = tpu.sem_alloc : memref<!tpu.dma_semaphore, #tpu.memory_space<semaphore_mem>>
          %dma_start3A = arith.constant 0 : i32
          %dma_start3A_33 = tpu.memref_slice %arg2[%add3A, %dma_start3A] : memref<160000x128xf32, #tpu.memory_space<hbm>> -> memref<200x128xf32, #tpu.memory_space<hbm>>
          %dma_start3A_34 = arith.constant 0 : i32
          %dma_start3A_35 = tpu.memref_slice %arg2[%add3A, %dma_start3A_34] : memref<160000x128xf32, #tpu.memory_space<hbm>> -> memref<200x128xf32, #tpu.memory_space<hbm>>
          tpu.enqueue_dma source(%dma_start3A_35 : memref<200x128xf32, #tpu.memory_space<hbm>>) target(%arg10 : memref<200x128xf32, #tpu.memory_space<vmem>>) target_semaphore(%run_scoped3A : memref<!tpu.dma_semaphore, #tpu.memory_space<semaphore_mem>>)
          %dma_wait3A = arith.constant 0 : i32
          %dma_wait3A_36 = tpu.memref_slice %arg2[%add3A, %dma_wait3A] : memref<160000x128xf32, #tpu.memory_space<hbm>> -> memref<200x128xf32, #tpu.memory_space<hbm>>
          %dma_wait3A_37 = arith.constant 0 : i32
          %dma_wait3A_38 = tpu.memref_slice %arg2[%add3A, %dma_wait3A_37] : memref<160000x128xf32, #tpu.memory_space<hbm>> -> memref<200x128xf32, #tpu.memory_space<hbm>>
          tpu.wait_dma2 semaphore(%run_scoped3A : memref<!tpu.dma_semaphore, #tpu.memory_space<semaphore_mem>>) src(%dma_wait3A_38 : memref<200x128xf32, #tpu.memory_space<hbm>>) dst(%arg10 : memref<200x128xf32, #tpu.memory_space<vmem>>)
          tpu.yield
        }) : () -> ()
        %mul3A_31 = arith.constant 200 : i32
        %mul3A_32 = arith.muli %scan3A_26, %mul3A_31 : i32
        "tpu.region"() ({
          %run_scoped3A = tpu.sem_alloc : memref<!tpu.dma_semaphore, #tpu.memory_space<semaphore_mem>>
          %dma_start3A = tpu.memref_slice %arg9[%mul3A_32] : memref<10000xi32, #tpu.memory_space<vmem>> -> memref<200xi32, #tpu.memory_space<vmem>>
          %dma_start3A_33 = arith.constant 0 : i32
          %dma_start3A_34 = arith.constant 0 : i32
          %dma_start3A_35 = tpu.memref_slice %arg8[%dma_start3A_33, %dma_start3A_34] : memref<10240x128xf32, #tpu.memory_space<vmem_shared>> -> memref<10240x128xf32, #tpu.memory_space<vmem_shared>>
          tpu.enqueue_indirect_dma source(%arg10 : memref<200x128xf32, #tpu.memory_space<vmem>>) target(%dma_start3A_35 : memref<10240x128xf32, #tpu.memory_space<vmem_shared>>) offsets(%dma_start3A : memref<200xi32, #tpu.memory_space<vmem>>) semaphore(%run_scoped3A : memref<!tpu.dma_semaphore, #tpu.memory_space<semaphore_mem>>) {add = true}
          %dma_wait3A = tpu.memref_slice %arg9[%mul3A_32] : memref<10000xi32, #tpu.memory_space<vmem>> -> memref<200xi32, #tpu.memory_space<vmem>>
          %dma_wait3A_36 = arith.constant 0 : i32
          %dma_wait3A_37 = arith.constant 0 : i32
          %dma_wait3A_38 = tpu.memref_slice %arg8[%dma_wait3A_36, %dma_wait3A_37] : memref<10240x128xf32, #tpu.memory_space<vmem_shared>> -> memref<10240x128xf32, #tpu.memory_space<vmem_shared>>
          tpu.wait_indirect_dma semaphore(%run_scoped3A : memref<!tpu.dma_semaphore, #tpu.memory_space<semaphore_mem>>) src(%arg10 : memref<200x128xf32, #tpu.memory_space<vmem>>) dst(%dma_wait3A_38 : memref<10240x128xf32, #tpu.memory_space<vmem_shared>>)
          tpu.yield
        }) : () -> ()
      }
      %scan3A_25 = arith.constant 50 : i32
    } else {
    }
    %eq3A_5 = arith.constant 1 : i32
    %eq3A_6 = arith.cmpi eq, %arg0, %eq3A_5 : i32
    %convert_element_type3A_7 = arith.extui %eq3A_6 : i1 to i32
    %cond3A_8 = arith.constant 0 : i32
    %cond3A_9 = arith.cmpi ne, %convert_element_type3A_7, %cond3A_8 : i32
    scf.if %cond3A_9 {
      %scan3A = arith.constant 0 : i32
      %scan3A_21 = arith.constant 0 : i32
      %scan3A_22 = arith.constant 50 : i32
      %scan3A_23 = arith.addi %scan3A_21, %scan3A_22 : i32
      %scan3A_24 = arith.constant 1 : i32
      scf.for %scan3A_26 = %scan3A_21 to %scan3A_23 step %scan3A_24  : i32 {
        %mul3A_27 = arith.constant 10000 : i32
        %mul3A_28 = arith.muli %arg1, %mul3A_27 : i32
        %mul3A_29 = arith.constant 200 : i32
        %mul3A_30 = arith.muli %scan3A_26, %mul3A_29 : i32
        %add3A = arith.addi %mul3A_28, %mul3A_30 : i32
        "tpu.region"() ({
          %run_scoped3A = tpu.sem_alloc : memref<!tpu.dma_semaphore, #tpu.memory_space<semaphore_mem>>
          %dma_start3A = arith.constant 0 : i32
          %dma_start3A_33 = tpu.memref_slice %arg3[%add3A, %dma_start3A] : memref<160000x128xf32, #tpu.memory_space<hbm>> -> memref<200x128xf32, #tpu.memory_space<hbm>>
          %dma_start3A_34 = arith.constant 0 : i32
          %dma_start3A_35 = tpu.memref_slice %arg3[%add3A, %dma_start3A_34] : memref<160000x128xf32, #tpu.memory_space<hbm>> -> memref<200x128xf32, #tpu.memory_space<hbm>>
          tpu.enqueue_dma source(%dma_start3A_35 : memref<200x128xf32, #tpu.memory_space<hbm>>) target(%arg10 : memref<200x128xf32, #tpu.memory_space<vmem>>) target_semaphore(%run_scoped3A : memref<!tpu.dma_semaphore, #tpu.memory_space<semaphore_mem>>)
          %dma_wait3A = arith.constant 0 : i32
          %dma_wait3A_36 = tpu.memref_slice %arg3[%add3A, %dma_wait3A] : memref<160000x128xf32, #tpu.memory_space<hbm>> -> memref<200x128xf32, #tpu.memory_space<hbm>>
          %dma_wait3A_37 = arith.constant 0 : i32
          %dma_wait3A_38 = tpu.memref_slice %arg3[%add3A, %dma_wait3A_37] : memref<160000x128xf32, #tpu.memory_space<hbm>> -> memref<200x128xf32, #tpu.memory_space<hbm>>
          tpu.wait_dma2 semaphore(%run_scoped3A : memref<!tpu.dma_semaphore, #tpu.memory_space<semaphore_mem>>) src(%dma_wait3A_38 : memref<200x128xf32, #tpu.memory_space<hbm>>) dst(%arg10 : memref<200x128xf32, #tpu.memory_space<vmem>>)
          tpu.yield
        }) : () -> ()
        %mul3A_31 = arith.constant 200 : i32
        %mul3A_32 = arith.muli %scan3A_26, %mul3A_31 : i32
        "tpu.region"() ({
          %run_scoped3A = tpu.sem_alloc : memref<!tpu.dma_semaphore, #tpu.memory_space<semaphore_mem>>
          %dma_start3A = tpu.memref_slice %arg9[%mul3A_32] : memref<10000xi32, #tpu.memory_space<vmem>> -> memref<200xi32, #tpu.memory_space<vmem>>
          %dma_start3A_33 = arith.constant 0 : i32
          %dma_start3A_34 = arith.constant 0 : i32
          %dma_start3A_35 = tpu.memref_slice %arg8[%dma_start3A_33, %dma_start3A_34] : memref<10240x128xf32, #tpu.memory_space<vmem_shared>> -> memref<10240x128xf32, #tpu.memory_space<vmem_shared>>
          tpu.enqueue_indirect_dma source(%arg10 : memref<200x128xf32, #tpu.memory_space<vmem>>) target(%dma_start3A_35 : memref<10240x128xf32, #tpu.memory_space<vmem_shared>>) offsets(%dma_start3A : memref<200xi32, #tpu.memory_space<vmem>>) semaphore(%run_scoped3A : memref<!tpu.dma_semaphore, #tpu.memory_space<semaphore_mem>>) {add = true}
          %dma_wait3A = tpu.memref_slice %arg9[%mul3A_32] : memref<10000xi32, #tpu.memory_space<vmem>> -> memref<200xi32, #tpu.memory_space<vmem>>
          %dma_wait3A_36 = arith.constant 0 : i32
          %dma_wait3A_37 = arith.constant 0 : i32
          %dma_wait3A_38 = tpu.memref_slice %arg8[%dma_wait3A_36, %dma_wait3A_37] : memref<10240x128xf32, #tpu.memory_space<vmem_shared>> -> memref<10240x128xf32, #tpu.memory_space<vmem_shared>>
          tpu.wait_indirect_dma semaphore(%run_scoped3A : memref<!tpu.dma_semaphore, #tpu.memory_space<semaphore_mem>>) src(%arg10 : memref<200x128xf32, #tpu.memory_space<vmem>>) dst(%dma_wait3A_38 : memref<10240x128xf32, #tpu.memory_space<vmem_shared>>)
          tpu.yield
        }) : () -> ()
      }
      %scan3A_25 = arith.constant 50 : i32
    } else {
    }
    %barrier3A_10 = arith.constant 0 : index
    tpu.barrier barrier_id(%barrier3A_10)
    %eq3A_11 = arith.constant 0 : i32
    %eq3A_12 = arith.cmpi eq, %arg0, %eq3A_11 : i32
    %convert_element_type3A_13 = arith.extui %eq3A_12 : i1 to i32
    %cond3A_14 = arith.constant 0 : i32
    %cond3A_15 = arith.cmpi ne, %convert_element_type3A_13, %cond3A_14 : i32
    scf.if %cond3A_15 {
      %mul3A_21 = arith.constant 640 : i32
      %mul3A_22 = arith.muli %arg1, %mul3A_21 : i32
      %mul3A_23 = arith.constant 640 : i32
      %mul3A_24 = arith.muli %arg1, %mul3A_23 : i32
      "tpu.region"() ({
        %run_scoped3A = tpu.sem_alloc : memref<!tpu.dma_semaphore, #tpu.memory_space<semaphore_mem>>
        %dma_start3A = arith.constant 0 : i32
        %dma_start3A_25 = tpu.memref_slice %arg6[%mul3A_24, %dma_start3A] : memref<10240x128xf32, #tpu.memory_space<hbm>> -> memref<640x128xf32, #tpu.memory_space<hbm>>
        %dma_start3A_26 = arith.constant 0 : i32
        %dma_start3A_27 = tpu.memref_slice %arg8[%mul3A_22, %dma_start3A_26] : memref<10240x128xf32, #tpu.memory_space<vmem_shared>> -> memref<640x128xf32, #tpu.memory_space<vmem_shared>>
        tpu.enqueue_dma source(%dma_start3A_27 : memref<640x128xf32, #tpu.memory_space<vmem_shared>>) target(%dma_start3A_25 : memref<640x128xf32, #tpu.memory_space<hbm>>) target_semaphore(%run_scoped3A : memref<!tpu.dma_semaphore, #tpu.memory_space<semaphore_mem>>)
        %dma_wait3A = arith.constant 0 : i32
        %dma_wait3A_28 = tpu.memref_slice %arg6[%mul3A_24, %dma_wait3A] : memref<10240x128xf32, #tpu.memory_space<hbm>> -> memref<640x128xf32, #tpu.memory_space<hbm>>
        %dma_wait3A_29 = arith.constant 0 : i32
        %dma_wait3A_30 = tpu.memref_slice %arg8[%mul3A_22, %dma_wait3A_29] : memref<10240x128xf32, #tpu.memory_space<vmem_shared>> -> memref<640x128xf32, #tpu.memory_space<vmem_shared>>
        tpu.wait_dma2 semaphore(%run_scoped3A : memref<!tpu.dma_semaphore, #tpu.memory_space<semaphore_mem>>) src(%dma_wait3A_30 : memref<640x128xf32, #tpu.memory_space<vmem_shared>>) dst(%dma_wait3A_28 : memref<640x128xf32, #tpu.memory_space<hbm>>)
        tpu.yield
      }) : () -> ()
    } else {
    }
    %eq3A_16 = arith.constant 1 : i32
    %eq3A_17 = arith.cmpi eq, %arg0, %eq3A_16 : i32
    %convert_element_type3A_18 = arith.extui %eq3A_17 : i1 to i32
    %cond3A_19 = arith.constant 0 : i32
    %cond3A_20 = arith.cmpi ne, %convert_element_type3A_18, %cond3A_19 : i32
    scf.if %cond3A_20 {
      %mul3A_21 = arith.constant 640 : i32
      %mul3A_22 = arith.muli %arg1, %mul3A_21 : i32
      %mul3A_23 = arith.constant 640 : i32
      %mul3A_24 = arith.muli %arg1, %mul3A_23 : i32
      "tpu.region"() ({
        %run_scoped3A = tpu.sem_alloc : memref<!tpu.dma_semaphore, #tpu.memory_space<semaphore_mem>>
        %dma_start3A = arith.constant 0 : i32
        %dma_start3A_25 = tpu.memref_slice %arg7[%mul3A_24, %dma_start3A] : memref<10240x128xf32, #tpu.memory_space<hbm>> -> memref<640x128xf32, #tpu.memory_space<hbm>>
        %dma_start3A_26 = arith.constant 0 : i32
        %dma_start3A_27 = tpu.memref_slice %arg8[%mul3A_22, %dma_start3A_26] : memref<10240x128xf32, #tpu.memory_space<vmem_shared>> -> memref<640x128xf32, #tpu.memory_space<vmem_shared>>
        tpu.enqueue_dma source(%dma_start3A_27 : memref<640x128xf32, #tpu.memory_space<vmem_shared>>) target(%dma_start3A_25 : memref<640x128xf32, #tpu.memory_space<hbm>>) target_semaphore(%run_scoped3A : memref<!tpu.dma_semaphore, #tpu.memory_space<semaphore_mem>>)
        %dma_wait3A = arith.constant 0 : i32
        %dma_wait3A_28 = tpu.memref_slice %arg7[%mul3A_24, %dma_wait3A] : memref<10240x128xf32, #tpu.memory_space<hbm>> -> memref<640x128xf32, #tpu.memory_space<hbm>>
        %dma_wait3A_29 = arith.constant 0 : i32
        %dma_wait3A_30 = tpu.memref_slice %arg8[%mul3A_22, %dma_wait3A_29] : memref<10240x128xf32, #tpu.memory_space<vmem_shared>> -> memref<640x128xf32, #tpu.memory_space<vmem_shared>>
        tpu.wait_dma2 semaphore(%run_scoped3A : memref<!tpu.dma_semaphore, #tpu.memory_space<semaphore_mem>>) src(%dma_wait3A_30 : memref<640x128xf32, #tpu.memory_space<vmem_shared>>) dst(%dma_wait3A_28 : memref<640x128xf32, #tpu.memory_space<hbm>>)
        tpu.yield
      }) : () -> ()
    } else {
    }
    return
  }
}

#map = affine_map<(d0, d1) -> (0, 0)>
module attributes {stable_mosaic.version = 14 : i64} {
  func.func @_sc_readout_body(%arg0: i32, %arg1: i32, %arg2: memref<10000x128xf32, #tpu.memory_space<hbm>>, %arg3: memref<10000x128xf32, #tpu.memory_space<hbm>>, %arg4: memref<16x10000xi32, #tpu.memory_space<hbm>>, %arg5: memref<16x10000xi32, #tpu.memory_space<hbm>>, %arg6: memref<10240x128xf32, #tpu.memory_space<hbm>>, %arg7: memref<10240x128xf32, #tpu.memory_space<hbm>>, %arg8: memref<10240x128xf32, #tpu.memory_space<hbm>>, %arg9: memref<10240x128xf32, #tpu.memory_space<vmem_shared>>, %arg10: memref<10000xi32, #tpu.memory_space<vmem>>, %arg11: memref<10000xi32, #tpu.memory_space<vmem>>, %arg12: memref<200x128xf32, #tpu.memory_space<vmem>>, %arg13: memref<!tpu.dma_semaphore, #tpu.memory_space<semaphore_mem>>) attributes {dimension_semantics = [#tpu.dimension_semantics<core_parallel>, #tpu.dimension_semantics<subcore_parallel>], iteration_bounds = array<i64: 2, 16>, scalar_prefetch = 0 : i64, scratch_operands = 5 : i64, tpu.core_type = #tpu.core_type<sc_vector_subcore>, window_params = [{transform_indices = #map}, {transform_indices = #map}, {transform_indices = #map}, {transform_indices = #map}, {transform_indices = #map}, {transform_indices = #map}, {transform_indices = #map}]} {
    "tpu.region"() ({
      %run_scoped3A = tpu.sem_alloc : memref<!tpu.dma_semaphore, #tpu.memory_space<semaphore_mem>>
      %dma_start3A = arith.constant 0 : i32
      %dma_start3A_21 = tpu.memref_slice %arg4[%arg1, %dma_start3A] : memref<16x10000xi32, #tpu.memory_space<hbm>> -> memref<1x10000xi32, #tpu.memory_space<hbm>>
      %dma_start3A_22 = tpu.memref_squeeze %dma_start3A_21 : memref<1x10000xi32, #tpu.memory_space<hbm>> -> memref<10000xi32, #tpu.memory_space<hbm>>
      %dma_start3A_23 = arith.constant 0 : i32
      %dma_start3A_24 = tpu.memref_slice %arg4[%arg1, %dma_start3A_23] : memref<16x10000xi32, #tpu.memory_space<hbm>> -> memref<1x10000xi32, #tpu.memory_space<hbm>>
      %dma_start3A_25 = tpu.memref_squeeze %dma_start3A_24 : memref<1x10000xi32, #tpu.memory_space<hbm>> -> memref<10000xi32, #tpu.memory_space<hbm>>
      tpu.enqueue_dma source(%dma_start3A_25 : memref<10000xi32, #tpu.memory_space<hbm>>) target(%arg10 : memref<10000xi32, #tpu.memory_space<vmem>>) target_semaphore(%run_scoped3A : memref<!tpu.dma_semaphore, #tpu.memory_space<semaphore_mem>>)
      %dma_wait3A = arith.constant 0 : i32
      %dma_wait3A_26 = tpu.memref_slice %arg4[%arg1, %dma_wait3A] : memref<16x10000xi32, #tpu.memory_space<hbm>> -> memref<1x10000xi32, #tpu.memory_space<hbm>>
      %dma_wait3A_27 = tpu.memref_squeeze %dma_wait3A_26 : memref<1x10000xi32, #tpu.memory_space<hbm>> -> memref<10000xi32, #tpu.memory_space<hbm>>
      %dma_wait3A_28 = arith.constant 0 : i32
      %dma_wait3A_29 = tpu.memref_slice %arg4[%arg1, %dma_wait3A_28] : memref<16x10000xi32, #tpu.memory_space<hbm>> -> memref<1x10000xi32, #tpu.memory_space<hbm>>
      %dma_wait3A_30 = tpu.memref_squeeze %dma_wait3A_29 : memref<1x10000xi32, #tpu.memory_space<hbm>> -> memref<10000xi32, #tpu.memory_space<hbm>>
      tpu.wait_dma2 semaphore(%run_scoped3A : memref<!tpu.dma_semaphore, #tpu.memory_space<semaphore_mem>>) src(%dma_wait3A_30 : memref<10000xi32, #tpu.memory_space<hbm>>) dst(%arg10 : memref<10000xi32, #tpu.memory_space<vmem>>)
      tpu.yield
    }) : () -> ()
    "tpu.region"() ({
      %run_scoped3A = tpu.sem_alloc : memref<!tpu.dma_semaphore, #tpu.memory_space<semaphore_mem>>
      %dma_start3A = arith.constant 0 : i32
      %dma_start3A_21 = tpu.memref_slice %arg5[%arg1, %dma_start3A] : memref<16x10000xi32, #tpu.memory_space<hbm>> -> memref<1x10000xi32, #tpu.memory_space<hbm>>
      %dma_start3A_22 = tpu.memref_squeeze %dma_start3A_21 : memref<1x10000xi32, #tpu.memory_space<hbm>> -> memref<10000xi32, #tpu.memory_space<hbm>>
      %dma_start3A_23 = arith.constant 0 : i32
      %dma_start3A_24 = tpu.memref_slice %arg5[%arg1, %dma_start3A_23] : memref<16x10000xi32, #tpu.memory_space<hbm>> -> memref<1x10000xi32, #tpu.memory_space<hbm>>
      %dma_start3A_25 = tpu.memref_squeeze %dma_start3A_24 : memref<1x10000xi32, #tpu.memory_space<hbm>> -> memref<10000xi32, #tpu.memory_space<hbm>>
      tpu.enqueue_dma source(%dma_start3A_25 : memref<10000xi32, #tpu.memory_space<hbm>>) target(%arg11 : memref<10000xi32, #tpu.memory_space<vmem>>) target_semaphore(%run_scoped3A : memref<!tpu.dma_semaphore, #tpu.memory_space<semaphore_mem>>)
      %dma_wait3A = arith.constant 0 : i32
      %dma_wait3A_26 = tpu.memref_slice %arg5[%arg1, %dma_wait3A] : memref<16x10000xi32, #tpu.memory_space<hbm>> -> memref<1x10000xi32, #tpu.memory_space<hbm>>
      %dma_wait3A_27 = tpu.memref_squeeze %dma_wait3A_26 : memref<1x10000xi32, #tpu.memory_space<hbm>> -> memref<10000xi32, #tpu.memory_space<hbm>>
      %dma_wait3A_28 = arith.constant 0 : i32
      %dma_wait3A_29 = tpu.memref_slice %arg5[%arg1, %dma_wait3A_28] : memref<16x10000xi32, #tpu.memory_space<hbm>> -> memref<1x10000xi32, #tpu.memory_space<hbm>>
      %dma_wait3A_30 = tpu.memref_squeeze %dma_wait3A_29 : memref<1x10000xi32, #tpu.memory_space<hbm>> -> memref<10000xi32, #tpu.memory_space<hbm>>
      tpu.wait_dma2 semaphore(%run_scoped3A : memref<!tpu.dma_semaphore, #tpu.memory_space<semaphore_mem>>) src(%dma_wait3A_30 : memref<10000xi32, #tpu.memory_space<hbm>>) dst(%arg11 : memref<10000xi32, #tpu.memory_space<vmem>>)
      tpu.yield
    }) : () -> ()
    %mul3A = arith.constant 640 : i32
    %mul3A_0 = arith.muli %arg1, %mul3A : i32
    %mul3A_1 = arith.constant 640 : i32
    %mul3A_2 = arith.muli %arg1, %mul3A_1 : i32
    "tpu.region"() ({
      %run_scoped3A = tpu.sem_alloc : memref<!tpu.dma_semaphore, #tpu.memory_space<semaphore_mem>>
      %dma_start3A = arith.constant 0 : i32
      %dma_start3A_21 = tpu.memref_slice %arg9[%mul3A_2, %dma_start3A] : memref<10240x128xf32, #tpu.memory_space<vmem_shared>> -> memref<640x128xf32, #tpu.memory_space<vmem_shared>>
      %dma_start3A_22 = arith.constant 0 : i32
      %dma_start3A_23 = tpu.memref_slice %arg6[%mul3A_0, %dma_start3A_22] : memref<10240x128xf32, #tpu.memory_space<hbm>> -> memref<640x128xf32, #tpu.memory_space<hbm>>
      tpu.enqueue_dma source(%dma_start3A_23 : memref<640x128xf32, #tpu.memory_space<hbm>>) target(%dma_start3A_21 : memref<640x128xf32, #tpu.memory_space<vmem_shared>>) target_semaphore(%run_scoped3A : memref<!tpu.dma_semaphore, #tpu.memory_space<semaphore_mem>>)
      %dma_wait3A = arith.constant 0 : i32
      %dma_wait3A_24 = tpu.memref_slice %arg9[%mul3A_2, %dma_wait3A] : memref<10240x128xf32, #tpu.memory_space<vmem_shared>> -> memref<640x128xf32, #tpu.memory_space<vmem_shared>>
      %dma_wait3A_25 = arith.constant 0 : i32
      %dma_wait3A_26 = tpu.memref_slice %arg6[%mul3A_0, %dma_wait3A_25] : memref<10240x128xf32, #tpu.memory_space<hbm>> -> memref<640x128xf32, #tpu.memory_space<hbm>>
      tpu.wait_dma2 semaphore(%run_scoped3A : memref<!tpu.dma_semaphore, #tpu.memory_space<semaphore_mem>>) src(%dma_wait3A_26 : memref<640x128xf32, #tpu.memory_space<hbm>>) dst(%dma_wait3A_24 : memref<640x128xf32, #tpu.memory_space<vmem_shared>>)
      tpu.yield
    }) : () -> ()
    %barrier3A = arith.constant 0 : index
    tpu.barrier barrier_id(%barrier3A)
    %eq3A = arith.constant 0 : i32
    %eq3A_3 = arith.cmpi eq, %arg0, %eq3A : i32
    %convert_element_type3A = arith.extui %eq3A_3 : i1 to i32
    %cond3A = arith.constant 0 : i32
    %cond3A_4 = arith.cmpi ne, %convert_element_type3A, %cond3A : i32
    scf.if %cond3A_4 {
      %scan3A = arith.constant 0 : i32
      %scan3A_21 = arith.constant 0 : i32
      %scan3A_22 = arith.constant 50 : i32
      %scan3A_23 = arith.addi %scan3A_21, %scan3A_22 : i32
      %scan3A_24 = arith.constant 1 : i32
      scf.for %scan3A_26 = %scan3A_21 to %scan3A_23 step %scan3A_24  : i32 {
        %mul3A_27 = arith.constant 200 : i32
        %mul3A_28 = arith.muli %scan3A_26, %mul3A_27 : i32
        %dma_start3A = tpu.memref_slice %arg10[%mul3A_28] : memref<10000xi32, #tpu.memory_space<vmem>> -> memref<200xi32, #tpu.memory_space<vmem>>
        %dma_start3A_29 = arith.constant 0 : i32
        %dma_start3A_30 = arith.constant 0 : i32
        %dma_start3A_31 = tpu.memref_slice %arg2[%dma_start3A_29, %dma_start3A_30] : memref<10000x128xf32, #tpu.memory_space<hbm>> -> memref<10000x128xf32, #tpu.memory_space<hbm>>
        tpu.enqueue_indirect_dma source(%dma_start3A_31 : memref<10000x128xf32, #tpu.memory_space<hbm>>) target(%arg12 : memref<200x128xf32, #tpu.memory_space<vmem>>) offsets(%dma_start3A : memref<200xi32, #tpu.memory_space<vmem>>) semaphore(%arg13 : memref<!tpu.dma_semaphore, #tpu.memory_space<semaphore_mem>>)
        %dma_wait3A = tpu.memref_slice %arg10[%mul3A_28] : memref<10000xi32, #tpu.memory_space<vmem>> -> memref<200xi32, #tpu.memory_space<vmem>>
        %dma_wait3A_32 = arith.constant 0 : i32
        %dma_wait3A_33 = arith.constant 0 : i32
        %dma_wait3A_34 = tpu.memref_slice %arg2[%dma_wait3A_32, %dma_wait3A_33] : memref<10000x128xf32, #tpu.memory_space<hbm>> -> memref<10000x128xf32, #tpu.memory_space<hbm>>
        tpu.wait_indirect_dma semaphore(%arg13 : memref<!tpu.dma_semaphore, #tpu.memory_space<semaphore_mem>>) src(%dma_wait3A_34 : memref<10000x128xf32, #tpu.memory_space<hbm>>) dst(%arg12 : memref<200x128xf32, #tpu.memory_space<vmem>>)
        %mul3A_35 = arith.constant 200 : i32
        %mul3A_36 = arith.muli %scan3A_26, %mul3A_35 : i32
        "tpu.region"() ({
          %run_scoped3A = tpu.sem_alloc : memref<!tpu.dma_semaphore, #tpu.memory_space<semaphore_mem>>
          %dma_start3A_37 = tpu.memref_slice %arg11[%mul3A_36] : memref<10000xi32, #tpu.memory_space<vmem>> -> memref<200xi32, #tpu.memory_space<vmem>>
          %dma_start3A_38 = arith.constant 0 : i32
          %dma_start3A_39 = arith.constant 0 : i32
          %dma_start3A_40 = tpu.memref_slice %arg9[%dma_start3A_38, %dma_start3A_39] : memref<10240x128xf32, #tpu.memory_space<vmem_shared>> -> memref<10240x128xf32, #tpu.memory_space<vmem_shared>>
          tpu.enqueue_indirect_dma source(%arg12 : memref<200x128xf32, #tpu.memory_space<vmem>>) target(%dma_start3A_40 : memref<10240x128xf32, #tpu.memory_space<vmem_shared>>) offsets(%dma_start3A_37 : memref<200xi32, #tpu.memory_space<vmem>>) semaphore(%run_scoped3A : memref<!tpu.dma_semaphore, #tpu.memory_space<semaphore_mem>>) {add = true}
          %dma_wait3A_41 = tpu.memref_slice %arg11[%mul3A_36] : memref<10000xi32, #tpu.memory_space<vmem>> -> memref<200xi32, #tpu.memory_space<vmem>>
          %dma_wait3A_42 = arith.constant 0 : i32
          %dma_wait3A_43 = arith.constant 0 : i32
          %dma_wait3A_44 = tpu.memref_slice %arg9[%dma_wait3A_42, %dma_wait3A_43] : memref<10240x128xf32, #tpu.memory_space<vmem_shared>> -> memref<10240x128xf32, #tpu.memory_space<vmem_shared>>
          tpu.wait_indirect_dma semaphore(%run_scoped3A : memref<!tpu.dma_semaphore, #tpu.memory_space<semaphore_mem>>) src(%arg12 : memref<200x128xf32, #tpu.memory_space<vmem>>) dst(%dma_wait3A_44 : memref<10240x128xf32, #tpu.memory_space<vmem_shared>>)
          tpu.yield
        }) : () -> ()
      }
      %scan3A_25 = arith.constant 50 : i32
    } else {
    }
    %eq3A_5 = arith.constant 1 : i32
    %eq3A_6 = arith.cmpi eq, %arg0, %eq3A_5 : i32
    %convert_element_type3A_7 = arith.extui %eq3A_6 : i1 to i32
    %cond3A_8 = arith.constant 0 : i32
    %cond3A_9 = arith.cmpi ne, %convert_element_type3A_7, %cond3A_8 : i32
    scf.if %cond3A_9 {
      %scan3A = arith.constant 0 : i32
      %scan3A_21 = arith.constant 0 : i32
      %scan3A_22 = arith.constant 50 : i32
      %scan3A_23 = arith.addi %scan3A_21, %scan3A_22 : i32
      %scan3A_24 = arith.constant 1 : i32
      scf.for %scan3A_26 = %scan3A_21 to %scan3A_23 step %scan3A_24  : i32 {
        %mul3A_27 = arith.constant 200 : i32
        %mul3A_28 = arith.muli %scan3A_26, %mul3A_27 : i32
        %dma_start3A = tpu.memref_slice %arg10[%mul3A_28] : memref<10000xi32, #tpu.memory_space<vmem>> -> memref<200xi32, #tpu.memory_space<vmem>>
        %dma_start3A_29 = arith.constant 0 : i32
        %dma_start3A_30 = arith.constant 0 : i32
        %dma_start3A_31 = tpu.memref_slice %arg3[%dma_start3A_29, %dma_start3A_30] : memref<10000x128xf32, #tpu.memory_space<hbm>> -> memref<10000x128xf32, #tpu.memory_space<hbm>>
        tpu.enqueue_indirect_dma source(%dma_start3A_31 : memref<10000x128xf32, #tpu.memory_space<hbm>>) target(%arg12 : memref<200x128xf32, #tpu.memory_space<vmem>>) offsets(%dma_start3A : memref<200xi32, #tpu.memory_space<vmem>>) semaphore(%arg13 : memref<!tpu.dma_semaphore, #tpu.memory_space<semaphore_mem>>)
        %dma_wait3A = tpu.memref_slice %arg10[%mul3A_28] : memref<10000xi32, #tpu.memory_space<vmem>> -> memref<200xi32, #tpu.memory_space<vmem>>
        %dma_wait3A_32 = arith.constant 0 : i32
        %dma_wait3A_33 = arith.constant 0 : i32
        %dma_wait3A_34 = tpu.memref_slice %arg3[%dma_wait3A_32, %dma_wait3A_33] : memref<10000x128xf32, #tpu.memory_space<hbm>> -> memref<10000x128xf32, #tpu.memory_space<hbm>>
        tpu.wait_indirect_dma semaphore(%arg13 : memref<!tpu.dma_semaphore, #tpu.memory_space<semaphore_mem>>) src(%dma_wait3A_34 : memref<10000x128xf32, #tpu.memory_space<hbm>>) dst(%arg12 : memref<200x128xf32, #tpu.memory_space<vmem>>)
        %mul3A_35 = arith.constant 200 : i32
        %mul3A_36 = arith.muli %scan3A_26, %mul3A_35 : i32
        "tpu.region"() ({
          %run_scoped3A = tpu.sem_alloc : memref<!tpu.dma_semaphore, #tpu.memory_space<semaphore_mem>>
          %dma_start3A_37 = tpu.memref_slice %arg11[%mul3A_36] : memref<10000xi32, #tpu.memory_space<vmem>> -> memref<200xi32, #tpu.memory_space<vmem>>
          %dma_start3A_38 = arith.constant 0 : i32
          %dma_start3A_39 = arith.constant 0 : i32
          %dma_start3A_40 = tpu.memref_slice %arg9[%dma_start3A_38, %dma_start3A_39] : memref<10240x128xf32, #tpu.memory_space<vmem_shared>> -> memref<10240x128xf32, #tpu.memory_space<vmem_shared>>
          tpu.enqueue_indirect_dma source(%arg12 : memref<200x128xf32, #tpu.memory_space<vmem>>) target(%dma_start3A_40 : memref<10240x128xf32, #tpu.memory_space<vmem_shared>>) offsets(%dma_start3A_37 : memref<200xi32, #tpu.memory_space<vmem>>) semaphore(%run_scoped3A : memref<!tpu.dma_semaphore, #tpu.memory_space<semaphore_mem>>) {add = true}
          %dma_wait3A_41 = tpu.memref_slice %arg11[%mul3A_36] : memref<10000xi32, #tpu.memory_space<vmem>> -> memref<200xi32, #tpu.memory_space<vmem>>
          %dma_wait3A_42 = arith.constant 0 : i32
          %dma_wait3A_43 = arith.constant 0 : i32
          %dma_wait3A_44 = tpu.memref_slice %arg9[%dma_wait3A_42, %dma_wait3A_43] : memref<10240x128xf32, #tpu.memory_space<vmem_shared>> -> memref<10240x128xf32, #tpu.memory_space<vmem_shared>>
          tpu.wait_indirect_dma semaphore(%run_scoped3A : memref<!tpu.dma_semaphore, #tpu.memory_space<semaphore_mem>>) src(%arg12 : memref<200x128xf32, #tpu.memory_space<vmem>>) dst(%dma_wait3A_44 : memref<10240x128xf32, #tpu.memory_space<vmem_shared>>)
          tpu.yield
        }) : () -> ()
      }
      %scan3A_25 = arith.constant 50 : i32
    } else {
    }
    %barrier3A_10 = arith.constant 0 : index
    tpu.barrier barrier_id(%barrier3A_10)
    %eq3A_11 = arith.constant 0 : i32
    %eq3A_12 = arith.cmpi eq, %arg0, %eq3A_11 : i32
    %convert_element_type3A_13 = arith.extui %eq3A_12 : i1 to i32
    %cond3A_14 = arith.constant 0 : i32
    %cond3A_15 = arith.cmpi ne, %convert_element_type3A_13, %cond3A_14 : i32
    scf.if %cond3A_15 {
      %mul3A_21 = arith.constant 640 : i32
      %mul3A_22 = arith.muli %arg1, %mul3A_21 : i32
      %mul3A_23 = arith.constant 640 : i32
      %mul3A_24 = arith.muli %arg1, %mul3A_23 : i32
      "tpu.region"() ({
        %run_scoped3A = tpu.sem_alloc : memref<!tpu.dma_semaphore, #tpu.memory_space<semaphore_mem>>
        %dma_start3A = arith.constant 0 : i32
        %dma_start3A_25 = tpu.memref_slice %arg7[%mul3A_24, %dma_start3A] : memref<10240x128xf32, #tpu.memory_space<hbm>> -> memref<640x128xf32, #tpu.memory_space<hbm>>
        %dma_start3A_26 = arith.constant 0 : i32
        %dma_start3A_27 = tpu.memref_slice %arg9[%mul3A_22, %dma_start3A_26] : memref<10240x128xf32, #tpu.memory_space<vmem_shared>> -> memref<640x128xf32, #tpu.memory_space<vmem_shared>>
        tpu.enqueue_dma source(%dma_start3A_27 : memref<640x128xf32, #tpu.memory_space<vmem_shared>>) target(%dma_start3A_25 : memref<640x128xf32, #tpu.memory_space<hbm>>) target_semaphore(%run_scoped3A : memref<!tpu.dma_semaphore, #tpu.memory_space<semaphore_mem>>)
        %dma_wait3A = arith.constant 0 : i32
        %dma_wait3A_28 = tpu.memref_slice %arg7[%mul3A_24, %dma_wait3A] : memref<10240x128xf32, #tpu.memory_space<hbm>> -> memref<640x128xf32, #tpu.memory_space<hbm>>
        %dma_wait3A_29 = arith.constant 0 : i32
        %dma_wait3A_30 = tpu.memref_slice %arg9[%mul3A_22, %dma_wait3A_29] : memref<10240x128xf32, #tpu.memory_space<vmem_shared>> -> memref<640x128xf32, #tpu.memory_space<vmem_shared>>
        tpu.wait_dma2 semaphore(%run_scoped3A : memref<!tpu.dma_semaphore, #tpu.memory_space<semaphore_mem>>) src(%dma_wait3A_30 : memref<640x128xf32, #tpu.memory_space<vmem_shared>>) dst(%dma_wait3A_28 : memref<640x128xf32, #tpu.memory_space<hbm>>)
        tpu.yield
      }) : () -> ()
    } else {
    }
    %eq3A_16 = arith.constant 1 : i32
    %eq3A_17 = arith.cmpi eq, %arg0, %eq3A_16 : i32
    %convert_element_type3A_18 = arith.extui %eq3A_17 : i1 to i32
    %cond3A_19 = arith.constant 0 : i32
    %cond3A_20 = arith.cmpi ne, %convert_element_type3A_18, %cond3A_19 : i32
    scf.if %cond3A_20 {
      %mul3A_21 = arith.constant 640 : i32
      %mul3A_22 = arith.muli %arg1, %mul3A_21 : i32
      %mul3A_23 = arith.constant 640 : i32
      %mul3A_24 = arith.muli %arg1, %mul3A_23 : i32
      "tpu.region"() ({
        %run_scoped3A = tpu.sem_alloc : memref<!tpu.dma_semaphore, #tpu.memory_space<semaphore_mem>>
        %dma_start3A = arith.constant 0 : i32
        %dma_start3A_25 = tpu.memref_slice %arg8[%mul3A_24, %dma_start3A] : memref<10240x128xf32, #tpu.memory_space<hbm>> -> memref<640x128xf32, #tpu.memory_space<hbm>>
        %dma_start3A_26 = arith.constant 0 : i32
        %dma_start3A_27 = tpu.memref_slice %arg9[%mul3A_22, %dma_start3A_26] : memref<10240x128xf32, #tpu.memory_space<vmem_shared>> -> memref<640x128xf32, #tpu.memory_space<vmem_shared>>
        tpu.enqueue_dma source(%dma_start3A_27 : memref<640x128xf32, #tpu.memory_space<vmem_shared>>) target(%dma_start3A_25 : memref<640x128xf32, #tpu.memory_space<hbm>>) target_semaphore(%run_scoped3A : memref<!tpu.dma_semaphore, #tpu.memory_space<semaphore_mem>>)
        %dma_wait3A = arith.constant 0 : i32
        %dma_wait3A_28 = tpu.memref_slice %arg8[%mul3A_24, %dma_wait3A] : memref<10240x128xf32, #tpu.memory_space<hbm>> -> memref<640x128xf32, #tpu.memory_space<hbm>>
        %dma_wait3A_29 = arith.constant 0 : i32
        %dma_wait3A_30 = tpu.memref_slice %arg9[%mul3A_22, %dma_wait3A_29] : memref<10240x128xf32, #tpu.memory_space<vmem_shared>> -> memref<640x128xf32, #tpu.memory_space<vmem_shared>>
        tpu.wait_dma2 semaphore(%run_scoped3A : memref<!tpu.dma_semaphore, #tpu.memory_space<semaphore_mem>>) src(%dma_wait3A_30 : memref<640x128xf32, #tpu.memory_space<vmem_shared>>) dst(%dma_wait3A_28 : memref<640x128xf32, #tpu.memory_space<hbm>>)
        tpu.yield
      }) : () -> ()
    } else {
    }
    return
  }
}

module attributes {stable_mosaic.version = 14 : i64} {
  func.func @_qkv_body(%arg0: i32, %arg1: memref<2000x128xf32, #tpu.memory_space<vmem>>, %arg2: memref<128x128xf32, #tpu.memory_space<vmem>>, %arg3: memref<1x128xf32, #tpu.memory_space<vmem>>, %arg4: memref<128x128xf32, #tpu.memory_space<vmem>>, %arg5: memref<1x128xf32, #tpu.memory_space<vmem>>, %arg6: memref<128x128xf32, #tpu.memory_space<vmem>>, %arg7: memref<1x128xf32, #tpu.memory_space<vmem>>, %arg8: memref<2000x128xf32, #tpu.memory_space<vmem>>, %arg9: memref<2000x256xf32, #tpu.memory_space<vmem>>) attributes {dimension_semantics = [#tpu.dimension_semantics<arbitrary>], iteration_bounds = array<i64: 5>, scalar_prefetch = 0 : i64, scratch_operands = 0 : i64, tpu.core_type = #tpu.core_type<tc>, window_params = [{transform_indices = @transform_0, window_bounds = array<i64: 2000, 128>}, {pipeline_mode = #tpu.pipeline_mode<synchronous>, transform_indices = @transform_1, window_bounds = array<i64: 128, 128>}, {pipeline_mode = #tpu.pipeline_mode<synchronous>, transform_indices = @transform_2, window_bounds = array<i64: 1, 128>}, {pipeline_mode = #tpu.pipeline_mode<synchronous>, transform_indices = @transform_3, window_bounds = array<i64: 128, 128>}, {pipeline_mode = #tpu.pipeline_mode<synchronous>, transform_indices = @transform_4, window_bounds = array<i64: 1, 128>}, {pipeline_mode = #tpu.pipeline_mode<synchronous>, transform_indices = @transform_5, window_bounds = array<i64: 128, 128>}, {pipeline_mode = #tpu.pipeline_mode<synchronous>, transform_indices = @transform_6, window_bounds = array<i64: 1, 128>}, {transform_indices = @transform_7, window_bounds = array<i64: 2000, 128>}, {transform_indices = @transform_8, window_bounds = array<i64: 2000, 256>}]} {
    %get3A = arith.constant 0 : index
    %get3A_0 = arith.constant 0 : index
    %get3A_1 = vector.load %arg1[%get3A, %get3A_0] : memref<2000x128xf32, #tpu.memory_space<vmem>>, vector<2000x128xf32>
    %get3A_2 = arith.constant 0 : index
    %get3A_3 = arith.constant 0 : index
    %get3A_4 = vector.load %arg2[%get3A_2, %get3A_3] : memref<128x128xf32, #tpu.memory_space<vmem>>, vector<128x128xf32>
    %dot_general3A = arith.constant dense<0.000000e+00> : vector<2000x128xf32>
    %dot_general3A_5 = tpu.matmul %get3A_1, %get3A_4, %dot_general3A {dimension_numbers = #tpu.dot_dimension_numbers<[1], [0], [0], [1], [0, 0, 1, 1], [], []>, transpose_lhs_hint = false} : vector<2000x128xf32>, vector<128x128xf32>, vector<2000x128xf32> -> vector<2000x128xf32>
    %get3A_6 = arith.constant 0 : index
    %get3A_7 = arith.constant 0 : index
    %get3A_8 = vector.load %arg3[%get3A_6, %get3A_7] : memref<1x128xf32, #tpu.memory_space<vmem>>, vector<1x128xf32>
    %add3A = vector.broadcast %get3A_8 : vector<1x128xf32> to vector<2000x128xf32>
    %add3A_9 = arith.addf %dot_general3A_5, %add3A : vector<2000x128xf32>
    %swap3A = arith.constant 0 : index
    %swap3A_10 = arith.constant 0 : index
    %swap3A_11 = vector.load %arg8[%swap3A, %swap3A_10] : memref<2000x128xf32, #tpu.memory_space<vmem>>, vector<2000x128xf32>
    tpu.vector_store %arg8[%swap3A, %swap3A_10], %add3A_9 {strides = array<i32>} : memref<2000x128xf32, #tpu.memory_space<vmem>>, vector<2000x128xf32>,
    %get3A_12 = arith.constant 0 : index
    %get3A_13 = arith.constant 0 : index
    %get3A_14 = vector.load %arg4[%get3A_12, %get3A_13] : memref<128x128xf32, #tpu.memory_space<vmem>>, vector<128x128xf32>
    %dot_general3A_15 = arith.constant dense<0.000000e+00> : vector<2000x128xf32>
    %dot_general3A_16 = tpu.matmul %get3A_1, %get3A_14, %dot_general3A_15 {dimension_numbers = #tpu.dot_dimension_numbers<[1], [0], [0], [1], [0, 0, 1, 1], [], []>, transpose_lhs_hint = false} : vector<2000x128xf32>, vector<128x128xf32>, vector<2000x128xf32> -> vector<2000x128xf32>
    %get3A_17 = arith.constant 0 : index
    %get3A_18 = arith.constant 0 : index
    %get3A_19 = vector.load %arg5[%get3A_17, %get3A_18] : memref<1x128xf32, #tpu.memory_space<vmem>>, vector<1x128xf32>
    %add3A_20 = vector.broadcast %get3A_19 : vector<1x128xf32> to vector<2000x128xf32>
    %add3A_21 = arith.addf %dot_general3A_16, %add3A_20 : vector<2000x128xf32>
    %get3A_22 = arith.constant 0 : index
    %get3A_23 = arith.constant 0 : index
    %get3A_24 = vector.load %arg6[%get3A_22, %get3A_23] : memref<128x128xf32, #tpu.memory_space<vmem>>, vector<128x128xf32>
    %dot_general3A_25 = arith.constant dense<0.000000e+00> : vector<2000x128xf32>
    %dot_general3A_26 = tpu.matmul %get3A_1, %get3A_24, %dot_general3A_25 {dimension_numbers = #tpu.dot_dimension_numbers<[1], [0], [0], [1], [0, 0, 1, 1], [], []>, transpose_lhs_hint = false} : vector<2000x128xf32>, vector<128x128xf32>, vector<2000x128xf32> -> vector<2000x128xf32>
    %get3A_27 = arith.constant 0 : index
    %get3A_28 = arith.constant 0 : index
    %get3A_29 = vector.load %arg7[%get3A_27, %get3A_28] : memref<1x128xf32, #tpu.memory_space<vmem>>, vector<1x128xf32>
    %add3A_30 = vector.broadcast %get3A_29 : vector<1x128xf32> to vector<2000x128xf32>
    %add3A_31 = arith.addf %dot_general3A_26, %add3A_30 : vector<2000x128xf32>
    %concatenate3A = tpu.concatenate %add3A_21, %add3A_31 in 1 : vector<2000x128xf32>, vector<2000x128xf32> -> vector<2000x256xf32>
    %swap3A_32 = arith.constant 0 : index
    %swap3A_33 = arith.constant 0 : index
    %swap3A_34 = vector.load %arg9[%swap3A_32, %swap3A_33] : memref<2000x256xf32, #tpu.memory_space<vmem>>, vector<2000x256xf32>
    tpu.vector_store %arg9[%swap3A_32, %swap3A_33], %concatenate3A {strides = array<i32>} : memref<2000x256xf32, #tpu.memory_space<vmem>>, vector<2000x256xf32>,
    return
  }
  func.func @transform_0(%arg0: i32) -> (i32, i32) {
    %c0_i32 = arith.constant 0 : i32
    %c0_i32_0 = arith.constant 0 : i32
    return %arg0, %c0_i32 : i32, i32
  }
  func.func @transform_1(%arg0: i32) -> (i32, i32) {
    %c0_i32 = arith.constant 0 : i32
    %c0_i32_0 = arith.constant 0 : i32
    %c0_i32_1 = arith.constant 0 : i32
    return %c0_i32, %c0_i32_0 : i32, i32
  }
  func.func @transform_2(%arg0: i32) -> (i32, i32) {
    %c0_i32 = arith.constant 0 : i32
    %c0_i32_0 = arith.constant 0 : i32
    %c0_i32_1 = arith.constant 0 : i32
    return %c0_i32, %c0_i32_0 : i32, i32
  }
  func.func @transform_3(%arg0: i32) -> (i32, i32) {
    %c0_i32 = arith.constant 0 : i32
    %c0_i32_0 = arith.constant 0 : i32
    %c0_i32_1 = arith.constant 0 : i32
    return %c0_i32, %c0_i32_0 : i32, i32
  }
  func.func @transform_4(%arg0: i32) -> (i32, i32) {
    %c0_i32 = arith.constant 0 : i32
    %c0_i32_0 = arith.constant 0 : i32
    %c0_i32_1 = arith.constant 0 : i32
    return %c0_i32, %c0_i32_0 : i32, i32
  }
  func.func @transform_5(%arg0: i32) -> (i32, i32) {
    %c0_i32 = arith.constant 0 : i32
    %c0_i32_0 = arith.constant 0 : i32
    %c0_i32_1 = arith.constant 0 : i32
    return %c0_i32, %c0_i32_0 : i32, i32
  }
  func.func @transform_6(%arg0: i32) -> (i32, i32) {
    %c0_i32 = arith.constant 0 : i32
    %c0_i32_0 = arith.constant 0 : i32
    %c0_i32_1 = arith.constant 0 : i32
    return %c0_i32, %c0_i32_0 : i32, i32
  }
  func.func @transform_7(%arg0: i32) -> (i32, i32) {
    %c0_i32 = arith.constant 0 : i32
    %c0_i32_0 = arith.constant 0 : i32
    return %arg0, %c0_i32 : i32, i32
  }
  func.func @transform_8(%arg0: i32) -> (i32, i32) {
    %c0_i32 = arith.constant 0 : i32
    %c0_i32_0 = arith.constant 0 : i32
    return %arg0, %c0_i32 : i32, i32
  }
}

module attributes {stable_mosaic.version = 14 : i64} {
  func.func @_edge_pre_body(%arg0: i32, %arg1: memref<2000x128xf32, #tpu.memory_space<vmem>>, %arg2: memref<2000x128xf32, #tpu.memory_space<vmem>>, %arg3: memref<128x128xf32, #tpu.memory_space<vmem>>, %arg4: memref<1x128xf32, #tpu.memory_space<vmem>>, %arg5: memref<128x128xf32, #tpu.memory_space<vmem>>, %arg6: memref<1x128xf32, #tpu.memory_space<vmem>>, %arg7: memref<128x128xf32, #tpu.memory_space<vmem>>, %arg8: memref<1x128xf32, #tpu.memory_space<vmem>>, %arg9: memref<128x128xf32, #tpu.memory_space<vmem>>, %arg10: memref<1x128xf32, #tpu.memory_space<vmem>>, %arg11: memref<128x8xf32, #tpu.memory_space<vmem>>, %arg12: memref<128x8xf32, #tpu.memory_space<vmem>>, %arg13: memref<2000x144xf32, #tpu.memory_space<vmem>>, %arg14: memref<2000x144xf32, #tpu.memory_space<vmem>>) attributes {dimension_semantics = [#tpu.dimension_semantics<arbitrary>], iteration_bounds = array<i64: 80>, scalar_prefetch = 0 : i64, scratch_operands = 0 : i64, tpu.core_type = #tpu.core_type<tc>, window_params = [{transform_indices = @transform_0, window_bounds = array<i64: 2000, 128>}, {transform_indices = @transform_1, window_bounds = array<i64: 2000, 128>}, {pipeline_mode = #tpu.pipeline_mode<synchronous>, transform_indices = @transform_2, window_bounds = array<i64: 128, 128>}, {pipeline_mode = #tpu.pipeline_mode<synchronous>, transform_indices = @transform_3, window_bounds = array<i64: 1, 128>}, {pipeline_mode = #tpu.pipeline_mode<synchronous>, transform_indices = @transform_4, window_bounds = array<i64: 128, 128>}, {pipeline_mode = #tpu.pipeline_mode<synchronous>, transform_indices = @transform_5, window_bounds = array<i64: 1, 128>}, {pipeline_mode = #tpu.pipeline_mode<synchronous>, transform_indices = @transform_6, window_bounds = array<i64: 128, 128>}, {pipeline_mode = #tpu.pipeline_mode<synchronous>, transform_indices = @transform_7, window_bounds = array<i64: 1, 128>}, {pipeline_mode = #tpu.pipeline_mode<synchronous>, transform_indices = @transform_8, window_bounds = array<i64: 128, 128>}, {pipeline_mode = #tpu.pipeline_mode<synchronous>, transform_indices = @transform_9, window_bounds = array<i64: 1, 128>}, {pipeline_mode = #tpu.pipeline_mode<synchronous>, transform_indices = @transform_10, window_bounds = array<i64: 128, 8>}, {pipeline_mode = #tpu.pipeline_mode<synchronous>, transform_indices = @transform_11, window_bounds = array<i64: 128, 8>}, {transform_indices = @transform_12, window_bounds = array<i64: 2000, 144>}, {transform_indices = @transform_13, window_bounds = array<i64: 2000, 144>}]} {
    %get3A = arith.constant 0 : index
    %get3A_0 = arith.constant 0 : index
    %get3A_1 = vector.load %arg1[%get3A, %get3A_0] : memref<2000x128xf32, #tpu.memory_space<vmem>>, vector<2000x128xf32>
    %get3A_2 = arith.constant 0 : index
    %get3A_3 = arith.constant 0 : index
    %get3A_4 = vector.load %arg3[%get3A_2, %get3A_3] : memref<128x128xf32, #tpu.memory_space<vmem>>, vector<128x128xf32>
    %dot_general3A = arith.constant dense<0.000000e+00> : vector<2000x128xf32>
    %dot_general3A_5 = tpu.matmul %get3A_1, %get3A_4, %dot_general3A {dimension_numbers = #tpu.dot_dimension_numbers<[1], [0], [0], [1], [0, 0, 1, 1], [], []>, transpose_lhs_hint = false} : vector<2000x128xf32>, vector<128x128xf32>, vector<2000x128xf32> -> vector<2000x128xf32>
    %get3A_6 = arith.constant 0 : index
    %get3A_7 = arith.constant 0 : index
    %get3A_8 = vector.load %arg4[%get3A_6, %get3A_7] : memref<1x128xf32, #tpu.memory_space<vmem>>, vector<1x128xf32>
    %add3A = vector.broadcast %get3A_8 : vector<1x128xf32> to vector<2000x128xf32>
    %add3A_9 = arith.addf %dot_general3A_5, %add3A : vector<2000x128xf32>
    %logistic3A = arith.negf %add3A_9 : vector<2000x128xf32>
    %logistic3A_10 = math.exp %logistic3A : vector<2000x128xf32>
    %logistic3A_11 = arith.constant 1.000000e+00 : f32
    %logistic3A_12 = vector.broadcast %logistic3A_11 : f32 to vector<2000x128xf32>
    %logistic3A_13 = arith.addf %logistic3A_12, %logistic3A_10 : vector<2000x128xf32>
    %logistic3A_14 = arith.divf %logistic3A_12, %logistic3A_13 : vector<2000x128xf32>
    %mul3A = arith.mulf %add3A_9, %logistic3A_14 : vector<2000x128xf32>
    %get3A_15 = arith.constant 0 : index
    %get3A_16 = arith.constant 0 : index
    %get3A_17 = vector.load %arg5[%get3A_15, %get3A_16] : memref<128x128xf32, #tpu.memory_space<vmem>>, vector<128x128xf32>
    %dot_general3A_18 = arith.constant dense<0.000000e+00> : vector<2000x128xf32>
    %dot_general3A_19 = tpu.matmul %mul3A, %get3A_17, %dot_general3A_18 {dimension_numbers = #tpu.dot_dimension_numbers<[1], [0], [0], [1], [0, 0, 1, 1], [], []>, transpose_lhs_hint = false} : vector<2000x128xf32>, vector<128x128xf32>, vector<2000x128xf32> -> vector<2000x128xf32>
    %get3A_20 = arith.constant 0 : index
    %get3A_21 = arith.constant 0 : index
    %get3A_22 = vector.load %arg6[%get3A_20, %get3A_21] : memref<1x128xf32, #tpu.memory_space<vmem>>, vector<1x128xf32>
    %add3A_23 = vector.broadcast %get3A_22 : vector<1x128xf32> to vector<2000x128xf32>
    %add3A_24 = arith.addf %dot_general3A_19, %add3A_23 : vector<2000x128xf32>
    %broadcast_in_dim3A = arith.constant 0.000000e+00 : f32
    %broadcast_in_dim3A_25 = vector.broadcast %broadcast_in_dim3A : f32 to vector<2000x8xf32>
    %get3A_26 = arith.constant 0 : index
    %get3A_27 = arith.constant 0 : index
    %get3A_28 = vector.load %arg2[%get3A_26, %get3A_27] : memref<2000x128xf32, #tpu.memory_space<vmem>>, vector<2000x128xf32>
    %get3A_29 = arith.constant 0 : index
    %get3A_30 = arith.constant 0 : index
    %get3A_31 = vector.load %arg7[%get3A_29, %get3A_30] : memref<128x128xf32, #tpu.memory_space<vmem>>, vector<128x128xf32>
    %dot_general3A_32 = arith.constant dense<0.000000e+00> : vector<2000x128xf32>
    %dot_general3A_33 = tpu.matmul %add3A_24, %get3A_31, %dot_general3A_32 {dimension_numbers = #tpu.dot_dimension_numbers<[1], [0], [0], [1], [0, 0, 1, 1], [], []>, transpose_lhs_hint = false} : vector<2000x128xf32>, vector<128x128xf32>, vector<2000x128xf32> -> vector<2000x128xf32>
    %get3A_34 = arith.constant 0 : index
    %get3A_35 = arith.constant 0 : index
    %get3A_36 = vector.load %arg8[%get3A_34, %get3A_35] : memref<1x128xf32, #tpu.memory_space<vmem>>, vector<1x128xf32>
    %add3A_37 = vector.broadcast %get3A_36 : vector<1x128xf32> to vector<2000x128xf32>
    %add3A_38 = arith.addf %dot_general3A_33, %add3A_37 : vector<2000x128xf32>
    %get3A_39 = arith.constant 0 : index
    %get3A_40 = arith.constant 0 : index
    %get3A_41 = vector.load %arg11[%get3A_39, %get3A_40] : memref<128x8xf32, #tpu.memory_space<vmem>>, vector<128x8xf32>
    %dot_general3A_42 = arith.constant dense<0.000000e+00> : vector<2000x8xf32>
    %dot_general3A_43 = tpu.matmul %get3A_28, %get3A_41, %dot_general3A_42 {dimension_numbers = #tpu.dot_dimension_numbers<[1], [0], [0], [1], [0, 0, 1, 1], [], []>, transpose_lhs_hint = false} : vector<2000x128xf32>, vector<128x8xf32>, vector<2000x8xf32> -> vector<2000x8xf32>
    %concatenate3A = tpu.concatenate %add3A_38, %dot_general3A_43, %broadcast_in_dim3A_25 in 1 : vector<2000x128xf32>, vector<2000x8xf32>, vector<2000x8xf32> -> vector<2000x144xf32>
    %swap3A = arith.constant 0 : index
    %swap3A_44 = arith.constant 0 : index
    %swap3A_45 = vector.load %arg13[%swap3A, %swap3A_44] : memref<2000x144xf32, #tpu.memory_space<vmem>>, vector<2000x144xf32>
    tpu.vector_store %arg13[%swap3A, %swap3A_44], %concatenate3A {strides = array<i32>} : memref<2000x144xf32, #tpu.memory_space<vmem>>, vector<2000x144xf32>,
    %get3A_46 = arith.constant 0 : index
    %get3A_47 = arith.constant 0 : index
    %get3A_48 = vector.load %arg9[%get3A_46, %get3A_47] : memref<128x128xf32, #tpu.memory_space<vmem>>, vector<128x128xf32>
    %dot_general3A_49 = arith.constant dense<0.000000e+00> : vector<2000x128xf32>
    %dot_general3A_50 = tpu.matmul %add3A_24, %get3A_48, %dot_general3A_49 {dimension_numbers = #tpu.dot_dimension_numbers<[1], [0], [0], [1], [0, 0, 1, 1], [], []>, transpose_lhs_hint = false} : vector<2000x128xf32>, vector<128x128xf32>, vector<2000x128xf32> -> vector<2000x128xf32>
    %get3A_51 = arith.constant 0 : index
    %get3A_52 = arith.constant 0 : index
    %get3A_53 = vector.load %arg10[%get3A_51, %get3A_52] : memref<1x128xf32, #tpu.memory_space<vmem>>, vector<1x128xf32>
    %add3A_54 = vector.broadcast %get3A_53 : vector<1x128xf32> to vector<2000x128xf32>
    %add3A_55 = arith.addf %dot_general3A_50, %add3A_54 : vector<2000x128xf32>
    %get3A_56 = arith.constant 0 : index
    %get3A_57 = arith.constant 0 : index
    %get3A_58 = vector.load %arg12[%get3A_56, %get3A_57] : memref<128x8xf32, #tpu.memory_space<vmem>>, vector<128x8xf32>
    %dot_general3A_59 = arith.constant dense<0.000000e+00> : vector<2000x8xf32>
    %dot_general3A_60 = tpu.matmul %get3A_28, %get3A_58, %dot_general3A_59 {dimension_numbers = #tpu.dot_dimension_numbers<[1], [0], [0], [1], [0, 0, 1, 1], [], []>, transpose_lhs_hint = false} : vector<2000x128xf32>, vector<128x8xf32>, vector<2000x8xf32> -> vector<2000x8xf32>
    %concatenate3A_61 = tpu.concatenate %add3A_55, %dot_general3A_60, %broadcast_in_dim3A_25 in 1 : vector<2000x128xf32>, vector<2000x8xf32>, vector<2000x8xf32> -> vector<2000x144xf32>
    %swap3A_62 = arith.constant 0 : index
    %swap3A_63 = arith.constant 0 : index
    %swap3A_64 = vector.load %arg14[%swap3A_62, %swap3A_63] : memref<2000x144xf32, #tpu.memory_space<vmem>>, vector<2000x144xf32>
    tpu.vector_store %arg14[%swap3A_62, %swap3A_63], %concatenate3A_61 {strides = array<i32>} : memref<2000x144xf32, #tpu.memory_space<vmem>>, vector<2000x144xf32>,
    return
  }
  func.func @transform_0(%arg0: i32) -> (i32, i32) {
    %c0_i32 = arith.constant 0 : i32
    %c0_i32_0 = arith.constant 0 : i32
    return %arg0, %c0_i32 : i32, i32
  }
  func.func @transform_1(%arg0: i32) -> (i32, i32) {
    %c0_i32 = arith.constant 0 : i32
    %c0_i32_0 = arith.constant 0 : i32
    return %arg0, %c0_i32 : i32, i32
  }
  func.func @transform_2(%arg0: i32) -> (i32, i32) {
    %c0_i32 = arith.constant 0 : i32
    %c0_i32_0 = arith.constant 0 : i32
    %c0_i32_1 = arith.constant 0 : i32
    return %c0_i32, %c0_i32_0 : i32, i32
  }
  func.func @transform_3(%arg0: i32) -> (i32, i32) {
    %c0_i32 = arith.constant 0 : i32
    %c0_i32_0 = arith.constant 0 : i32
    %c0_i32_1 = arith.constant 0 : i32
    return %c0_i32, %c0_i32_0 : i32, i32
  }
  func.func @transform_4(%arg0: i32) -> (i32, i32) {
    %c0_i32 = arith.constant 0 : i32
    %c0_i32_0 = arith.constant 0 : i32
    %c0_i32_1 = arith.constant 0 : i32
    return %c0_i32, %c0_i32_0 : i32, i32
  }
  func.func @transform_5(%arg0: i32) -> (i32, i32) {
    %c0_i32 = arith.constant 0 : i32
    %c0_i32_0 = arith.constant 0 : i32
    %c0_i32_1 = arith.constant 0 : i32
    return %c0_i32, %c0_i32_0 : i32, i32
  }
  func.func @transform_6(%arg0: i32) -> (i32, i32) {
    %c0_i32 = arith.constant 0 : i32
    %c0_i32_0 = arith.constant 0 : i32
    %c0_i32_1 = arith.constant 0 : i32
    return %c0_i32, %c0_i32_0 : i32, i32
  }
  func.func @transform_7(%arg0: i32) -> (i32, i32) {
    %c0_i32 = arith.constant 0 : i32
    %c0_i32_0 = arith.constant 0 : i32
    %c0_i32_1 = arith.constant 0 : i32
    return %c0_i32, %c0_i32_0 : i32, i32
  }
  func.func @transform_8(%arg0: i32) -> (i32, i32) {
    %c0_i32 = arith.constant 0 : i32
    %c0_i32_0 = arith.constant 0 : i32
    %c0_i32_1 = arith.constant 0 : i32
    return %c0_i32, %c0_i32_0 : i32, i32
  }
  func.func @transform_9(%arg0: i32) -> (i32, i32) {
    %c0_i32 = arith.constant 0 : i32
    %c0_i32_0 = arith.constant 0 : i32
    %c0_i32_1 = arith.constant 0 : i32
    return %c0_i32, %c0_i32_0 : i32, i32
  }
  func.func @transform_10(%arg0: i32) -> (i32, i32) {
    %c0_i32 = arith.constant 0 : i32
    %c0_i32_0 = arith.constant 0 : i32
    %c0_i32_1 = arith.constant 0 : i32
    return %c0_i32, %c0_i32_0 : i32, i32
  }
  func.func @transform_11(%arg0: i32) -> (i32, i32) {
    %c0_i32 = arith.constant 0 : i32
    %c0_i32_0 = arith.constant 0 : i32
    %c0_i32_1 = arith.constant 0 : i32
    return %c0_i32, %c0_i32_0 : i32, i32
  }
  func.func @transform_12(%arg0: i32) -> (i32, i32) {
    %c0_i32 = arith.constant 0 : i32
    %c0_i32_0 = arith.constant 0 : i32
    return %arg0, %c0_i32 : i32, i32
  }
  func.func @transform_13(%arg0: i32) -> (i32, i32) {
    %c0_i32 = arith.constant 0 : i32
    %c0_i32_0 = arith.constant 0 : i32
    return %arg0, %c0_i32 : i32, i32
  }
}

module attributes {stable_mosaic.version = 14 : i64} {
  func.func @_edge_w_body(%arg0: i32, %arg1: memref<2000x128xf32, #tpu.memory_space<vmem>>, %arg2: memref<2000x16xf32, #tpu.memory_space<vmem>>, %arg3: memref<8x128xf32, #tpu.memory_space<vmem>>, %arg4: memref<2000x128xf32, #tpu.memory_space<vmem>>, %arg5: memref<2000x128xf32, #tpu.memory_space<vmem>>) attributes {dimension_semantics = [#tpu.dimension_semantics<arbitrary>], iteration_bounds = array<i64: 80>, scalar_prefetch = 0 : i64, scratch_operands = 0 : i64, tpu.core_type = #tpu.core_type<tc>, window_params = [{transform_indices = @transform_0, window_bounds = array<i64: 2000, 128>}, {transform_indices = @transform_1, window_bounds = array<i64: 2000, 16>}, {pipeline_mode = #tpu.pipeline_mode<synchronous>, transform_indices = @transform_2, window_bounds = array<i64: 8, 128>}, {transform_indices = @transform_3, window_bounds = array<i64: 2000, 128>}, {transform_indices = @transform_4, window_bounds = array<i64: 2000, 128>}]} {
    %get3A = arith.constant 0 : index
    %get3A_0 = arith.constant 0 : index
    %get3A_1 = vector.load %arg2[%get3A, %get3A_0] : memref<2000x16xf32, #tpu.memory_space<vmem>>, vector<2000x16xf32>
    %slice3A = vector.extract_strided_slice %get3A_1 {offsets = [0, 0], sizes = [2000, 8], strides = [1, 1]} : vector<2000x16xf32> to vector<2000x8xf32>
    %exp3A = math.exp %slice3A : vector<2000x8xf32>
    %get3A_2 = arith.constant 0 : index
    %get3A_3 = arith.constant 0 : index
    %get3A_4 = vector.load %arg3[%get3A_2, %get3A_3] : memref<8x128xf32, #tpu.memory_space<vmem>>, vector<8x128xf32>
    %dot_general3A = arith.constant dense<0.000000e+00> : vector<2000x128xf32>
    %dot_general3A_5 = tpu.matmul %exp3A, %get3A_4, %dot_general3A {dimension_numbers = #tpu.dot_dimension_numbers<[1], [0], [0], [1], [0, 0, 1, 1], [], []>, transpose_lhs_hint = false} : vector<2000x8xf32>, vector<8x128xf32>, vector<2000x128xf32> -> vector<2000x128xf32>
    %swap3A = arith.constant 0 : index
    %swap3A_6 = arith.constant 0 : index
    %swap3A_7 = vector.load %arg5[%swap3A, %swap3A_6] : memref<2000x128xf32, #tpu.memory_space<vmem>>, vector<2000x128xf32>
    tpu.vector_store %arg5[%swap3A, %swap3A_6], %dot_general3A_5 {strides = array<i32>} : memref<2000x128xf32, #tpu.memory_space<vmem>>, vector<2000x128xf32>,
    %get3A_8 = arith.constant 0 : index
    %get3A_9 = arith.constant 0 : index
    %get3A_10 = vector.load %arg1[%get3A_8, %get3A_9] : memref<2000x128xf32, #tpu.memory_space<vmem>>, vector<2000x128xf32>
    %mul3A = arith.mulf %dot_general3A_5, %get3A_10 : vector<2000x128xf32>
    %swap3A_11 = arith.constant 0 : index
    %swap3A_12 = arith.constant 0 : index
    %swap3A_13 = vector.load %arg4[%swap3A_11, %swap3A_12] : memref<2000x128xf32, #tpu.memory_space<vmem>>, vector<2000x128xf32>
    tpu.vector_store %arg4[%swap3A_11, %swap3A_12], %mul3A {strides = array<i32>} : memref<2000x128xf32, #tpu.memory_space<vmem>>, vector<2000x128xf32>,
    return
  }
  func.func @transform_0(%arg0: i32) -> (i32, i32) {
    %c0_i32 = arith.constant 0 : i32
    %c0_i32_0 = arith.constant 0 : i32
    return %arg0, %c0_i32 : i32, i32
  }
  func.func @transform_1(%arg0: i32) -> (i32, i32) {
    %c0_i32 = arith.constant 0 : i32
    %c0_i32_0 = arith.constant 0 : i32
    return %arg0, %c0_i32 : i32, i32
  }
  func.func @transform_2(%arg0: i32) -> (i32, i32) {
    %c0_i32 = arith.constant 0 : i32
    %c0_i32_0 = arith.constant 0 : i32
    %c0_i32_1 = arith.constant 0 : i32
    return %c0_i32, %c0_i32_0 : i32, i32
  }
  func.func @transform_3(%arg0: i32) -> (i32, i32) {
    %c0_i32 = arith.constant 0 : i32
    %c0_i32_0 = arith.constant 0 : i32
    return %arg0, %c0_i32 : i32, i32
  }
  func.func @transform_4(%arg0: i32) -> (i32, i32) {
    %c0_i32 = arith.constant 0 : i32
    %c0_i32_0 = arith.constant 0 : i32
    return %arg0, %c0_i32 : i32, i32
  }
}

module attributes {stable_mosaic.version = 14 : i64} {
  func.func @_node_phase_body(%arg0: memref<10000x128xf32, #tpu.memory_space<vmem>>, %arg1: memref<10000x128xf32, #tpu.memory_space<vmem>>, %arg2: memref<10000x128xf32, #tpu.memory_space<vmem>>, %arg3: memref<10000x16xf32, #tpu.memory_space<vmem>>, %arg4: memref<10000x64xf32, #tpu.memory_space<vmem>>, %arg5: memref<8x128xf32, #tpu.memory_space<vmem>>, %arg6: memref<16x128xf32, #tpu.memory_space<vmem>>, %arg7: memref<128x128xf32, #tpu.memory_space<vmem>>, %arg8: memref<1x128xf32, #tpu.memory_space<vmem>>, %arg9: memref<128x128xf32, #tpu.memory_space<vmem>>, %arg10: memref<1x128xf32, #tpu.memory_space<vmem>>, %arg11: memref<128x128xf32, #tpu.memory_space<vmem>>, %arg12: memref<1x128xf32, #tpu.memory_space<vmem>>, %arg13: memref<128x128xf32, #tpu.memory_space<vmem>>, %arg14: memref<1x128xf32, #tpu.memory_space<vmem>>, %arg15: memref<128x128xf32, #tpu.memory_space<vmem>>, %arg16: memref<1x128xf32, #tpu.memory_space<vmem>>, %arg17: memref<128x128xf32, #tpu.memory_space<vmem>>, %arg18: memref<1x128xf32, #tpu.memory_space<vmem>>, %arg19: memref<128x128xf32, #tpu.memory_space<vmem>>, %arg20: memref<1x128xf32, #tpu.memory_space<vmem>>, %arg21: memref<128x128xf32, #tpu.memory_space<vmem>>, %arg22: memref<1x128xf32, #tpu.memory_space<vmem>>, %arg23: memref<10000x128xf32, #tpu.memory_space<vmem>>) attributes {dimension_semantics = [], scalar_prefetch = 0 : i64, scratch_operands = 0 : i64, tpu.core_type = #tpu.core_type<tc>} {
    %get3A = arith.constant 0 : index
    %get3A_0 = arith.constant 0 : index
    %get3A_1 = vector.load %arg0[%get3A, %get3A_0] : memref<10000x128xf32, #tpu.memory_space<vmem>>, vector<10000x128xf32>
    %get3A_2 = arith.constant 0 : index
    %get3A_3 = arith.constant 0 : index
    %get3A_4 = vector.load %arg1[%get3A_2, %get3A_3] : memref<10000x128xf32, #tpu.memory_space<vmem>>, vector<10000x128xf32>
    %add3A = arith.constant 1.000000e-16 : f32
    %add3A_5 = vector.broadcast %add3A : f32 to vector<10000x128xf32>
    %add3A_6 = arith.addf %get3A_4, %add3A_5 : vector<10000x128xf32>
    %div3A = arith.divf %get3A_1, %add3A_6 : vector<10000x128xf32>
    %get3A_7 = arith.constant 0 : index
    %get3A_8 = arith.constant 0 : index
    %get3A_9 = vector.load %arg3[%get3A_7, %get3A_8] : memref<10000x16xf32, #tpu.memory_space<vmem>>, vector<10000x16xf32>
    %get3A_10 = arith.constant 0 : index
    %get3A_11 = arith.constant 0 : index
    %get3A_12 = vector.load %arg6[%get3A_10, %get3A_11] : memref<16x128xf32, #tpu.memory_space<vmem>>, vector<16x128xf32>
    %dot_general3A = arith.constant dense<0.000000e+00> : vector<10000x128xf32>
    %dot_general3A_13 = tpu.matmul %get3A_9, %get3A_12, %dot_general3A {dimension_numbers = #tpu.dot_dimension_numbers<[1], [0], [0], [1], [0, 0, 1, 1], [], []>, transpose_lhs_hint = false} : vector<10000x16xf32>, vector<16x128xf32>, vector<10000x128xf32> -> vector<10000x128xf32>
    %mul3A = arith.mulf %div3A, %dot_general3A_13 : vector<10000x128xf32>
    %get3A_14 = arith.constant 0 : index
    %get3A_15 = arith.constant 0 : index
    %get3A_16 = vector.load %arg7[%get3A_14, %get3A_15] : memref<128x128xf32, #tpu.memory_space<vmem>>, vector<128x128xf32>
    %dot_general3A_17 = arith.constant dense<0.000000e+00> : vector<10000x128xf32>
    %dot_general3A_18 = tpu.matmul %mul3A, %get3A_16, %dot_general3A_17 {dimension_numbers = #tpu.dot_dimension_numbers<[1], [0], [0], [1], [0, 0, 1, 1], [], []>, transpose_lhs_hint = false} : vector<10000x128xf32>, vector<128x128xf32>, vector<10000x128xf32> -> vector<10000x128xf32>
    %get3A_19 = arith.constant 0 : index
    %get3A_20 = arith.constant 0 : index
    %get3A_21 = vector.load %arg8[%get3A_19, %get3A_20] : memref<1x128xf32, #tpu.memory_space<vmem>>, vector<1x128xf32>
    %add3A_22 = vector.broadcast %get3A_21 : vector<1x128xf32> to vector<10000x128xf32>
    %add3A_23 = arith.addf %dot_general3A_18, %add3A_22 : vector<10000x128xf32>
    %get3A_24 = arith.constant 0 : index
    %get3A_25 = arith.constant 0 : index
    %get3A_26 = vector.load %arg4[%get3A_24, %get3A_25] : memref<10000x64xf32, #tpu.memory_space<vmem>>, vector<10000x64xf32>
    %reduce_sum3A = arith.constant dense<0.000000e+00> : vector<64xf32>
    %reduce_sum3A_27 = vector.multi_reduction <add>, %get3A_26, %reduce_sum3A [0] : vector<10000x64xf32> to vector<64xf32>
    %max3A = arith.constant 1.000000e+00 : f32
    %max3A_28 = vector.broadcast %max3A : f32 to vector<64xf32>
    %max3A_29 = arith.maximumf %reduce_sum3A_27, %max3A_28 : vector<64xf32>
    %mul3A_30 = arith.constant 1.280000e+02 : f32
    %mul3A_31 = vector.broadcast %mul3A_30 : f32 to vector<64xf32>
    %mul3A_32 = arith.mulf %max3A_29, %mul3A_31 : vector<64xf32>
    %dot_general3A_33 = arith.constant dense<0.000000e+00> : vector<64x128xf32>
    %dot_general3A_34 = tpu.matmul %get3A_26, %add3A_23, %dot_general3A_33 {dimension_numbers = #tpu.dot_dimension_numbers<[0], [0], [1], [1], [0, 1, 1, 1], [], []>, transpose_lhs_hint = false} : vector<10000x64xf32>, vector<10000x128xf32>, vector<64x128xf32> -> vector<64x128xf32>
    %reduce_sum3A_35 = arith.constant dense<0.000000e+00> : vector<64xf32>
    %reduce_sum3A_36 = vector.multi_reduction <add>, %dot_general3A_34, %reduce_sum3A_35 [1] : vector<64x128xf32> to vector<64xf32>
    %div3A_37 = arith.divf %reduce_sum3A_36, %mul3A_32 : vector<64xf32>
    %broadcast_in_dim3A = vector.shape_cast %div3A_37 : vector<64xf32> to vector<64x1xf32>
    %dot_general3A_38 = arith.constant dense<0.000000e+00> : vector<10000x1xf32>
    %dot_general3A_39 = tpu.matmul %get3A_26, %broadcast_in_dim3A, %dot_general3A_38 {dimension_numbers = #tpu.dot_dimension_numbers<[1], [0], [0], [1], [0, 0, 1, 1], [], []>, transpose_lhs_hint = false} : vector<10000x64xf32>, vector<64x1xf32>, vector<10000x1xf32> -> vector<10000x1xf32>
    %sub3A = vector.broadcast %dot_general3A_39 : vector<10000x1xf32> to vector<10000x128xf32>
    %sub3A_40 = arith.subf %add3A_23, %sub3A : vector<10000x128xf32>
    %mul3A_41 = arith.mulf %sub3A_40, %sub3A_40 : vector<10000x128xf32>
    %reduce_sum3A_42 = arith.constant dense<0.000000e+00> : vector<10000xf32>
    %reduce_sum3A_43 = vector.multi_reduction <add>, %mul3A_41, %reduce_sum3A_42 [1] : vector<10000x128xf32> to vector<10000xf32>
    %broadcast_in_dim3A_44 = vector.shape_cast %reduce_sum3A_43 : vector<10000xf32> to vector<10000x1xf32>
    %dot_general3A_45 = arith.constant dense<0.000000e+00> : vector<64x1xf32>
    %dot_general3A_46 = tpu.matmul %get3A_26, %broadcast_in_dim3A_44, %dot_general3A_45 {dimension_numbers = #tpu.dot_dimension_numbers<[0], [0], [1], [1], [0, 1, 1, 1], [], []>, transpose_lhs_hint = false} : vector<10000x64xf32>, vector<10000x1xf32>, vector<64x1xf32> -> vector<64x1xf32>
    %broadcast_in_dim3A_47 = vector.shape_cast %mul3A_32 : vector<64xf32> to vector<64x1xf32>
    %div3A_48 = arith.divf %dot_general3A_46, %broadcast_in_dim3A_47 : vector<64x1xf32>
    %dot_general3A_49 = arith.constant dense<0.000000e+00> : vector<10000x1xf32>
    %dot_general3A_50 = tpu.matmul %get3A_26, %div3A_48, %dot_general3A_49 {dimension_numbers = #tpu.dot_dimension_numbers<[1], [0], [0], [1], [0, 0, 1, 1], [], []>, transpose_lhs_hint = false} : vector<10000x64xf32>, vector<64x1xf32>, vector<10000x1xf32> -> vector<10000x1xf32>
    %add3A_51 = arith.constant 9.99999993E-9 : f32
    %add3A_52 = vector.broadcast %add3A_51 : f32 to vector<10000x1xf32>
    %add3A_53 = arith.addf %dot_general3A_50, %add3A_52 : vector<10000x1xf32>
    %sqrt3A = math.sqrt %add3A_53 : vector<10000x1xf32>
    %div3A_54 = vector.broadcast %sqrt3A : vector<10000x1xf32> to vector<10000x128xf32>
    %div3A_55 = arith.divf %sub3A_40, %div3A_54 : vector<10000x128xf32>
    %get3A_56 = arith.constant 0 : index
    %get3A_57 = arith.constant 0 : index
    %get3A_58 = vector.load %arg9[%get3A_56, %get3A_57] : memref<128x128xf32, #tpu.memory_space<vmem>>, vector<128x128xf32>
    %dot_general3A_59 = arith.constant dense<0.000000e+00> : vector<10000x128xf32>
    %dot_general3A_60 = tpu.matmul %div3A_55, %get3A_58, %dot_general3A_59 {dimension_numbers = #tpu.dot_dimension_numbers<[1], [0], [0], [1], [0, 0, 1, 1], [], []>, transpose_lhs_hint = false} : vector<10000x128xf32>, vector<128x128xf32>, vector<10000x128xf32> -> vector<10000x128xf32>
    %get3A_61 = arith.constant 0 : index
    %get3A_62 = arith.constant 0 : index
    %get3A_63 = vector.load %arg10[%get3A_61, %get3A_62] : memref<1x128xf32, #tpu.memory_space<vmem>>, vector<1x128xf32>
    %add3A_64 = vector.broadcast %get3A_63 : vector<1x128xf32> to vector<10000x128xf32>
    %add3A_65 = arith.addf %dot_general3A_60, %add3A_64 : vector<10000x128xf32>
    %logistic3A = arith.negf %add3A_65 : vector<10000x128xf32>
    %logistic3A_66 = math.exp %logistic3A : vector<10000x128xf32>
    %logistic3A_67 = arith.constant 1.000000e+00 : f32
    %logistic3A_68 = vector.broadcast %logistic3A_67 : f32 to vector<10000x128xf32>
    %logistic3A_69 = arith.addf %logistic3A_68, %logistic3A_66 : vector<10000x128xf32>
    %logistic3A_70 = arith.divf %logistic3A_68, %logistic3A_69 : vector<10000x128xf32>
    %mul3A_71 = arith.mulf %add3A_65, %logistic3A_70 : vector<10000x128xf32>
    %get3A_72 = arith.constant 0 : index
    %get3A_73 = arith.constant 0 : index
    %get3A_74 = vector.load %arg11[%get3A_72, %get3A_73] : memref<128x128xf32, #tpu.memory_space<vmem>>, vector<128x128xf32>
    %dot_general3A_75 = arith.constant dense<0.000000e+00> : vector<10000x128xf32>
    %dot_general3A_76 = tpu.matmul %mul3A_71, %get3A_74, %dot_general3A_75 {dimension_numbers = #tpu.dot_dimension_numbers<[1], [0], [0], [1], [0, 0, 1, 1], [], []>, transpose_lhs_hint = false} : vector<10000x128xf32>, vector<128x128xf32>, vector<10000x128xf32> -> vector<10000x128xf32>
    %get3A_77 = arith.constant 0 : index
    %get3A_78 = arith.constant 0 : index
    %get3A_79 = vector.load %arg12[%get3A_77, %get3A_78] : memref<1x128xf32, #tpu.memory_space<vmem>>, vector<1x128xf32>
    %add3A_80 = vector.broadcast %get3A_79 : vector<1x128xf32> to vector<10000x128xf32>
    %add3A_81 = arith.addf %dot_general3A_76, %add3A_80 : vector<10000x128xf32>
    %logistic3A_82 = arith.negf %add3A_81 : vector<10000x128xf32>
    %logistic3A_83 = math.exp %logistic3A_82 : vector<10000x128xf32>
    %logistic3A_84 = arith.constant 1.000000e+00 : f32
    %logistic3A_85 = vector.broadcast %logistic3A_84 : f32 to vector<10000x128xf32>
    %logistic3A_86 = arith.addf %logistic3A_85, %logistic3A_83 : vector<10000x128xf32>
    %logistic3A_87 = arith.divf %logistic3A_85, %logistic3A_86 : vector<10000x128xf32>
    %mul3A_88 = arith.mulf %add3A_81, %logistic3A_87 : vector<10000x128xf32>
    %add3A_89 = arith.addf %div3A_55, %mul3A_88 : vector<10000x128xf32>
    %get3A_90 = arith.constant 0 : index
    %get3A_91 = arith.constant 0 : index
    %get3A_92 = vector.load %arg13[%get3A_90, %get3A_91] : memref<128x128xf32, #tpu.memory_space<vmem>>, vector<128x128xf32>
    %dot_general3A_93 = arith.constant dense<0.000000e+00> : vector<10000x128xf32>
    %dot_general3A_94 = tpu.matmul %add3A_89, %get3A_92, %dot_general3A_93 {dimension_numbers = #tpu.dot_dimension_numbers<[1], [0], [0], [1], [0, 0, 1, 1], [], []>, transpose_lhs_hint = false} : vector<10000x128xf32>, vector<128x128xf32>, vector<10000x128xf32> -> vector<10000x128xf32>
    %get3A_95 = arith.constant 0 : index
    %get3A_96 = arith.constant 0 : index
    %get3A_97 = vector.load %arg14[%get3A_95, %get3A_96] : memref<1x128xf32, #tpu.memory_space<vmem>>, vector<1x128xf32>
    %add3A_98 = vector.broadcast %get3A_97 : vector<1x128xf32> to vector<10000x128xf32>
    %add3A_99 = arith.addf %dot_general3A_94, %add3A_98 : vector<10000x128xf32>
    %logistic3A_100 = arith.negf %add3A_99 : vector<10000x128xf32>
    %logistic3A_101 = math.exp %logistic3A_100 : vector<10000x128xf32>
    %logistic3A_102 = arith.constant 1.000000e+00 : f32
    %logistic3A_103 = vector.broadcast %logistic3A_102 : f32 to vector<10000x128xf32>
    %logistic3A_104 = arith.addf %logistic3A_103, %logistic3A_101 : vector<10000x128xf32>
    %logistic3A_105 = arith.divf %logistic3A_103, %logistic3A_104 : vector<10000x128xf32>
    %mul3A_106 = arith.mulf %add3A_99, %logistic3A_105 : vector<10000x128xf32>
    %get3A_107 = arith.constant 0 : index
    %get3A_108 = arith.constant 0 : index
    %get3A_109 = vector.load %arg2[%get3A_107, %get3A_108] : memref<10000x128xf32, #tpu.memory_space<vmem>>, vector<10000x128xf32>
    %add3A_110 = arith.addf %mul3A_106, %get3A_109 : vector<10000x128xf32>
    %get3A_111 = arith.constant 0 : index
    %get3A_112 = arith.constant 0 : index
    %get3A_113 = vector.load %arg15[%get3A_111, %get3A_112] : memref<128x128xf32, #tpu.memory_space<vmem>>, vector<128x128xf32>
    %dot_general3A_114 = arith.constant dense<0.000000e+00> : vector<10000x128xf32>
    %dot_general3A_115 = tpu.matmul %add3A_110, %get3A_113, %dot_general3A_114 {dimension_numbers = #tpu.dot_dimension_numbers<[1], [0], [0], [1], [0, 0, 1, 1], [], []>, transpose_lhs_hint = false} : vector<10000x128xf32>, vector<128x128xf32>, vector<10000x128xf32> -> vector<10000x128xf32>
    %get3A_116 = arith.constant 0 : index
    %get3A_117 = arith.constant 0 : index
    %get3A_118 = vector.load %arg16[%get3A_116, %get3A_117] : memref<1x128xf32, #tpu.memory_space<vmem>>, vector<1x128xf32>
    %add3A_119 = vector.broadcast %get3A_118 : vector<1x128xf32> to vector<10000x128xf32>
    %add3A_120 = arith.addf %dot_general3A_115, %add3A_119 : vector<10000x128xf32>
    %logistic3A_121 = arith.negf %add3A_120 : vector<10000x128xf32>
    %logistic3A_122 = math.exp %logistic3A_121 : vector<10000x128xf32>
    %logistic3A_123 = arith.constant 1.000000e+00 : f32
    %logistic3A_124 = vector.broadcast %logistic3A_123 : f32 to vector<10000x128xf32>
    %logistic3A_125 = arith.addf %logistic3A_124, %logistic3A_122 : vector<10000x128xf32>
    %logistic3A_126 = arith.divf %logistic3A_124, %logistic3A_125 : vector<10000x128xf32>
    %mul3A_127 = arith.mulf %add3A_120, %logistic3A_126 : vector<10000x128xf32>
    %get3A_128 = arith.constant 0 : index
    %get3A_129 = arith.constant 0 : index
    %get3A_130 = vector.load %arg17[%get3A_128, %get3A_129] : memref<128x128xf32, #tpu.memory_space<vmem>>, vector<128x128xf32>
    %dot_general3A_131 = arith.constant dense<0.000000e+00> : vector<10000x128xf32>
    %dot_general3A_132 = tpu.matmul %mul3A_127, %get3A_130, %dot_general3A_131 {dimension_numbers = #tpu.dot_dimension_numbers<[1], [0], [0], [1], [0, 0, 1, 1], [], []>, transpose_lhs_hint = false} : vector<10000x128xf32>, vector<128x128xf32>, vector<10000x128xf32> -> vector<10000x128xf32>
    %get3A_133 = arith.constant 0 : index
    %get3A_134 = arith.constant 0 : index
    %get3A_135 = vector.load %arg18[%get3A_133, %get3A_134] : memref<1x128xf32, #tpu.memory_space<vmem>>, vector<1x128xf32>
    %add3A_136 = vector.broadcast %get3A_135 : vector<1x128xf32> to vector<10000x128xf32>
    %add3A_137 = arith.addf %dot_general3A_132, %add3A_136 : vector<10000x128xf32>
    %logistic3A_138 = arith.negf %add3A_137 : vector<10000x128xf32>
    %logistic3A_139 = math.exp %logistic3A_138 : vector<10000x128xf32>
    %logistic3A_140 = arith.constant 1.000000e+00 : f32
    %logistic3A_141 = vector.broadcast %logistic3A_140 : f32 to vector<10000x128xf32>
    %logistic3A_142 = arith.addf %logistic3A_141, %logistic3A_139 : vector<10000x128xf32>
    %logistic3A_143 = arith.divf %logistic3A_141, %logistic3A_142 : vector<10000x128xf32>
    %mul3A_144 = arith.mulf %add3A_137, %logistic3A_143 : vector<10000x128xf32>
    %add3A_145 = arith.addf %add3A_110, %mul3A_144 : vector<10000x128xf32>
    %get3A_146 = arith.constant 0 : index
    %get3A_147 = arith.constant 0 : index
    %get3A_148 = vector.load %arg19[%get3A_146, %get3A_147] : memref<128x128xf32, #tpu.memory_space<vmem>>, vector<128x128xf32>
    %dot_general3A_149 = arith.constant dense<0.000000e+00> : vector<10000x128xf32>
    %dot_general3A_150 = tpu.matmul %add3A_145, %get3A_148, %dot_general3A_149 {dimension_numbers = #tpu.dot_dimension_numbers<[1], [0], [0], [1], [0, 0, 1, 1], [], []>, transpose_lhs_hint = false} : vector<10000x128xf32>, vector<128x128xf32>, vector<10000x128xf32> -> vector<10000x128xf32>
    %get3A_151 = arith.constant 0 : index
    %get3A_152 = arith.constant 0 : index
    %get3A_153 = vector.load %arg20[%get3A_151, %get3A_152] : memref<1x128xf32, #tpu.memory_space<vmem>>, vector<1x128xf32>
    %add3A_154 = vector.broadcast %get3A_153 : vector<1x128xf32> to vector<10000x128xf32>
    %add3A_155 = arith.addf %dot_general3A_150, %add3A_154 : vector<10000x128xf32>
    %logistic3A_156 = arith.negf %add3A_155 : vector<10000x128xf32>
    %logistic3A_157 = math.exp %logistic3A_156 : vector<10000x128xf32>
    %logistic3A_158 = arith.constant 1.000000e+00 : f32
    %logistic3A_159 = vector.broadcast %logistic3A_158 : f32 to vector<10000x128xf32>
    %logistic3A_160 = arith.addf %logistic3A_159, %logistic3A_157 : vector<10000x128xf32>
    %logistic3A_161 = arith.divf %logistic3A_159, %logistic3A_160 : vector<10000x128xf32>
    %mul3A_162 = arith.mulf %add3A_155, %logistic3A_161 : vector<10000x128xf32>
    %get3A_163 = arith.constant 0 : index
    %get3A_164 = arith.constant 0 : index
    %get3A_165 = vector.load %arg21[%get3A_163, %get3A_164] : memref<128x128xf32, #tpu.memory_space<vmem>>, vector<128x128xf32>
    %dot_general3A_166 = arith.constant dense<0.000000e+00> : vector<10000x128xf32>
    %dot_general3A_167 = tpu.matmul %mul3A_162, %get3A_165, %dot_general3A_166 {dimension_numbers = #tpu.dot_dimension_numbers<[1], [0], [0], [1], [0, 0, 1, 1], [], []>, transpose_lhs_hint = false} : vector<10000x128xf32>, vector<128x128xf32>, vector<10000x128xf32> -> vector<10000x128xf32>
    %get3A_168 = arith.constant 0 : index
    %get3A_169 = arith.constant 0 : index
    %get3A_170 = vector.load %arg22[%get3A_168, %get3A_169] : memref<1x128xf32, #tpu.memory_space<vmem>>, vector<1x128xf32>
    %add3A_171 = vector.broadcast %get3A_170 : vector<1x128xf32> to vector<10000x128xf32>
    %add3A_172 = arith.addf %dot_general3A_167, %add3A_171 : vector<10000x128xf32>
    %logistic3A_173 = arith.negf %add3A_172 : vector<10000x128xf32>
    %logistic3A_174 = math.exp %logistic3A_173 : vector<10000x128xf32>
    %logistic3A_175 = arith.constant 1.000000e+00 : f32
    %logistic3A_176 = vector.broadcast %logistic3A_175 : f32 to vector<10000x128xf32>
    %logistic3A_177 = arith.addf %logistic3A_176, %logistic3A_174 : vector<10000x128xf32>
    %logistic3A_178 = arith.divf %logistic3A_176, %logistic3A_177 : vector<10000x128xf32>
    %mul3A_179 = arith.mulf %add3A_172, %logistic3A_178 : vector<10000x128xf32>
    %add3A_180 = arith.addf %add3A_145, %mul3A_179 : vector<10000x128xf32>
    %swap3A = arith.constant 0 : index
    %swap3A_181 = arith.constant 0 : index
    %swap3A_182 = vector.load %arg23[%swap3A, %swap3A_181] : memref<10000x128xf32, #tpu.memory_space<vmem>>, vector<10000x128xf32>
    tpu.vector_store %arg23[%swap3A, %swap3A_181], %add3A_180 {strides = array<i32>} : memref<10000x128xf32, #tpu.memory_space<vmem>>, vector<10000x128xf32>,
    return
  }
}

module attributes {stable_mosaic.version = 14 : i64} {
  func.func @_readout_pre_body(%arg0: i32, %arg1: memref<2000x128xf32, #tpu.memory_space<vmem>>, %arg2: memref<2000x16xf32, #tpu.memory_space<vmem>>, %arg3: memref<128x256xf32, #tpu.memory_space<vmem>>, %arg4: memref<1x256xf32, #tpu.memory_space<vmem>>, %arg5: memref<16x256xf32, #tpu.memory_space<vmem>>, %arg6: memref<2000x128xf32, #tpu.memory_space<vmem>>, %arg7: memref<2000x128xf32, #tpu.memory_space<vmem>>) attributes {dimension_semantics = [#tpu.dimension_semantics<arbitrary>], iteration_bounds = array<i64: 5>, scalar_prefetch = 0 : i64, scratch_operands = 0 : i64, tpu.core_type = #tpu.core_type<tc>, window_params = [{transform_indices = @transform_0, window_bounds = array<i64: 2000, 128>}, {transform_indices = @transform_1, window_bounds = array<i64: 2000, 16>}, {pipeline_mode = #tpu.pipeline_mode<synchronous>, transform_indices = @transform_2, window_bounds = array<i64: 128, 256>}, {pipeline_mode = #tpu.pipeline_mode<synchronous>, transform_indices = @transform_3, window_bounds = array<i64: 1, 256>}, {pipeline_mode = #tpu.pipeline_mode<synchronous>, transform_indices = @transform_4, window_bounds = array<i64: 16, 256>}, {transform_indices = @transform_5, window_bounds = array<i64: 2000, 128>}, {transform_indices = @transform_6, window_bounds = array<i64: 2000, 128>}]} {
    %get3A = arith.constant 0 : index
    %get3A_0 = arith.constant 0 : index
    %get3A_1 = vector.load %arg1[%get3A, %get3A_0] : memref<2000x128xf32, #tpu.memory_space<vmem>>, vector<2000x128xf32>
    %get3A_2 = arith.constant 0 : index
    %get3A_3 = arith.constant 0 : index
    %get3A_4 = vector.load %arg3[%get3A_2, %get3A_3] : memref<128x256xf32, #tpu.memory_space<vmem>>, vector<128x256xf32>
    %dot_general3A = arith.constant dense<0.000000e+00> : vector<2000x256xf32>
    %dot_general3A_5 = tpu.matmul %get3A_1, %get3A_4, %dot_general3A {dimension_numbers = #tpu.dot_dimension_numbers<[1], [0], [0], [1], [0, 0, 1, 1], [], []>, transpose_lhs_hint = false} : vector<2000x128xf32>, vector<128x256xf32>, vector<2000x256xf32> -> vector<2000x256xf32>
    %get3A_6 = arith.constant 0 : index
    %get3A_7 = arith.constant 0 : index
    %get3A_8 = vector.load %arg4[%get3A_6, %get3A_7] : memref<1x256xf32, #tpu.memory_space<vmem>>, vector<1x256xf32>
    %add3A = vector.broadcast %get3A_8 : vector<1x256xf32> to vector<2000x256xf32>
    %add3A_9 = arith.addf %dot_general3A_5, %add3A : vector<2000x256xf32>
    %logistic3A = arith.negf %add3A_9 : vector<2000x256xf32>
    %logistic3A_10 = math.exp %logistic3A : vector<2000x256xf32>
    %logistic3A_11 = arith.constant 1.000000e+00 : f32
    %logistic3A_12 = vector.broadcast %logistic3A_11 : f32 to vector<2000x256xf32>
    %logistic3A_13 = arith.addf %logistic3A_12, %logistic3A_10 : vector<2000x256xf32>
    %logistic3A_14 = arith.divf %logistic3A_12, %logistic3A_13 : vector<2000x256xf32>
    %mul3A = arith.mulf %add3A_9, %logistic3A_14 : vector<2000x256xf32>
    %get3A_15 = arith.constant 0 : index
    %get3A_16 = arith.constant 0 : index
    %get3A_17 = vector.load %arg2[%get3A_15, %get3A_16] : memref<2000x16xf32, #tpu.memory_space<vmem>>, vector<2000x16xf32>
    %get3A_18 = arith.constant 0 : index
    %get3A_19 = arith.constant 0 : index
    %get3A_20 = vector.load %arg5[%get3A_18, %get3A_19] : memref<16x256xf32, #tpu.memory_space<vmem>>, vector<16x256xf32>
    %dot_general3A_21 = arith.constant dense<0.000000e+00> : vector<2000x256xf32>
    %dot_general3A_22 = tpu.matmul %get3A_17, %get3A_20, %dot_general3A_21 {dimension_numbers = #tpu.dot_dimension_numbers<[1], [0], [0], [1], [0, 0, 1, 1], [], []>, transpose_lhs_hint = false} : vector<2000x16xf32>, vector<16x256xf32>, vector<2000x256xf32> -> vector<2000x256xf32>
    %logistic3A_23 = arith.negf %dot_general3A_22 : vector<2000x256xf32>
    %logistic3A_24 = math.exp %logistic3A_23 : vector<2000x256xf32>
    %logistic3A_25 = arith.constant 1.000000e+00 : f32
    %logistic3A_26 = vector.broadcast %logistic3A_25 : f32 to vector<2000x256xf32>
    %logistic3A_27 = arith.addf %logistic3A_26, %logistic3A_24 : vector<2000x256xf32>
    %logistic3A_28 = arith.divf %logistic3A_26, %logistic3A_27 : vector<2000x256xf32>
    %mul3A_29 = arith.mulf %dot_general3A_22, %logistic3A_28 : vector<2000x256xf32>
    %mul3A_30 = arith.mulf %mul3A, %mul3A_29 : vector<2000x256xf32>
    %slice3A = vector.extract_strided_slice %mul3A_30 {offsets = [0, 0], sizes = [2000, 128], strides = [1, 1]} : vector<2000x256xf32> to vector<2000x128xf32>
    %swap3A = arith.constant 0 : index
    %swap3A_31 = arith.constant 0 : index
    %swap3A_32 = vector.load %arg6[%swap3A, %swap3A_31] : memref<2000x128xf32, #tpu.memory_space<vmem>>, vector<2000x128xf32>
    tpu.vector_store %arg6[%swap3A, %swap3A_31], %slice3A {strides = array<i32>} : memref<2000x128xf32, #tpu.memory_space<vmem>>, vector<2000x128xf32>,
    %slice3A_33 = vector.extract_strided_slice %mul3A_30 {offsets = [0, 128], sizes = [2000, 128], strides = [1, 1]} : vector<2000x256xf32> to vector<2000x128xf32>
    %swap3A_34 = arith.constant 0 : index
    %swap3A_35 = arith.constant 0 : index
    %swap3A_36 = vector.load %arg7[%swap3A_34, %swap3A_35] : memref<2000x128xf32, #tpu.memory_space<vmem>>, vector<2000x128xf32>
    tpu.vector_store %arg7[%swap3A_34, %swap3A_35], %slice3A_33 {strides = array<i32>} : memref<2000x128xf32, #tpu.memory_space<vmem>>, vector<2000x128xf32>,
    return
  }
  func.func @transform_0(%arg0: i32) -> (i32, i32) {
    %c0_i32 = arith.constant 0 : i32
    %c0_i32_0 = arith.constant 0 : i32
    return %arg0, %c0_i32 : i32, i32
  }
  func.func @transform_1(%arg0: i32) -> (i32, i32) {
    %c0_i32 = arith.constant 0 : i32
    %c0_i32_0 = arith.constant 0 : i32
    return %arg0, %c0_i32 : i32, i32
  }
  func.func @transform_2(%arg0: i32) -> (i32, i32) {
    %c0_i32 = arith.constant 0 : i32
    %c0_i32_0 = arith.constant 0 : i32
    %c0_i32_1 = arith.constant 0 : i32
    return %c0_i32, %c0_i32_0 : i32, i32
  }
  func.func @transform_3(%arg0: i32) -> (i32, i32) {
    %c0_i32 = arith.constant 0 : i32
    %c0_i32_0 = arith.constant 0 : i32
    %c0_i32_1 = arith.constant 0 : i32
    return %c0_i32, %c0_i32_0 : i32, i32
  }
  func.func @transform_4(%arg0: i32) -> (i32, i32) {
    %c0_i32 = arith.constant 0 : i32
    %c0_i32_0 = arith.constant 0 : i32
    %c0_i32_1 = arith.constant 0 : i32
    return %c0_i32, %c0_i32_0 : i32, i32
  }
  func.func @transform_5(%arg0: i32) -> (i32, i32) {
    %c0_i32 = arith.constant 0 : i32
    %c0_i32_0 = arith.constant 0 : i32
    return %arg0, %c0_i32 : i32, i32
  }
  func.func @transform_6(%arg0: i32) -> (i32, i32) {
    %c0_i32 = arith.constant 0 : i32
    %c0_i32_0 = arith.constant 0 : i32
    return %arg0, %c0_i32 : i32, i32
  }
}

module attributes {stable_mosaic.version = 14 : i64} {
  func.func @_readout_post_body(%arg0: memref<10000x128xf32, #tpu.memory_space<vmem>>, %arg1: memref<10000x128xf32, #tpu.memory_space<vmem>>, %arg2: memref<10000x64xf32, #tpu.memory_space<vmem>>, %arg3: memref<256x256xf32, #tpu.memory_space<vmem>>, %arg4: memref<1x256xf32, #tpu.memory_space<vmem>>, %arg5: memref<256x256xf32, #tpu.memory_space<vmem>>, %arg6: memref<1x256xf32, #tpu.memory_space<vmem>>, %arg7: memref<256x256xf32, #tpu.memory_space<vmem>>, %arg8: memref<1x256xf32, #tpu.memory_space<vmem>>, %arg9: memref<256x1xf32, #tpu.memory_space<vmem>>, %arg10: memref<1x1xf32, #tpu.memory_space<vmem>>, %arg11: memref<64x1xf32, #tpu.memory_space<vmem>>) attributes {dimension_semantics = [], scalar_prefetch = 0 : i64, scratch_operands = 0 : i64, tpu.core_type = #tpu.core_type<tc>} {
    %get3A = arith.constant 0 : index
    %get3A_0 = arith.constant 0 : index
    %get3A_1 = vector.load %arg0[%get3A, %get3A_0] : memref<10000x128xf32, #tpu.memory_space<vmem>>, vector<10000x128xf32>
    %get3A_2 = arith.constant 0 : index
    %get3A_3 = arith.constant 0 : index
    %get3A_4 = vector.load %arg1[%get3A_2, %get3A_3] : memref<10000x128xf32, #tpu.memory_space<vmem>>, vector<10000x128xf32>
    %concatenate3A = tpu.concatenate %get3A_1, %get3A_4 in 1 : vector<10000x128xf32>, vector<10000x128xf32> -> vector<10000x256xf32>
    %get3A_5 = arith.constant 0 : index
    %get3A_6 = arith.constant 0 : index
    %get3A_7 = vector.load %arg3[%get3A_5, %get3A_6] : memref<256x256xf32, #tpu.memory_space<vmem>>, vector<256x256xf32>
    %dot_general3A = arith.constant dense<0.000000e+00> : vector<10000x256xf32>
    %dot_general3A_8 = tpu.matmul %concatenate3A, %get3A_7, %dot_general3A {dimension_numbers = #tpu.dot_dimension_numbers<[1], [0], [0], [1], [0, 0, 1, 1], [], []>, transpose_lhs_hint = false} : vector<10000x256xf32>, vector<256x256xf32>, vector<10000x256xf32> -> vector<10000x256xf32>
    %get3A_9 = arith.constant 0 : index
    %get3A_10 = arith.constant 0 : index
    %get3A_11 = vector.load %arg4[%get3A_9, %get3A_10] : memref<1x256xf32, #tpu.memory_space<vmem>>, vector<1x256xf32>
    %add3A = vector.broadcast %get3A_11 : vector<1x256xf32> to vector<10000x256xf32>
    %add3A_12 = arith.addf %dot_general3A_8, %add3A : vector<10000x256xf32>
    %logistic3A = arith.negf %add3A_12 : vector<10000x256xf32>
    %logistic3A_13 = math.exp %logistic3A : vector<10000x256xf32>
    %logistic3A_14 = arith.constant 1.000000e+00 : f32
    %logistic3A_15 = vector.broadcast %logistic3A_14 : f32 to vector<10000x256xf32>
    %logistic3A_16 = arith.addf %logistic3A_15, %logistic3A_13 : vector<10000x256xf32>
    %logistic3A_17 = arith.divf %logistic3A_15, %logistic3A_16 : vector<10000x256xf32>
    %mul3A = arith.mulf %add3A_12, %logistic3A_17 : vector<10000x256xf32>
    %get3A_18 = arith.constant 0 : index
    %get3A_19 = arith.constant 0 : index
    %get3A_20 = vector.load %arg5[%get3A_18, %get3A_19] : memref<256x256xf32, #tpu.memory_space<vmem>>, vector<256x256xf32>
    %dot_general3A_21 = arith.constant dense<0.000000e+00> : vector<10000x256xf32>
    %dot_general3A_22 = tpu.matmul %mul3A, %get3A_20, %dot_general3A_21 {dimension_numbers = #tpu.dot_dimension_numbers<[1], [0], [0], [1], [0, 0, 1, 1], [], []>, transpose_lhs_hint = false} : vector<10000x256xf32>, vector<256x256xf32>, vector<10000x256xf32> -> vector<10000x256xf32>
    %get3A_23 = arith.constant 0 : index
    %get3A_24 = arith.constant 0 : index
    %get3A_25 = vector.load %arg6[%get3A_23, %get3A_24] : memref<1x256xf32, #tpu.memory_space<vmem>>, vector<1x256xf32>
    %add3A_26 = vector.broadcast %get3A_25 : vector<1x256xf32> to vector<10000x256xf32>
    %add3A_27 = arith.addf %dot_general3A_22, %add3A_26 : vector<10000x256xf32>
    %logistic3A_28 = arith.negf %add3A_27 : vector<10000x256xf32>
    %logistic3A_29 = math.exp %logistic3A_28 : vector<10000x256xf32>
    %logistic3A_30 = arith.constant 1.000000e+00 : f32
    %logistic3A_31 = vector.broadcast %logistic3A_30 : f32 to vector<10000x256xf32>
    %logistic3A_32 = arith.addf %logistic3A_31, %logistic3A_29 : vector<10000x256xf32>
    %logistic3A_33 = arith.divf %logistic3A_31, %logistic3A_32 : vector<10000x256xf32>
    %mul3A_34 = arith.mulf %add3A_27, %logistic3A_33 : vector<10000x256xf32>
    %get3A_35 = arith.constant 0 : index
    %get3A_36 = arith.constant 0 : index
    %get3A_37 = vector.load %arg7[%get3A_35, %get3A_36] : memref<256x256xf32, #tpu.memory_space<vmem>>, vector<256x256xf32>
    %dot_general3A_38 = arith.constant dense<0.000000e+00> : vector<10000x256xf32>
    %dot_general3A_39 = tpu.matmul %mul3A_34, %get3A_37, %dot_general3A_38 {dimension_numbers = #tpu.dot_dimension_numbers<[1], [0], [0], [1], [0, 0, 1, 1], [], []>, transpose_lhs_hint = false} : vector<10000x256xf32>, vector<256x256xf32>, vector<10000x256xf32> -> vector<10000x256xf32>
    %get3A_40 = arith.constant 0 : index
    %get3A_41 = arith.constant 0 : index
    %get3A_42 = vector.load %arg8[%get3A_40, %get3A_41] : memref<1x256xf32, #tpu.memory_space<vmem>>, vector<1x256xf32>
    %add3A_43 = vector.broadcast %get3A_42 : vector<1x256xf32> to vector<10000x256xf32>
    %add3A_44 = arith.addf %dot_general3A_39, %add3A_43 : vector<10000x256xf32>
    %logistic3A_45 = arith.negf %add3A_44 : vector<10000x256xf32>
    %logistic3A_46 = math.exp %logistic3A_45 : vector<10000x256xf32>
    %logistic3A_47 = arith.constant 1.000000e+00 : f32
    %logistic3A_48 = vector.broadcast %logistic3A_47 : f32 to vector<10000x256xf32>
    %logistic3A_49 = arith.addf %logistic3A_48, %logistic3A_46 : vector<10000x256xf32>
    %logistic3A_50 = arith.divf %logistic3A_48, %logistic3A_49 : vector<10000x256xf32>
    %mul3A_51 = arith.mulf %add3A_44, %logistic3A_50 : vector<10000x256xf32>
    %get3A_52 = arith.constant 0 : index
    %get3A_53 = arith.constant 0 : index
    %get3A_54 = vector.load %arg2[%get3A_52, %get3A_53] : memref<10000x64xf32, #tpu.memory_space<vmem>>, vector<10000x64xf32>
    %reduce_sum3A = arith.constant dense<0.000000e+00> : vector<64xf32>
    %reduce_sum3A_55 = vector.multi_reduction <add>, %get3A_54, %reduce_sum3A [0] : vector<10000x64xf32> to vector<64xf32>
    %dot_general3A_56 = arith.constant dense<0.000000e+00> : vector<64x256xf32>
    %dot_general3A_57 = tpu.matmul %get3A_54, %mul3A_51, %dot_general3A_56 {dimension_numbers = #tpu.dot_dimension_numbers<[0], [0], [1], [1], [0, 1, 1, 1], [], []>, transpose_lhs_hint = false} : vector<10000x64xf32>, vector<10000x256xf32>, vector<64x256xf32> -> vector<64x256xf32>
    %max3A = arith.constant 1.000000e+00 : f32
    %max3A_58 = vector.broadcast %max3A : f32 to vector<64xf32>
    %max3A_59 = arith.maximumf %reduce_sum3A_55, %max3A_58 : vector<64xf32>
    %broadcast_in_dim3A = vector.shape_cast %max3A_59 : vector<64xf32> to vector<64x1xf32>
    %div3A = vector.broadcast %broadcast_in_dim3A : vector<64x1xf32> to vector<64x256xf32>
    %div3A_60 = arith.divf %dot_general3A_57, %div3A : vector<64x256xf32>
    %get3A_61 = arith.constant 0 : index
    %get3A_62 = arith.constant 0 : index
    %get3A_63 = vector.load %arg9[%get3A_61, %get3A_62] : memref<256x1xf32, #tpu.memory_space<vmem>>, vector<256x1xf32>
    %dot_general3A_64 = arith.constant dense<0.000000e+00> : vector<64x1xf32>
    %dot_general3A_65 = tpu.matmul %div3A_60, %get3A_63, %dot_general3A_64 {dimension_numbers = #tpu.dot_dimension_numbers<[1], [0], [0], [1], [0, 0, 1, 1], [], []>, transpose_lhs_hint = false} : vector<64x256xf32>, vector<256x1xf32>, vector<64x1xf32> -> vector<64x1xf32>
    %get3A_66 = arith.constant 0 : index
    %get3A_67 = arith.constant 0 : index
    %get3A_68 = vector.load %arg10[%get3A_66, %get3A_67] : memref<1x1xf32, #tpu.memory_space<vmem>>, vector<1x1xf32>
    %add3A_69 = vector.broadcast %get3A_68 : vector<1x1xf32> to vector<64x1xf32>
    %add3A_70 = arith.addf %dot_general3A_65, %add3A_69 : vector<64x1xf32>
    %swap3A = arith.constant 0 : index
    %swap3A_71 = arith.constant 0 : index
    %swap3A_72 = vector.load %arg11[%swap3A, %swap3A_71] : memref<64x1xf32, #tpu.memory_space<vmem>>, vector<64x1xf32>
    tpu.vector_store %arg11[%swap3A, %swap3A_71], %add3A_70 {strides = array<i32>} : memref<64x1xf32, #tpu.memory_space<vmem>>, vector<64x1xf32>,
    return
  }
}

</mosaic_0001>

<sc_bundles>
// kernel: kernel.16.cloned.1.call-start
scs
__scs_entry_jumppad:
0x0: {  	(pc) =	sbr.rel $0x88, $3  }
0x1: {  	(tag) =	ssettag $0x0;
	lr =	simm.s32 $0x1  }
0x2: {  	[smem:$0x3F56] =	sst lr;
	_ =	strace $0xD0000000  }
0x3: {  	_ = 	snop  }
0x4: {  	_ = 	snop  }
0x5: {  	_ = 	snop  }
0x6: {  	_ = 	snop  }
0x7: {  	_ = 	snop  }
__scs_overlays_trampoline_lowered:
0x8: {  	[smem:$0x3F65] =	sst s0  }
0x9: {  	[smem:$0x3F66] =	sst s1  }
0xa: {  	[smem:$0x3F67] =	sst s2  }
0xb: {  	[smem:$0x3F68] =	sst s3  }
0xc: {  	[smem:$0x3F69] =	sst s4  }
0xd: {  	[smem:$0x3F6A] =	sst s5  }
0xe: {  	[smem:$0x3F6B] =	sst s6  }
0xf: {  	[smem:$0x3F6C] =	sst s7  }
0x10: {  	[smem:$0x3F6D] =	sst s8  }
0x11: {  	[smem:$0x3F6E] =	sst s9;
	s0 =	simm.s32 @!p0 $0x0  }
0x12: {  	s1 =	sld [smem:$0x3F54];
	s0 =	simm.s32 @p0 $0x1  }
0x13: {  	[smem:$0x3F6F] =	sst s0;
	s0 =	simm.s32 @!p1 $0x0  }
0x14: {  	s2 =	sld [smem:$0x3F53];
	s0 =	simm.s32 @p1 $0x1  }
0x15: {  	[smem:$0x3F70] =	sst s0;
	s0 =	simm.s32 @!p2 $0x0  }
0x16: {  	s3 =	sld [smem:$0x3FDB];
	s0 =	simm.s32 @p2 $0x1  }
0x17: {  	s4 =	simm.s32 $0x1BF5;
	[smem:$0x3F72] =	sst s0  }
0x18: {  	s0 =	sld [smem:$0x3F55];
	_ =	swait.ge [sflag:s4], $0x0  }
0x19: {  	s7 =	sld [smem:$0x3F56]  }
0x1a: {  	s8 =	sadd.s32 $0xFFFFE003, lr  }
0x1b: {  	s9 =	sadd.s32 $0xFFFFFEF7, lr;
	s5 =	simm.s32 $0xFFFFFFFF;
	p2 =	slt.u32 s8, $0xFFFFF086  }
0x1c: {  	p1 =	slt.u32 s9, $0xF7A;
	s5 =	simm.s32 @!p2 $0x0  }
0x1d: {  	s5 =	simm.s32 @p1 $0x1;
	p0 =	seq.s32 s7, s2  }
0x1e: {  	s7 =	smul.u32 @!p0 $0xF7A, s2;
	p2 =	seq.s32 @!p0 s5, $0x0  }
0x1f: {  	s9 =	smul.u32 $0xF7A, s1;
	s8 =	simm.s32 @!p0 $0x1BF5;
	p2 =	por !p2, p0  }
0x20: {  	[sflag:s8] =	ssyncset.s32 @!p0 $0xFFFFF086;
	s6 =	sadd.s32 @!p0 s3, s7;
	s7 =	simm.s32 @!p0 $0x108  }
0x21: {  	s3 =	sadd.s32 s3, s9;
	s6 =	sadd.s32 @!p0 $0x88, s6;
	s7 =	simm.s32 @p2 $0x1082  }
0x22: {  	[simem:s7], [sflag:s8] =	dma.local @!p0 [hbm:s6], $0xF7A  }
0x23: {  	s9 =	sor.u32 $0xD0000000, s2;
	s6 =	simm.s32 $0x108;
	_ =	swait.ge @!p0 [sflag:s8], $0x0  }
0x24: {  	s3 =	sadd.s32 $0x88, s3;
	s6 =	simm.s32 @!p1 $0x1082;
	[sflag:s4] =	ssyncset.s32 $0xFFFFF086  }
0x25: {  	[simem:s6], [sflag:s4] =	dma.local [hbm:s3], $0xF7A  }
0x26: {  	[smem:$0x3F56] =	sst s1;
	(tag) =	ssettag s2;
	_ =	strace s9  }
0x27: {  	s1 =	sld [smem:$0x3F66]  }
0x28: {  	s2 =	sld [smem:$0x3F67]  }
0x29: {  	s4 =	sld [smem:$0x3F69]  }
0x2a: {  	p0 =	seq.s32 s5, $0x0;
	s5 =	sld [smem:$0x3F6A]  }
0x2b: {  	s6 =	sld [smem:$0x3F6B]  }
0x2c: {  	s7 =	sld [smem:$0x3F6C]  }
0x2d: {  	s3 =	simm.s32 $0x108;
	s8 =	sld [smem:$0x3F6D]  }
0x2e: {  	s3 =	simm.s32 @!p0 $0x1082;
	s9 =	sld [smem:$0x3F6E]  }
0x2f: {  	lr =	sadd.s32 s0, s3;
	s0 =	sld [smem:$0x3F65]  }
0x30: {  	s3 =	sld [smem:$0x3F68]  }
0x31: {  	[smem:$0x3F71] =	sst s10  }
0x32: {  	s10 =	sld [smem:$0x3F6F];
	_ =	sdelay $0x3  }
0x33: {  	p0 =	seq.s32 s10, $0x1;
	s10 =	sld [smem:$0x3F71];
	_ =	sdelay $0x3  }
0x34: {  	[smem:$0x3F71] =	sst s10  }
0x35: {  	s10 =	sld [smem:$0x3F70];
	_ =	sdelay $0x3  }
0x36: {  	p1 =	seq.s32 s10, $0x1;
	s10 =	sld [smem:$0x3F71];
	_ =	sdelay $0x3  }
0x37: {  	[smem:$0x3F71] =	sst s10  }
0x38: {  	s10 =	sld [smem:$0x3F72]  }
0x39: {  	_ = 	snop;
	(pc) =	sbr.ind lr, $3  }
0x3a: {  	_ = 	snop  }
0x3b: {  	_ = 	snop  }
0x3c: {  	p2 =	seq.s32 s10, $0x1;
	s10 =	sld [smem:$0x3F71]  }
0x3d: {  	_ =	shalt  }
0x3e: {  	_ =	shalt  }
0x3f: {  	_ =	shalt  }
0x40: {  	_ =	shalt  }
0x41: {  	_ =	shalt  }
0x42: {  	_ =	shalt  }
0x43: {  	_ =	shalt  }
0x44: {  	_ =	shalt  }
0x45: {  	_ =	shalt  }
0x46: {  	_ =	shalt  }
0x47: {  	_ =	shalt  }
0x48: {  	_ =	shalt  }
0x49: {  	_ =	shalt  }
0x4a: {  	_ =	shalt  }
0x4b: {  	_ =	shalt  }
0x4c: {  	_ =	shalt  }
0x4d: {  	_ =	shalt  }
0x4e: {  	_ =	shalt  }
0x4f: {  	_ =	shalt  }
0x50: {  	_ =	shalt  }
0x51: {  	_ =	shalt  }
0x52: {  	_ =	shalt  }
0x53: {  	_ =	shalt  }
0x54: {  	_ =	shalt  }
0x55: {  	_ =	shalt  }
0x56: {  	_ =	shalt  }
0x57: {  	_ =	shalt  }
0x58: {  	_ =	shalt  }
0x59: {  	_ =	shalt  }
0x5a: {  	_ =	shalt  }
0x5b: {  	_ =	shalt  }
0x5c: {  	_ =	shalt  }
0x5d: {  	_ =	shalt  }
0x5e: {  	_ =	shalt  }
0x5f: {  	_ =	shalt  }
0x60: {  	_ =	shalt  }
0x61: {  	_ =	shalt  }
0x62: {  	_ =	shalt  }
0x63: {  	_ =	shalt  }
0x64: {  	_ =	shalt  }
0x65: {  	_ =	shalt  }
0x66: {  	_ =	shalt  }
0x67: {  	_ =	shalt  }
0x68: {  	_ =	shalt  }
0x69: {  	_ =	shalt  }
0x6a: {  	_ =	shalt  }
0x6b: {  	_ =	shalt  }
0x6c: {  	_ =	shalt  }
0x6d: {  	_ =	shalt  }
0x6e: {  	_ =	shalt  }
0x6f: {  	_ =	shalt  }
0x70: {  	_ =	shalt  }
0x71: {  	_ =	shalt  }
0x72: {  	_ =	shalt  }
0x73: {  	_ =	shalt  }
0x74: {  	_ =	shalt  }
0x75: {  	_ =	shalt  }
0x76: {  	_ =	shalt  }
0x77: {  	_ =	shalt  }
0x78: {  	_ =	shalt  }
0x79: {  	_ =	shalt  }
0x7a: {  	_ =	shalt  }
0x7b: {  	_ =	shalt  }
0x7c: {  	_ =	shalt  }
0x7d: {  	_ =	shalt  }
0x7e: {  	_ =	shalt  }
0x7f: {  	_ =	shalt  }
0x80: {  	_ =	shalt  }
0x81: {  	_ =	shalt  }
0x82: {  	_ =	shalt  }
0x83: {  	_ =	shalt  }
0x84: {  	_ =	shalt  }
0x85: {  	_ =	shalt  }
0x86: {  	_ =	shalt  }
0x87: {  	_ =	shalt  }
.Lfunc_end0:
.L_simem_size_0:
called_computation_lowered:
.L_overlay_start_0:
0x88: {  	s2 =	sld [smem:$0x3FD9]  }
0x89: {  	s3 =	sld [smem:$0x3FFE];
	_ =	sdelay $0x1  }
0x8a: {  	s1 =	srdreg.scid  }
0x8b: {  	s0 =	sand.u32 $0x1, s1  }
0x8c: {  	s16 =	sshll.u32 s0, $0xA;
	s2 =	sadd.s32 s3, s2  }
0x8d: {  	s2 =	sadd.s32 s2, s16  }
0x8e: {  	[smem:$0x3F7D] =	sst s2  }
0x8f: {  	_ = 	snop  }
0x90: {  	(tm) =	ssettm $0x1  }
0x91: {  	s17 =	sld [smem:$0x3FFB];
	_ =	sdelay $0x3  }
0x92: {  	_ =	strace s17  }
0x93: {  	s2 =	sld [smem:$0x3FFC];
	_ =	sdelay $0x3  }
0x94: {  	_ =	strace s2  }
0x95: {  	s2 =	sld [smem:$0x3FFD];
	_ =	sdelay $0x3  }
0x96: {  	_ =	strace s2  }
0x97: {  	_ =	strace $0x8FFFFFFF  }
0x98: {  	s18 =	sld [smem:$0x3FDB];
	_ =	sdelay $0x1  }
0x99: {  	s19 =	simm.s32 $_scs_section_size  }
0x9a: {  	s4 =	simm.s32 $_size__tile_overlayer_lowered;
	s5 =	simm.s32 $_tile_overlayer_lowered  }
0x9b: {  	s22 =	simm.s32 $0x1BFF;
	s21 =	sshll.u32 s5, $0x1;
	s2 =	sadd.s32 s19, s18  }
0x9c: {  	s6 =	simm.s32 $0x0;
	s20 =	sshll.u32 s4, $0x1;
	s4 =	sadd.s32 s21, s2  }
0x9d: {  	[timem:s6], [sflag:s22] =	dma.local [hbm:s4], s20  }
0x9e: {  	_ =	swait.ge [sflag:s22], s20  }
0x9f: {  	s3 =	ssub.s32 $0x0, s20;
	[sflag:s22] =	ssyncset.done $0x0  }
0xa0: {  	[sflag:s22] =	ssyncadd.s32 s3;
	_ =	sdelay $0x1  }
0xa1: {  	s23 =	simm.s32 $0x1B8B  }
0xa2: {  	_ =	swait.ge [sflag:s23], $0x1  }
0xa3: {  	[sflag:s23] =	ssyncset.done $0x0  }
0xa4: {  	s25 =	simm.s32 $0x1B8E;
	s24 =	sld [smem:$0x3FFE];
	[sflag:s23] =	ssyncadd.s32 $0xFFFFFFFF  }
0xa5: {  	s26 =	simm.s32 $execute0_lowered;
	[smem:$0x3FD2] =	sst s25  }
0xa6: {  	s4 =	sshll.u32 s26, $0x1;
	_ =	strace $0x80000046;
	[dreg:$0x1] =	wrdreg $0xFFFFFFFF  }
0xa7: {  	s28 =	simm.s32 $_size_execute0_lowered;
	s2 =	sadd.s32 s2, s4;
	[dreg:$0x0] =	wrdreg $0x0  }
0xa8: {  	s4 =	sshll.u32 s28, $0x1;
	[dreg:$0x2] =	wrdreg s2  }
0xa9: {  	[dreg:$0x3] =	wrdreg s4  }
0xaa: {  	[dreg:$0x4] =	wrdreg $0xC0  }
0xab: {  	_ =	task [dreg:s6], $0x5FFFF  }
0xac: {  	[dreg:$0x1] =	wrdreg $0xFFFFFFFF  }
0xad: {  	[dreg:$0x0] =	wrdreg $0x60  }
0xae: {  	[dreg:$0x2] =	wrdreg s24  }
0xaf: {  	[dreg:$0x3] =	wrdreg $0x9  }
0xb0: {  	_ =	task.clear_ibuf [dreg:s6], $0x4FFFF;
	_ =	strace $0x90000046  }
0xb1: {  	s29 =	simm.s32 $0x9;
	_ =	strace $0x80000048  }
0xb2: {  	_ =	swait.ge [sflag:s29], $0x1  }
0xb3: {  	[sflag:s29] =	ssyncadd.s32 $0xFFFFFFFF  }
0xb4: {  	_ =	strace $0x90000048  }
0xb5: {  	_ =	sfence  }
0xb6: {  	s30 =	sld [smem:$0x0];
	_ =	sdelay $0x2  }
0xb7: {  	s31 =	sshll.u32 s1, $0xD;
	s1 =	sshrl.u32 s1, $0x2  }
0xb8: {  	s3 =	sand.u32 $0x4000, s31;
	s1 =	sadd.s32 s1, s30  }
0xb9: {  	s0 =	sor.u32 s3, s0;
	s1 =	sshll.u32 s1, $0x11  }
0xba: {  	s0 =	sor.u32 s1, s0  }
0xbb: {  	s0 =	sadd.s32 $0x8F2B, s0  }
0xbc: {  	[sflag:s0] =	ssyncadd.remote.s32 $0x1  }
0xbd: {  	_ =	sfence.sel $0xFFFF  }
0xbe: {  	[dreg:$0x0] =	wrdreg $0xFFFFFFFF;
	(pc) =	sbr.abs _section_cstart, $3  }
0xbf: {  	[dreg:$0x1] =	wrdreg $0xFFFFFFFF  }
0xc0: {  	_ =	task.clear_ibuf [dreg:s6], $0x2FFFF;
	_ =	strace $0x9FFFFFFF  }
0xc1: {  	(tm) =	ssettm $0x7FFFFFFF  }
tec
execute0_lowered:
.L_overlay_start_1:
0x0: {  	(tag) =	ssettag $0x1  }
0x1: {  	s0 =	srdreg.scid  }
0x2: {  	s5 =	stileid.u32;
	s8 =	rddreg [dreg:$0x0];
	s2 =	simm.s32 $0x0;
	v0 =	vimm.s32 $0xEFCDAB89  }
0x3: {  	v1 =	vimm.s32 $0x67452301;
	v2 =	vlaneseq.u32;
	s28 =	simm.s32 $0x6;
	s29 =	simm.s32 $0x8;
	s30 =	simm.s32 $0xA;
	v0 =	vunpack.c.l.s4.s8 v0  }
0x4: {  	v6 =	vimm.s32 $0xBA98FEDC;
	v7 =	vimm.s32 $0x32107654;
	vm0 =	vmmov $0xffff;
	s31 =	simm.s32 $0x10400;
	s17 =	simm.s32 $0x9;
	s18 =	simm.s32 $0x1  }
0x5: {  	s19 =	simm.s32 $0x3;
	s20 =	simm.s32 $0x5;
	s0 =	sand.u32 $0x1, s0;
	v1 =	vunpack.c.l.s4.s8 v1;
	v3 =	vunpack.c.0.s8.s32 v0;
	v0 =	vimm.s32 $0xDCFE98BA  }
0x6: {  	vm1 =	vmmov $0x1;
	s22 =	simm.s32 $0x11800;
	s23 =	sshll.u32 s5, $0x7;
	s1 =	sshll.u32 s0, $0x4;
	v4 =	vunpack.c.l.s4.s8 v0;
	v0 =	vimm.s32 $0x54761032  }
0x7: {  	vm2 =	vcmask $0x320;
	[smem:$0x7FF] =	sst s2;
	s7 =	sadd.s32 $0xCC6E00, s8;
	s1 =	sor.u32 s5, s1;
	v1 =	vunpack.c.0.s8.s32 v1;
	v5 =	vunpack.c.l.s4.s8 v0  }
0x8: {  	vm3 =	vcmask $0x720;
	v6 =	vunpack.c.l.s4.s8 v6;
	v7 =	vunpack.c.l.s4.s8 v7;
	_ =	strace $0x80000047;
	s0 =	ssub.s32 $0x2, s0;
	s11 =	smul.u32 $0x27100, s1  }
0x9: {  	s24 =	sshrl.u32 s0, $0x1;
	s3 =	sshrl.u32 s1, $0x3;
	s10 =	smul.u32 $0x1388, s1;
	v3 =	vcombine.low v1, v3;
	v1 =	vunpack.c.0.s8.s32 v4;
	v4 =	vunpack.c.0.s8.s32 v5  }
0xa: {  	s5 =	sand.u32 $0x380, s23;
	s0 =	ssub.s32 s0, s24;
	s4 =	smul.u32 $0xA000, s3;
	v5 =	vunpack.c.0.s8.s32 v6;
	v6 =	vunpack.c.0.s8.s32 v7;
	v7 =	vimm.s32 $0xFEDCBA98  }
0xb: {  	s1 =	simm.s32 $0x12C00;
	s3 =	sadd.s32 $0x1CA00, s8;
	s0 =	smax.u32 s0, $0x1;
	v7 =	vunpack.c.l.s4.s8 v7;
	v4 =	vcombine.low v4, v1;
	v1 =	vimm.s32 $0x76543210  }
0xc: {  	[dreg:$0x5] =	wrdreg s0;
	s6 =	sor.u32 s5, s4;
	s4 =	sadd.s32 $0x43C00, s8;
	v5 =	vcombine.low v6, v5;
	v6 =	vshrl.u32 v2, $0x3;
	v8 =	vunpack.c.l.s4.s8 v1  }
.Ltmp0:
0xd: {  	vm4 =	vcmask $0xB20;
	s5 =	sadd.s32 $0x91E00, s8;
	s9 =	sshrl.u32 s6, $0x3;
	v1 =	vmul.u32 $0x8, v6;
	v6 =	vunpack.c.0.s8.s32 v7;
	(pc) =	sbr.rel .LBB2_1-.Ltmp0, $4  }
0xe: {  	vm5 =	vcmask $0xF20;
	vm6 =	vcmask $0x1320;
	s6 =	sadd.s32 $0xA55E00, s8;
	s26 =	sadd.s32 s5, s11;
	s8 =	sadd.s32 s9, s8;
	v7 =	vunpack.c.0.s8.s32 v8  }
0xf: {  	vm7 =	vcmask $0x1720;
	vm8 =	vcmask $0x1B20;
	s0 =	simm.s32 $0x7;
	[dreg:$0x4] =	wrdreg s26;
	s25 =	sadd.s32 $0x17A00, s8;
	v6 =	vand.u32 $0xF, v6  }
0x10: {  	v0 =	vand.u32 $0x7, v2;
	v3 =	vand.u32 $0xF, v3;
	s26 =	simm.s32 $0x4;
	s8 =	sadd.s32 $0x12A00, s8;
	[dreg:$0x2] =	wrdreg s25;
	v6 =	vcombine.low v6, v7  }
0x11: {  	v2 =	vor.u32 $0x8, v2;
	s9 =	simm.s32 $0x0;
	[dreg:$0x3] =	wrdreg s8;
	s25 =	simm.s32 $0x2;
	v4 =	vand.u32 $0xF, v4;
	v5 =	vand.u32 $0xF, v5  }
.LBB2_11:
0x12: {  	_ =	swait.ge [sflag:s29], $0x1400  }
0x13: {  	[sflag:s29] =	ssyncset.done $0x0  }
0x14: {  	[sflag:s29] =	ssyncadd.s32 $0xFFFFEC00  }
0x15: {  	_ =	swait.ge [sflag:s30], $0x1400  }
0x16: {  	[sflag:s30] =	ssyncset.done $0x0  }
0x17: {  	[sflag:s30] =	ssyncadd.s32 $0xFFFFEC00  }
0x18: {  	_ =	swait.ge [sflag:s0], $0x1400  }
0x19: {  	[sflag:s0] =	ssyncset.done $0x0  }
0x1a: {  	[sflag:s0] =	ssyncadd.s32 $0xFFFFEC00  }
0x1b: {  	_ =	swait.ge [sflag:s17], $0x1400  }
0x1c: {  	s9 =	rddreg [dreg:$0x6]  }
0x1d: {  	s8 =	rddreg [dreg:$0x5];
	s9 =	sadd.s32 $0x1, s9  }
0x1e: {  	p0 =	sne.s32 s9, s8  }
.Ltmp1:
0x1f: {  	_ = 	snop;
	(pc) =	sbr.rel @!p0 .LBB2_12-.Ltmp1, $3  }
0x20: {  	_ =	sdelay $0x1  }
0x21: {  	[sflag:s17] =	ssyncset.done $0x0  }
0x22: {  	[sflag:s17] =	ssyncadd.s32 $0xFFFFEC00  }
.LBB2_1:
0x23: {  	[dreg:$0x6] =	wrdreg s9  }
0x24: {  	s8 =	rddreg [dreg:$0x2]  }
0x25: {  	s23 =	simm.s32 $0x80;
	s11 =	simm.s32 $0x400;
	s12 =	simm.s32 $0xB  }
0x26: {  	[tilespmem:s2], [sflag:$0xB] =	stream.strided.gather [hbm4b:s8+s23], $0x1400, s11, s23, $0x38;
	[tilespmem:$0x14000] =	vst v63  }
0x27: {  	_ =	swait.ge [sflag:s12], $0x1400  }
0x28: {  	[sflag:s12] =	ssyncset.done $0x0  }
0x29: {  	s13 =	simm.s32 $0x1400;
	s24 =	rddreg [dreg:$0x3];
	[sflag:s12] =	ssyncadd.s32 $0xFFFFEC00  }
0x2a: {  	[tilespmem:s13], [sflag:$0xB] =	stream.strided.gather [hbm4b:s24+s23], $0x1400, s11, s23, $0x38;
	[tilespmem:$0x14000] =	vst v63  }
0x2b: {  	_ =	swait.ge [sflag:s12], $0x1400  }
0x2c: {  	[sflag:s12] =	ssyncset.done $0x0  }
0x2d: {  	s11 =	simm.s32 $0x28;
	[sflag:s12] =	ssyncadd.s32 $0xFFFFEC00;
	s12 =	simm.s32 $0x2800  }
0x2e: {  	[tilespmem:s12], [sflag:$0x1] =	stream.indirect.gather [hbm4b:s3+s11], $0x80, s13, s11, $0xb8;
	[tilespmem:$0x14000] =	vst v63  }
0x2f: {  	v7 =	vld [tilespmem:$0x0];
	_ =	sdelay $0x4  }
0x30: {  	v8 =	vshll.u32 v7, $0x1  }
0x31: {  	v7 =	vand.u32 $0x7, v7;
	v8 =	vand.u32 $0xFFFFFFF0, v8  }
0x32: {  	v7 =	vor.u32 v7, v8  }
0x33: {  	v8 =	vperm.xlane v7, v0;
	_ =	sdelay $0x1  }
0x34: {  	v7 =	vperm.xlane v7, v2;
	v8 =	vadd.s32 v1, v8;
	_ =	sdelay $0x1  }
0x35: {  	v7 =	vadd.s32 v1, v7;
	_ =	sdelay $0x1  }
0x36: {  	s13 =	simm.s32 $0x5000  }
0x37: {  	[tilespmem:s13], [sflag:$0x3] =	stream.indirect_vreg.gather [hbm4b:s4+s2], $0x80, v8, vm0, $0xb8;
	[tilespmem:$0x14000] =	vst v63  }
0x38: {  	s14 =	simm.s32 $0x5800  }
0x39: {  	[tilespmem:s14], [sflag:$0x3] =	stream.indirect_vreg.gather [hbm4b:s4+s2], $0x80, v7, vm0, $0xb8;
	[tilespmem:$0x14000] =	vst v63  }
0x3a: {  	v7 =	vld [tilespmem:$0x10];
	_ =	sdelay $0x4  }
0x3b: {  	v8 =	vshll.u32 v7, $0x1  }
0x3c: {  	v7 =	vand.u32 $0x7, v7;
	v8 =	vand.u32 $0xFFFFFFF0, v8  }
0x3d: {  	v7 =	vor.u32 v7, v8  }
0x3e: {  	v8 =	vperm.xlane v7, v0;
	_ =	sdelay $0x1  }
0x3f: {  	v7 =	vperm.xlane v7, v2;
	v8 =	vadd.s32 v1, v8;
	_ =	sdelay $0x1  }
0x40: {  	v7 =	vadd.s32 v1, v7;
	_ =	sdelay $0x1  }
0x41: {  	s15 =	simm.s32 $0x6000  }
0x42: {  	[tilespmem:s15], [sflag:$0x3] =	stream.indirect_vreg.gather [hbm4b:s4+s2], $0x80, v8, vm0, $0xb8;
	[tilespmem:$0x14000] =	vst v63  }
0x43: {  	s16 =	simm.s32 $0x6800  }
0x44: {  	[tilespmem:s16], [sflag:$0x3] =	stream.indirect_vreg.gather [hbm4b:s4+s2], $0x80, v7, vm0, $0xb8;
	[tilespmem:$0x14000] =	vst v63  }
0x45: {  	v7 =	vld.msk [tilespmem:$0x20], $0xff;
	_ =	sdelay $0x4  }
0x46: {  	v8 =	vshll.u32 v7, $0x1  }
0x47: {  	v7 =	vand.u32 $0x7, v7;
	v8 =	vand.u32 $0xFFFFFFF0, v8  }
0x48: {  	v7 =	vor.u32 v7, v8  }
0x49: {  	v7 =	vperm.xlane v7, v0;
	_ =	sdelay $0x1  }
0x4a: {  	v7 =	vadd.s32 v1, v7;
	_ =	sdelay $0x3  }
.Ltmp2:
0x4b: {  	s21 =	simm.s32 $0x7000;
	(pc) =	sbr.rel .LBB2_2-.Ltmp2, $4  }
0x4c: {  	[tilespmem:s21], [sflag:$0x3] =	stream.indirect_vreg.gather [hbm4b:s4+s2], $0x80, v7, vm0, $0xb8;
	[tilespmem:$0x14000] =	vst v63  }
0x4d: {  	s24 =	simm.s32 $0xA000;
	s23 =	rddreg [dreg:$0x4]  }
0x4e: {  	[tilespmem:s24], [sflag:$0x5] =	stream.linear.gather [hbm4b:s23+s2], $0x2800, $0x38;
	[tilespmem:$0x14000] =	vst v63  }
0x4f: {  	s24 =	simm.s32 $0x0  }
.LBB2_10:
0x50: {  	s24 =	sadd.s32 $0x1, s24  }
0x51: {  	p0 =	sne.s32 s24, $0x7D  }
.Ltmp3:
0x52: {  	_ = 	snop;
	(pc) =	sbr.rel @!p0 .LBB2_11-.Ltmp3, $1  }
0x53: {  	_ =	sdelay $0x3  }
.LBB2_2:
0x54: {  	s8 =	sand.u32 $0x1, s24  }
0x55: {  	p0 =	seq.s32 s8, $0x0  }
.Ltmp4:
0x56: {  	_ = 	snop;
	(pc) =	sbr.rel @p0 .LBB2_4-.Ltmp4, $2  }
0x57: {  	_ =	sdelay $0x2  }
0x58: {  	s14 =	smul.u32 $0x28, s24  }
.Ltmp5:
0x59: {  	(pc) =	sbr.rel .LBB2_7-.Ltmp5, $3  }
0x5a: {  	_ = 	snop  }
0x5b: {  	s14 =	smul.u32 $0x28, s24;
	_ =	sdelay $0x1  }
0x5c: {  	s13 =	sadd.s32 s10, s14  }
.LBB2_4:
0x5d: {  	_ =	swait.ge [sflag:s18], $0x1400  }
0x5e: {  	[sflag:s18] =	ssyncset.done $0x0  }
0x5f: {  	[sflag:s18] =	ssyncadd.s32 $0xFFFFEC00  }
0x60: {  	_ =	swait.ge [sflag:s19], $0x2800  }
0x61: {  	[sflag:s19] =	ssyncset.done $0x0  }
0x62: {  	[sflag:s19] =	ssyncadd.s32 $0xFFFFD800  }
0x63: {  	p1 =	seq.s32 s24, $0x7C;
	_ =	swait.ge [sflag:s20], $0x2800  }
0x64: {  	s8 =	sadd.s32 @!p1 $0x1428, s14;
	[sflag:s20] =	ssyncset.done $0x0  }
0x65: {  	s9 =	simm.s32 @!p1 $0x28;
	s11 =	simm.s32 @!p1 $0x3C00;
	[sflag:s20] =	ssyncadd.s32 $0xFFFFD800  }
0x66: {  	[tilespmem:s11], [sflag:$0x2] =	stream.indirect.gather @!p1 [hbm4b:s3+s9], $0x80, s8, s9, $0xb8;
	[tilespmem:$0x14000] =	vst v63  }
0x67: {  	v7 =	vld @!p1 [tilespmem:s14+$0x28];
	_ =	sdelay $0x4  }
0x68: {  	v8 =	vshll.u32 @!p1 v7, $0x1  }
0x69: {  	v9 =	vlaneseq.u32 @!p1;
	v7 =	vand.u32 @!p1 $0x7, v7;
	v8 =	vand.u32 @!p1 $0xFFFFFFF0, v8  }
0x6a: {  	v10 =	vshrl.u32 @!p1 v9, $0x3;
	v7 =	vor.u32 @!p1 v7, v8;
	v8 =	vand.u32 @!p1 $0x7, v9  }
0x6b: {  	v10 =	vmul.u32 @!p1 $0x8, v10;
	v11 =	vperm.xlane @!p1 v7, v8  }
0x6c: {  	v9 =	vor.u32 @!p1 $0x8, v9  }
0x6d: {  	v7 =	vperm.xlane @!p1 v7, v9;
	v11 =	vadd.s32 @!p1 v10, v11;
	_ =	sdelay $0x1  }
0x6e: {  	v7 =	vadd.s32 @!p1 v10, v7;
	_ =	sdelay $0x1  }
0x6f: {  	vm9 =	vmmov @!p1 $0xffff;
	s8 =	simm.s32 @!p1 $0x0;
	s9 =	simm.s32 @!p1 $0x7800  }
0x70: {  	[tilespmem:s9], [sflag:$0x4] =	stream.indirect_vreg.gather @!p1 [hbm4b:s4+s8], $0x80, v11, vm9, $0xb8;
	[tilespmem:$0x14000] =	vst v63  }
0x71: {  	s9 =	simm.s32 @!p1 $0x8000  }
0x72: {  	[tilespmem:s9], [sflag:$0x4] =	stream.indirect_vreg.gather @!p1 [hbm4b:s4+s8], $0x80, v7, vm9, $0xb8;
	[tilespmem:$0x14000] =	vst v63  }
0x73: {  	v7 =	vld @!p1 [tilespmem:s14+$0x38];
	_ =	sdelay $0x4  }
0x74: {  	v11 =	vshll.u32 @!p1 v7, $0x1  }
0x75: {  	v7 =	vand.u32 @!p1 $0x7, v7;
	v11 =	vand.u32 @!p1 $0xFFFFFFF0, v11  }
0x76: {  	v7 =	vor.u32 @!p1 v7, v11  }
0x77: {  	v11 =	vperm.xlane @!p1 v7, v8;
	_ =	sdelay $0x1  }
0x78: {  	v7 =	vperm.xlane @!p1 v7, v9;
	v11 =	vadd.s32 @!p1 v10, v11;
	_ =	sdelay $0x1  }
0x79: {  	v7 =	vadd.s32 @!p1 v10, v7;
	_ =	sdelay $0x1  }
0x7a: {  	s9 =	simm.s32 @!p1 $0x8800  }
0x7b: {  	[tilespmem:s9], [sflag:$0x4] =	stream.indirect_vreg.gather @!p1 [hbm4b:s4+s8], $0x80, v11, vm9, $0xb8;
	[tilespmem:$0x14000] =	vst v63  }
0x7c: {  	s9 =	simm.s32 @!p1 $0x9000  }
0x7d: {  	[tilespmem:s9], [sflag:$0x4] =	stream.indirect_vreg.gather @!p1 [hbm4b:s4+s8], $0x80, v7, vm9, $0xb8;
	[tilespmem:$0x14000] =	vst v63  }
0x7e: {  	v7 =	vld.msk @!p1 [tilespmem:s14+$0x48], $0xff;
	_ =	sdelay $0x4  }
0x7f: {  	v9 =	vshll.u32 @!p1 v7, $0x1  }
0x80: {  	v7 =	vand.u32 @!p1 $0x7, v7;
	v9 =	vand.u32 @!p1 $0xFFFFFFF0, v9  }
0x81: {  	v7 =	vor.u32 @!p1 v7, v9  }
0x82: {  	v7 =	vperm.xlane @!p1 v7, v8;
	_ =	sdelay $0x1  }
0x83: {  	v7 =	vadd.s32 @!p1 v10, v7;
	_ =	sdelay $0x1  }
0x84: {  	s9 =	sadd.s32 @!p1 $0x28, s14  }
0x85: {  	s9 =	sadd.s32 @!p1 s10, s9  }
0x86: {  	s11 =	simm.s32 @!p1 $0x9800;
	s9 =	sshll.u32 @!p1 s9, $0x5  }
0x87: {  	[tilespmem:s11], [sflag:$0x4] =	stream.indirect_vreg.gather @!p1 [hbm4b:s4+s8], $0x80, v7, vm9, $0xb8;
	[tilespmem:$0x14000] =	vst v63  }
0x88: {  	p2 =	slt.u32 @!p1 s24, $0x2;
	s9 =	sadd.s32 @!p1 s5, s9;
	s11 =	simm.s32 @!p1 $0xC800  }
0x89: {  	[tilespmem:s11], [sflag:$0x6] =	stream.linear.gather @!p1 [hbm4b:s9+s8], $0x2800, $0x38;
	[tilespmem:$0x14000] =	vst v63  }
0x8a: {  	p1 =	por p1, !p2  }
0x8b: {  	_ =	swait.ge @p1 [sflag:s0], $0x1400  }
0x8c: {  	[sflag:s0] =	ssyncset.done @p1 $0x0  }
0x8d: {  	[sflag:s0] =	ssyncadd.s32 @p1 $0xFFFFEC00  }
0x8e: {  	s16 =	simm.s32 $0x0;
	_ =	swait.ge @p1 [sflag:s17], $0x1400  }
0x8f: {  	s15 =	sand.u32 $0x3800, s16;
	s21 =	sand.u32 $0x380, s16;
	[sflag:s17] =	ssyncset.done @p1 $0x0  }
0x90: {  	s9 =	sor.u32 s21, s15;
	[sflag:s17] =	ssyncadd.s32 @p1 $0xFFFFEC00  }
0x91: {  	v8 =	vld [tilespmem:s9+$0xA000]  }
0x92: {  	v7 =	vld [tilespmem:s9+$0x5400];
	_ =	sdelay $0x3  }
0x93: {  	s23 =	simm.s32 $0x2840  }
0x94: {  	v9 =	vld [tilespmem:s23+$0xFFFFFFC0];
	v11 =	vadd.f32 v7, v8  }
0x95: {  	s8 =	simm.s32 $0xF040;
	v10 =	vld [tilespmem:s9+$0x5000]  }
0x96: {  	v7 =	vld [tilespmem:s9+$0xA400];
	[tilespmem:s8+$0xFFFFFFC0] =	vst v11  }
0x97: {  	v11 =	vld [tilespmem:s9+$0xA010]  }
0x98: {  	v12 =	vld [tilespmem:s9+$0x5410];
	_ =	sdelay $0x4  }
0x99: {  	v12 =	vadd.f32 v12, v11  }
0x9a: {  	v13 =	vld [tilespmem:s9+$0x5010]  }
0x9b: {  	v14 =	vld [tilespmem:s23+$0xFFFFFFD0];
	[tilespmem:s8+$0xFFFFFFD0] =	vst v12  }
0x9c: {  	v12 =	vld [tilespmem:s9+$0xA020]  }
0x9d: {  	v15 =	vld [tilespmem:s9+$0x5420];
	_ =	sdelay $0x4  }
0x9e: {  	v15 =	vadd.f32 v15, v12  }
0x9f: {  	v16 =	vld [tilespmem:s9+$0x5020]  }
0xa0: {  	v17 =	vld [tilespmem:s23+$0xFFFFFFE0];
	[tilespmem:s8+$0xFFFFFFE0] =	vst v15  }
0xa1: {  	v15 =	vld [tilespmem:s9+$0xA030]  }
0xa2: {  	v18 =	vld [tilespmem:s9+$0x5430];
	_ =	sdelay $0x4  }
0xa3: {  	v18 =	vadd.f32 v18, v15  }
0xa4: {  	v19 =	vld [tilespmem:s9+$0x5030]  }
0xa5: {  	v20 =	vld [tilespmem:s23+$0xFFFFFFF0];
	[tilespmem:s8+$0xFFFFFFF0] =	vst v18  }
0xa6: {  	v18 =	vld [tilespmem:s9+$0xA040]  }
0xa7: {  	v21 =	vld [tilespmem:s9+$0x5440];
	_ =	sdelay $0x4  }
0xa8: {  	v21 =	vadd.f32 v21, v18  }
0xa9: {  	v8 =	vadd.f32 v10, v8;
	v22 =	vld [tilespmem:s9+$0x5040]  }
0xaa: {  	v10 =	vld [tilespmem:s23+$0x0];
	[tilespmem:s8+$0x0] =	vst v21  }
0xab: {  	v8 =	vmul.f32 v8, v9;
	v9 =	vld [tilespmem:s9+$0xA050]  }
0xac: {  	v21 =	vld [tilespmem:s9+$0x5450];
	_ =	sdelay $0x1  }
0xad: {  	v11 =	vadd.f32 v13, v11;
	_ =	sdelay $0x1  }
0xae: {  	v23 =	vperm.xlane v8, v3;
	v11 =	vmul.f32 v11, v14  }
0xaf: {  	v21 =	vadd.f32 v21, v9  }
0xb0: {  	v8 =	vadd.f32 v23, v8;
	v60 =	vperm.xlane v11, v3;
	v59 =	vld [tilespmem:s23+$0x10]  }
0xb1: {  	v24 =	vld [tilespmem:s9+$0x5050];
	[tilespmem:s8+$0x10] =	vst v21  }
0xb2: {  	v58 =	vperm.xlane v8, v4;
	v11 =	vadd.f32 v60, v11;
	v61 =	vld [tilespmem:s9+$0xA060]  }
0xb3: {  	v63 =	vld [tilespmem:s9+$0x5460]  }
0xb4: {  	v8 =	vadd.f32 v58, v8;
	v25 =	vperm.xlane v11, v4  }
0xb5: {  	v12 =	vadd.f32 v16, v12  }
0xb6: {  	v62 =	vperm.xlane v8, v5;
	v11 =	vadd.f32 v25, v11  }
0xb7: {  	v12 =	vmul.f32 v12, v17  }
0xb8: {  	v8 =	vadd.f32 v62, v8;
	v29 =	vperm.xlane v11, v5;
	v30 =	vld [tilespmem:s9+$0x5060];
	v23 =	vadd.f32 v63, v61  }
0xb9: {  	v31 =	vperm.xlane v12, v3  }
0xba: {  	v28 =	vperm.xlane v8, v6;
	v11 =	vadd.f32 v29, v11;
	v15 =	vadd.f32 v19, v15;
	v32 =	vld [tilespmem:s23+$0x20];
	[tilespmem:s8+$0x20] =	vst v23  }
0xbb: {  	v34 =	vmul.f32 $0.0e+00, v7;
	v12 =	vadd.f32 v31, v12;
	v33 =	vadd.f32 v22, v18;
	v35 =	vld [tilespmem:s9+$0xA070]  }
0xbc: {  	v8 =	vadd.f32 v28, v8;
	v36 =	vperm.xlane v11, v6;
	v15 =	vmul.f32 v15, v20;
	v37 =	vld [tilespmem:s9+$0x5070]  }
0xbd: {  	v38 =	vperm.xlane v12, v4;
	v10 =	vmul.f32 v33, v10;
	v13 =	vadd.f32 v30, v61  }
0xbe: {  	v11 =	vadd.f32 v36, v11;
	v39 =	vperm.xlane v15, v3;
	v9 =	vadd.f32 v24, v9;
	v41 =	vld [tilespmem:s23+$0x30]  }
0xbf: {  	v8 =	vsel vm1, v8, v34;
	v40 =	vperm.xlane v10, v3;
	v13 =	vmul.f32 v13, v32  }
0xc0: {  	v8 =	vsel vm2, v8, v11;
	v15 =	vadd.f32 v39, v15;
	v9 =	vmul.f32 v9, v59  }
0xc1: {  	v10 =	vadd.f32 v40, v10;
	v11 =	vperm.xlane v13, v3;
	v17 =	vadd.f32 v37, v35  }
0xc2: {  	v12 =	vadd.f32 v38, v12;
	v43 =	vperm.xlane v15, v4;
	v42 =	vperm.xlane v9, v3  }
0xc3: {  	v44 =	vperm.xlane v10, v4;
	v11 =	vadd.f32 v11, v13;
	v46 =	vmul.f32 v17, v41  }
0xc4: {  	v45 =	vperm.xlane v12, v5;
	v47 =	vadd.f32 v43, v15;
	v9 =	vadd.f32 v42, v9  }
0xc5: {  	v10 =	vadd.f32 v44, v10;
	v49 =	vperm.xlane v11, v4;
	v50 =	vperm.xlane v46, v3  }
0xc6: {  	v12 =	vadd.f32 v45, v12;
	v19 =	vperm.xlane v47, v5;
	v48 =	vperm.xlane v9, v4  }
0xc7: {  	v20 =	vperm.xlane v10, v5;
	v11 =	vadd.f32 v49, v11;
	v13 =	vadd.f32 v50, v46  }
0xc8: {  	v51 =	vperm.xlane v12, v6;
	v14 =	vadd.f32 v19, v47;
	v9 =	vadd.f32 v48, v9  }
0xc9: {  	v10 =	vadd.f32 v20, v10;
	v53 =	vld [tilespmem:s9+$0x5470];
	v54 =	vperm.xlane v11, v5;
	v55 =	vperm.xlane v13, v4  }
0xca: {  	v12 =	vadd.f32 v51, v12;
	v56 =	vperm.xlane v14, v6;
	v52 =	vperm.xlane v9, v5  }
0xcb: {  	v57 =	vperm.xlane v10, v6;
	v11 =	vadd.f32 v54, v11;
	v58 =	vadd.f32 v55, v13  }
0xcc: {  	v8 =	vsel vm3, v8, v12;
	v59 =	vadd.f32 v56, v14;
	v9 =	vadd.f32 v52, v9  }
0xcd: {  	v10 =	vadd.f32 v57, v10;
	v62 =	vperm.xlane v11, v6;
	v63 =	vperm.xlane v58, v5  }
0xce: {  	v8 =	vsel vm4, v8, v59;
	v60 =	vperm.xlane v9, v6;
	v61 =	vadd.f32 v53, v35  }
0xcf: {  	s12 =	simm.s32 $0x100;
	s13 =	sadd.s32 s10, s14;
	v8 =	vsel vm5, v8, v10;
	v10 =	vadd.f32 v62, v11;
	v11 =	vadd.f32 v63, v58  }
0xd0: {  	s15 =	simm.s32 $0x28C0;
	s11 =	simm.s32 $0x11800;
	s9 =	simm.s32 $0x11800;
	v9 =	vadd.f32 v60, v9;
	[tilespmem:s8+$0x30] =	vst v61  }
.LBB2_5:
0xd1: {  	v12 =	vperm.xlane v11, v6;
	s9 =	sadd.s32 $0x80, s9;
	s16 =	sadd.s32 $0x80, s16;
	s8 =	sadd.s32 $0x80, s8  }
0xd2: {  	p1 =	sne.s32 s12, $0x2700;
	v8 =	vsel vm6, v8, v9;
	s23 =	smov.u32 s12;
	s12 =	sadd.s32 $0x100, s12  }
0xd3: {  	v8 =	vsel vm7, v8, v10;
	v9 =	vadd.f32 v12, v11;
	_ =	sdelay $0x1  }
0xd4: {  	v8 =	vsel vm8, v8, v9  }
0xd5: {  	v8 =	vmul.f32 $2.500000000e-01, v8;
	_ =	sdelay $0x1  }
0xd6: {  	s23 =	sand.u32 $0x3800, s23;
	s21 =	sand.u32 $0x380, s16;
	v7 =	vadd.f32 v8, v7  }
0xd7: {  	s23 =	sor.u32 s21, s23  }
0xd8: {  	[tilespmem:s11+$0x0] =	vst v7;
	s11 =	smov.u32 s9  }
0xd9: {  	v8 =	vld [tilespmem:s23+$0xA000]  }
0xda: {  	v7 =	vld [tilespmem:s23+$0x5400];
	_ =	sdelay $0x3  }
0xdb: {  	v9 =	vld [tilespmem:s15+$0xFFFFFFC0]  }
0xdc: {  	v10 =	vld [tilespmem:s23+$0x5000];
	v11 =	vadd.f32 v7, v8  }
0xdd: {  	v7 =	vld [tilespmem:s23+$0xA400]  }
0xde: {  	[tilespmem:s8+$0xFFFFFFC0] =	vst v11  }
0xdf: {  	v11 =	vld [tilespmem:s23+$0xA010]  }
0xe0: {  	v12 =	vld [tilespmem:s23+$0x5410]  }
0xe1: {  	v8 =	vadd.f32 v10, v8;
	_ =	sdelay $0x1  }
0xe2: {  	v8 =	vmul.f32 v8, v9;
	_ =	sdelay $0x1  }
0xe3: {  	v9 =	vperm.xlane v8, v3;
	v10 =	vld [tilespmem:s23+$0x5010];
	v12 =	vadd.f32 v12, v11  }
0xe4: {  	v13 =	vld [tilespmem:s15+$0xFFFFFFD0]  }
0xe5: {  	v8 =	vadd.f32 v9, v8;
	[tilespmem:s8+$0xFFFFFFD0] =	vst v12  }
0xe6: {  	v9 =	vld [tilespmem:s23+$0xA020]  }
0xe7: {  	v12 =	vperm.xlane v8, v4;
	v14 =	vld [tilespmem:s23+$0x5420]  }
0xe8: {  	v10 =	vadd.f32 v10, v11  }
0xe9: {  	v8 =	vadd.f32 v12, v8  }
0xea: {  	v10 =	vmul.f32 v10, v13  }
0xeb: {  	v11 =	vperm.xlane v8, v5  }
0xec: {  	v12 =	vperm.xlane v10, v3;
	v13 =	vld [tilespmem:s23+$0x5020];
	v14 =	vadd.f32 v14, v9  }
0xed: {  	v8 =	vadd.f32 v11, v8;
	v11 =	vld [tilespmem:s15+$0xFFFFFFE0]  }
0xee: {  	v10 =	vadd.f32 v12, v10;
	[tilespmem:s8+$0xFFFFFFE0] =	vst v14  }
0xef: {  	v12 =	vperm.xlane v8, v6;
	v14 =	vld [tilespmem:s23+$0xA030]  }
0xf0: {  	v15 =	vperm.xlane v10, v4;
	v16 =	vld [tilespmem:s23+$0x5430]  }
0xf1: {  	v17 =	vmul.f32 $0.0e+00, v7;
	v8 =	vadd.f32 v12, v8;
	v9 =	vadd.f32 v13, v9  }
0xf2: {  	v10 =	vadd.f32 v15, v10  }
0xf3: {  	v8 =	vsel vm1, v8, v17;
	v9 =	vmul.f32 v9, v11  }
0xf4: {  	v11 =	vperm.xlane v10, v5  }
0xf5: {  	v12 =	vperm.xlane v9, v3;
	v13 =	vld [tilespmem:s23+$0x5030];
	v15 =	vadd.f32 v16, v14  }
0xf6: {  	v10 =	vadd.f32 v11, v10;
	v11 =	vld [tilespmem:s15+$0xFFFFFFF0]  }
0xf7: {  	v9 =	vadd.f32 v12, v9;
	[tilespmem:s8+$0xFFFFFFF0] =	vst v15  }
0xf8: {  	v12 =	vperm.xlane v10, v6;
	v15 =	vld [tilespmem:s23+$0xA040]  }
0xf9: {  	v16 =	vperm.xlane v9, v4;
	v17 =	vld [tilespmem:s23+$0x5440]  }
0xfa: {  	v10 =	vadd.f32 v12, v10;
	v12 =	vadd.f32 v13, v14;
	v13 =	vld [tilespmem:s23+$0x5040]  }
0xfb: {  	v9 =	vadd.f32 v16, v9  }
0xfc: {  	v8 =	vsel vm2, v8, v10;
	v10 =	vmul.f32 v12, v11  }
0xfd: {  	v11 =	vperm.xlane v9, v5  }
0xfe: {  	v12 =	vperm.xlane v10, v3;
	v14 =	vadd.f32 v17, v15  }
0xff: {  	v9 =	vadd.f32 v11, v9;
	v11 =	vld [tilespmem:s15+$0x0];
	v13 =	vadd.f32 v13, v15  }
0x100: {  	v10 =	vadd.f32 v12, v10;
	[tilespmem:s8+$0x0] =	vst v14  }
0x101: {  	v12 =	vperm.xlane v9, v6;
	v14 =	vld [tilespmem:s23+$0xA050]  }
0x102: {  	v15 =	vperm.xlane v10, v4;
	v16 =	vld [tilespmem:s23+$0x5450]  }
0x103: {  	v9 =	vadd.f32 v12, v9;
	v12 =	vld [tilespmem:s15+$0x10]  }
0x104: {  	v10 =	vadd.f32 v15, v10;
	v11 =	vmul.f32 v13, v11;
	v13 =	vld [tilespmem:s23+$0x5050]  }
0x105: {  	v8 =	vsel vm3, v8, v9  }
0x106: {  	v9 =	vperm.xlane v10, v5;
	v15 =	vperm.xlane v11, v3  }
0x107: {  	v16 =	vadd.f32 v16, v14  }
0x108: {  	v9 =	vadd.f32 v9, v10;
	v10 =	vadd.f32 v15, v11  }
0x109: {  	v11 =	vadd.f32 v13, v14;
	[tilespmem:s8+$0x10] =	vst v16  }
0x10a: {  	v13 =	vperm.xlane v9, v6;
	v14 =	vperm.xlane v10, v4;
	v15 =	vld [tilespmem:s23+$0xA060]  }
0x10b: {  	v11 =	vmul.f32 v11, v12;
	v12 =	vld [tilespmem:s23+$0x5460]  }
0x10c: {  	v9 =	vadd.f32 v13, v9;
	v10 =	vadd.f32 v14, v10;
	v13 =	vld [tilespmem:s15+$0x20]  }
0x10d: {  	v14 =	vperm.xlane v11, v3;
	v16 =	vld [tilespmem:s23+$0x5060]  }
0x10e: {  	v8 =	vsel vm4, v8, v9;
	v9 =	vperm.xlane v10, v5  }
0x10f: {  	v11 =	vadd.f32 v14, v11  }
0x110: {  	v9 =	vadd.f32 v9, v10;
	v10 =	vadd.f32 v12, v15  }
0x111: {  	v12 =	vperm.xlane v11, v4  }
0x112: {  	v14 =	vperm.xlane v9, v6;
	v15 =	vadd.f32 v16, v15;
	[tilespmem:s8+$0x20] =	vst v10  }
0x113: {  	v10 =	vadd.f32 v12, v11;
	v11 =	vld [tilespmem:s23+$0xA070]  }
0x114: {  	v9 =	vadd.f32 v14, v9;
	v12 =	vmul.f32 v15, v13;
	v13 =	vld [tilespmem:s23+$0x5070]  }
0x115: {  	v14 =	vperm.xlane v10, v5;
	v15 =	vld [tilespmem:s15+$0x30]  }
0x116: {  	v8 =	vsel vm5, v8, v9;
	v9 =	vperm.xlane v12, v3;
	v16 =	vld [tilespmem:s23+$0x5470]  }
0x117: {  	v10 =	vadd.f32 v14, v10  }
0x118: {  	v12 =	vadd.f32 v9, v12  }
0x119: {  	v9 =	vperm.xlane v10, v6;
	v13 =	vadd.f32 v13, v11  }
0x11a: {  	v14 =	vperm.xlane v12, v4  }
0x11b: {  	v9 =	vadd.f32 v9, v10;
	v10 =	vadd.f32 v16, v11;
	v11 =	vmul.f32 v13, v15  }
0x11c: {  	v12 =	vadd.f32 v14, v12  }
0x11d: {  	v13 =	vperm.xlane v11, v3;
	[tilespmem:s8+$0x30] =	vst v10  }
0x11e: {  	v10 =	vperm.xlane v12, v5  }
0x11f: {  	v11 =	vadd.f32 v13, v11  }
0x120: {  	v10 =	vadd.f32 v10, v12  }
0x121: {  	v12 =	vperm.xlane v11, v4  }
0x122: {  	v13 =	vperm.xlane v10, v6  }
0x123: {  	v11 =	vadd.f32 v12, v11  }
.Ltmp6:
0x124: {  	v10 =	vadd.f32 v13, v10;
	(pc) =	sbr.rel @p1 .LBB2_5-.Ltmp6, $3  }
0x125: {  	v12 =	vperm.xlane v11, v5;
	_ =	sdelay $0x1  }
0x126: {  	v11 =	vadd.f32 v12, v11  }
0x127: {  	s15 =	sadd.s32 $0x80, s15  }
0x128: {  	v12 =	vperm.xlane v11, v6;
	_ =	sdelay $0x1  }
0x129: {  	v8 =	vsel vm6, v8, v9;
	v63 =	vadd.f32 v12, v11  }
0x12a: {  	v8 =	vsel vm7, v8, v10  }
0x12b: {  	v8 =	vsel vm8, v8, v63  }
0x12c: {  	v8 =	vmul.f32 $2.500000000e-01, v8;
	_ =	sdelay $0x1  }
0x12d: {  	v7 =	vadd.f32 v8, v7  }
.Ltmp7:
0x12e: {  	s8 =	sshll.u32 s13, $0x4;
	(pc) =	sbr.rel @p0 .LBB2_10-.Ltmp7, $4  }
0x12f: {  	s23 =	simm.s32 $0xF000;
	s9 =	sadd.s32 s6, s8;
	[tilespmem:s11+$0x0] =	vst v7  }
0x130: {  	[hbm4b:s9+s2] =	stream.linear.scatter [tilespmem:s23], [sflag:$0x7], $0x1400, $0x38;
	[tilespmem:$0x14000] =	vst v63  }
0x131: {  	s8 =	sadd.s32 s7, s8  }
0x132: {  	[hbm4b:s8+s2] =	stream.linear.scatter [tilespmem:s22], [sflag:$0x9], $0x1400, $0x38;
	[tilespmem:$0x14000] =	vst v63  }
.LBB2_7:
0x133: {  	_ =	swait.ge [sflag:s25], $0x1400  }
0x134: {  	[sflag:s25] =	ssyncset.done $0x0  }
0x135: {  	[sflag:s25] =	ssyncadd.s32 $0xFFFFEC00  }
0x136: {  	_ =	swait.ge [sflag:s26], $0x2800  }
0x137: {  	[sflag:s26] =	ssyncset.done $0x0  }
0x138: {  	[sflag:s26] =	ssyncadd.s32 $0xFFFFD800  }
0x139: {  	p0 =	seq.s32 s24, $0x7C;
	_ =	swait.ge [sflag:s28], $0x2800  }
0x13a: {  	s8 =	sadd.s32 @!p0 $0x1428, s14;
	[sflag:s28] =	ssyncset.done $0x0  }
0x13b: {  	s9 =	simm.s32 @!p0 $0x28;
	s11 =	simm.s32 @!p0 $0x2800;
	[sflag:s28] =	ssyncadd.s32 $0xFFFFD800  }
0x13c: {  	[tilespmem:s11], [sflag:$0x1] =	stream.indirect.gather @!p0 [hbm4b:s3+s9], $0x80, s8, s9, $0xb8;
	[tilespmem:$0x14000] =	vst v63  }
0x13d: {  	v7 =	vld @!p0 [tilespmem:s14+$0x28];
	_ =	sdelay $0x4  }
0x13e: {  	v8 =	vshll.u32 @!p0 v7, $0x1  }
0x13f: {  	v9 =	vlaneseq.u32 @!p0;
	v7 =	vand.u32 @!p0 $0x7, v7;
	v8 =	vand.u32 @!p0 $0xFFFFFFF0, v8  }
0x140: {  	v10 =	vshrl.u32 @!p0 v9, $0x3;
	v7 =	vor.u32 @!p0 v7, v8;
	v8 =	vand.u32 @!p0 $0x7, v9  }
0x141: {  	v10 =	vmul.u32 @!p0 $0x8, v10;
	v11 =	vperm.xlane @!p0 v7, v8  }
0x142: {  	v9 =	vor.u32 @!p0 $0x8, v9  }
0x143: {  	v7 =	vperm.xlane @!p0 v7, v9;
	v11 =	vadd.s32 @!p0 v10, v11;
	_ =	sdelay $0x1  }
0x144: {  	v7 =	vadd.s32 @!p0 v10, v7;
	_ =	sdelay $0x1  }
0x145: {  	vm9 =	vmmov @!p0 $0xffff;
	s8 =	simm.s32 @!p0 $0x0;
	s9 =	simm.s32 @!p0 $0x5000  }
0x146: {  	[tilespmem:s9], [sflag:$0x3] =	stream.indirect_vreg.gather @!p0 [hbm4b:s4+s8], $0x80, v11, vm9, $0xb8;
	[tilespmem:$0x14000] =	vst v63  }
0x147: {  	s9 =	simm.s32 @!p0 $0x5800  }
0x148: {  	[tilespmem:s9], [sflag:$0x3] =	stream.indirect_vreg.gather @!p0 [hbm4b:s4+s8], $0x80, v7, vm9, $0xb8;
	[tilespmem:$0x14000] =	vst v63  }
0x149: {  	v7 =	vld @!p0 [tilespmem:s14+$0x38];
	_ =	sdelay $0x4  }
0x14a: {  	v11 =	vshll.u32 @!p0 v7, $0x1  }
0x14b: {  	v7 =	vand.u32 @!p0 $0x7, v7;
	v11 =	vand.u32 @!p0 $0xFFFFFFF0, v11  }
0x14c: {  	v7 =	vor.u32 @!p0 v7, v11  }
0x14d: {  	v11 =	vperm.xlane @!p0 v7, v8;
	_ =	sdelay $0x1  }
0x14e: {  	v7 =	vperm.xlane @!p0 v7, v9;
	v11 =	vadd.s32 @!p0 v10, v11;
	_ =	sdelay $0x1  }
0x14f: {  	v7 =	vadd.s32 @!p0 v10, v7;
	_ =	sdelay $0x1  }
0x150: {  	s9 =	simm.s32 @!p0 $0x6000  }
0x151: {  	[tilespmem:s9], [sflag:$0x3] =	stream.indirect_vreg.gather @!p0 [hbm4b:s4+s8], $0x80, v11, vm9, $0xb8;
	[tilespmem:$0x14000] =	vst v63  }
0x152: {  	s9 =	simm.s32 @!p0 $0x6800  }
0x153: {  	[tilespmem:s9], [sflag:$0x3] =	stream.indirect_vreg.gather @!p0 [hbm4b:s4+s8], $0x80, v7, vm9, $0xb8;
	[tilespmem:$0x14000] =	vst v63  }
0x154: {  	v7 =	vld.msk @!p0 [tilespmem:s14+$0x48], $0xff;
	_ =	sdelay $0x4  }
0x155: {  	v9 =	vshll.u32 @!p0 v7, $0x1  }
0x156: {  	v7 =	vand.u32 @!p0 $0x7, v7;
	v9 =	vand.u32 @!p0 $0xFFFFFFF0, v9  }
0x157: {  	v7 =	vor.u32 @!p0 v7, v9  }
0x158: {  	v7 =	vperm.xlane @!p0 v7, v8;
	_ =	sdelay $0x1  }
0x159: {  	v7 =	vadd.s32 @!p0 v10, v7;
	_ =	sdelay $0x1  }
0x15a: {  	s9 =	sadd.s32 @!p0 $0x28, s14  }
0x15b: {  	s9 =	sadd.s32 @!p0 s10, s9  }
0x15c: {  	s11 =	simm.s32 @!p0 $0x7000;
	s9 =	sshll.u32 @!p0 s9, $0x5  }
0x15d: {  	[tilespmem:s11], [sflag:$0x3] =	stream.indirect_vreg.gather @!p0 [hbm4b:s4+s8], $0x80, v7, vm9, $0xb8;
	[tilespmem:$0x14000] =	vst v63  }
0x15e: {  	p1 =	slt.u32 @!p0 s24, $0x2;
	s9 =	sadd.s32 @!p0 s5, s9;
	s11 =	simm.s32 @!p0 $0xA000  }
0x15f: {  	[tilespmem:s11], [sflag:$0x5] =	stream.linear.gather @!p0 [hbm4b:s9+s8], $0x2800, $0x38;
	[tilespmem:$0x14000] =	vst v63  }
0x160: {  	p0 =	por p0, !p1  }
0x161: {  	_ =	swait.ge @p0 [sflag:s29], $0x1400  }
0x162: {  	[sflag:s29] =	ssyncset.done @p0 $0x0  }
0x163: {  	[sflag:s29] =	ssyncadd.s32 @p0 $0xFFFFEC00  }
0x164: {  	s14 =	simm.s32 $0x0;
	_ =	swait.ge @p0 [sflag:s30], $0x1400  }
0x165: {  	s16 =	sand.u32 $0x3800, s14;
	s21 =	sand.u32 $0x380, s14;
	[sflag:s30] =	ssyncset.done @p0 $0x0  }
0x166: {  	s9 =	sor.u32 s21, s16;
	[sflag:s30] =	ssyncadd.s32 @p0 $0xFFFFEC00  }
0x167: {  	v8 =	vld [tilespmem:s9+$0xC800]  }
0x168: {  	v7 =	vld [tilespmem:s9+$0x7C00];
	_ =	sdelay $0x3  }
0x169: {  	s23 =	simm.s32 $0x3C40  }
0x16a: {  	v9 =	vld [tilespmem:s23+$0xFFFFFFC0];
	v11 =	vadd.f32 v7, v8  }
0x16b: {  	s8 =	simm.s32 $0x10440;
	v10 =	vld [tilespmem:s9+$0x7800]  }
0x16c: {  	v7 =	vld [tilespmem:s9+$0xCC00];
	[tilespmem:s8+$0xFFFFFFC0] =	vst v11  }
0x16d: {  	v11 =	vld [tilespmem:s9+$0xC810]  }
0x16e: {  	v12 =	vld [tilespmem:s9+$0x7C10];
	_ =	sdelay $0x4  }
0x16f: {  	v12 =	vadd.f32 v12, v11  }
0x170: {  	v13 =	vld [tilespmem:s9+$0x7810]  }
0x171: {  	v14 =	vld [tilespmem:s23+$0xFFFFFFD0];
	[tilespmem:s8+$0xFFFFFFD0] =	vst v12  }
0x172: {  	v12 =	vld [tilespmem:s9+$0xC820]  }
0x173: {  	v15 =	vld [tilespmem:s9+$0x7C20];
	_ =	sdelay $0x4  }
0x174: {  	v15 =	vadd.f32 v15, v12  }
0x175: {  	v16 =	vld [tilespmem:s9+$0x7820]  }
0x176: {  	v17 =	vld [tilespmem:s23+$0xFFFFFFE0];
	[tilespmem:s8+$0xFFFFFFE0] =	vst v15  }
0x177: {  	v15 =	vld [tilespmem:s9+$0xC830]  }
0x178: {  	v18 =	vld [tilespmem:s9+$0x7C30];
	_ =	sdelay $0x4  }
0x179: {  	v18 =	vadd.f32 v18, v15  }
0x17a: {  	v19 =	vld [tilespmem:s9+$0x7830]  }
0x17b: {  	v20 =	vld [tilespmem:s23+$0xFFFFFFF0];
	[tilespmem:s8+$0xFFFFFFF0] =	vst v18  }
0x17c: {  	v18 =	vld [tilespmem:s9+$0xC840]  }
0x17d: {  	v21 =	vld [tilespmem:s9+$0x7C40];
	_ =	sdelay $0x4  }
0x17e: {  	v21 =	vadd.f32 v21, v18  }
0x17f: {  	v8 =	vadd.f32 v10, v8;
	v22 =	vld [tilespmem:s9+$0x7840]  }
0x180: {  	v10 =	vld [tilespmem:s23+$0x0];
	[tilespmem:s8+$0x0] =	vst v21  }
0x181: {  	v8 =	vmul.f32 v8, v9;
	v9 =	vld [tilespmem:s9+$0xC850]  }
0x182: {  	v21 =	vld [tilespmem:s9+$0x7C50];
	_ =	sdelay $0x1  }
0x183: {  	v11 =	vadd.f32 v13, v11;
	_ =	sdelay $0x1  }
0x184: {  	v23 =	vperm.xlane v8, v3;
	v11 =	vmul.f32 v11, v14  }
0x185: {  	v21 =	vadd.f32 v21, v9  }
0x186: {  	v8 =	vadd.f32 v23, v8;
	v60 =	vperm.xlane v11, v3;
	v59 =	vld [tilespmem:s23+$0x10]  }
0x187: {  	v24 =	vld [tilespmem:s9+$0x7850];
	[tilespmem:s8+$0x10] =	vst v21  }
0x188: {  	v58 =	vperm.xlane v8, v4;
	v11 =	vadd.f32 v60, v11;
	v61 =	vld [tilespmem:s9+$0xC860]  }
0x189: {  	v63 =	vld [tilespmem:s9+$0x7C60]  }
0x18a: {  	v8 =	vadd.f32 v58, v8;
	v25 =	vperm.xlane v11, v4  }
0x18b: {  	v12 =	vadd.f32 v16, v12  }
0x18c: {  	v62 =	vperm.xlane v8, v5;
	v11 =	vadd.f32 v25, v11  }
0x18d: {  	v12 =	vmul.f32 v12, v17  }
0x18e: {  	v8 =	vadd.f32 v62, v8;
	v29 =	vperm.xlane v11, v5;
	v30 =	vld [tilespmem:s9+$0x7860];
	v23 =	vadd.f32 v63, v61  }
0x18f: {  	v31 =	vperm.xlane v12, v3  }
0x190: {  	v28 =	vperm.xlane v8, v6;
	v11 =	vadd.f32 v29, v11;
	v15 =	vadd.f32 v19, v15;
	v32 =	vld [tilespmem:s23+$0x20];
	[tilespmem:s8+$0x20] =	vst v23  }
0x191: {  	v34 =	vmul.f32 $0.0e+00, v7;
	v12 =	vadd.f32 v31, v12;
	v33 =	vadd.f32 v22, v18;
	v35 =	vld [tilespmem:s9+$0xC870]  }
0x192: {  	v8 =	vadd.f32 v28, v8;
	v36 =	vperm.xlane v11, v6;
	v15 =	vmul.f32 v15, v20;
	v37 =	vld [tilespmem:s9+$0x7870]  }
0x193: {  	v38 =	vperm.xlane v12, v4;
	v10 =	vmul.f32 v33, v10;
	v13 =	vadd.f32 v30, v61  }
0x194: {  	v11 =	vadd.f32 v36, v11;
	v39 =	vperm.xlane v15, v3;
	v9 =	vadd.f32 v24, v9;
	v41 =	vld [tilespmem:s23+$0x30]  }
0x195: {  	v8 =	vsel vm1, v8, v34;
	v40 =	vperm.xlane v10, v3;
	v13 =	vmul.f32 v13, v32  }
0x196: {  	v8 =	vsel vm2, v8, v11;
	v15 =	vadd.f32 v39, v15;
	v9 =	vmul.f32 v9, v59  }
0x197: {  	v10 =	vadd.f32 v40, v10;
	v11 =	vperm.xlane v13, v3;
	v17 =	vadd.f32 v37, v35  }
0x198: {  	v12 =	vadd.f32 v38, v12;
	v43 =	vperm.xlane v15, v4;
	v42 =	vperm.xlane v9, v3  }
0x199: {  	v44 =	vperm.xlane v10, v4;
	v11 =	vadd.f32 v11, v13;
	v46 =	vmul.f32 v17, v41  }
0x19a: {  	v45 =	vperm.xlane v12, v5;
	v47 =	vadd.f32 v43, v15;
	v9 =	vadd.f32 v42, v9  }
0x19b: {  	v10 =	vadd.f32 v44, v10;
	v49 =	vperm.xlane v11, v4;
	v50 =	vperm.xlane v46, v3  }
0x19c: {  	v12 =	vadd.f32 v45, v12;
	v19 =	vperm.xlane v47, v5;
	v48 =	vperm.xlane v9, v4  }
0x19d: {  	v20 =	vperm.xlane v10, v5;
	v11 =	vadd.f32 v49, v11;
	v13 =	vadd.f32 v50, v46  }
0x19e: {  	v51 =	vperm.xlane v12, v6;
	v14 =	vadd.f32 v19, v47;
	v9 =	vadd.f32 v48, v9  }
0x19f: {  	v10 =	vadd.f32 v20, v10;
	v53 =	vld [tilespmem:s9+$0x7C70];
	v54 =	vperm.xlane v11, v5;
	v55 =	vperm.xlane v13, v4  }
0x1a0: {  	v12 =	vadd.f32 v51, v12;
	v56 =	vperm.xlane v14, v6;
	v52 =	vperm.xlane v9, v5  }
0x1a1: {  	v57 =	vperm.xlane v10, v6;
	v11 =	vadd.f32 v54, v11;
	v58 =	vadd.f32 v55, v13  }
0x1a2: {  	v8 =	vsel vm3, v8, v12;
	v59 =	vadd.f32 v56, v14;
	v9 =	vadd.f32 v52, v9  }
0x1a3: {  	v10 =	vadd.f32 v57, v10;
	v62 =	vperm.xlane v11, v6;
	v63 =	vperm.xlane v58, v5  }
0x1a4: {  	v8 =	vsel vm4, v8, v59;
	v60 =	vperm.xlane v9, v6;
	v61 =	vadd.f32 v53, v35  }
0x1a5: {  	s12 =	simm.s32 $0x100;
	v8 =	vsel vm5, v8, v10;
	v10 =	vadd.f32 v62, v11;
	v11 =	vadd.f32 v63, v58  }
0x1a6: {  	s15 =	simm.s32 $0x3CC0;
	s11 =	simm.s32 $0x12C00;
	s9 =	simm.s32 $0x12C00;
	v9 =	vadd.f32 v60, v9;
	[tilespmem:s8+$0x30] =	vst v61  }
.LBB2_8:
0x1a7: {  	v12 =	vperm.xlane v11, v6;
	s9 =	sadd.s32 $0x80, s9;
	s14 =	sadd.s32 $0x80, s14;
	s8 =	sadd.s32 $0x80, s8  }
0x1a8: {  	p0 =	sne.s32 s12, $0x2700;
	v8 =	vsel vm6, v8, v9;
	s16 =	smov.u32 s12;
	s12 =	sadd.s32 $0x100, s12  }
0x1a9: {  	v8 =	vsel vm7, v8, v10;
	v9 =	vadd.f32 v12, v11;
	_ =	sdelay $0x1  }
0x1aa: {  	v8 =	vsel vm8, v8, v9  }
0x1ab: {  	v8 =	vmul.f32 $2.500000000e-01, v8;
	_ =	sdelay $0x1  }
0x1ac: {  	s16 =	sand.u32 $0x3800, s16;
	s21 =	sand.u32 $0x380, s14;
	v7 =	vadd.f32 v8, v7  }
0x1ad: {  	s16 =	sor.u32 s21, s16  }
0x1ae: {  	[tilespmem:s11+$0x0] =	vst v7;
	s11 =	smov.u32 s9  }
0x1af: {  	v8 =	vld [tilespmem:s16+$0xC800]  }
0x1b0: {  	v7 =	vld [tilespmem:s16+$0x7C00];
	_ =	sdelay $0x3  }
0x1b1: {  	v9 =	vld [tilespmem:s15+$0xFFFFFFC0]  }
0x1b2: {  	v10 =	vld [tilespmem:s16+$0x7800];
	v11 =	vadd.f32 v7, v8  }
0x1b3: {  	v7 =	vld [tilespmem:s16+$0xCC00]  }
0x1b4: {  	[tilespmem:s8+$0xFFFFFFC0] =	vst v11  }
0x1b5: {  	v11 =	vld [tilespmem:s16+$0xC810]  }
0x1b6: {  	v12 =	vld [tilespmem:s16+$0x7C10]  }
0x1b7: {  	v8 =	vadd.f32 v10, v8;
	_ =	sdelay $0x1  }
0x1b8: {  	v8 =	vmul.f32 v8, v9;
	_ =	sdelay $0x1  }
0x1b9: {  	v9 =	vperm.xlane v8, v3;
	v10 =	vld [tilespmem:s16+$0x7810];
	v12 =	vadd.f32 v12, v11  }
0x1ba: {  	v13 =	vld [tilespmem:s15+$0xFFFFFFD0]  }
0x1bb: {  	v8 =	vadd.f32 v9, v8;
	[tilespmem:s8+$0xFFFFFFD0] =	vst v12  }
0x1bc: {  	v9 =	vld [tilespmem:s16+$0xC820]  }
0x1bd: {  	v12 =	vperm.xlane v8, v4;
	v14 =	vld [tilespmem:s16+$0x7C20]  }
0x1be: {  	v10 =	vadd.f32 v10, v11  }
0x1bf: {  	v8 =	vadd.f32 v12, v8  }
0x1c0: {  	v10 =	vmul.f32 v10, v13  }
0x1c1: {  	v11 =	vperm.xlane v8, v5  }
0x1c2: {  	v12 =	vperm.xlane v10, v3;
	v13 =	vld [tilespmem:s16+$0x7820];
	v14 =	vadd.f32 v14, v9  }
0x1c3: {  	v8 =	vadd.f32 v11, v8;
	v11 =	vld [tilespmem:s15+$0xFFFFFFE0]  }
0x1c4: {  	v10 =	vadd.f32 v12, v10;
	[tilespmem:s8+$0xFFFFFFE0] =	vst v14  }
0x1c5: {  	v12 =	vperm.xlane v8, v6;
	v14 =	vld [tilespmem:s16+$0xC830]  }
0x1c6: {  	v15 =	vperm.xlane v10, v4;
	v16 =	vld [tilespmem:s16+$0x7C30]  }
0x1c7: {  	v17 =	vmul.f32 $0.0e+00, v7;
	v8 =	vadd.f32 v12, v8;
	v9 =	vadd.f32 v13, v9  }
0x1c8: {  	v10 =	vadd.f32 v15, v10  }
0x1c9: {  	v8 =	vsel vm1, v8, v17;
	v9 =	vmul.f32 v9, v11  }
0x1ca: {  	v11 =	vperm.xlane v10, v5  }
0x1cb: {  	v12 =	vperm.xlane v9, v3;
	v13 =	vld [tilespmem:s16+$0x7830];
	v15 =	vadd.f32 v16, v14  }
0x1cc: {  	v10 =	vadd.f32 v11, v10;
	v11 =	vld [tilespmem:s15+$0xFFFFFFF0]  }
0x1cd: {  	v9 =	vadd.f32 v12, v9;
	[tilespmem:s8+$0xFFFFFFF0] =	vst v15  }
0x1ce: {  	v12 =	vperm.xlane v10, v6;
	v15 =	vld [tilespmem:s16+$0xC840]  }
0x1cf: {  	v16 =	vperm.xlane v9, v4;
	v17 =	vld [tilespmem:s16+$0x7C40]  }
0x1d0: {  	v10 =	vadd.f32 v12, v10;
	v12 =	vadd.f32 v13, v14;
	v13 =	vld [tilespmem:s16+$0x7840]  }
0x1d1: {  	v9 =	vadd.f32 v16, v9  }
0x1d2: {  	v8 =	vsel vm2, v8, v10;
	v10 =	vmul.f32 v12, v11  }
0x1d3: {  	v11 =	vperm.xlane v9, v5  }
0x1d4: {  	v12 =	vperm.xlane v10, v3;
	v14 =	vadd.f32 v17, v15  }
0x1d5: {  	v9 =	vadd.f32 v11, v9;
	v11 =	vld [tilespmem:s15+$0x0];
	v13 =	vadd.f32 v13, v15  }
0x1d6: {  	v10 =	vadd.f32 v12, v10;
	[tilespmem:s8+$0x0] =	vst v14  }
0x1d7: {  	v12 =	vperm.xlane v9, v6;
	v14 =	vld [tilespmem:s16+$0xC850]  }
0x1d8: {  	v15 =	vperm.xlane v10, v4;
	v16 =	vld [tilespmem:s16+$0x7C50]  }
0x1d9: {  	v9 =	vadd.f32 v12, v9;
	v12 =	vld [tilespmem:s15+$0x10]  }
0x1da: {  	v10 =	vadd.f32 v15, v10;
	v11 =	vmul.f32 v13, v11;
	v13 =	vld [tilespmem:s16+$0x7850]  }
0x1db: {  	v8 =	vsel vm3, v8, v9  }
0x1dc: {  	v9 =	vperm.xlane v10, v5;
	v15 =	vperm.xlane v11, v3  }
0x1dd: {  	v16 =	vadd.f32 v16, v14  }
0x1de: {  	v9 =	vadd.f32 v9, v10;
	v10 =	vadd.f32 v15, v11  }
0x1df: {  	v11 =	vadd.f32 v13, v14;
	[tilespmem:s8+$0x10] =	vst v16  }
0x1e0: {  	v13 =	vperm.xlane v9, v6;
	v14 =	vperm.xlane v10, v4;
	v15 =	vld [tilespmem:s16+$0xC860]  }
0x1e1: {  	v11 =	vmul.f32 v11, v12;
	v12 =	vld [tilespmem:s16+$0x7C60]  }
0x1e2: {  	v9 =	vadd.f32 v13, v9;
	v10 =	vadd.f32 v14, v10;
	v13 =	vld [tilespmem:s15+$0x20]  }
0x1e3: {  	v14 =	vperm.xlane v11, v3;
	v16 =	vld [tilespmem:s16+$0x7860]  }
0x1e4: {  	v8 =	vsel vm4, v8, v9;
	v9 =	vperm.xlane v10, v5  }
0x1e5: {  	v11 =	vadd.f32 v14, v11  }
0x1e6: {  	v9 =	vadd.f32 v9, v10;
	v10 =	vadd.f32 v12, v15  }
0x1e7: {  	v12 =	vperm.xlane v11, v4  }
0x1e8: {  	v14 =	vperm.xlane v9, v6;
	v15 =	vadd.f32 v16, v15;
	[tilespmem:s8+$0x20] =	vst v10  }
0x1e9: {  	v10 =	vadd.f32 v12, v11;
	v11 =	vld [tilespmem:s16+$0xC870]  }
0x1ea: {  	v9 =	vadd.f32 v14, v9;
	v12 =	vmul.f32 v15, v13;
	v13 =	vld [tilespmem:s16+$0x7870]  }
0x1eb: {  	v14 =	vperm.xlane v10, v5;
	v15 =	vld [tilespmem:s15+$0x30]  }
0x1ec: {  	v8 =	vsel vm5, v8, v9;
	v9 =	vperm.xlane v12, v3;
	v16 =	vld [tilespmem:s16+$0x7C70]  }
0x1ed: {  	v10 =	vadd.f32 v14, v10  }
0x1ee: {  	v12 =	vadd.f32 v9, v12  }
0x1ef: {  	v9 =	vperm.xlane v10, v6;
	v13 =	vadd.f32 v13, v11  }
0x1f0: {  	v14 =	vperm.xlane v12, v4  }
0x1f1: {  	v9 =	vadd.f32 v9, v10;
	v10 =	vadd.f32 v16, v11;
	v11 =	vmul.f32 v13, v15  }
0x1f2: {  	v12 =	vadd.f32 v14, v12  }
0x1f3: {  	v13 =	vperm.xlane v11, v3;
	[tilespmem:s8+$0x30] =	vst v10  }
0x1f4: {  	v10 =	vperm.xlane v12, v5  }
0x1f5: {  	v11 =	vadd.f32 v13, v11  }
0x1f6: {  	v10 =	vadd.f32 v10, v12  }
0x1f7: {  	v12 =	vperm.xlane v11, v4  }
0x1f8: {  	v13 =	vperm.xlane v10, v6  }
0x1f9: {  	v11 =	vadd.f32 v12, v11  }
.Ltmp8:
0x1fa: {  	v10 =	vadd.f32 v13, v10;
	(pc) =	sbr.rel @p0 .LBB2_8-.Ltmp8, $3  }
0x1fb: {  	v12 =	vperm.xlane v11, v5;
	_ =	sdelay $0x1  }
0x1fc: {  	v11 =	vadd.f32 v12, v11  }
0x1fd: {  	s15 =	sadd.s32 $0x80, s15  }
0x1fe: {  	v12 =	vperm.xlane v11, v6;
	_ =	sdelay $0x1  }
0x1ff: {  	v8 =	vsel vm6, v8, v9;
	v63 =	vadd.f32 v12, v11  }
0x200: {  	v8 =	vsel vm7, v8, v10  }
0x201: {  	v8 =	vsel vm8, v8, v63  }
0x202: {  	v8 =	vmul.f32 $2.500000000e-01, v8;
	_ =	sdelay $0x1  }
0x203: {  	v7 =	vadd.f32 v8, v7  }
.Ltmp9:
0x204: {  	s8 =	sshll.u32 s13, $0x4;
	(pc) =	sbr.rel .LBB2_10-.Ltmp9, $4  }
0x205: {  	s9 =	sadd.s32 s6, s8;
	[tilespmem:s11+$0x0] =	vst v7  }
0x206: {  	[hbm4b:s9+s2] =	stream.linear.scatter [tilespmem:s31], [sflag:$0x8], $0x1400, $0x38;
	[tilespmem:$0x14000] =	vst v63  }
0x207: {  	s8 =	sadd.s32 s7, s8  }
0x208: {  	[hbm4b:s8+s2] =	stream.linear.scatter [tilespmem:s1], [sflag:$0xA], $0x1400, $0x38;
	[tilespmem:$0x14000] =	vst v63  }
.LBB2_12:
0x209: {  	_ =	sfence.sel $0x180000  }
0x20a: {  	[bflag:$0x0] =	sbarrier.arrive $0xFFFF  }
0x20b: {  	_ =	strace $0x90000047  }
0x20c: {  	s0 =	stileid.u32;
	[bflag:$0x2] =	sbarrier.arrive $0xFFFF  }
0x20d: {  	p0 =	sne.s32 s0, $0x0;
	s0 =	rddreg [dreg:$0x1]  }
0x20e: {  	s0 =	sadd.s32 @!p0 $0x100000, s0  }
0x20f: {  	[sflag:s0] =	ssyncadd.tile.s32 @!p0 $0x1;
	_ =	shalt  }
.Lfunc_end2:
_tile_overlayer_lowered:
.L_overlay_start_2:
0x210: {  	(tag) =	ssettag $0x2  }
0x211: {  	s0 =	rddreg [dreg:$0x0];
	s2 =	stileid.u32  }
0x212: {  	s1 =	rddreg [dreg:$0x1];
	p0 =	sne.s32 s2, $0x0  }
0x213: {  	s3 =	rddreg [dreg:$0x2];
	[bflag:$0x3] =	sbarrier.arrive $0xFFFF;
	s2 =	simm.s32 @!p0 $0x1C0B  }
0x214: {  	[timem:s3], [sflag:s2] =	dma.local @!p0 [hbm:s0], s1  }
0x215: {  	s0 =	simm.s32 @!p0 $0xB  }
0x216: {  	_ =	swait.ge @!p0 [sflag:s0], s1  }
0x217: {  	s1 =	ssub.s32 @!p0 $0x0, s1;
	[sflag:s0] =	ssyncset.done @!p0 $0x0  }
0x218: {  	[sflag:s0] =	ssyncadd.s32 @!p0 s1  }
0x219: {  	[bflag:$0x3] =	sbarrier.arrive $0xFFFF  }
0x21a: {  	_ =	shalt  }

// kernel: kernel.19.cloned.1.call-start
scs
__scs_entry_jumppad:
0x0: {  	(pc) =	sbr.rel $0x88, $3  }
0x1: {  	(tag) =	ssettag $0x0;
	lr =	simm.s32 $0x1  }
0x2: {  	[smem:$0x3F56] =	sst lr;
	_ =	strace $0xD0000000  }
0x3: {  	_ = 	snop  }
0x4: {  	_ = 	snop  }
0x5: {  	_ = 	snop  }
0x6: {  	_ = 	snop  }
0x7: {  	_ = 	snop  }
__scs_overlays_trampoline_lowered:
0x8: {  	[smem:$0x3F65] =	sst s0  }
0x9: {  	[smem:$0x3F66] =	sst s1  }
0xa: {  	[smem:$0x3F67] =	sst s2  }
0xb: {  	[smem:$0x3F68] =	sst s3  }
0xc: {  	[smem:$0x3F69] =	sst s4  }
0xd: {  	[smem:$0x3F6A] =	sst s5  }
0xe: {  	[smem:$0x3F6B] =	sst s6  }
0xf: {  	[smem:$0x3F6C] =	sst s7  }
0x10: {  	[smem:$0x3F6D] =	sst s8  }
0x11: {  	[smem:$0x3F6E] =	sst s9;
	s0 =	simm.s32 @!p0 $0x0  }
0x12: {  	s1 =	sld [smem:$0x3F54];
	s0 =	simm.s32 @p0 $0x1  }
0x13: {  	[smem:$0x3F6F] =	sst s0;
	s0 =	simm.s32 @!p1 $0x0  }
0x14: {  	s2 =	sld [smem:$0x3F53];
	s0 =	simm.s32 @p1 $0x1  }
0x15: {  	[smem:$0x3F70] =	sst s0;
	s0 =	simm.s32 @!p2 $0x0  }
0x16: {  	s3 =	sld [smem:$0x3FDB];
	s0 =	simm.s32 @p2 $0x1  }
0x17: {  	s4 =	simm.s32 $0x1BF5;
	[smem:$0x3F72] =	sst s0  }
0x18: {  	s0 =	sld [smem:$0x3F55];
	_ =	swait.ge [sflag:s4], $0x0  }
0x19: {  	s7 =	sld [smem:$0x3F56]  }
0x1a: {  	s8 =	sadd.s32 $0xFFFFE003, lr  }
0x1b: {  	s9 =	sadd.s32 $0xFFFFFEF7, lr;
	s5 =	simm.s32 $0xFFFFFFFF;
	p2 =	slt.u32 s8, $0xFFFFF086  }
0x1c: {  	p1 =	slt.u32 s9, $0xF7A;
	s5 =	simm.s32 @!p2 $0x0  }
0x1d: {  	s5 =	simm.s32 @p1 $0x1;
	p0 =	seq.s32 s7, s2  }
0x1e: {  	s7 =	smul.u32 @!p0 $0xF7A, s2;
	p2 =	seq.s32 @!p0 s5, $0x0  }
0x1f: {  	s9 =	smul.u32 $0xF7A, s1;
	s8 =	simm.s32 @!p0 $0x1BF5;
	p2 =	por !p2, p0  }
0x20: {  	[sflag:s8] =	ssyncset.s32 @!p0 $0xFFFFF086;
	s6 =	sadd.s32 @!p0 s3, s7;
	s7 =	simm.s32 @!p0 $0x108  }
0x21: {  	s3 =	sadd.s32 s3, s9;
	s6 =	sadd.s32 @!p0 $0x88, s6;
	s7 =	simm.s32 @p2 $0x1082  }
0x22: {  	[simem:s7], [sflag:s8] =	dma.local @!p0 [hbm:s6], $0xF7A  }
0x23: {  	s9 =	sor.u32 $0xD0000000, s2;
	s6 =	simm.s32 $0x108;
	_ =	swait.ge @!p0 [sflag:s8], $0x0  }
0x24: {  	s3 =	sadd.s32 $0x88, s3;
	s6 =	simm.s32 @!p1 $0x1082;
	[sflag:s4] =	ssyncset.s32 $0xFFFFF086  }
0x25: {  	[simem:s6], [sflag:s4] =	dma.local [hbm:s3], $0xF7A  }
0x26: {  	[smem:$0x3F56] =	sst s1;
	(tag) =	ssettag s2;
	_ =	strace s9  }
0x27: {  	s1 =	sld [smem:$0x3F66]  }
0x28: {  	s2 =	sld [smem:$0x3F67]  }
0x29: {  	s4 =	sld [smem:$0x3F69]  }
0x2a: {  	p0 =	seq.s32 s5, $0x0;
	s5 =	sld [smem:$0x3F6A]  }
0x2b: {  	s6 =	sld [smem:$0x3F6B]  }
0x2c: {  	s7 =	sld [smem:$0x3F6C]  }
0x2d: {  	s3 =	simm.s32 $0x108;
	s8 =	sld [smem:$0x3F6D]  }
0x2e: {  	s3 =	simm.s32 @!p0 $0x1082;
	s9 =	sld [smem:$0x3F6E]  }
0x2f: {  	lr =	sadd.s32 s0, s3;
	s0 =	sld [smem:$0x3F65]  }
0x30: {  	s3 =	sld [smem:$0x3F68]  }
0x31: {  	[smem:$0x3F71] =	sst s10  }
0x32: {  	s10 =	sld [smem:$0x3F6F];
	_ =	sdelay $0x3  }
0x33: {  	p0 =	seq.s32 s10, $0x1;
	s10 =	sld [smem:$0x3F71];
	_ =	sdelay $0x3  }
0x34: {  	[smem:$0x3F71] =	sst s10  }
0x35: {  	s10 =	sld [smem:$0x3F70];
	_ =	sdelay $0x3  }
0x36: {  	p1 =	seq.s32 s10, $0x1;
	s10 =	sld [smem:$0x3F71];
	_ =	sdelay $0x3  }
0x37: {  	[smem:$0x3F71] =	sst s10  }
0x38: {  	s10 =	sld [smem:$0x3F72]  }
0x39: {  	_ = 	snop;
	(pc) =	sbr.ind lr, $3  }
0x3a: {  	_ = 	snop  }
0x3b: {  	_ = 	snop  }
0x3c: {  	p2 =	seq.s32 s10, $0x1;
	s10 =	sld [smem:$0x3F71]  }
0x3d: {  	_ =	shalt  }
0x3e: {  	_ =	shalt  }
0x3f: {  	_ =	shalt  }
0x40: {  	_ =	shalt  }
0x41: {  	_ =	shalt  }
0x42: {  	_ =	shalt  }
0x43: {  	_ =	shalt  }
0x44: {  	_ =	shalt  }
0x45: {  	_ =	shalt  }
0x46: {  	_ =	shalt  }
0x47: {  	_ =	shalt  }
0x48: {  	_ =	shalt  }
0x49: {  	_ =	shalt  }
0x4a: {  	_ =	shalt  }
0x4b: {  	_ =	shalt  }
0x4c: {  	_ =	shalt  }
0x4d: {  	_ =	shalt  }
0x4e: {  	_ =	shalt  }
0x4f: {  	_ =	shalt  }
0x50: {  	_ =	shalt  }
0x51: {  	_ =	shalt  }
0x52: {  	_ =	shalt  }
0x53: {  	_ =	shalt  }
0x54: {  	_ =	shalt  }
0x55: {  	_ =	shalt  }
0x56: {  	_ =	shalt  }
0x57: {  	_ =	shalt  }
0x58: {  	_ =	shalt  }
0x59: {  	_ =	shalt  }
0x5a: {  	_ =	shalt  }
0x5b: {  	_ =	shalt  }
0x5c: {  	_ =	shalt  }
0x5d: {  	_ =	shalt  }
0x5e: {  	_ =	shalt  }
0x5f: {  	_ =	shalt  }
0x60: {  	_ =	shalt  }
0x61: {  	_ =	shalt  }
0x62: {  	_ =	shalt  }
0x63: {  	_ =	shalt  }
0x64: {  	_ =	shalt  }
0x65: {  	_ =	shalt  }
0x66: {  	_ =	shalt  }
0x67: {  	_ =	shalt  }
0x68: {  	_ =	shalt  }
0x69: {  	_ =	shalt  }
0x6a: {  	_ =	shalt  }
0x6b: {  	_ =	shalt  }
0x6c: {  	_ =	shalt  }
0x6d: {  	_ =	shalt  }
0x6e: {  	_ =	shalt  }
0x6f: {  	_ =	shalt  }
0x70: {  	_ =	shalt  }
0x71: {  	_ =	shalt  }
0x72: {  	_ =	shalt  }
0x73: {  	_ =	shalt  }
0x74: {  	_ =	shalt  }
0x75: {  	_ =	shalt  }
0x76: {  	_ =	shalt  }
0x77: {  	_ =	shalt  }
0x78: {  	_ =	shalt  }
0x79: {  	_ =	shalt  }
0x7a: {  	_ =	shalt  }
0x7b: {  	_ =	shalt  }
0x7c: {  	_ =	shalt  }
0x7d: {  	_ =	shalt  }
0x7e: {  	_ =	shalt  }
0x7f: {  	_ =	shalt  }
0x80: {  	_ =	shalt  }
0x81: {  	_ =	shalt  }
0x82: {  	_ =	shalt  }
0x83: {  	_ =	shalt  }
0x84: {  	_ =	shalt  }
0x85: {  	_ =	shalt  }
0x86: {  	_ =	shalt  }
0x87: {  	_ =	shalt  }
.Lfunc_end0:
.L_simem_size_0:
called_computation.1_lowered:
.L_overlay_start_0:
0x88: {  	s2 =	sld [smem:$0x3FD9]  }
0x89: {  	s3 =	sld [smem:$0x3FFE];
	_ =	sdelay $0x1  }
0x8a: {  	s1 =	srdreg.scid  }
0x8b: {  	s0 =	sand.u32 $0x1, s1  }
0x8c: {  	s16 =	sshll.u32 s0, $0xA;
	s2 =	sadd.s32 s3, s2  }
0x8d: {  	s2 =	sadd.s32 s2, s16  }
0x8e: {  	[smem:$0x3F7D] =	sst s2  }
0x8f: {  	_ = 	snop  }
0x90: {  	(tm) =	ssettm $0x1  }
0x91: {  	s17 =	sld [smem:$0x3FFB];
	_ =	sdelay $0x3  }
0x92: {  	_ =	strace s17  }
0x93: {  	s2 =	sld [smem:$0x3FFC];
	_ =	sdelay $0x3  }
0x94: {  	_ =	strace s2  }
0x95: {  	s2 =	sld [smem:$0x3FFD];
	_ =	sdelay $0x3  }
0x96: {  	_ =	strace s2  }
0x97: {  	_ =	strace $0x8FFFFFFF  }
0x98: {  	s18 =	sld [smem:$0x3FDB];
	_ =	sdelay $0x1  }
0x99: {  	s19 =	simm.s32 $_scs_section_size  }
0x9a: {  	s4 =	simm.s32 $_size__tile_overlayer_lowered;
	s5 =	simm.s32 $_tile_overlayer_lowered  }
0x9b: {  	s22 =	simm.s32 $0x1BFF;
	s21 =	sshll.u32 s5, $0x1;
	s2 =	sadd.s32 s19, s18  }
0x9c: {  	s6 =	simm.s32 $0x0;
	s20 =	sshll.u32 s4, $0x1;
	s4 =	sadd.s32 s21, s2  }
0x9d: {  	[timem:s6], [sflag:s22] =	dma.local [hbm:s4], s20  }
0x9e: {  	_ =	swait.ge [sflag:s22], s20  }
0x9f: {  	s3 =	ssub.s32 $0x0, s20;
	[sflag:s22] =	ssyncset.done $0x0  }
0xa0: {  	[sflag:s22] =	ssyncadd.s32 s3;
	_ =	sdelay $0x1  }
0xa1: {  	s23 =	simm.s32 $0x1B8B  }
0xa2: {  	_ =	swait.ge [sflag:s23], $0x1  }
0xa3: {  	[sflag:s23] =	ssyncset.done $0x0  }
0xa4: {  	s25 =	simm.s32 $0x1B8E;
	s24 =	sld [smem:$0x3FFE];
	[sflag:s23] =	ssyncadd.s32 $0xFFFFFFFF  }
0xa5: {  	s26 =	simm.s32 $execute0_lowered;
	[smem:$0x3FD2] =	sst s25  }
0xa6: {  	s4 =	sshll.u32 s26, $0x1;
	_ =	strace $0x80000049;
	[dreg:$0x1] =	wrdreg $0xFFFFFFFF  }
0xa7: {  	s28 =	simm.s32 $_size_execute0_lowered;
	s2 =	sadd.s32 s2, s4;
	[dreg:$0x0] =	wrdreg $0x0  }
0xa8: {  	s4 =	sshll.u32 s28, $0x1;
	[dreg:$0x2] =	wrdreg s2  }
0xa9: {  	[dreg:$0x3] =	wrdreg s4  }
0xaa: {  	[dreg:$0x4] =	wrdreg $0xC0  }
0xab: {  	_ =	task [dreg:s6], $0x5FFFF  }
0xac: {  	[dreg:$0x1] =	wrdreg $0xFFFFFFFF  }
0xad: {  	[dreg:$0x0] =	wrdreg $0x60  }
0xae: {  	[dreg:$0x2] =	wrdreg s24  }
0xaf: {  	[dreg:$0x3] =	wrdreg $0x0  }
0xb0: {  	[dreg:$0x4] =	wrdreg $0x9  }
0xb1: {  	_ =	task.clear_ibuf [dreg:s6], $0x5FFFF;
	_ =	strace $0x90000049  }
0xb2: {  	s29 =	simm.s32 $0x9;
	_ =	strace $0x8000004B  }
0xb3: {  	_ =	swait.ge [sflag:s29], $0x1  }
0xb4: {  	[sflag:s29] =	ssyncadd.s32 $0xFFFFFFFF  }
0xb5: {  	_ =	strace $0x9000004B  }
0xb6: {  	_ =	sfence  }
0xb7: {  	s30 =	sld [smem:$0x0];
	_ =	sdelay $0x2  }
0xb8: {  	s31 =	sshll.u32 s1, $0xD;
	s1 =	sshrl.u32 s1, $0x2  }
0xb9: {  	s3 =	sand.u32 $0x4000, s31;
	s1 =	sadd.s32 s1, s30  }
0xba: {  	s0 =	sor.u32 s3, s0;
	s1 =	sshll.u32 s1, $0x11  }
0xbb: {  	s0 =	sor.u32 s1, s0  }
0xbc: {  	s0 =	sadd.s32 $0x8F2B, s0  }
0xbd: {  	[sflag:s0] =	ssyncadd.remote.s32 $0x1  }
0xbe: {  	_ =	sfence.sel $0xFFFF  }
0xbf: {  	[dreg:$0x0] =	wrdreg $0xFFFFFFFF;
	(pc) =	sbr.abs _section_cstart, $3  }
0xc0: {  	[dreg:$0x1] =	wrdreg $0xFFFFFFFF  }
0xc1: {  	_ =	task.clear_ibuf [dreg:s6], $0x2FFFF;
	_ =	strace $0x9FFFFFFF  }
0xc2: {  	(tm) =	ssettm $0x7FFFFFFF  }
0xc3: {  	_ =	shalt  }
tec
execute0_lowered:
.L_overlay_start_1:
0x0: {  	(tag) =	ssettag $0x1  }
0x1: {  	s6 =	rddreg [dreg:$0x0]  }
0x2: {  	s2 =	rddreg [dreg:$0x1];
	s1 =	stileid.u32  }
0x3: {  	s0 =	rddreg [dreg:$0x2];
	s3 =	simm.s32 $0x0;
	s30 =	srdreg.scid  }
0x4: {  	s15 =	simm.s32 $0x1;
	s18 =	simm.s32 $0x16780;
	s19 =	simm.s32 $0xC8  }
0x5: {  	s20 =	simm.s32 $0x0;
	s4 =	smul.u32 $0x27100, s1;
	s5 =	sshrl.u32 s1, $0x3  }
0x6: {  	s7 =	sshll.u32 s1, $0x7;
	[smem:$0x7FF] =	sst s3;
	s31 =	smul.u32 $0x50000, s1  }
0x7: {  	s12 =	sand.u32 $0x1, s30;
	s16 =	sshll.u32 s1, $0x6;
	s5 =	smul.u32 $0x13C00, s5  }
0x8: {  	s7 =	sand.u32 $0x380, s7;
	_ =	strace $0x8000004A;
	s10 =	ssub.s32 $0x2, s12  }
0x9: {  	p0 =	sne.s32 s12, $0x0;
	s12 =	simm.s32 $0x80;
	s16 =	sor.u32 $0x1C01, s16  }
0xa: {  	s11 =	sadd.s32 s4, s6;
	s4 =	smul.u32 $0x2800, s1;
	s13 =	sshrl.u32 s10, $0x1  }
0xb: {  	s14 =	sshrl.u32 s31, $0x2;
	s29 =	sor.u32 s7, s5;
	s10 =	ssub.s32 s10, s13  }
.Ltmp0:
0xc: {  	s17 =	sadd.s32 s14, s2;
	s13 =	simm.s32 $0x400;
	(pc) =	sbr.rel .LBB2_1-.Ltmp0, $4  }
0xd: {  	s14 =	simm.s32 $0x14000;
	s5 =	sshrl.u32 s29, $0x3;
	s9 =	sadd.s32 s4, s6  }
0xe: {  	s8 =	sadd.s32 s5, s6;
	s5 =	sadd.s32 $0x526A00, s6;
	s6 =	sadd.s32 $0xA55E00, s6  }
0xf: {  	s17 =	sshrl.u32 s17, $0x3;
	s7 =	sadd.s32 $0xF37E00, s8;
	s8 =	sadd.s32 $0x4FEA00, s9  }
0x10: {  	s9 =	smax.u32 s10, $0x1;
	s10 =	sadd.s32 $0x28DA00, s11;
	s11 =	sadd.s32 $0x1CA00, s11  }
.LBB2_7:
0x11: {  	[sflag:s15] =	ssyncadd.s32 $0xFFFF9C00;
	s21 =	smov.u32 s6  }
.LBB2_8:
0x12: {  	s20 =	sadd.s32 $0x1, s20  }
0x13: {  	p1 =	sne.s32 s20, s9  }
.Ltmp1:
0x14: {  	s21 =	sadd.s32 s21, s4;
	[bflag:$0x0] =	sbarrier.arrive $0xFFFF;
	(pc) =	sbr.rel @!p1 .LBB2_9-.Ltmp1, $4  }
0x15: {  	[hbm:s21], [sflag:s16] =	dma.local [spmem:s17], $0x2800  }
0x16: {  	_ =	swait.ge [sflag:s15], $0x2800  }
0x17: {  	[sflag:s15] =	ssyncset.done $0x0  }
0x18: {  	[sflag:s15] =	ssyncadd.s32 $0xFFFFD800  }
.LBB2_1:
0x19: {  	[tilespmem:s14], [sflag:$0x1] =	stream.strided.gather [hbm4b:s7+s12], $0x2780, s13, s12, $0x38;
	[tilespmem:$0x1CB80] =	vst v63  }
0x1a: {  	_ =	swait.ge [sflag:s15], $0x2780  }
0x1b: {  	[sflag:s15] =	ssyncset.done $0x0  }
0x1c: {  	[sflag:s15] =	ssyncadd.s32 $0xFFFFD880  }
0x1d: {  	[spmem:s17], [sflag:s16] =	dma.local [hbm:s8], $0x2800  }
.Ltmp2:
0x1e: {  	_ =	swait.ge [sflag:s15], $0x2800;
	(pc) =	sbr.rel @p0 .LBB2_5-.Ltmp2, $3  }
0x1f: {  	[sflag:s15] =	ssyncset.done $0x0  }
0x20: {  	[sflag:s15] =	ssyncadd.s32 $0xFFFFD800  }
0x21: {  	[bflag:$0x0] =	sbarrier.arrive $0xFFFF;
	_ =	sdelay $0x1  }
0x22: {  	[tilespmem:s18], [sflag:$0x1] =	stream.linear.gather [hbm4b:s11+s3], $0x6400, $0x38;
	[tilespmem:$0x1CB80] =	vst v63  }
0x23: {  	_ =	swait.ge [sflag:s15], $0x6400  }
0x24: {  	[sflag:s15] =	ssyncset.done $0x0  }
0x25: {  	s21 =	simm.s32 $0x14000;
	[sflag:s15] =	ssyncadd.s32 $0xFFFF9C00  }
0x26: {  	[spmem:s2] =	stream.indirect.scatter.add.f32 [tilespmem:s18], [sflag:$0x1], $0x80, s21, s19, $0xb8;
	[tilespmem:$0x1CB80] =	vst v63  }
0x27: {  	_ =	swait.ge [sflag:s15], $0x6400  }
0x28: {  	s22 =	smov.u32 s11;
	s21 =	simm.s32 $0x320;
	[sflag:s15] =	ssyncset.done $0x0  }
.LBB2_3:
0x29: {  	p1 =	seq.s32 s21, $0x9920;
	[sflag:s15] =	ssyncadd.s32 $0xFFFF9C00;
	s22 =	sadd.s32 $0xC80, s22  }
0x2a: {  	[tilespmem:s18], [sflag:$0x1] =	stream.linear.gather [hbm4b:s22+s3], $0x6400, $0x38;
	[tilespmem:$0x1CB80] =	vst v63  }
0x2b: {  	s23 =	smov.u32 s21;
	s21 =	sadd.s32 $0x320, s21;
	_ =	swait.ge [sflag:s15], $0x6400  }
.Ltmp3:
0x2c: {  	s23 =	sshra.s32 s23, $0x2;
	[sflag:s15] =	ssyncset.done $0x0;
	(pc) =	sbr.rel @!p1 .LBB2_3-.Ltmp3, $4  }
0x2d: {  	s23 =	sadd.s32 $0x14000, s23;
	[sflag:s15] =	ssyncadd.s32 $0xFFFF9C00  }
0x2e: {  	[spmem:s2] =	stream.indirect.scatter.add.f32 [tilespmem:s18], [sflag:$0x1], $0x80, s23, s19, $0xb8;
	[tilespmem:$0x1CB80] =	vst v63  }
0x2f: {  	_ =	swait.ge [sflag:s15], $0x6400  }
0x30: {  	[sflag:s15] =	ssyncset.done $0x0  }
.Ltmp4:
0x31: {  	(pc) =	sbr.rel .LBB2_8-.Ltmp4, $2  }
0x32: {  	_ =	sdelay $0x2  }
0x33: {  	[sflag:s15] =	ssyncadd.s32 $0xFFFF9C00;
	s21 =	smov.u32 s5  }
.LBB2_5:
0x34: {  	[tilespmem:s18], [sflag:$0x1] =	stream.linear.gather [hbm4b:s10+s3], $0x6400, $0x38;
	[tilespmem:$0x1CB80] =	vst v63  }
0x35: {  	_ =	swait.ge [sflag:s15], $0x6400  }
0x36: {  	[sflag:s15] =	ssyncset.done $0x0  }
0x37: {  	s21 =	simm.s32 $0x14000;
	[sflag:s15] =	ssyncadd.s32 $0xFFFF9C00  }
0x38: {  	[spmem:s2] =	stream.indirect.scatter.add.f32 [tilespmem:s18], [sflag:$0x1], $0x80, s21, s19, $0xb8;
	[tilespmem:$0x1CB80] =	vst v63  }
0x39: {  	_ =	swait.ge [sflag:s15], $0x6400  }
0x3a: {  	s22 =	smov.u32 s10;
	s21 =	simm.s32 $0x320;
	[sflag:s15] =	ssyncset.done $0x0  }
.LBB2_6:
0x3b: {  	p1 =	sne.s32 s21, $0x9920;
	[sflag:s15] =	ssyncadd.s32 $0xFFFF9C00;
	s22 =	sadd.s32 $0xC80, s22  }
0x3c: {  	[tilespmem:s18], [sflag:$0x1] =	stream.linear.gather [hbm4b:s22+s3], $0x6400, $0x38;
	[tilespmem:$0x1CB80] =	vst v63  }
0x3d: {  	s23 =	smov.u32 s21;
	s21 =	sadd.s32 $0x320, s21;
	_ =	swait.ge [sflag:s15], $0x6400  }
.Ltmp5:
0x3e: {  	s23 =	sshra.s32 s23, $0x2;
	[sflag:s15] =	ssyncset.done $0x0;
	(pc) =	sbr.rel @p1 .LBB2_6-.Ltmp5, $4  }
0x3f: {  	s23 =	sadd.s32 $0x14000, s23;
	[sflag:s15] =	ssyncadd.s32 $0xFFFF9C00  }
0x40: {  	[spmem:s2] =	stream.indirect.scatter.add.f32 [tilespmem:s18], [sflag:$0x1], $0x80, s23, s19, $0xb8;
	[tilespmem:$0x1CB80] =	vst v63  }
0x41: {  	_ =	swait.ge [sflag:s15], $0x6400  }
0x42: {  	[sflag:s15] =	ssyncset.done $0x0  }
.Ltmp6:
0x43: {  	_ = 	snop;
	(pc) =	sbr.rel .LBB2_7-.Ltmp6, $1  }
0x44: {  	_ =	sdelay $0x3  }
.LBB2_9:
0x45: {  	_ =	sfence.sel $0x180000  }
0x46: {  	[bflag:$0x0] =	sbarrier.arrive $0xFFFF  }
0x47: {  	p0 =	sne.s32 s1, $0x0;
	_ =	strace $0x9000004A  }
0x48: {  	s0 =	sadd.s32 @!p0 $0x100000, s0;
	[bflag:$0x2] =	sbarrier.arrive $0xFFFF  }
0x49: {  	[sflag:s0] =	ssyncadd.tile.s32 @!p0 $0x1;
	_ =	shalt  }
.Lfunc_end2:
_tile_overlayer_lowered:
.L_overlay_start_2:
0x4a: {  	(tag) =	ssettag $0x2  }
0x4b: {  	s0 =	rddreg [dreg:$0x0];
	s2 =	stileid.u32  }
0x4c: {  	s1 =	rddreg [dreg:$0x1];
	p0 =	sne.s32 s2, $0x0  }
0x4d: {  	s3 =	rddreg [dreg:$0x2];
	[bflag:$0x3] =	sbarrier.arrive $0xFFFF;
	s2 =	simm.s32 @!p0 $0x1C01  }
0x4e: {  	[timem:s3], [sflag:s2] =	dma.local @!p0 [hbm:s0], s1  }
0x4f: {  	s0 =	simm.s32 @!p0 $0x1  }
0x50: {  	_ =	swait.ge @!p0 [sflag:s0], s1  }
0x51: {  	s1 =	ssub.s32 @!p0 $0x0, s1;
	[sflag:s0] =	ssyncset.done @!p0 $0x0  }
0x52: {  	[sflag:s0] =	ssyncadd.s32 @!p0 s1  }
0x53: {  	[bflag:$0x3] =	sbarrier.arrive $0xFFFF  }
0x54: {  	_ =	shalt  }

// kernel: kernel.22.cloned.1.call-start
scs
__scs_entry_jumppad:
0x0: {  	(pc) =	sbr.rel $0x88, $3  }
0x1: {  	(tag) =	ssettag $0x0;
	lr =	simm.s32 $0x1  }
0x2: {  	[smem:$0x3F56] =	sst lr;
	_ =	strace $0xD0000000  }
0x3: {  	_ = 	snop  }
0x4: {  	_ = 	snop  }
0x5: {  	_ = 	snop  }
0x6: {  	_ = 	snop  }
0x7: {  	_ = 	snop  }
__scs_overlays_trampoline_lowered:
0x8: {  	[smem:$0x3F65] =	sst s0  }
0x9: {  	[smem:$0x3F66] =	sst s1  }
0xa: {  	[smem:$0x3F67] =	sst s2  }
0xb: {  	[smem:$0x3F68] =	sst s3  }
0xc: {  	[smem:$0x3F69] =	sst s4  }
0xd: {  	[smem:$0x3F6A] =	sst s5  }
0xe: {  	[smem:$0x3F6B] =	sst s6  }
0xf: {  	[smem:$0x3F6C] =	sst s7  }
0x10: {  	[smem:$0x3F6D] =	sst s8  }
0x11: {  	[smem:$0x3F6E] =	sst s9;
	s0 =	simm.s32 @!p0 $0x0  }
0x12: {  	s1 =	sld [smem:$0x3F54];
	s0 =	simm.s32 @p0 $0x1  }
0x13: {  	[smem:$0x3F6F] =	sst s0;
	s0 =	simm.s32 @!p1 $0x0  }
0x14: {  	s2 =	sld [smem:$0x3F53];
	s0 =	simm.s32 @p1 $0x1  }
0x15: {  	[smem:$0x3F70] =	sst s0;
	s0 =	simm.s32 @!p2 $0x0  }
0x16: {  	s3 =	sld [smem:$0x3FDB];
	s0 =	simm.s32 @p2 $0x1  }
0x17: {  	s4 =	simm.s32 $0x1BF5;
	[smem:$0x3F72] =	sst s0  }
0x18: {  	s0 =	sld [smem:$0x3F55];
	_ =	swait.ge [sflag:s4], $0x0  }
0x19: {  	s7 =	sld [smem:$0x3F56]  }
0x1a: {  	s8 =	sadd.s32 $0xFFFFE003, lr  }
0x1b: {  	s9 =	sadd.s32 $0xFFFFFEF7, lr;
	s5 =	simm.s32 $0xFFFFFFFF;
	p2 =	slt.u32 s8, $0xFFFFF086  }
0x1c: {  	p1 =	slt.u32 s9, $0xF7A;
	s5 =	simm.s32 @!p2 $0x0  }
0x1d: {  	s5 =	simm.s32 @p1 $0x1;
	p0 =	seq.s32 s7, s2  }
0x1e: {  	s7 =	smul.u32 @!p0 $0xF7A, s2;
	p2 =	seq.s32 @!p0 s5, $0x0  }
0x1f: {  	s9 =	smul.u32 $0xF7A, s1;
	s8 =	simm.s32 @!p0 $0x1BF5;
	p2 =	por !p2, p0  }
0x20: {  	[sflag:s8] =	ssyncset.s32 @!p0 $0xFFFFF086;
	s6 =	sadd.s32 @!p0 s3, s7;
	s7 =	simm.s32 @!p0 $0x108  }
0x21: {  	s3 =	sadd.s32 s3, s9;
	s6 =	sadd.s32 @!p0 $0x88, s6;
	s7 =	simm.s32 @p2 $0x1082  }
0x22: {  	[simem:s7], [sflag:s8] =	dma.local @!p0 [hbm:s6], $0xF7A  }
0x23: {  	s9 =	sor.u32 $0xD0000000, s2;
	s6 =	simm.s32 $0x108;
	_ =	swait.ge @!p0 [sflag:s8], $0x0  }
0x24: {  	s3 =	sadd.s32 $0x88, s3;
	s6 =	simm.s32 @!p1 $0x1082;
	[sflag:s4] =	ssyncset.s32 $0xFFFFF086  }
0x25: {  	[simem:s6], [sflag:s4] =	dma.local [hbm:s3], $0xF7A  }
0x26: {  	[smem:$0x3F56] =	sst s1;
	(tag) =	ssettag s2;
	_ =	strace s9  }
0x27: {  	s1 =	sld [smem:$0x3F66]  }
0x28: {  	s2 =	sld [smem:$0x3F67]  }
0x29: {  	s4 =	sld [smem:$0x3F69]  }
0x2a: {  	p0 =	seq.s32 s5, $0x0;
	s5 =	sld [smem:$0x3F6A]  }
0x2b: {  	s6 =	sld [smem:$0x3F6B]  }
0x2c: {  	s7 =	sld [smem:$0x3F6C]  }
0x2d: {  	s3 =	simm.s32 $0x108;
	s8 =	sld [smem:$0x3F6D]  }
0x2e: {  	s3 =	simm.s32 @!p0 $0x1082;
	s9 =	sld [smem:$0x3F6E]  }
0x2f: {  	lr =	sadd.s32 s0, s3;
	s0 =	sld [smem:$0x3F65]  }
0x30: {  	s3 =	sld [smem:$0x3F68]  }
0x31: {  	[smem:$0x3F71] =	sst s10  }
0x32: {  	s10 =	sld [smem:$0x3F6F];
	_ =	sdelay $0x3  }
0x33: {  	p0 =	seq.s32 s10, $0x1;
	s10 =	sld [smem:$0x3F71];
	_ =	sdelay $0x3  }
0x34: {  	[smem:$0x3F71] =	sst s10  }
0x35: {  	s10 =	sld [smem:$0x3F70];
	_ =	sdelay $0x3  }
0x36: {  	p1 =	seq.s32 s10, $0x1;
	s10 =	sld [smem:$0x3F71];
	_ =	sdelay $0x3  }
0x37: {  	[smem:$0x3F71] =	sst s10  }
0x38: {  	s10 =	sld [smem:$0x3F72]  }
0x39: {  	_ = 	snop;
	(pc) =	sbr.ind lr, $3  }
0x3a: {  	_ = 	snop  }
0x3b: {  	_ = 	snop  }
0x3c: {  	p2 =	seq.s32 s10, $0x1;
	s10 =	sld [smem:$0x3F71]  }
0x3d: {  	_ =	shalt  }
0x3e: {  	_ =	shalt  }
0x3f: {  	_ =	shalt  }
0x40: {  	_ =	shalt  }
0x41: {  	_ =	shalt  }
0x42: {  	_ =	shalt  }
0x43: {  	_ =	shalt  }
0x44: {  	_ =	shalt  }
0x45: {  	_ =	shalt  }
0x46: {  	_ =	shalt  }
0x47: {  	_ =	shalt  }
0x48: {  	_ =	shalt  }
0x49: {  	_ =	shalt  }
0x4a: {  	_ =	shalt  }
0x4b: {  	_ =	shalt  }
0x4c: {  	_ =	shalt  }
0x4d: {  	_ =	shalt  }
0x4e: {  	_ =	shalt  }
0x4f: {  	_ =	shalt  }
0x50: {  	_ =	shalt  }
0x51: {  	_ =	shalt  }
0x52: {  	_ =	shalt  }
0x53: {  	_ =	shalt  }
0x54: {  	_ =	shalt  }
0x55: {  	_ =	shalt  }
0x56: {  	_ =	shalt  }
0x57: {  	_ =	shalt  }
0x58: {  	_ =	shalt  }
0x59: {  	_ =	shalt  }
0x5a: {  	_ =	shalt  }
0x5b: {  	_ =	shalt  }
0x5c: {  	_ =	shalt  }
0x5d: {  	_ =	shalt  }
0x5e: {  	_ =	shalt  }
0x5f: {  	_ =	shalt  }
0x60: {  	_ =	shalt  }
0x61: {  	_ =	shalt  }
0x62: {  	_ =	shalt  }
0x63: {  	_ =	shalt  }
0x64: {  	_ =	shalt  }
0x65: {  	_ =	shalt  }
0x66: {  	_ =	shalt  }
0x67: {  	_ =	shalt  }
0x68: {  	_ =	shalt  }
0x69: {  	_ =	shalt  }
0x6a: {  	_ =	shalt  }
0x6b: {  	_ =	shalt  }
0x6c: {  	_ =	shalt  }
0x6d: {  	_ =	shalt  }
0x6e: {  	_ =	shalt  }
0x6f: {  	_ =	shalt  }
0x70: {  	_ =	shalt  }
0x71: {  	_ =	shalt  }
0x72: {  	_ =	shalt  }
0x73: {  	_ =	shalt  }
0x74: {  	_ =	shalt  }
0x75: {  	_ =	shalt  }
0x76: {  	_ =	shalt  }
0x77: {  	_ =	shalt  }
0x78: {  	_ =	shalt  }
0x79: {  	_ =	shalt  }
0x7a: {  	_ =	shalt  }
0x7b: {  	_ =	shalt  }
0x7c: {  	_ =	shalt  }
0x7d: {  	_ =	shalt  }
0x7e: {  	_ =	shalt  }
0x7f: {  	_ =	shalt  }
0x80: {  	_ =	shalt  }
0x81: {  	_ =	shalt  }
0x82: {  	_ =	shalt  }
0x83: {  	_ =	shalt  }
0x84: {  	_ =	shalt  }
0x85: {  	_ =	shalt  }
0x86: {  	_ =	shalt  }
0x87: {  	_ =	shalt  }
.Lfunc_end0:
.L_simem_size_0:
called_computation.2_lowered:
.L_overlay_start_0:
0x88: {  	s2 =	sld [smem:$0x3FD9]  }
0x89: {  	s3 =	sld [smem:$0x3FFE];
	_ =	sdelay $0x1  }
0x8a: {  	s1 =	srdreg.scid  }
0x8b: {  	s0 =	sand.u32 $0x1, s1  }
0x8c: {  	s16 =	sshll.u32 s0, $0xA;
	s2 =	sadd.s32 s3, s2  }
0x8d: {  	s2 =	sadd.s32 s2, s16  }
0x8e: {  	[smem:$0x3F7D] =	sst s2  }
0x8f: {  	_ = 	snop  }
0x90: {  	(tm) =	ssettm $0x1  }
0x91: {  	s17 =	sld [smem:$0x3FFB];
	_ =	sdelay $0x3  }
0x92: {  	_ =	strace s17  }
0x93: {  	s2 =	sld [smem:$0x3FFC];
	_ =	sdelay $0x3  }
0x94: {  	_ =	strace s2  }
0x95: {  	s2 =	sld [smem:$0x3FFD];
	_ =	sdelay $0x3  }
0x96: {  	_ =	strace s2  }
0x97: {  	_ =	strace $0x8FFFFFFF  }
0x98: {  	s18 =	sld [smem:$0x3FDB];
	_ =	sdelay $0x1  }
0x99: {  	s19 =	simm.s32 $_scs_section_size  }
0x9a: {  	s4 =	simm.s32 $_size__tile_overlayer_lowered;
	s5 =	simm.s32 $_tile_overlayer_lowered  }
0x9b: {  	s22 =	simm.s32 $0x1BFF;
	s21 =	sshll.u32 s5, $0x1;
	s2 =	sadd.s32 s19, s18  }
0x9c: {  	s6 =	simm.s32 $0x0;
	s20 =	sshll.u32 s4, $0x1;
	s4 =	sadd.s32 s21, s2  }
0x9d: {  	[timem:s6], [sflag:s22] =	dma.local [hbm:s4], s20  }
0x9e: {  	_ =	swait.ge [sflag:s22], s20  }
0x9f: {  	s3 =	ssub.s32 $0x0, s20;
	[sflag:s22] =	ssyncset.done $0x0  }
0xa0: {  	[sflag:s22] =	ssyncadd.s32 s3;
	_ =	sdelay $0x1  }
0xa1: {  	s23 =	simm.s32 $0x1B8B  }
0xa2: {  	_ =	swait.ge [sflag:s23], $0x1  }
0xa3: {  	[sflag:s23] =	ssyncset.done $0x0  }
0xa4: {  	s25 =	simm.s32 $0x1B8E;
	s24 =	sld [smem:$0x3FFE];
	[sflag:s23] =	ssyncadd.s32 $0xFFFFFFFF  }
0xa5: {  	s26 =	simm.s32 $execute0_lowered;
	[smem:$0x3FD2] =	sst s25  }
0xa6: {  	s4 =	sshll.u32 s26, $0x1;
	_ =	strace $0x8000004C;
	[dreg:$0x1] =	wrdreg $0xFFFFFFFF  }
0xa7: {  	s28 =	simm.s32 $_size_execute0_lowered;
	s2 =	sadd.s32 s2, s4;
	[dreg:$0x0] =	wrdreg $0x0  }
0xa8: {  	s4 =	sshll.u32 s28, $0x1;
	[dreg:$0x2] =	wrdreg s2  }
0xa9: {  	[dreg:$0x3] =	wrdreg s4  }
0xaa: {  	[dreg:$0x4] =	wrdreg $0xC0  }
0xab: {  	_ =	task [dreg:s6], $0x5FFFF  }
0xac: {  	[dreg:$0x1] =	wrdreg $0xFFFFFFFF  }
0xad: {  	[dreg:$0x0] =	wrdreg $0x60  }
0xae: {  	[dreg:$0x2] =	wrdreg s24  }
0xaf: {  	[dreg:$0x3] =	wrdreg $0x9  }
0xb0: {  	_ =	task.clear_ibuf [dreg:s6], $0x4FFFF;
	_ =	strace $0x9000004C  }
0xb1: {  	s29 =	simm.s32 $0x9;
	_ =	strace $0x8000004E  }
0xb2: {  	_ =	swait.ge [sflag:s29], $0x1  }
0xb3: {  	[sflag:s29] =	ssyncadd.s32 $0xFFFFFFFF  }
0xb4: {  	_ =	strace $0x9000004E  }
0xb5: {  	_ =	sfence  }
0xb6: {  	s30 =	sld [smem:$0x0];
	_ =	sdelay $0x2  }
0xb7: {  	s31 =	sshll.u32 s1, $0xD;
	s1 =	sshrl.u32 s1, $0x2  }
0xb8: {  	s3 =	sand.u32 $0x4000, s31;
	s1 =	sadd.s32 s1, s30  }
0xb9: {  	s0 =	sor.u32 s3, s0;
	s1 =	sshll.u32 s1, $0x11  }
0xba: {  	s0 =	sor.u32 s1, s0  }
0xbb: {  	s0 =	sadd.s32 $0x8F2B, s0  }
0xbc: {  	[sflag:s0] =	ssyncadd.remote.s32 $0x1  }
0xbd: {  	_ =	sfence.sel $0xFFFF  }
0xbe: {  	[dreg:$0x0] =	wrdreg $0xFFFFFFFF;
	(pc) =	sbr.abs _section_cstart, $3  }
0xbf: {  	[dreg:$0x1] =	wrdreg $0xFFFFFFFF  }
0xc0: {  	_ =	task.clear_ibuf [dreg:s6], $0x2FFFF;
	_ =	strace $0x9FFFFFFF  }
0xc1: {  	(tm) =	ssettm $0x7FFFFFFF  }
tec
execute0_lowered:
.L_overlay_start_1:
0x0: {  	(tag) =	ssettag $0x1  }
0x1: {  	s0 =	srdreg.scid  }
0x2: {  	s5 =	stileid.u32;
	s7 =	rddreg [dreg:$0x0];
	s2 =	simm.s32 $0x0;
	v0 =	vimm.s32 $0xEFCDAB89  }
0x3: {  	v1 =	vimm.s32 $0x67452301;
	v2 =	vlaneseq.u32;
	s28 =	simm.s32 $0x6;
	s29 =	simm.s32 $0x8;
	s30 =	simm.s32 $0xA;
	v0 =	vunpack.c.l.s4.s8 v0  }
0x4: {  	v6 =	vimm.s32 $0xBA98FEDC;
	v7 =	vimm.s32 $0x32107654;
	vm0 =	vmmov $0xffff;
	s31 =	simm.s32 $0x10400;
	s17 =	simm.s32 $0x9;
	s18 =	simm.s32 $0x1  }
0x5: {  	s19 =	simm.s32 $0x3;
	s20 =	simm.s32 $0x5;
	s0 =	sand.u32 $0x1, s0;
	v1 =	vunpack.c.l.s4.s8 v1;
	v3 =	vunpack.c.0.s8.s32 v0;
	v0 =	vimm.s32 $0xDCFE98BA  }
0x6: {  	vm1 =	vmmov $0x1;
	s22 =	simm.s32 $0x11800;
	[smem:$0x7FF] =	sst s2;
	s1 =	sshll.u32 s0, $0x4;
	v4 =	vunpack.c.l.s4.s8 v0;
	v0 =	vimm.s32 $0x54761032  }
0x7: {  	vm2 =	vcmask $0x320;
	s24 =	sshll.u32 s5, $0x7;
	_ =	strace $0x8000004D;
	s1 =	sor.u32 s5, s1;
	v1 =	vunpack.c.0.s8.s32 v1;
	v5 =	vunpack.c.l.s4.s8 v0  }
0x8: {  	vm3 =	vcmask $0x720;
	v6 =	vunpack.c.l.s4.s8 v6;
	v7 =	vunpack.c.l.s4.s8 v7;
	s0 =	ssub.s32 $0x2, s0;
	s5 =	sand.u32 $0x380, s24;
	s11 =	smul.u32 $0x27100, s1  }
0x9: {  	s9 =	sshrl.u32 s0, $0x1;
	s3 =	sshrl.u32 s1, $0x3;
	s10 =	smul.u32 $0x1388, s1;
	v3 =	vcombine.low v1, v3;
	v1 =	vunpack.c.0.s8.s32 v4;
	v4 =	vunpack.c.0.s8.s32 v5  }
0xa: {  	s0 =	ssub.s32 s0, s9;
	s1 =	simm.s32 $0x12C00;
	s4 =	smul.u32 $0xA000, s3;
	v5 =	vunpack.c.0.s8.s32 v6;
	v6 =	vunpack.c.0.s8.s32 v7;
	v7 =	vimm.s32 $0xFEDCBA98  }
0xb: {  	s9 =	simm.s32 $0x0;
	s3 =	sadd.s32 $0x526A00, s7;
	s0 =	smax.u32 s0, $0x1;
	v7 =	vunpack.c.l.s4.s8 v7;
	v4 =	vcombine.low v4, v1;
	v1 =	vimm.s32 $0x76543210  }
0xc: {  	[dreg:$0x5] =	wrdreg s0;
	s0 =	simm.s32 $0x7;
	s6 =	sor.u32 s5, s4;
	v5 =	vcombine.low v6, v5;
	v6 =	vshrl.u32 v2, $0x3;
	v8 =	vunpack.c.l.s4.s8 v1  }
.Ltmp0:
0xd: {  	vm4 =	vcmask $0xB20;
	s5 =	sadd.s32 $0x573E00, s7;
	s6 =	sshrl.u32 s6, $0x3;
	v1 =	vmul.u32 $0x8, v6;
	v6 =	vunpack.c.0.s8.s32 v7;
	(pc) =	sbr.rel .LBB2_1-.Ltmp0, $4  }
0xe: {  	vm5 =	vcmask $0xF20;
	vm6 =	vcmask $0x1320;
	s4 =	sadd.s32 $0xACC200, s7;
	s26 =	sadd.s32 s5, s11;
	s8 =	sadd.s32 s6, s7;
	v7 =	vunpack.c.0.s8.s32 v8  }
0xf: {  	vm7 =	vcmask $0x1720;
	vm8 =	vcmask $0x1B20;
	s6 =	sadd.s32 $0xB1A400, s7;
	[dreg:$0x4] =	wrdreg s26;
	s25 =	sadd.s32 $0x17A00, s8;
	v6 =	vand.u32 $0xF, v6  }
0x10: {  	v0 =	vand.u32 $0x7, v2;
	v3 =	vand.u32 $0xF, v3;
	s7 =	sadd.s32 $0x1CA00, s7;
	s8 =	sadd.s32 $0x12A00, s8;
	[dreg:$0x2] =	wrdreg s25;
	v6 =	vcombine.low v6, v7  }
0x11: {  	v2 =	vor.u32 $0x8, v2;
	s26 =	simm.s32 $0x4;
	[dreg:$0x3] =	wrdreg s8;
	s25 =	simm.s32 $0x2;
	v4 =	vand.u32 $0xF, v4;
	v5 =	vand.u32 $0xF, v5  }
.LBB2_11:
0x12: {  	_ =	swait.ge [sflag:s29], $0x1400  }
0x13: {  	[sflag:s29] =	ssyncset.done $0x0  }
0x14: {  	[sflag:s29] =	ssyncadd.s32 $0xFFFFEC00  }
0x15: {  	_ =	swait.ge [sflag:s30], $0x1400  }
0x16: {  	[sflag:s30] =	ssyncset.done $0x0  }
0x17: {  	[sflag:s30] =	ssyncadd.s32 $0xFFFFEC00  }
0x18: {  	_ =	swait.ge [sflag:s0], $0x1400  }
0x19: {  	[sflag:s0] =	ssyncset.done $0x0  }
0x1a: {  	[sflag:s0] =	ssyncadd.s32 $0xFFFFEC00  }
0x1b: {  	_ =	swait.ge [sflag:s17], $0x1400  }
0x1c: {  	s9 =	rddreg [dreg:$0x6]  }
0x1d: {  	s8 =	rddreg [dreg:$0x5];
	s9 =	sadd.s32 $0x1, s9  }
0x1e: {  	p0 =	sne.s32 s9, s8  }
.Ltmp1:
0x1f: {  	_ = 	snop;
	(pc) =	sbr.rel @!p0 .LBB2_12-.Ltmp1, $3  }
0x20: {  	_ =	sdelay $0x1  }
0x21: {  	[sflag:s17] =	ssyncset.done $0x0  }
0x22: {  	[sflag:s17] =	ssyncadd.s32 $0xFFFFEC00  }
.LBB2_1:
0x23: {  	[dreg:$0x6] =	wrdreg s9  }
0x24: {  	s8 =	rddreg [dreg:$0x2]  }
0x25: {  	s23 =	simm.s32 $0x80;
	s11 =	simm.s32 $0x400;
	s12 =	simm.s32 $0xB  }
0x26: {  	[tilespmem:s2], [sflag:$0xB] =	stream.strided.gather [hbm4b:s8+s23], $0x1400, s11, s23, $0x38;
	[tilespmem:$0x14000] =	vst v63  }
0x27: {  	_ =	swait.ge [sflag:s12], $0x1400  }
0x28: {  	[sflag:s12] =	ssyncset.done $0x0  }
0x29: {  	s13 =	simm.s32 $0x1400;
	s24 =	rddreg [dreg:$0x3];
	[sflag:s12] =	ssyncadd.s32 $0xFFFFEC00  }
0x2a: {  	[tilespmem:s13], [sflag:$0xB] =	stream.strided.gather [hbm4b:s24+s23], $0x1400, s11, s23, $0x38;
	[tilespmem:$0x14000] =	vst v63  }
0x2b: {  	_ =	swait.ge [sflag:s12], $0x1400  }
0x2c: {  	[sflag:s12] =	ssyncset.done $0x0  }
0x2d: {  	s11 =	simm.s32 $0x28;
	[sflag:s12] =	ssyncadd.s32 $0xFFFFEC00;
	s12 =	simm.s32 $0x2800  }
0x2e: {  	[tilespmem:s12], [sflag:$0x1] =	stream.indirect.gather [hbm4b:s3+s11], $0x80, s13, s11, $0xb8;
	[tilespmem:$0x14000] =	vst v63  }
0x2f: {  	v7 =	vld [tilespmem:$0x0];
	_ =	sdelay $0x4  }
0x30: {  	v8 =	vshll.u32 v7, $0x1  }
0x31: {  	v7 =	vand.u32 $0x7, v7;
	v8 =	vand.u32 $0xFFFFFFF0, v8  }
0x32: {  	v7 =	vor.u32 v7, v8  }
0x33: {  	v8 =	vperm.xlane v7, v0;
	_ =	sdelay $0x1  }
0x34: {  	v7 =	vperm.xlane v7, v2;
	v8 =	vadd.s32 v1, v8;
	_ =	sdelay $0x1  }
0x35: {  	v7 =	vadd.s32 v1, v7;
	_ =	sdelay $0x1  }
0x36: {  	s13 =	simm.s32 $0x5000  }
0x37: {  	[tilespmem:s13], [sflag:$0x3] =	stream.indirect_vreg.gather [hbm4b:s4+s2], $0x80, v8, vm0, $0xb8;
	[tilespmem:$0x14000] =	vst v63  }
0x38: {  	s14 =	simm.s32 $0x5800  }
0x39: {  	[tilespmem:s14], [sflag:$0x3] =	stream.indirect_vreg.gather [hbm4b:s4+s2], $0x80, v7, vm0, $0xb8;
	[tilespmem:$0x14000] =	vst v63  }
0x3a: {  	v7 =	vld [tilespmem:$0x10];
	_ =	sdelay $0x4  }
0x3b: {  	v8 =	vshll.u32 v7, $0x1  }
0x3c: {  	v7 =	vand.u32 $0x7, v7;
	v8 =	vand.u32 $0xFFFFFFF0, v8  }
0x3d: {  	v7 =	vor.u32 v7, v8  }
0x3e: {  	v8 =	vperm.xlane v7, v0;
	_ =	sdelay $0x1  }
0x3f: {  	v7 =	vperm.xlane v7, v2;
	v8 =	vadd.s32 v1, v8;
	_ =	sdelay $0x1  }
0x40: {  	v7 =	vadd.s32 v1, v7;
	_ =	sdelay $0x1  }
0x41: {  	s15 =	simm.s32 $0x6000  }
0x42: {  	[tilespmem:s15], [sflag:$0x3] =	stream.indirect_vreg.gather [hbm4b:s4+s2], $0x80, v8, vm0, $0xb8;
	[tilespmem:$0x14000] =	vst v63  }
0x43: {  	s16 =	simm.s32 $0x6800  }
0x44: {  	[tilespmem:s16], [sflag:$0x3] =	stream.indirect_vreg.gather [hbm4b:s4+s2], $0x80, v7, vm0, $0xb8;
	[tilespmem:$0x14000] =	vst v63  }
0x45: {  	v7 =	vld.msk [tilespmem:$0x20], $0xff;
	_ =	sdelay $0x4  }
0x46: {  	v8 =	vshll.u32 v7, $0x1  }
0x47: {  	v7 =	vand.u32 $0x7, v7;
	v8 =	vand.u32 $0xFFFFFFF0, v8  }
0x48: {  	v7 =	vor.u32 v7, v8  }
0x49: {  	v7 =	vperm.xlane v7, v0;
	_ =	sdelay $0x1  }
0x4a: {  	v7 =	vadd.s32 v1, v7;
	_ =	sdelay $0x3  }
.Ltmp2:
0x4b: {  	s21 =	simm.s32 $0x7000;
	(pc) =	sbr.rel .LBB2_2-.Ltmp2, $4  }
0x4c: {  	[tilespmem:s21], [sflag:$0x3] =	stream.indirect_vreg.gather [hbm4b:s4+s2], $0x80, v7, vm0, $0xb8;
	[tilespmem:$0x14000] =	vst v63  }
0x4d: {  	s24 =	simm.s32 $0xA000;
	s23 =	rddreg [dreg:$0x4]  }
0x4e: {  	[tilespmem:s24], [sflag:$0x5] =	stream.linear.gather [hbm4b:s23+s2], $0x2800, $0x38;
	[tilespmem:$0x14000] =	vst v63  }
0x4f: {  	s24 =	simm.s32 $0x0  }
.LBB2_10:
0x50: {  	s24 =	sadd.s32 $0x1, s24  }
0x51: {  	p0 =	sne.s32 s24, $0x7D  }
.Ltmp3:
0x52: {  	_ = 	snop;
	(pc) =	sbr.rel @!p0 .LBB2_11-.Ltmp3, $1  }
0x53: {  	_ =	sdelay $0x3  }
.LBB2_2:
0x54: {  	s8 =	sand.u32 $0x1, s24  }
0x55: {  	p0 =	seq.s32 s8, $0x0  }
.Ltmp4:
0x56: {  	_ = 	snop;
	(pc) =	sbr.rel @p0 .LBB2_4-.Ltmp4, $2  }
0x57: {  	_ =	sdelay $0x2  }
0x58: {  	s14 =	smul.u32 $0x28, s24  }
.Ltmp5:
0x59: {  	(pc) =	sbr.rel .LBB2_7-.Ltmp5, $3  }
0x5a: {  	_ = 	snop  }
0x5b: {  	s14 =	smul.u32 $0x28, s24;
	_ =	sdelay $0x1  }
0x5c: {  	s13 =	sadd.s32 s10, s14  }
.LBB2_4:
0x5d: {  	_ =	swait.ge [sflag:s18], $0x1400  }
0x5e: {  	[sflag:s18] =	ssyncset.done $0x0  }
0x5f: {  	[sflag:s18] =	ssyncadd.s32 $0xFFFFEC00  }
0x60: {  	_ =	swait.ge [sflag:s19], $0x2800  }
0x61: {  	[sflag:s19] =	ssyncset.done $0x0  }
0x62: {  	[sflag:s19] =	ssyncadd.s32 $0xFFFFD800  }
0x63: {  	p1 =	seq.s32 s24, $0x7C;
	_ =	swait.ge [sflag:s20], $0x2800  }
0x64: {  	s8 =	sadd.s32 @!p1 $0x1428, s14;
	[sflag:s20] =	ssyncset.done $0x0  }
0x65: {  	s9 =	simm.s32 @!p1 $0x28;
	s11 =	simm.s32 @!p1 $0x3C00;
	[sflag:s20] =	ssyncadd.s32 $0xFFFFD800  }
0x66: {  	[tilespmem:s11], [sflag:$0x2] =	stream.indirect.gather @!p1 [hbm4b:s3+s9], $0x80, s8, s9, $0xb8;
	[tilespmem:$0x14000] =	vst v63  }
0x67: {  	v7 =	vld @!p1 [tilespmem:s14+$0x28];
	_ =	sdelay $0x4  }
0x68: {  	v8 =	vshll.u32 @!p1 v7, $0x1  }
0x69: {  	v9 =	vlaneseq.u32 @!p1;
	v7 =	vand.u32 @!p1 $0x7, v7;
	v8 =	vand.u32 @!p1 $0xFFFFFFF0, v8  }
0x6a: {  	v10 =	vshrl.u32 @!p1 v9, $0x3;
	v7 =	vor.u32 @!p1 v7, v8;
	v8 =	vand.u32 @!p1 $0x7, v9  }
0x6b: {  	v10 =	vmul.u32 @!p1 $0x8, v10;
	v11 =	vperm.xlane @!p1 v7, v8  }
0x6c: {  	v9 =	vor.u32 @!p1 $0x8, v9  }
0x6d: {  	v7 =	vperm.xlane @!p1 v7, v9;
	v11 =	vadd.s32 @!p1 v10, v11;
	_ =	sdelay $0x1  }
0x6e: {  	v7 =	vadd.s32 @!p1 v10, v7;
	_ =	sdelay $0x1  }
0x6f: {  	vm9 =	vmmov @!p1 $0xffff;
	s8 =	simm.s32 @!p1 $0x0;
	s9 =	simm.s32 @!p1 $0x7800  }
0x70: {  	[tilespmem:s9], [sflag:$0x4] =	stream.indirect_vreg.gather @!p1 [hbm4b:s4+s8], $0x80, v11, vm9, $0xb8;
	[tilespmem:$0x14000] =	vst v63  }
0x71: {  	s9 =	simm.s32 @!p1 $0x8000  }
0x72: {  	[tilespmem:s9], [sflag:$0x4] =	stream.indirect_vreg.gather @!p1 [hbm4b:s4+s8], $0x80, v7, vm9, $0xb8;
	[tilespmem:$0x14000] =	vst v63  }
0x73: {  	v7 =	vld @!p1 [tilespmem:s14+$0x38];
	_ =	sdelay $0x4  }
0x74: {  	v11 =	vshll.u32 @!p1 v7, $0x1  }
0x75: {  	v7 =	vand.u32 @!p1 $0x7, v7;
	v11 =	vand.u32 @!p1 $0xFFFFFFF0, v11  }
0x76: {  	v7 =	vor.u32 @!p1 v7, v11  }
0x77: {  	v11 =	vperm.xlane @!p1 v7, v8;
	_ =	sdelay $0x1  }
0x78: {  	v7 =	vperm.xlane @!p1 v7, v9;
	v11 =	vadd.s32 @!p1 v10, v11;
	_ =	sdelay $0x1  }
0x79: {  	v7 =	vadd.s32 @!p1 v10, v7;
	_ =	sdelay $0x1  }
0x7a: {  	s9 =	simm.s32 @!p1 $0x8800  }
0x7b: {  	[tilespmem:s9], [sflag:$0x4] =	stream.indirect_vreg.gather @!p1 [hbm4b:s4+s8], $0x80, v11, vm9, $0xb8;
	[tilespmem:$0x14000] =	vst v63  }
0x7c: {  	s9 =	simm.s32 @!p1 $0x9000  }
0x7d: {  	[tilespmem:s9], [sflag:$0x4] =	stream.indirect_vreg.gather @!p1 [hbm4b:s4+s8], $0x80, v7, vm9, $0xb8;
	[tilespmem:$0x14000] =	vst v63  }
0x7e: {  	v7 =	vld.msk @!p1 [tilespmem:s14+$0x48], $0xff;
	_ =	sdelay $0x4  }
0x7f: {  	v9 =	vshll.u32 @!p1 v7, $0x1  }
0x80: {  	v7 =	vand.u32 @!p1 $0x7, v7;
	v9 =	vand.u32 @!p1 $0xFFFFFFF0, v9  }
0x81: {  	v7 =	vor.u32 @!p1 v7, v9  }
0x82: {  	v7 =	vperm.xlane @!p1 v7, v8;
	_ =	sdelay $0x1  }
0x83: {  	v7 =	vadd.s32 @!p1 v10, v7;
	_ =	sdelay $0x1  }
0x84: {  	s9 =	sadd.s32 @!p1 $0x28, s14  }
0x85: {  	s9 =	sadd.s32 @!p1 s10, s9  }
0x86: {  	s11 =	simm.s32 @!p1 $0x9800;
	s9 =	sshll.u32 @!p1 s9, $0x5  }
0x87: {  	[tilespmem:s11], [sflag:$0x4] =	stream.indirect_vreg.gather @!p1 [hbm4b:s4+s8], $0x80, v7, vm9, $0xb8;
	[tilespmem:$0x14000] =	vst v63  }
0x88: {  	p2 =	slt.u32 @!p1 s24, $0x2;
	s9 =	sadd.s32 @!p1 s5, s9;
	s11 =	simm.s32 @!p1 $0xC800  }
0x89: {  	[tilespmem:s11], [sflag:$0x6] =	stream.linear.gather @!p1 [hbm4b:s9+s8], $0x2800, $0x38;
	[tilespmem:$0x14000] =	vst v63  }
0x8a: {  	p1 =	por p1, !p2  }
0x8b: {  	_ =	swait.ge @p1 [sflag:s0], $0x1400  }
0x8c: {  	[sflag:s0] =	ssyncset.done @p1 $0x0  }
0x8d: {  	[sflag:s0] =	ssyncadd.s32 @p1 $0xFFFFEC00  }
0x8e: {  	s16 =	simm.s32 $0x0;
	_ =	swait.ge @p1 [sflag:s17], $0x1400  }
0x8f: {  	s15 =	sand.u32 $0x3800, s16;
	s21 =	sand.u32 $0x380, s16;
	[sflag:s17] =	ssyncset.done @p1 $0x0  }
0x90: {  	s9 =	sor.u32 s21, s15;
	[sflag:s17] =	ssyncadd.s32 @p1 $0xFFFFEC00  }
0x91: {  	v8 =	vld [tilespmem:s9+$0xA000]  }
0x92: {  	v7 =	vld [tilespmem:s9+$0x5400];
	_ =	sdelay $0x3  }
0x93: {  	s23 =	simm.s32 $0x2840  }
0x94: {  	v9 =	vld [tilespmem:s23+$0xFFFFFFC0];
	v11 =	vadd.f32 v7, v8  }
0x95: {  	s8 =	simm.s32 $0xF040;
	v10 =	vld [tilespmem:s9+$0x5000]  }
0x96: {  	v7 =	vld [tilespmem:s9+$0xA400];
	[tilespmem:s8+$0xFFFFFFC0] =	vst v11  }
0x97: {  	v11 =	vld [tilespmem:s9+$0xA010]  }
0x98: {  	v12 =	vld [tilespmem:s9+$0x5410];
	_ =	sdelay $0x4  }
0x99: {  	v12 =	vadd.f32 v12, v11  }
0x9a: {  	v13 =	vld [tilespmem:s9+$0x5010]  }
0x9b: {  	v14 =	vld [tilespmem:s23+$0xFFFFFFD0];
	[tilespmem:s8+$0xFFFFFFD0] =	vst v12  }
0x9c: {  	v12 =	vld [tilespmem:s9+$0xA020]  }
0x9d: {  	v15 =	vld [tilespmem:s9+$0x5420];
	_ =	sdelay $0x4  }
0x9e: {  	v15 =	vadd.f32 v15, v12  }
0x9f: {  	v16 =	vld [tilespmem:s9+$0x5020]  }
0xa0: {  	v17 =	vld [tilespmem:s23+$0xFFFFFFE0];
	[tilespmem:s8+$0xFFFFFFE0] =	vst v15  }
0xa1: {  	v15 =	vld [tilespmem:s9+$0xA030]  }
0xa2: {  	v18 =	vld [tilespmem:s9+$0x5430];
	_ =	sdelay $0x4  }
0xa3: {  	v18 =	vadd.f32 v18, v15  }
0xa4: {  	v19 =	vld [tilespmem:s9+$0x5030]  }
0xa5: {  	v20 =	vld [tilespmem:s23+$0xFFFFFFF0];
	[tilespmem:s8+$0xFFFFFFF0] =	vst v18  }
0xa6: {  	v18 =	vld [tilespmem:s9+$0xA040]  }
0xa7: {  	v21 =	vld [tilespmem:s9+$0x5440];
	_ =	sdelay $0x4  }
0xa8: {  	v21 =	vadd.f32 v21, v18  }
0xa9: {  	v8 =	vadd.f32 v10, v8;
	v22 =	vld [tilespmem:s9+$0x5040]  }
0xaa: {  	v10 =	vld [tilespmem:s23+$0x0];
	[tilespmem:s8+$0x0] =	vst v21  }
0xab: {  	v8 =	vmul.f32 v8, v9;
	v9 =	vld [tilespmem:s9+$0xA050]  }
0xac: {  	v21 =	vld [tilespmem:s9+$0x5450];
	_ =	sdelay $0x1  }
0xad: {  	v11 =	vadd.f32 v13, v11;
	_ =	sdelay $0x1  }
0xae: {  	v23 =	vperm.xlane v8, v3;
	v11 =	vmul.f32 v11, v14  }
0xaf: {  	v21 =	vadd.f32 v21, v9  }
0xb0: {  	v8 =	vadd.f32 v23, v8;
	v60 =	vperm.xlane v11, v3;
	v59 =	vld [tilespmem:s23+$0x10]  }
0xb1: {  	v24 =	vld [tilespmem:s9+$0x5050];
	[tilespmem:s8+$0x10] =	vst v21  }
0xb2: {  	v58 =	vperm.xlane v8, v4;
	v11 =	vadd.f32 v60, v11;
	v61 =	vld [tilespmem:s9+$0xA060]  }
0xb3: {  	v63 =	vld [tilespmem:s9+$0x5460]  }
0xb4: {  	v8 =	vadd.f32 v58, v8;
	v25 =	vperm.xlane v11, v4  }
0xb5: {  	v12 =	vadd.f32 v16, v12  }
0xb6: {  	v62 =	vperm.xlane v8, v5;
	v11 =	vadd.f32 v25, v11  }
0xb7: {  	v12 =	vmul.f32 v12, v17  }
0xb8: {  	v8 =	vadd.f32 v62, v8;
	v29 =	vperm.xlane v11, v5;
	v30 =	vld [tilespmem:s9+$0x5060];
	v23 =	vadd.f32 v63, v61  }
0xb9: {  	v31 =	vperm.xlane v12, v3  }
0xba: {  	v28 =	vperm.xlane v8, v6;
	v11 =	vadd.f32 v29, v11;
	v15 =	vadd.f32 v19, v15;
	v32 =	vld [tilespmem:s23+$0x20];
	[tilespmem:s8+$0x20] =	vst v23  }
0xbb: {  	v34 =	vmul.f32 $0.0e+00, v7;
	v12 =	vadd.f32 v31, v12;
	v33 =	vadd.f32 v22, v18;
	v35 =	vld [tilespmem:s9+$0xA070]  }
0xbc: {  	v8 =	vadd.f32 v28, v8;
	v36 =	vperm.xlane v11, v6;
	v15 =	vmul.f32 v15, v20;
	v37 =	vld [tilespmem:s9+$0x5070]  }
0xbd: {  	v38 =	vperm.xlane v12, v4;
	v10 =	vmul.f32 v33, v10;
	v13 =	vadd.f32 v30, v61  }
0xbe: {  	v11 =	vadd.f32 v36, v11;
	v39 =	vperm.xlane v15, v3;
	v9 =	vadd.f32 v24, v9;
	v41 =	vld [tilespmem:s23+$0x30]  }
0xbf: {  	v8 =	vsel vm1, v8, v34;
	v40 =	vperm.xlane v10, v3;
	v13 =	vmul.f32 v13, v32  }
0xc0: {  	v8 =	vsel vm2, v8, v11;
	v15 =	vadd.f32 v39, v15;
	v9 =	vmul.f32 v9, v59  }
0xc1: {  	v10 =	vadd.f32 v40, v10;
	v11 =	vperm.xlane v13, v3;
	v17 =	vadd.f32 v37, v35  }
0xc2: {  	v12 =	vadd.f32 v38, v12;
	v43 =	vperm.xlane v15, v4;
	v42 =	vperm.xlane v9, v3  }
0xc3: {  	v44 =	vperm.xlane v10, v4;
	v11 =	vadd.f32 v11, v13;
	v46 =	vmul.f32 v17, v41  }
0xc4: {  	v45 =	vperm.xlane v12, v5;
	v47 =	vadd.f32 v43, v15;
	v9 =	vadd.f32 v42, v9  }
0xc5: {  	v10 =	vadd.f32 v44, v10;
	v49 =	vperm.xlane v11, v4;
	v50 =	vperm.xlane v46, v3  }
0xc6: {  	v12 =	vadd.f32 v45, v12;
	v19 =	vperm.xlane v47, v5;
	v48 =	vperm.xlane v9, v4  }
0xc7: {  	v20 =	vperm.xlane v10, v5;
	v11 =	vadd.f32 v49, v11;
	v13 =	vadd.f32 v50, v46  }
0xc8: {  	v51 =	vperm.xlane v12, v6;
	v14 =	vadd.f32 v19, v47;
	v9 =	vadd.f32 v48, v9  }
0xc9: {  	v10 =	vadd.f32 v20, v10;
	v53 =	vld [tilespmem:s9+$0x5470];
	v54 =	vperm.xlane v11, v5;
	v55 =	vperm.xlane v13, v4  }
0xca: {  	v12 =	vadd.f32 v51, v12;
	v56 =	vperm.xlane v14, v6;
	v52 =	vperm.xlane v9, v5  }
0xcb: {  	v57 =	vperm.xlane v10, v6;
	v11 =	vadd.f32 v54, v11;
	v58 =	vadd.f32 v55, v13  }
0xcc: {  	v8 =	vsel vm3, v8, v12;
	v59 =	vadd.f32 v56, v14;
	v9 =	vadd.f32 v52, v9  }
0xcd: {  	v10 =	vadd.f32 v57, v10;
	v62 =	vperm.xlane v11, v6;
	v63 =	vperm.xlane v58, v5  }
0xce: {  	v8 =	vsel vm4, v8, v59;
	v60 =	vperm.xlane v9, v6;
	v61 =	vadd.f32 v53, v35  }
0xcf: {  	s12 =	simm.s32 $0x100;
	s13 =	sadd.s32 s10, s14;
	v8 =	vsel vm5, v8, v10;
	v10 =	vadd.f32 v62, v11;
	v11 =	vadd.f32 v63, v58  }
0xd0: {  	s15 =	simm.s32 $0x28C0;
	s11 =	simm.s32 $0x11800;
	s9 =	simm.s32 $0x11800;
	v9 =	vadd.f32 v60, v9;
	[tilespmem:s8+$0x30] =	vst v61  }
.LBB2_5:
0xd1: {  	v12 =	vperm.xlane v11, v6;
	s9 =	sadd.s32 $0x80, s9;
	s16 =	sadd.s32 $0x80, s16;
	s8 =	sadd.s32 $0x80, s8  }
0xd2: {  	p1 =	sne.s32 s12, $0x2700;
	v8 =	vsel vm6, v8, v9;
	s23 =	smov.u32 s12;
	s12 =	sadd.s32 $0x100, s12  }
0xd3: {  	v8 =	vsel vm7, v8, v10;
	v9 =	vadd.f32 v12, v11;
	_ =	sdelay $0x1  }
0xd4: {  	v8 =	vsel vm8, v8, v9  }
0xd5: {  	v8 =	vmul.f32 $2.500000000e-01, v8;
	_ =	sdelay $0x1  }
0xd6: {  	s23 =	sand.u32 $0x3800, s23;
	s21 =	sand.u32 $0x380, s16;
	v7 =	vadd.f32 v8, v7  }
0xd7: {  	s23 =	sor.u32 s21, s23  }
0xd8: {  	[tilespmem:s11+$0x0] =	vst v7;
	s11 =	smov.u32 s9  }
0xd9: {  	v8 =	vld [tilespmem:s23+$0xA000]  }
0xda: {  	v7 =	vld [tilespmem:s23+$0x5400];
	_ =	sdelay $0x3  }
0xdb: {  	v9 =	vld [tilespmem:s15+$0xFFFFFFC0]  }
0xdc: {  	v10 =	vld [tilespmem:s23+$0x5000];
	v11 =	vadd.f32 v7, v8  }
0xdd: {  	v7 =	vld [tilespmem:s23+$0xA400]  }
0xde: {  	[tilespmem:s8+$0xFFFFFFC0] =	vst v11  }
0xdf: {  	v11 =	vld [tilespmem:s23+$0xA010]  }
0xe0: {  	v12 =	vld [tilespmem:s23+$0x5410]  }
0xe1: {  	v8 =	vadd.f32 v10, v8;
	_ =	sdelay $0x1  }
0xe2: {  	v8 =	vmul.f32 v8, v9;
	_ =	sdelay $0x1  }
0xe3: {  	v9 =	vperm.xlane v8, v3;
	v10 =	vld [tilespmem:s23+$0x5010];
	v12 =	vadd.f32 v12, v11  }
0xe4: {  	v13 =	vld [tilespmem:s15+$0xFFFFFFD0]  }
0xe5: {  	v8 =	vadd.f32 v9, v8;
	[tilespmem:s8+$0xFFFFFFD0] =	vst v12  }
0xe6: {  	v9 =	vld [tilespmem:s23+$0xA020]  }
0xe7: {  	v12 =	vperm.xlane v8, v4;
	v14 =	vld [tilespmem:s23+$0x5420]  }
0xe8: {  	v10 =	vadd.f32 v10, v11  }
0xe9: {  	v8 =	vadd.f32 v12, v8  }
0xea: {  	v10 =	vmul.f32 v10, v13  }
0xeb: {  	v11 =	vperm.xlane v8, v5  }
0xec: {  	v12 =	vperm.xlane v10, v3;
	v13 =	vld [tilespmem:s23+$0x5020];
	v14 =	vadd.f32 v14, v9  }
0xed: {  	v8 =	vadd.f32 v11, v8;
	v11 =	vld [tilespmem:s15+$0xFFFFFFE0]  }
0xee: {  	v10 =	vadd.f32 v12, v10;
	[tilespmem:s8+$0xFFFFFFE0] =	vst v14  }
0xef: {  	v12 =	vperm.xlane v8, v6;
	v14 =	vld [tilespmem:s23+$0xA030]  }
0xf0: {  	v15 =	vperm.xlane v10, v4;
	v16 =	vld [tilespmem:s23+$0x5430]  }
0xf1: {  	v17 =	vmul.f32 $0.0e+00, v7;
	v8 =	vadd.f32 v12, v8;
	v9 =	vadd.f32 v13, v9  }
0xf2: {  	v10 =	vadd.f32 v15, v10  }
0xf3: {  	v8 =	vsel vm1, v8, v17;
	v9 =	vmul.f32 v9, v11  }
0xf4: {  	v11 =	vperm.xlane v10, v5  }
0xf5: {  	v12 =	vperm.xlane v9, v3;
	v13 =	vld [tilespmem:s23+$0x5030];
	v15 =	vadd.f32 v16, v14  }
0xf6: {  	v10 =	vadd.f32 v11, v10;
	v11 =	vld [tilespmem:s15+$0xFFFFFFF0]  }
0xf7: {  	v9 =	vadd.f32 v12, v9;
	[tilespmem:s8+$0xFFFFFFF0] =	vst v15  }
0xf8: {  	v12 =	vperm.xlane v10, v6;
	v15 =	vld [tilespmem:s23+$0xA040]  }
0xf9: {  	v16 =	vperm.xlane v9, v4;
	v17 =	vld [tilespmem:s23+$0x5440]  }
0xfa: {  	v10 =	vadd.f32 v12, v10;
	v12 =	vadd.f32 v13, v14;
	v13 =	vld [tilespmem:s23+$0x5040]  }
0xfb: {  	v9 =	vadd.f32 v16, v9  }
0xfc: {  	v8 =	vsel vm2, v8, v10;
	v10 =	vmul.f32 v12, v11  }
0xfd: {  	v11 =	vperm.xlane v9, v5  }
0xfe: {  	v12 =	vperm.xlane v10, v3;
	v14 =	vadd.f32 v17, v15  }
0xff: {  	v9 =	vadd.f32 v11, v9;
	v11 =	vld [tilespmem:s15+$0x0];
	v13 =	vadd.f32 v13, v15  }
0x100: {  	v10 =	vadd.f32 v12, v10;
	[tilespmem:s8+$0x0] =	vst v14  }
0x101: {  	v12 =	vperm.xlane v9, v6;
	v14 =	vld [tilespmem:s23+$0xA050]  }
0x102: {  	v15 =	vperm.xlane v10, v4;
	v16 =	vld [tilespmem:s23+$0x5450]  }
0x103: {  	v9 =	vadd.f32 v12, v9;
	v12 =	vld [tilespmem:s15+$0x10]  }
0x104: {  	v10 =	vadd.f32 v15, v10;
	v11 =	vmul.f32 v13, v11;
	v13 =	vld [tilespmem:s23+$0x5050]  }
0x105: {  	v8 =	vsel vm3, v8, v9  }
0x106: {  	v9 =	vperm.xlane v10, v5;
	v15 =	vperm.xlane v11, v3  }
0x107: {  	v16 =	vadd.f32 v16, v14  }
0x108: {  	v9 =	vadd.f32 v9, v10;
	v10 =	vadd.f32 v15, v11  }
0x109: {  	v11 =	vadd.f32 v13, v14;
	[tilespmem:s8+$0x10] =	vst v16  }
0x10a: {  	v13 =	vperm.xlane v9, v6;
	v14 =	vperm.xlane v10, v4;
	v15 =	vld [tilespmem:s23+$0xA060]  }
0x10b: {  	v11 =	vmul.f32 v11, v12;
	v12 =	vld [tilespmem:s23+$0x5460]  }
0x10c: {  	v9 =	vadd.f32 v13, v9;
	v10 =	vadd.f32 v14, v10;
	v13 =	vld [tilespmem:s15+$0x20]  }
0x10d: {  	v14 =	vperm.xlane v11, v3;
	v16 =	vld [tilespmem:s23+$0x5060]  }
0x10e: {  	v8 =	vsel vm4, v8, v9;
	v9 =	vperm.xlane v10, v5  }
0x10f: {  	v11 =	vadd.f32 v14, v11  }
0x110: {  	v9 =	vadd.f32 v9, v10;
	v10 =	vadd.f32 v12, v15  }
0x111: {  	v12 =	vperm.xlane v11, v4  }
0x112: {  	v14 =	vperm.xlane v9, v6;
	v15 =	vadd.f32 v16, v15;
	[tilespmem:s8+$0x20] =	vst v10  }
0x113: {  	v10 =	vadd.f32 v12, v11;
	v11 =	vld [tilespmem:s23+$0xA070]  }
0x114: {  	v9 =	vadd.f32 v14, v9;
	v12 =	vmul.f32 v15, v13;
	v13 =	vld [tilespmem:s23+$0x5070]  }
0x115: {  	v14 =	vperm.xlane v10, v5;
	v15 =	vld [tilespmem:s15+$0x30]  }
0x116: {  	v8 =	vsel vm5, v8, v9;
	v9 =	vperm.xlane v12, v3;
	v16 =	vld [tilespmem:s23+$0x5470]  }
0x117: {  	v10 =	vadd.f32 v14, v10  }
0x118: {  	v12 =	vadd.f32 v9, v12  }
0x119: {  	v9 =	vperm.xlane v10, v6;
	v13 =	vadd.f32 v13, v11  }
0x11a: {  	v14 =	vperm.xlane v12, v4  }
0x11b: {  	v9 =	vadd.f32 v9, v10;
	v10 =	vadd.f32 v16, v11;
	v11 =	vmul.f32 v13, v15  }
0x11c: {  	v12 =	vadd.f32 v14, v12  }
0x11d: {  	v13 =	vperm.xlane v11, v3;
	[tilespmem:s8+$0x30] =	vst v10  }
0x11e: {  	v10 =	vperm.xlane v12, v5  }
0x11f: {  	v11 =	vadd.f32 v13, v11  }
0x120: {  	v10 =	vadd.f32 v10, v12  }
0x121: {  	v12 =	vperm.xlane v11, v4  }
0x122: {  	v13 =	vperm.xlane v10, v6  }
0x123: {  	v11 =	vadd.f32 v12, v11  }
.Ltmp6:
0x124: {  	v10 =	vadd.f32 v13, v10;
	(pc) =	sbr.rel @p1 .LBB2_5-.Ltmp6, $3  }
0x125: {  	v12 =	vperm.xlane v11, v5;
	_ =	sdelay $0x1  }
0x126: {  	v11 =	vadd.f32 v12, v11  }
0x127: {  	s15 =	sadd.s32 $0x80, s15  }
0x128: {  	v12 =	vperm.xlane v11, v6;
	_ =	sdelay $0x1  }
0x129: {  	v8 =	vsel vm6, v8, v9;
	v63 =	vadd.f32 v12, v11  }
0x12a: {  	v8 =	vsel vm7, v8, v10  }
0x12b: {  	v8 =	vsel vm8, v8, v63  }
0x12c: {  	v8 =	vmul.f32 $2.500000000e-01, v8;
	_ =	sdelay $0x1  }
0x12d: {  	v7 =	vadd.f32 v8, v7  }
.Ltmp7:
0x12e: {  	s8 =	sshll.u32 s13, $0x4;
	(pc) =	sbr.rel @p0 .LBB2_10-.Ltmp7, $4  }
0x12f: {  	s23 =	simm.s32 $0xF000;
	s9 =	sadd.s32 s6, s8;
	[tilespmem:s11+$0x0] =	vst v7  }
0x130: {  	[hbm4b:s9+s2] =	stream.linear.scatter [tilespmem:s23], [sflag:$0x7], $0x1400, $0x38;
	[tilespmem:$0x14000] =	vst v63  }
0x131: {  	s8 =	sadd.s32 s7, s8  }
0x132: {  	[hbm4b:s8+s2] =	stream.linear.scatter [tilespmem:s22], [sflag:$0x9], $0x1400, $0x38;
	[tilespmem:$0x14000] =	vst v63  }
.LBB2_7:
0x133: {  	_ =	swait.ge [sflag:s25], $0x1400  }
0x134: {  	[sflag:s25] =	ssyncset.done $0x0  }
0x135: {  	[sflag:s25] =	ssyncadd.s32 $0xFFFFEC00  }
0x136: {  	_ =	swait.ge [sflag:s26], $0x2800  }
0x137: {  	[sflag:s26] =	ssyncset.done $0x0  }
0x138: {  	[sflag:s26] =	ssyncadd.s32 $0xFFFFD800  }
0x139: {  	p0 =	seq.s32 s24, $0x7C;
	_ =	swait.ge [sflag:s28], $0x2800  }
0x13a: {  	s8 =	sadd.s32 @!p0 $0x1428, s14;
	[sflag:s28] =	ssyncset.done $0x0  }
0x13b: {  	s9 =	simm.s32 @!p0 $0x28;
	s11 =	simm.s32 @!p0 $0x2800;
	[sflag:s28] =	ssyncadd.s32 $0xFFFFD800  }
0x13c: {  	[tilespmem:s11], [sflag:$0x1] =	stream.indirect.gather @!p0 [hbm4b:s3+s9], $0x80, s8, s9, $0xb8;
	[tilespmem:$0x14000] =	vst v63  }
0x13d: {  	v7 =	vld @!p0 [tilespmem:s14+$0x28];
	_ =	sdelay $0x4  }
0x13e: {  	v8 =	vshll.u32 @!p0 v7, $0x1  }
0x13f: {  	v9 =	vlaneseq.u32 @!p0;
	v7 =	vand.u32 @!p0 $0x7, v7;
	v8 =	vand.u32 @!p0 $0xFFFFFFF0, v8  }
0x140: {  	v10 =	vshrl.u32 @!p0 v9, $0x3;
	v7 =	vor.u32 @!p0 v7, v8;
	v8 =	vand.u32 @!p0 $0x7, v9  }
0x141: {  	v10 =	vmul.u32 @!p0 $0x8, v10;
	v11 =	vperm.xlane @!p0 v7, v8  }
0x142: {  	v9 =	vor.u32 @!p0 $0x8, v9  }
0x143: {  	v7 =	vperm.xlane @!p0 v7, v9;
	v11 =	vadd.s32 @!p0 v10, v11;
	_ =	sdelay $0x1  }
0x144: {  	v7 =	vadd.s32 @!p0 v10, v7;
	_ =	sdelay $0x1  }
0x145: {  	vm9 =	vmmov @!p0 $0xffff;
	s8 =	simm.s32 @!p0 $0x0;
	s9 =	simm.s32 @!p0 $0x5000  }
0x146: {  	[tilespmem:s9], [sflag:$0x3] =	stream.indirect_vreg.gather @!p0 [hbm4b:s4+s8], $0x80, v11, vm9, $0xb8;
	[tilespmem:$0x14000] =	vst v63  }
0x147: {  	s9 =	simm.s32 @!p0 $0x5800  }
0x148: {  	[tilespmem:s9], [sflag:$0x3] =	stream.indirect_vreg.gather @!p0 [hbm4b:s4+s8], $0x80, v7, vm9, $0xb8;
	[tilespmem:$0x14000] =	vst v63  }
0x149: {  	v7 =	vld @!p0 [tilespmem:s14+$0x38];
	_ =	sdelay $0x4  }
0x14a: {  	v11 =	vshll.u32 @!p0 v7, $0x1  }
0x14b: {  	v7 =	vand.u32 @!p0 $0x7, v7;
	v11 =	vand.u32 @!p0 $0xFFFFFFF0, v11  }
0x14c: {  	v7 =	vor.u32 @!p0 v7, v11  }
0x14d: {  	v11 =	vperm.xlane @!p0 v7, v8;
	_ =	sdelay $0x1  }
0x14e: {  	v7 =	vperm.xlane @!p0 v7, v9;
	v11 =	vadd.s32 @!p0 v10, v11;
	_ =	sdelay $0x1  }
0x14f: {  	v7 =	vadd.s32 @!p0 v10, v7;
	_ =	sdelay $0x1  }
0x150: {  	s9 =	simm.s32 @!p0 $0x6000  }
0x151: {  	[tilespmem:s9], [sflag:$0x3] =	stream.indirect_vreg.gather @!p0 [hbm4b:s4+s8], $0x80, v11, vm9, $0xb8;
	[tilespmem:$0x14000] =	vst v63  }
0x152: {  	s9 =	simm.s32 @!p0 $0x6800  }
0x153: {  	[tilespmem:s9], [sflag:$0x3] =	stream.indirect_vreg.gather @!p0 [hbm4b:s4+s8], $0x80, v7, vm9, $0xb8;
	[tilespmem:$0x14000] =	vst v63  }
0x154: {  	v7 =	vld.msk @!p0 [tilespmem:s14+$0x48], $0xff;
	_ =	sdelay $0x4  }
0x155: {  	v9 =	vshll.u32 @!p0 v7, $0x1  }
0x156: {  	v7 =	vand.u32 @!p0 $0x7, v7;
	v9 =	vand.u32 @!p0 $0xFFFFFFF0, v9  }
0x157: {  	v7 =	vor.u32 @!p0 v7, v9  }
0x158: {  	v7 =	vperm.xlane @!p0 v7, v8;
	_ =	sdelay $0x1  }
0x159: {  	v7 =	vadd.s32 @!p0 v10, v7;
	_ =	sdelay $0x1  }
0x15a: {  	s9 =	sadd.s32 @!p0 $0x28, s14  }
0x15b: {  	s9 =	sadd.s32 @!p0 s10, s9  }
0x15c: {  	s11 =	simm.s32 @!p0 $0x7000;
	s9 =	sshll.u32 @!p0 s9, $0x5  }
0x15d: {  	[tilespmem:s11], [sflag:$0x3] =	stream.indirect_vreg.gather @!p0 [hbm4b:s4+s8], $0x80, v7, vm9, $0xb8;
	[tilespmem:$0x14000] =	vst v63  }
0x15e: {  	p1 =	slt.u32 @!p0 s24, $0x2;
	s9 =	sadd.s32 @!p0 s5, s9;
	s11 =	simm.s32 @!p0 $0xA000  }
0x15f: {  	[tilespmem:s11], [sflag:$0x5] =	stream.linear.gather @!p0 [hbm4b:s9+s8], $0x2800, $0x38;
	[tilespmem:$0x14000] =	vst v63  }
0x160: {  	p0 =	por p0, !p1  }
0x161: {  	_ =	swait.ge @p0 [sflag:s29], $0x1400  }
0x162: {  	[sflag:s29] =	ssyncset.done @p0 $0x0  }
0x163: {  	[sflag:s29] =	ssyncadd.s32 @p0 $0xFFFFEC00  }
0x164: {  	s14 =	simm.s32 $0x0;
	_ =	swait.ge @p0 [sflag:s30], $0x1400  }
0x165: {  	s16 =	sand.u32 $0x3800, s14;
	s21 =	sand.u32 $0x380, s14;
	[sflag:s30] =	ssyncset.done @p0 $0x0  }
0x166: {  	s9 =	sor.u32 s21, s16;
	[sflag:s30] =	ssyncadd.s32 @p0 $0xFFFFEC00  }
0x167: {  	v8 =	vld [tilespmem:s9+$0xC800]  }
0x168: {  	v7 =	vld [tilespmem:s9+$0x7C00];
	_ =	sdelay $0x3  }
0x169: {  	s23 =	simm.s32 $0x3C40  }
0x16a: {  	v9 =	vld [tilespmem:s23+$0xFFFFFFC0];
	v11 =	vadd.f32 v7, v8  }
0x16b: {  	s8 =	simm.s32 $0x10440;
	v10 =	vld [tilespmem:s9+$0x7800]  }
0x16c: {  	v7 =	vld [tilespmem:s9+$0xCC00];
	[tilespmem:s8+$0xFFFFFFC0] =	vst v11  }
0x16d: {  	v11 =	vld [tilespmem:s9+$0xC810]  }
0x16e: {  	v12 =	vld [tilespmem:s9+$0x7C10];
	_ =	sdelay $0x4  }
0x16f: {  	v12 =	vadd.f32 v12, v11  }
0x170: {  	v13 =	vld [tilespmem:s9+$0x7810]  }
0x171: {  	v14 =	vld [tilespmem:s23+$0xFFFFFFD0];
	[tilespmem:s8+$0xFFFFFFD0] =	vst v12  }
0x172: {  	v12 =	vld [tilespmem:s9+$0xC820]  }
0x173: {  	v15 =	vld [tilespmem:s9+$0x7C20];
	_ =	sdelay $0x4  }
0x174: {  	v15 =	vadd.f32 v15, v12  }
0x175: {  	v16 =	vld [tilespmem:s9+$0x7820]  }
0x176: {  	v17 =	vld [tilespmem:s23+$0xFFFFFFE0];
	[tilespmem:s8+$0xFFFFFFE0] =	vst v15  }
0x177: {  	v15 =	vld [tilespmem:s9+$0xC830]  }
0x178: {  	v18 =	vld [tilespmem:s9+$0x7C30];
	_ =	sdelay $0x4  }
0x179: {  	v18 =	vadd.f32 v18, v15  }
0x17a: {  	v19 =	vld [tilespmem:s9+$0x7830]  }
0x17b: {  	v20 =	vld [tilespmem:s23+$0xFFFFFFF0];
	[tilespmem:s8+$0xFFFFFFF0] =	vst v18  }
0x17c: {  	v18 =	vld [tilespmem:s9+$0xC840]  }
0x17d: {  	v21 =	vld [tilespmem:s9+$0x7C40];
	_ =	sdelay $0x4  }
0x17e: {  	v21 =	vadd.f32 v21, v18  }
0x17f: {  	v8 =	vadd.f32 v10, v8;
	v22 =	vld [tilespmem:s9+$0x7840]  }
0x180: {  	v10 =	vld [tilespmem:s23+$0x0];
	[tilespmem:s8+$0x0] =	vst v21  }
0x181: {  	v8 =	vmul.f32 v8, v9;
	v9 =	vld [tilespmem:s9+$0xC850]  }
0x182: {  	v21 =	vld [tilespmem:s9+$0x7C50];
	_ =	sdelay $0x1  }
0x183: {  	v11 =	vadd.f32 v13, v11;
	_ =	sdelay $0x1  }
0x184: {  	v23 =	vperm.xlane v8, v3;
	v11 =	vmul.f32 v11, v14  }
0x185: {  	v21 =	vadd.f32 v21, v9  }
0x186: {  	v8 =	vadd.f32 v23, v8;
	v60 =	vperm.xlane v11, v3;
	v59 =	vld [tilespmem:s23+$0x10]  }
0x187: {  	v24 =	vld [tilespmem:s9+$0x7850];
	[tilespmem:s8+$0x10] =	vst v21  }
0x188: {  	v58 =	vperm.xlane v8, v4;
	v11 =	vadd.f32 v60, v11;
	v61 =	vld [tilespmem:s9+$0xC860]  }
0x189: {  	v63 =	vld [tilespmem:s9+$0x7C60]  }
0x18a: {  	v8 =	vadd.f32 v58, v8;
	v25 =	vperm.xlane v11, v4  }
0x18b: {  	v12 =	vadd.f32 v16, v12  }
0x18c: {  	v62 =	vperm.xlane v8, v5;
	v11 =	vadd.f32 v25, v11  }
0x18d: {  	v12 =	vmul.f32 v12, v17  }
0x18e: {  	v8 =	vadd.f32 v62, v8;
	v29 =	vperm.xlane v11, v5;
	v30 =	vld [tilespmem:s9+$0x7860];
	v23 =	vadd.f32 v63, v61  }
0x18f: {  	v31 =	vperm.xlane v12, v3  }
0x190: {  	v28 =	vperm.xlane v8, v6;
	v11 =	vadd.f32 v29, v11;
	v15 =	vadd.f32 v19, v15;
	v32 =	vld [tilespmem:s23+$0x20];
	[tilespmem:s8+$0x20] =	vst v23  }
0x191: {  	v34 =	vmul.f32 $0.0e+00, v7;
	v12 =	vadd.f32 v31, v12;
	v33 =	vadd.f32 v22, v18;
	v35 =	vld [tilespmem:s9+$0xC870]  }
0x192: {  	v8 =	vadd.f32 v28, v8;
	v36 =	vperm.xlane v11, v6;
	v15 =	vmul.f32 v15, v20;
	v37 =	vld [tilespmem:s9+$0x7870]  }
0x193: {  	v38 =	vperm.xlane v12, v4;
	v10 =	vmul.f32 v33, v10;
	v13 =	vadd.f32 v30, v61  }
0x194: {  	v11 =	vadd.f32 v36, v11;
	v39 =	vperm.xlane v15, v3;
	v9 =	vadd.f32 v24, v9;
	v41 =	vld [tilespmem:s23+$0x30]  }
0x195: {  	v8 =	vsel vm1, v8, v34;
	v40 =	vperm.xlane v10, v3;
	v13 =	vmul.f32 v13, v32  }
0x196: {  	v8 =	vsel vm2, v8, v11;
	v15 =	vadd.f32 v39, v15;
	v9 =	vmul.f32 v9, v59  }
0x197: {  	v10 =	vadd.f32 v40, v10;
	v11 =	vperm.xlane v13, v3;
	v17 =	vadd.f32 v37, v35  }
0x198: {  	v12 =	vadd.f32 v38, v12;
	v43 =	vperm.xlane v15, v4;
	v42 =	vperm.xlane v9, v3  }
0x199: {  	v44 =	vperm.xlane v10, v4;
	v11 =	vadd.f32 v11, v13;
	v46 =	vmul.f32 v17, v41  }
0x19a: {  	v45 =	vperm.xlane v12, v5;
	v47 =	vadd.f32 v43, v15;
	v9 =	vadd.f32 v42, v9  }
0x19b: {  	v10 =	vadd.f32 v44, v10;
	v49 =	vperm.xlane v11, v4;
	v50 =	vperm.xlane v46, v3  }
0x19c: {  	v12 =	vadd.f32 v45, v12;
	v19 =	vperm.xlane v47, v5;
	v48 =	vperm.xlane v9, v4  }
0x19d: {  	v20 =	vperm.xlane v10, v5;
	v11 =	vadd.f32 v49, v11;
	v13 =	vadd.f32 v50, v46  }
0x19e: {  	v51 =	vperm.xlane v12, v6;
	v14 =	vadd.f32 v19, v47;
	v9 =	vadd.f32 v48, v9  }
0x19f: {  	v10 =	vadd.f32 v20, v10;
	v53 =	vld [tilespmem:s9+$0x7C70];
	v54 =	vperm.xlane v11, v5;
	v55 =	vperm.xlane v13, v4  }
0x1a0: {  	v12 =	vadd.f32 v51, v12;
	v56 =	vperm.xlane v14, v6;
	v52 =	vperm.xlane v9, v5  }
0x1a1: {  	v57 =	vperm.xlane v10, v6;
	v11 =	vadd.f32 v54, v11;
	v58 =	vadd.f32 v55, v13  }
0x1a2: {  	v8 =	vsel vm3, v8, v12;
	v59 =	vadd.f32 v56, v14;
	v9 =	vadd.f32 v52, v9  }
0x1a3: {  	v10 =	vadd.f32 v57, v10;
	v62 =	vperm.xlane v11, v6;
	v63 =	vperm.xlane v58, v5  }
0x1a4: {  	v8 =	vsel vm4, v8, v59;
	v60 =	vperm.xlane v9, v6;
	v61 =	vadd.f32 v53, v35  }
0x1a5: {  	s12 =	simm.s32 $0x100;
	v8 =	vsel vm5, v8, v10;
	v10 =	vadd.f32 v62, v11;
	v11 =	vadd.f32 v63, v58  }
0x1a6: {  	s15 =	simm.s32 $0x3CC0;
	s11 =	simm.s32 $0x12C00;
	s9 =	simm.s32 $0x12C00;
	v9 =	vadd.f32 v60, v9;
	[tilespmem:s8+$0x30] =	vst v61  }
.LBB2_8:
0x1a7: {  	v12 =	vperm.xlane v11, v6;
	s9 =	sadd.s32 $0x80, s9;
	s14 =	sadd.s32 $0x80, s14;
	s8 =	sadd.s32 $0x80, s8  }
0x1a8: {  	p0 =	sne.s32 s12, $0x2700;
	v8 =	vsel vm6, v8, v9;
	s16 =	smov.u32 s12;
	s12 =	sadd.s32 $0x100, s12  }
0x1a9: {  	v8 =	vsel vm7, v8, v10;
	v9 =	vadd.f32 v12, v11;
	_ =	sdelay $0x1  }
0x1aa: {  	v8 =	vsel vm8, v8, v9  }
0x1ab: {  	v8 =	vmul.f32 $2.500000000e-01, v8;
	_ =	sdelay $0x1  }
0x1ac: {  	s16 =	sand.u32 $0x3800, s16;
	s21 =	sand.u32 $0x380, s14;
	v7 =	vadd.f32 v8, v7  }
0x1ad: {  	s16 =	sor.u32 s21, s16  }
0x1ae: {  	[tilespmem:s11+$0x0] =	vst v7;
	s11 =	smov.u32 s9  }
0x1af: {  	v8 =	vld [tilespmem:s16+$0xC800]  }
0x1b0: {  	v7 =	vld [tilespmem:s16+$0x7C00];
	_ =	sdelay $0x3  }
0x1b1: {  	v9 =	vld [tilespmem:s15+$0xFFFFFFC0]  }
0x1b2: {  	v10 =	vld [tilespmem:s16+$0x7800];
	v11 =	vadd.f32 v7, v8  }
0x1b3: {  	v7 =	vld [tilespmem:s16+$0xCC00]  }
0x1b4: {  	[tilespmem:s8+$0xFFFFFFC0] =	vst v11  }
0x1b5: {  	v11 =	vld [tilespmem:s16+$0xC810]  }
0x1b6: {  	v12 =	vld [tilespmem:s16+$0x7C10]  }
0x1b7: {  	v8 =	vadd.f32 v10, v8;
	_ =	sdelay $0x1  }
0x1b8: {  	v8 =	vmul.f32 v8, v9;
	_ =	sdelay $0x1  }
0x1b9: {  	v9 =	vperm.xlane v8, v3;
	v10 =	vld [tilespmem:s16+$0x7810];
	v12 =	vadd.f32 v12, v11  }
0x1ba: {  	v13 =	vld [tilespmem:s15+$0xFFFFFFD0]  }
0x1bb: {  	v8 =	vadd.f32 v9, v8;
	[tilespmem:s8+$0xFFFFFFD0] =	vst v12  }
0x1bc: {  	v9 =	vld [tilespmem:s16+$0xC820]  }
0x1bd: {  	v12 =	vperm.xlane v8, v4;
	v14 =	vld [tilespmem:s16+$0x7C20]  }
0x1be: {  	v10 =	vadd.f32 v10, v11  }
0x1bf: {  	v8 =	vadd.f32 v12, v8  }
0x1c0: {  	v10 =	vmul.f32 v10, v13  }
0x1c1: {  	v11 =	vperm.xlane v8, v5  }
0x1c2: {  	v12 =	vperm.xlane v10, v3;
	v13 =	vld [tilespmem:s16+$0x7820];
	v14 =	vadd.f32 v14, v9  }
0x1c3: {  	v8 =	vadd.f32 v11, v8;
	v11 =	vld [tilespmem:s15+$0xFFFFFFE0]  }
0x1c4: {  	v10 =	vadd.f32 v12, v10;
	[tilespmem:s8+$0xFFFFFFE0] =	vst v14  }
0x1c5: {  	v12 =	vperm.xlane v8, v6;
	v14 =	vld [tilespmem:s16+$0xC830]  }
0x1c6: {  	v15 =	vperm.xlane v10, v4;
	v16 =	vld [tilespmem:s16+$0x7C30]  }
0x1c7: {  	v17 =	vmul.f32 $0.0e+00, v7;
	v8 =	vadd.f32 v12, v8;
	v9 =	vadd.f32 v13, v9  }
0x1c8: {  	v10 =	vadd.f32 v15, v10  }
0x1c9: {  	v8 =	vsel vm1, v8, v17;
	v9 =	vmul.f32 v9, v11  }
0x1ca: {  	v11 =	vperm.xlane v10, v5  }
0x1cb: {  	v12 =	vperm.xlane v9, v3;
	v13 =	vld [tilespmem:s16+$0x7830];
	v15 =	vadd.f32 v16, v14  }
0x1cc: {  	v10 =	vadd.f32 v11, v10;
	v11 =	vld [tilespmem:s15+$0xFFFFFFF0]  }
0x1cd: {  	v9 =	vadd.f32 v12, v9;
	[tilespmem:s8+$0xFFFFFFF0] =	vst v15  }
0x1ce: {  	v12 =	vperm.xlane v10, v6;
	v15 =	vld [tilespmem:s16+$0xC840]  }
0x1cf: {  	v16 =	vperm.xlane v9, v4;
	v17 =	vld [tilespmem:s16+$0x7C40]  }
0x1d0: {  	v10 =	vadd.f32 v12, v10;
	v12 =	vadd.f32 v13, v14;
	v13 =	vld [tilespmem:s16+$0x7840]  }
0x1d1: {  	v9 =	vadd.f32 v16, v9  }
0x1d2: {  	v8 =	vsel vm2, v8, v10;
	v10 =	vmul.f32 v12, v11  }
0x1d3: {  	v11 =	vperm.xlane v9, v5  }
0x1d4: {  	v12 =	vperm.xlane v10, v3;
	v14 =	vadd.f32 v17, v15  }
0x1d5: {  	v9 =	vadd.f32 v11, v9;
	v11 =	vld [tilespmem:s15+$0x0];
	v13 =	vadd.f32 v13, v15  }
0x1d6: {  	v10 =	vadd.f32 v12, v10;
	[tilespmem:s8+$0x0] =	vst v14  }
0x1d7: {  	v12 =	vperm.xlane v9, v6;
	v14 =	vld [tilespmem:s16+$0xC850]  }
0x1d8: {  	v15 =	vperm.xlane v10, v4;
	v16 =	vld [tilespmem:s16+$0x7C50]  }
0x1d9: {  	v9 =	vadd.f32 v12, v9;
	v12 =	vld [tilespmem:s15+$0x10]  }
0x1da: {  	v10 =	vadd.f32 v15, v10;
	v11 =	vmul.f32 v13, v11;
	v13 =	vld [tilespmem:s16+$0x7850]  }
0x1db: {  	v8 =	vsel vm3, v8, v9  }
0x1dc: {  	v9 =	vperm.xlane v10, v5;
	v15 =	vperm.xlane v11, v3  }
0x1dd: {  	v16 =	vadd.f32 v16, v14  }
0x1de: {  	v9 =	vadd.f32 v9, v10;
	v10 =	vadd.f32 v15, v11  }
0x1df: {  	v11 =	vadd.f32 v13, v14;
	[tilespmem:s8+$0x10] =	vst v16  }
0x1e0: {  	v13 =	vperm.xlane v9, v6;
	v14 =	vperm.xlane v10, v4;
	v15 =	vld [tilespmem:s16+$0xC860]  }
0x1e1: {  	v11 =	vmul.f32 v11, v12;
	v12 =	vld [tilespmem:s16+$0x7C60]  }
0x1e2: {  	v9 =	vadd.f32 v13, v9;
	v10 =	vadd.f32 v14, v10;
	v13 =	vld [tilespmem:s15+$0x20]  }
0x1e3: {  	v14 =	vperm.xlane v11, v3;
	v16 =	vld [tilespmem:s16+$0x7860]  }
0x1e4: {  	v8 =	vsel vm4, v8, v9;
	v9 =	vperm.xlane v10, v5  }
0x1e5: {  	v11 =	vadd.f32 v14, v11  }
0x1e6: {  	v9 =	vadd.f32 v9, v10;
	v10 =	vadd.f32 v12, v15  }
0x1e7: {  	v12 =	vperm.xlane v11, v4  }
0x1e8: {  	v14 =	vperm.xlane v9, v6;
	v15 =	vadd.f32 v16, v15;
	[tilespmem:s8+$0x20] =	vst v10  }
0x1e9: {  	v10 =	vadd.f32 v12, v11;
	v11 =	vld [tilespmem:s16+$0xC870]  }
0x1ea: {  	v9 =	vadd.f32 v14, v9;
	v12 =	vmul.f32 v15, v13;
	v13 =	vld [tilespmem:s16+$0x7870]  }
0x1eb: {  	v14 =	vperm.xlane v10, v5;
	v15 =	vld [tilespmem:s15+$0x30]  }
0x1ec: {  	v8 =	vsel vm5, v8, v9;
	v9 =	vperm.xlane v12, v3;
	v16 =	vld [tilespmem:s16+$0x7C70]  }
0x1ed: {  	v10 =	vadd.f32 v14, v10  }
0x1ee: {  	v12 =	vadd.f32 v9, v12  }
0x1ef: {  	v9 =	vperm.xlane v10, v6;
	v13 =	vadd.f32 v13, v11  }
0x1f0: {  	v14 =	vperm.xlane v12, v4  }
0x1f1: {  	v9 =	vadd.f32 v9, v10;
	v10 =	vadd.f32 v16, v11;
	v11 =	vmul.f32 v13, v15  }
0x1f2: {  	v12 =	vadd.f32 v14, v12  }
0x1f3: {  	v13 =	vperm.xlane v11, v3;
	[tilespmem:s8+$0x30] =	vst v10  }
0x1f4: {  	v10 =	vperm.xlane v12, v5  }
0x1f5: {  	v11 =	vadd.f32 v13, v11  }
0x1f6: {  	v10 =	vadd.f32 v10, v12  }
0x1f7: {  	v12 =	vperm.xlane v11, v4  }
0x1f8: {  	v13 =	vperm.xlane v10, v6  }
0x1f9: {  	v11 =	vadd.f32 v12, v11  }
.Ltmp8:
0x1fa: {  	v10 =	vadd.f32 v13, v10;
	(pc) =	sbr.rel @p0 .LBB2_8-.Ltmp8, $3  }
0x1fb: {  	v12 =	vperm.xlane v11, v5;
	_ =	sdelay $0x1  }
0x1fc: {  	v11 =	vadd.f32 v12, v11  }
0x1fd: {  	s15 =	sadd.s32 $0x80, s15  }
0x1fe: {  	v12 =	vperm.xlane v11, v6;
	_ =	sdelay $0x1  }
0x1ff: {  	v8 =	vsel vm6, v8, v9;
	v63 =	vadd.f32 v12, v11  }
0x200: {  	v8 =	vsel vm7, v8, v10  }
0x201: {  	v8 =	vsel vm8, v8, v63  }
0x202: {  	v8 =	vmul.f32 $2.500000000e-01, v8;
	_ =	sdelay $0x1  }
0x203: {  	v7 =	vadd.f32 v8, v7  }
.Ltmp9:
0x204: {  	s8 =	sshll.u32 s13, $0x4;
	(pc) =	sbr.rel .LBB2_10-.Ltmp9, $4  }
0x205: {  	s9 =	sadd.s32 s6, s8;
	[tilespmem:s11+$0x0] =	vst v7  }
0x206: {  	[hbm4b:s9+s2] =	stream.linear.scatter [tilespmem:s31], [sflag:$0x8], $0x1400, $0x38;
	[tilespmem:$0x14000] =	vst v63  }
0x207: {  	s8 =	sadd.s32 s7, s8  }
0x208: {  	[hbm4b:s8+s2] =	stream.linear.scatter [tilespmem:s1], [sflag:$0xA], $0x1400, $0x38;
	[tilespmem:$0x14000] =	vst v63  }
.LBB2_12:
0x209: {  	_ =	sfence.sel $0x180000  }
0x20a: {  	[bflag:$0x0] =	sbarrier.arrive $0xFFFF  }
0x20b: {  	_ =	strace $0x9000004D  }
0x20c: {  	s0 =	stileid.u32;
	[bflag:$0x2] =	sbarrier.arrive $0xFFFF  }
0x20d: {  	p0 =	sne.s32 s0, $0x0;
	s0 =	rddreg [dreg:$0x1]  }
0x20e: {  	s0 =	sadd.s32 @!p0 $0x100000, s0  }
0x20f: {  	[sflag:s0] =	ssyncadd.tile.s32 @!p0 $0x1;
	_ =	shalt  }
.Lfunc_end2:
_tile_overlayer_lowered:
.L_overlay_start_2:
0x210: {  	(tag) =	ssettag $0x2  }
0x211: {  	s0 =	rddreg [dreg:$0x0];
	s2 =	stileid.u32  }
0x212: {  	s1 =	rddreg [dreg:$0x1];
	p0 =	sne.s32 s2, $0x0  }
0x213: {  	s3 =	rddreg [dreg:$0x2];
	[bflag:$0x3] =	sbarrier.arrive $0xFFFF;
	s2 =	simm.s32 @!p0 $0x1C0B  }
0x214: {  	[timem:s3], [sflag:s2] =	dma.local @!p0 [hbm:s0], s1  }
0x215: {  	s0 =	simm.s32 @!p0 $0xB  }
0x216: {  	_ =	swait.ge @!p0 [sflag:s0], s1  }
0x217: {  	s1 =	ssub.s32 @!p0 $0x0, s1;
	[sflag:s0] =	ssyncset.done @!p0 $0x0  }
0x218: {  	[sflag:s0] =	ssyncadd.s32 @!p0 s1  }
0x219: {  	[bflag:$0x3] =	sbarrier.arrive $0xFFFF  }
0x21a: {  	_ =	shalt  }

// kernel: kernel.25.cloned.1.call-start
scs
__scs_entry_jumppad:
0x0: {  	(pc) =	sbr.rel $0x88, $3  }
0x1: {  	(tag) =	ssettag $0x0;
	lr =	simm.s32 $0x1  }
0x2: {  	[smem:$0x3F56] =	sst lr;
	_ =	strace $0xD0000000  }
0x3: {  	_ = 	snop  }
0x4: {  	_ = 	snop  }
0x5: {  	_ = 	snop  }
0x6: {  	_ = 	snop  }
0x7: {  	_ = 	snop  }
__scs_overlays_trampoline_lowered:
0x8: {  	[smem:$0x3F65] =	sst s0  }
0x9: {  	[smem:$0x3F66] =	sst s1  }
0xa: {  	[smem:$0x3F67] =	sst s2  }
0xb: {  	[smem:$0x3F68] =	sst s3  }
0xc: {  	[smem:$0x3F69] =	sst s4  }
0xd: {  	[smem:$0x3F6A] =	sst s5  }
0xe: {  	[smem:$0x3F6B] =	sst s6  }
0xf: {  	[smem:$0x3F6C] =	sst s7  }
0x10: {  	[smem:$0x3F6D] =	sst s8  }
0x11: {  	[smem:$0x3F6E] =	sst s9;
	s0 =	simm.s32 @!p0 $0x0  }
0x12: {  	s1 =	sld [smem:$0x3F54];
	s0 =	simm.s32 @p0 $0x1  }
0x13: {  	[smem:$0x3F6F] =	sst s0;
	s0 =	simm.s32 @!p1 $0x0  }
0x14: {  	s2 =	sld [smem:$0x3F53];
	s0 =	simm.s32 @p1 $0x1  }
0x15: {  	[smem:$0x3F70] =	sst s0;
	s0 =	simm.s32 @!p2 $0x0  }
0x16: {  	s3 =	sld [smem:$0x3FDB];
	s0 =	simm.s32 @p2 $0x1  }
0x17: {  	s4 =	simm.s32 $0x1BF5;
	[smem:$0x3F72] =	sst s0  }
0x18: {  	s0 =	sld [smem:$0x3F55];
	_ =	swait.ge [sflag:s4], $0x0  }
0x19: {  	s7 =	sld [smem:$0x3F56]  }
0x1a: {  	s8 =	sadd.s32 $0xFFFFE003, lr  }
0x1b: {  	s9 =	sadd.s32 $0xFFFFFEF7, lr;
	s5 =	simm.s32 $0xFFFFFFFF;
	p2 =	slt.u32 s8, $0xFFFFF086  }
0x1c: {  	p1 =	slt.u32 s9, $0xF7A;
	s5 =	simm.s32 @!p2 $0x0  }
0x1d: {  	s5 =	simm.s32 @p1 $0x1;
	p0 =	seq.s32 s7, s2  }
0x1e: {  	s7 =	smul.u32 @!p0 $0xF7A, s2;
	p2 =	seq.s32 @!p0 s5, $0x0  }
0x1f: {  	s9 =	smul.u32 $0xF7A, s1;
	s8 =	simm.s32 @!p0 $0x1BF5;
	p2 =	por !p2, p0  }
0x20: {  	[sflag:s8] =	ssyncset.s32 @!p0 $0xFFFFF086;
	s6 =	sadd.s32 @!p0 s3, s7;
	s7 =	simm.s32 @!p0 $0x108  }
0x21: {  	s3 =	sadd.s32 s3, s9;
	s6 =	sadd.s32 @!p0 $0x88, s6;
	s7 =	simm.s32 @p2 $0x1082  }
0x22: {  	[simem:s7], [sflag:s8] =	dma.local @!p0 [hbm:s6], $0xF7A  }
0x23: {  	s9 =	sor.u32 $0xD0000000, s2;
	s6 =	simm.s32 $0x108;
	_ =	swait.ge @!p0 [sflag:s8], $0x0  }
0x24: {  	s3 =	sadd.s32 $0x88, s3;
	s6 =	simm.s32 @!p1 $0x1082;
	[sflag:s4] =	ssyncset.s32 $0xFFFFF086  }
0x25: {  	[simem:s6], [sflag:s4] =	dma.local [hbm:s3], $0xF7A  }
0x26: {  	[smem:$0x3F56] =	sst s1;
	(tag) =	ssettag s2;
	_ =	strace s9  }
0x27: {  	s1 =	sld [smem:$0x3F66]  }
0x28: {  	s2 =	sld [smem:$0x3F67]  }
0x29: {  	s4 =	sld [smem:$0x3F69]  }
0x2a: {  	p0 =	seq.s32 s5, $0x0;
	s5 =	sld [smem:$0x3F6A]  }
0x2b: {  	s6 =	sld [smem:$0x3F6B]  }
0x2c: {  	s7 =	sld [smem:$0x3F6C]  }
0x2d: {  	s3 =	simm.s32 $0x108;
	s8 =	sld [smem:$0x3F6D]  }
0x2e: {  	s3 =	simm.s32 @!p0 $0x1082;
	s9 =	sld [smem:$0x3F6E]  }
0x2f: {  	lr =	sadd.s32 s0, s3;
	s0 =	sld [smem:$0x3F65]  }
0x30: {  	s3 =	sld [smem:$0x3F68]  }
0x31: {  	[smem:$0x3F71] =	sst s10  }
0x32: {  	s10 =	sld [smem:$0x3F6F];
	_ =	sdelay $0x3  }
0x33: {  	p0 =	seq.s32 s10, $0x1;
	s10 =	sld [smem:$0x3F71];
	_ =	sdelay $0x3  }
0x34: {  	[smem:$0x3F71] =	sst s10  }
0x35: {  	s10 =	sld [smem:$0x3F70];
	_ =	sdelay $0x3  }
0x36: {  	p1 =	seq.s32 s10, $0x1;
	s10 =	sld [smem:$0x3F71];
	_ =	sdelay $0x3  }
0x37: {  	[smem:$0x3F71] =	sst s10  }
0x38: {  	s10 =	sld [smem:$0x3F72]  }
0x39: {  	_ = 	snop;
	(pc) =	sbr.ind lr, $3  }
0x3a: {  	_ = 	snop  }
0x3b: {  	_ = 	snop  }
0x3c: {  	p2 =	seq.s32 s10, $0x1;
	s10 =	sld [smem:$0x3F71]  }
0x3d: {  	_ =	shalt  }
0x3e: {  	_ =	shalt  }
0x3f: {  	_ =	shalt  }
0x40: {  	_ =	shalt  }
0x41: {  	_ =	shalt  }
0x42: {  	_ =	shalt  }
0x43: {  	_ =	shalt  }
0x44: {  	_ =	shalt  }
0x45: {  	_ =	shalt  }
0x46: {  	_ =	shalt  }
0x47: {  	_ =	shalt  }
0x48: {  	_ =	shalt  }
0x49: {  	_ =	shalt  }
0x4a: {  	_ =	shalt  }
0x4b: {  	_ =	shalt  }
0x4c: {  	_ =	shalt  }
0x4d: {  	_ =	shalt  }
0x4e: {  	_ =	shalt  }
0x4f: {  	_ =	shalt  }
0x50: {  	_ =	shalt  }
0x51: {  	_ =	shalt  }
0x52: {  	_ =	shalt  }
0x53: {  	_ =	shalt  }
0x54: {  	_ =	shalt  }
0x55: {  	_ =	shalt  }
0x56: {  	_ =	shalt  }
0x57: {  	_ =	shalt  }
0x58: {  	_ =	shalt  }
0x59: {  	_ =	shalt  }
0x5a: {  	_ =	shalt  }
0x5b: {  	_ =	shalt  }
0x5c: {  	_ =	shalt  }
0x5d: {  	_ =	shalt  }
0x5e: {  	_ =	shalt  }
0x5f: {  	_ =	shalt  }
0x60: {  	_ =	shalt  }
0x61: {  	_ =	shalt  }
0x62: {  	_ =	shalt  }
0x63: {  	_ =	shalt  }
0x64: {  	_ =	shalt  }
0x65: {  	_ =	shalt  }
0x66: {  	_ =	shalt  }
0x67: {  	_ =	shalt  }
0x68: {  	_ =	shalt  }
0x69: {  	_ =	shalt  }
0x6a: {  	_ =	shalt  }
0x6b: {  	_ =	shalt  }
0x6c: {  	_ =	shalt  }
0x6d: {  	_ =	shalt  }
0x6e: {  	_ =	shalt  }
0x6f: {  	_ =	shalt  }
0x70: {  	_ =	shalt  }
0x71: {  	_ =	shalt  }
0x72: {  	_ =	shalt  }
0x73: {  	_ =	shalt  }
0x74: {  	_ =	shalt  }
0x75: {  	_ =	shalt  }
0x76: {  	_ =	shalt  }
0x77: {  	_ =	shalt  }
0x78: {  	_ =	shalt  }
0x79: {  	_ =	shalt  }
0x7a: {  	_ =	shalt  }
0x7b: {  	_ =	shalt  }
0x7c: {  	_ =	shalt  }
0x7d: {  	_ =	shalt  }
0x7e: {  	_ =	shalt  }
0x7f: {  	_ =	shalt  }
0x80: {  	_ =	shalt  }
0x81: {  	_ =	shalt  }
0x82: {  	_ =	shalt  }
0x83: {  	_ =	shalt  }
0x84: {  	_ =	shalt  }
0x85: {  	_ =	shalt  }
0x86: {  	_ =	shalt  }
0x87: {  	_ =	shalt  }
.Lfunc_end0:
.L_simem_size_0:
called_computation.3_lowered:
.L_overlay_start_0:
0x88: {  	s2 =	sld [smem:$0x3FD9]  }
0x89: {  	s3 =	sld [smem:$0x3FFE];
	_ =	sdelay $0x1  }
0x8a: {  	s1 =	srdreg.scid  }
0x8b: {  	s0 =	sand.u32 $0x1, s1  }
0x8c: {  	s16 =	sshll.u32 s0, $0xA;
	s2 =	sadd.s32 s3, s2  }
0x8d: {  	s2 =	sadd.s32 s2, s16  }
0x8e: {  	[smem:$0x3F7D] =	sst s2  }
0x8f: {  	_ = 	snop  }
0x90: {  	(tm) =	ssettm $0x1  }
0x91: {  	s17 =	sld [smem:$0x3FFB];
	_ =	sdelay $0x3  }
0x92: {  	_ =	strace s17  }
0x93: {  	s2 =	sld [smem:$0x3FFC];
	_ =	sdelay $0x3  }
0x94: {  	_ =	strace s2  }
0x95: {  	s2 =	sld [smem:$0x3FFD];
	_ =	sdelay $0x3  }
0x96: {  	_ =	strace s2  }
0x97: {  	_ =	strace $0x8FFFFFFF  }
0x98: {  	s18 =	sld [smem:$0x3FDB];
	_ =	sdelay $0x1  }
0x99: {  	s19 =	simm.s32 $_scs_section_size  }
0x9a: {  	s4 =	simm.s32 $_size__tile_overlayer_lowered;
	s5 =	simm.s32 $_tile_overlayer_lowered  }
0x9b: {  	s22 =	simm.s32 $0x1BFF;
	s21 =	sshll.u32 s5, $0x1;
	s2 =	sadd.s32 s19, s18  }
0x9c: {  	s6 =	simm.s32 $0x0;
	s20 =	sshll.u32 s4, $0x1;
	s4 =	sadd.s32 s21, s2  }
0x9d: {  	[timem:s6], [sflag:s22] =	dma.local [hbm:s4], s20  }
0x9e: {  	_ =	swait.ge [sflag:s22], s20  }
0x9f: {  	s3 =	ssub.s32 $0x0, s20;
	[sflag:s22] =	ssyncset.done $0x0  }
0xa0: {  	[sflag:s22] =	ssyncadd.s32 s3;
	_ =	sdelay $0x1  }
0xa1: {  	s23 =	simm.s32 $0x1B8B  }
0xa2: {  	_ =	swait.ge [sflag:s23], $0x1  }
0xa3: {  	[sflag:s23] =	ssyncset.done $0x0  }
0xa4: {  	s25 =	simm.s32 $0x1B8E;
	s24 =	sld [smem:$0x3FFE];
	[sflag:s23] =	ssyncadd.s32 $0xFFFFFFFF  }
0xa5: {  	s26 =	simm.s32 $execute0_lowered;
	[smem:$0x3FD2] =	sst s25  }
0xa6: {  	s4 =	sshll.u32 s26, $0x1;
	_ =	strace $0x8000004F;
	[dreg:$0x1] =	wrdreg $0xFFFFFFFF  }
0xa7: {  	s28 =	simm.s32 $_size_execute0_lowered;
	s2 =	sadd.s32 s2, s4;
	[dreg:$0x0] =	wrdreg $0x0  }
0xa8: {  	s4 =	sshll.u32 s28, $0x1;
	[dreg:$0x2] =	wrdreg s2  }
0xa9: {  	[dreg:$0x3] =	wrdreg s4  }
0xaa: {  	[dreg:$0x4] =	wrdreg $0xC0  }
0xab: {  	_ =	task [dreg:s6], $0x5FFFF  }
0xac: {  	[dreg:$0x1] =	wrdreg $0xFFFFFFFF  }
0xad: {  	[dreg:$0x0] =	wrdreg $0x60  }
0xae: {  	[dreg:$0x2] =	wrdreg s24  }
0xaf: {  	[dreg:$0x3] =	wrdreg $0x0  }
0xb0: {  	[dreg:$0x4] =	wrdreg $0x9  }
0xb1: {  	_ =	task.clear_ibuf [dreg:s6], $0x5FFFF;
	_ =	strace $0x9000004F  }
0xb2: {  	s29 =	simm.s32 $0x9;
	_ =	strace $0x80000051  }
0xb3: {  	_ =	swait.ge [sflag:s29], $0x1  }
0xb4: {  	[sflag:s29] =	ssyncadd.s32 $0xFFFFFFFF  }
0xb5: {  	_ =	strace $0x90000051  }
0xb6: {  	_ =	sfence  }
0xb7: {  	s30 =	sld [smem:$0x0];
	_ =	sdelay $0x2  }
0xb8: {  	s31 =	sshll.u32 s1, $0xD;
	s1 =	sshrl.u32 s1, $0x2  }
0xb9: {  	s3 =	sand.u32 $0x4000, s31;
	s1 =	sadd.s32 s1, s30  }
0xba: {  	s0 =	sor.u32 s3, s0;
	s1 =	sshll.u32 s1, $0x11  }
0xbb: {  	s0 =	sor.u32 s1, s0  }
0xbc: {  	s0 =	sadd.s32 $0x8F2B, s0  }
0xbd: {  	[sflag:s0] =	ssyncadd.remote.s32 $0x1  }
0xbe: {  	_ =	sfence.sel $0xFFFF  }
0xbf: {  	[dreg:$0x0] =	wrdreg $0xFFFFFFFF;
	(pc) =	sbr.abs _section_cstart, $3  }
0xc0: {  	[dreg:$0x1] =	wrdreg $0xFFFFFFFF  }
0xc1: {  	_ =	task.clear_ibuf [dreg:s6], $0x2FFFF;
	_ =	strace $0x9FFFFFFF  }
0xc2: {  	(tm) =	ssettm $0x7FFFFFFF  }
0xc3: {  	_ =	shalt  }
tec
execute0_lowered:
.L_overlay_start_1:
0x0: {  	(tag) =	ssettag $0x1  }
0x1: {  	s6 =	rddreg [dreg:$0x0]  }
0x2: {  	s2 =	rddreg [dreg:$0x1];
	s1 =	stileid.u32  }
0x3: {  	s0 =	rddreg [dreg:$0x2];
	s3 =	simm.s32 $0x0;
	s30 =	srdreg.scid  }
0x4: {  	s15 =	simm.s32 $0x1;
	s18 =	simm.s32 $0x16780;
	s19 =	simm.s32 $0xC8  }
0x5: {  	s20 =	simm.s32 $0x0;
	s4 =	smul.u32 $0x27100, s1;
	s5 =	sshrl.u32 s1, $0x3  }
0x6: {  	s7 =	sshll.u32 s1, $0x7;
	[smem:$0x7FF] =	sst s3;
	s31 =	smul.u32 $0x50000, s1  }
0x7: {  	s12 =	sand.u32 $0x1, s30;
	s16 =	sshll.u32 s1, $0x6;
	s5 =	smul.u32 $0x13C00, s5  }
0x8: {  	s7 =	sand.u32 $0x380, s7;
	_ =	strace $0x80000050;
	s10 =	ssub.s32 $0x2, s12  }
0x9: {  	p0 =	sne.s32 s12, $0x0;
	s12 =	simm.s32 $0x80;
	s16 =	sor.u32 $0x1C01, s16  }
0xa: {  	s11 =	sadd.s32 s4, s6;
	s4 =	smul.u32 $0x2800, s1;
	s13 =	sshrl.u32 s10, $0x1  }
0xb: {  	s14 =	sshrl.u32 s31, $0x2;
	s29 =	sor.u32 s7, s5;
	s10 =	ssub.s32 s10, s13  }
.Ltmp0:
0xc: {  	s17 =	sadd.s32 s14, s2;
	s13 =	simm.s32 $0x400;
	(pc) =	sbr.rel .LBB2_1-.Ltmp0, $4  }
0xd: {  	s14 =	simm.s32 $0x14000;
	s5 =	sshrl.u32 s29, $0x3;
	s9 =	sadd.s32 s4, s6  }
0xe: {  	s8 =	sadd.s32 s5, s6;
	s5 =	sadd.s32 $0xDA00, s6;
	s6 =	sadd.s32 $0x35A00, s6  }
0xf: {  	s17 =	sshrl.u32 s17, $0x3;
	s7 =	sadd.s32 $0xF37E00, s8;
	s8 =	sadd.s32 $0x4FEA00, s9  }
0x10: {  	s9 =	smax.u32 s10, $0x1;
	s10 =	sadd.s32 $0x526A00, s11;
	s11 =	sadd.s32 $0x28DA00, s11  }
.LBB2_7:
0x11: {  	[sflag:s15] =	ssyncadd.s32 $0xFFFF9C00;
	s21 =	smov.u32 s6  }
.LBB2_8:
0x12: {  	s20 =	sadd.s32 $0x1, s20  }
0x13: {  	p1 =	sne.s32 s20, s9  }
.Ltmp1:
0x14: {  	s21 =	sadd.s32 s21, s4;
	[bflag:$0x0] =	sbarrier.arrive $0xFFFF;
	(pc) =	sbr.rel @!p1 .LBB2_9-.Ltmp1, $4  }
0x15: {  	[hbm:s21], [sflag:s16] =	dma.local [spmem:s17], $0x2800  }
0x16: {  	_ =	swait.ge [sflag:s15], $0x2800  }
0x17: {  	[sflag:s15] =	ssyncset.done $0x0  }
0x18: {  	[sflag:s15] =	ssyncadd.s32 $0xFFFFD800  }
.LBB2_1:
0x19: {  	[tilespmem:s14], [sflag:$0x1] =	stream.strided.gather [hbm4b:s7+s12], $0x2780, s13, s12, $0x38;
	[tilespmem:$0x1CB80] =	vst v63  }
0x1a: {  	_ =	swait.ge [sflag:s15], $0x2780  }
0x1b: {  	[sflag:s15] =	ssyncset.done $0x0  }
0x1c: {  	[sflag:s15] =	ssyncadd.s32 $0xFFFFD880  }
0x1d: {  	[spmem:s17], [sflag:s16] =	dma.local [hbm:s8], $0x2800  }
.Ltmp2:
0x1e: {  	_ =	swait.ge [sflag:s15], $0x2800;
	(pc) =	sbr.rel @p0 .LBB2_5-.Ltmp2, $3  }
0x1f: {  	[sflag:s15] =	ssyncset.done $0x0  }
0x20: {  	[sflag:s15] =	ssyncadd.s32 $0xFFFFD800  }
0x21: {  	[bflag:$0x0] =	sbarrier.arrive $0xFFFF;
	_ =	sdelay $0x1  }
0x22: {  	[tilespmem:s18], [sflag:$0x1] =	stream.linear.gather [hbm4b:s11+s3], $0x6400, $0x38;
	[tilespmem:$0x1CB80] =	vst v63  }
0x23: {  	_ =	swait.ge [sflag:s15], $0x6400  }
0x24: {  	[sflag:s15] =	ssyncset.done $0x0  }
0x25: {  	s21 =	simm.s32 $0x14000;
	[sflag:s15] =	ssyncadd.s32 $0xFFFF9C00  }
0x26: {  	[spmem:s2] =	stream.indirect.scatter.add.f32 [tilespmem:s18], [sflag:$0x1], $0x80, s21, s19, $0xb8;
	[tilespmem:$0x1CB80] =	vst v63  }
0x27: {  	_ =	swait.ge [sflag:s15], $0x6400  }
0x28: {  	s22 =	smov.u32 s11;
	s21 =	simm.s32 $0x320;
	[sflag:s15] =	ssyncset.done $0x0  }
.LBB2_3:
0x29: {  	p1 =	seq.s32 s21, $0x9920;
	[sflag:s15] =	ssyncadd.s32 $0xFFFF9C00;
	s22 =	sadd.s32 $0xC80, s22  }
0x2a: {  	[tilespmem:s18], [sflag:$0x1] =	stream.linear.gather [hbm4b:s22+s3], $0x6400, $0x38;
	[tilespmem:$0x1CB80] =	vst v63  }
0x2b: {  	s23 =	smov.u32 s21;
	s21 =	sadd.s32 $0x320, s21;
	_ =	swait.ge [sflag:s15], $0x6400  }
.Ltmp3:
0x2c: {  	s23 =	sshra.s32 s23, $0x2;
	[sflag:s15] =	ssyncset.done $0x0;
	(pc) =	sbr.rel @!p1 .LBB2_3-.Ltmp3, $4  }
0x2d: {  	s23 =	sadd.s32 $0x14000, s23;
	[sflag:s15] =	ssyncadd.s32 $0xFFFF9C00  }
0x2e: {  	[spmem:s2] =	stream.indirect.scatter.add.f32 [tilespmem:s18], [sflag:$0x1], $0x80, s23, s19, $0xb8;
	[tilespmem:$0x1CB80] =	vst v63  }
0x2f: {  	_ =	swait.ge [sflag:s15], $0x6400  }
0x30: {  	[sflag:s15] =	ssyncset.done $0x0  }
.Ltmp4:
0x31: {  	(pc) =	sbr.rel .LBB2_8-.Ltmp4, $2  }
0x32: {  	_ =	sdelay $0x2  }
0x33: {  	[sflag:s15] =	ssyncadd.s32 $0xFFFF9C00;
	s21 =	smov.u32 s5  }
.LBB2_5:
0x34: {  	[tilespmem:s18], [sflag:$0x1] =	stream.linear.gather [hbm4b:s10+s3], $0x6400, $0x38;
	[tilespmem:$0x1CB80] =	vst v63  }
0x35: {  	_ =	swait.ge [sflag:s15], $0x6400  }
0x36: {  	[sflag:s15] =	ssyncset.done $0x0  }
0x37: {  	s21 =	simm.s32 $0x14000;
	[sflag:s15] =	ssyncadd.s32 $0xFFFF9C00  }
0x38: {  	[spmem:s2] =	stream.indirect.scatter.add.f32 [tilespmem:s18], [sflag:$0x1], $0x80, s21, s19, $0xb8;
	[tilespmem:$0x1CB80] =	vst v63  }
0x39: {  	_ =	swait.ge [sflag:s15], $0x6400  }
0x3a: {  	s22 =	smov.u32 s10;
	s21 =	simm.s32 $0x320;
	[sflag:s15] =	ssyncset.done $0x0  }
.LBB2_6:
0x3b: {  	p1 =	sne.s32 s21, $0x9920;
	[sflag:s15] =	ssyncadd.s32 $0xFFFF9C00;
	s22 =	sadd.s32 $0xC80, s22  }
0x3c: {  	[tilespmem:s18], [sflag:$0x1] =	stream.linear.gather [hbm4b:s22+s3], $0x6400, $0x38;
	[tilespmem:$0x1CB80] =	vst v63  }
0x3d: {  	s23 =	smov.u32 s21;
	s21 =	sadd.s32 $0x320, s21;
	_ =	swait.ge [sflag:s15], $0x6400  }
.Ltmp5:
0x3e: {  	s23 =	sshra.s32 s23, $0x2;
	[sflag:s15] =	ssyncset.done $0x0;
	(pc) =	sbr.rel @p1 .LBB2_6-.Ltmp5, $4  }
0x3f: {  	s23 =	sadd.s32 $0x14000, s23;
	[sflag:s15] =	ssyncadd.s32 $0xFFFF9C00  }
0x40: {  	[spmem:s2] =	stream.indirect.scatter.add.f32 [tilespmem:s18], [sflag:$0x1], $0x80, s23, s19, $0xb8;
	[tilespmem:$0x1CB80] =	vst v63  }
0x41: {  	_ =	swait.ge [sflag:s15], $0x6400  }
0x42: {  	[sflag:s15] =	ssyncset.done $0x0  }
.Ltmp6:
0x43: {  	_ = 	snop;
	(pc) =	sbr.rel .LBB2_7-.Ltmp6, $1  }
0x44: {  	_ =	sdelay $0x3  }
.LBB2_9:
0x45: {  	_ =	sfence.sel $0x180000  }
0x46: {  	[bflag:$0x0] =	sbarrier.arrive $0xFFFF  }
0x47: {  	p0 =	sne.s32 s1, $0x0;
	_ =	strace $0x90000050  }
0x48: {  	s0 =	sadd.s32 @!p0 $0x100000, s0;
	[bflag:$0x2] =	sbarrier.arrive $0xFFFF  }
0x49: {  	[sflag:s0] =	ssyncadd.tile.s32 @!p0 $0x1;
	_ =	shalt  }
.Lfunc_end2:
_tile_overlayer_lowered:
.L_overlay_start_2:
0x4a: {  	(tag) =	ssettag $0x2  }
0x4b: {  	s0 =	rddreg [dreg:$0x0];
	s2 =	stileid.u32  }
0x4c: {  	s1 =	rddreg [dreg:$0x1];
	p0 =	sne.s32 s2, $0x0  }
0x4d: {  	s3 =	rddreg [dreg:$0x2];
	[bflag:$0x3] =	sbarrier.arrive $0xFFFF;
	s2 =	simm.s32 @!p0 $0x1C01  }
0x4e: {  	[timem:s3], [sflag:s2] =	dma.local @!p0 [hbm:s0], s1  }
0x4f: {  	s0 =	simm.s32 @!p0 $0x1  }
0x50: {  	_ =	swait.ge @!p0 [sflag:s0], s1  }
0x51: {  	s1 =	ssub.s32 @!p0 $0x0, s1;
	[sflag:s0] =	ssyncset.done @!p0 $0x0  }
0x52: {  	[sflag:s0] =	ssyncadd.s32 @!p0 s1  }
0x53: {  	[bflag:$0x3] =	sbarrier.arrive $0xFFFF  }
0x54: {  	_ =	shalt  }

// kernel: kernel.28.cloned.1.call-start
scs
__scs_entry_jumppad:
0x0: {  	(pc) =	sbr.rel $0x88, $3  }
0x1: {  	(tag) =	ssettag $0x0;
	lr =	simm.s32 $0x1  }
0x2: {  	[smem:$0x3F56] =	sst lr;
	_ =	strace $0xD0000000  }
0x3: {  	_ = 	snop  }
0x4: {  	_ = 	snop  }
0x5: {  	_ = 	snop  }
0x6: {  	_ = 	snop  }
0x7: {  	_ = 	snop  }
__scs_overlays_trampoline_lowered:
0x8: {  	[smem:$0x3F65] =	sst s0  }
0x9: {  	[smem:$0x3F66] =	sst s1  }
0xa: {  	[smem:$0x3F67] =	sst s2  }
0xb: {  	[smem:$0x3F68] =	sst s3  }
0xc: {  	[smem:$0x3F69] =	sst s4  }
0xd: {  	[smem:$0x3F6A] =	sst s5  }
0xe: {  	[smem:$0x3F6B] =	sst s6  }
0xf: {  	[smem:$0x3F6C] =	sst s7  }
0x10: {  	[smem:$0x3F6D] =	sst s8  }
0x11: {  	[smem:$0x3F6E] =	sst s9;
	s0 =	simm.s32 @!p0 $0x0  }
0x12: {  	s1 =	sld [smem:$0x3F54];
	s0 =	simm.s32 @p0 $0x1  }
0x13: {  	[smem:$0x3F6F] =	sst s0;
	s0 =	simm.s32 @!p1 $0x0  }
0x14: {  	s2 =	sld [smem:$0x3F53];
	s0 =	simm.s32 @p1 $0x1  }
0x15: {  	[smem:$0x3F70] =	sst s0;
	s0 =	simm.s32 @!p2 $0x0  }
0x16: {  	s3 =	sld [smem:$0x3FDB];
	s0 =	simm.s32 @p2 $0x1  }
0x17: {  	s4 =	simm.s32 $0x1BF5;
	[smem:$0x3F72] =	sst s0  }
0x18: {  	s0 =	sld [smem:$0x3F55];
	_ =	swait.ge [sflag:s4], $0x0  }
0x19: {  	s7 =	sld [smem:$0x3F56]  }
0x1a: {  	s8 =	sadd.s32 $0xFFFFE003, lr  }
0x1b: {  	s9 =	sadd.s32 $0xFFFFFEF7, lr;
	s5 =	simm.s32 $0xFFFFFFFF;
	p2 =	slt.u32 s8, $0xFFFFF086  }
0x1c: {  	p1 =	slt.u32 s9, $0xF7A;
	s5 =	simm.s32 @!p2 $0x0  }
0x1d: {  	s5 =	simm.s32 @p1 $0x1;
	p0 =	seq.s32 s7, s2  }
0x1e: {  	s7 =	smul.u32 @!p0 $0xF7A, s2;
	p2 =	seq.s32 @!p0 s5, $0x0  }
0x1f: {  	s9 =	smul.u32 $0xF7A, s1;
	s8 =	simm.s32 @!p0 $0x1BF5;
	p2 =	por !p2, p0  }
0x20: {  	[sflag:s8] =	ssyncset.s32 @!p0 $0xFFFFF086;
	s6 =	sadd.s32 @!p0 s3, s7;
	s7 =	simm.s32 @!p0 $0x108  }
0x21: {  	s3 =	sadd.s32 s3, s9;
	s6 =	sadd.s32 @!p0 $0x88, s6;
	s7 =	simm.s32 @p2 $0x1082  }
0x22: {  	[simem:s7], [sflag:s8] =	dma.local @!p0 [hbm:s6], $0xF7A  }
0x23: {  	s9 =	sor.u32 $0xD0000000, s2;
	s6 =	simm.s32 $0x108;
	_ =	swait.ge @!p0 [sflag:s8], $0x0  }
0x24: {  	s3 =	sadd.s32 $0x88, s3;
	s6 =	simm.s32 @!p1 $0x1082;
	[sflag:s4] =	ssyncset.s32 $0xFFFFF086  }
0x25: {  	[simem:s6], [sflag:s4] =	dma.local [hbm:s3], $0xF7A  }
0x26: {  	[smem:$0x3F56] =	sst s1;
	(tag) =	ssettag s2;
	_ =	strace s9  }
0x27: {  	s1 =	sld [smem:$0x3F66]  }
0x28: {  	s2 =	sld [smem:$0x3F67]  }
0x29: {  	s4 =	sld [smem:$0x3F69]  }
0x2a: {  	p0 =	seq.s32 s5, $0x0;
	s5 =	sld [smem:$0x3F6A]  }
0x2b: {  	s6 =	sld [smem:$0x3F6B]  }
0x2c: {  	s7 =	sld [smem:$0x3F6C]  }
0x2d: {  	s3 =	simm.s32 $0x108;
	s8 =	sld [smem:$0x3F6D]  }
0x2e: {  	s3 =	simm.s32 @!p0 $0x1082;
	s9 =	sld [smem:$0x3F6E]  }
0x2f: {  	lr =	sadd.s32 s0, s3;
	s0 =	sld [smem:$0x3F65]  }
0x30: {  	s3 =	sld [smem:$0x3F68]  }
0x31: {  	[smem:$0x3F71] =	sst s10  }
0x32: {  	s10 =	sld [smem:$0x3F6F];
	_ =	sdelay $0x3  }
0x33: {  	p0 =	seq.s32 s10, $0x1;
	s10 =	sld [smem:$0x3F71];
	_ =	sdelay $0x3  }
0x34: {  	[smem:$0x3F71] =	sst s10  }
0x35: {  	s10 =	sld [smem:$0x3F70];
	_ =	sdelay $0x3  }
0x36: {  	p1 =	seq.s32 s10, $0x1;
	s10 =	sld [smem:$0x3F71];
	_ =	sdelay $0x3  }
0x37: {  	[smem:$0x3F71] =	sst s10  }
0x38: {  	s10 =	sld [smem:$0x3F72]  }
0x39: {  	_ = 	snop;
	(pc) =	sbr.ind lr, $3  }
0x3a: {  	_ = 	snop  }
0x3b: {  	_ = 	snop  }
0x3c: {  	p2 =	seq.s32 s10, $0x1;
	s10 =	sld [smem:$0x3F71]  }
0x3d: {  	_ =	shalt  }
0x3e: {  	_ =	shalt  }
0x3f: {  	_ =	shalt  }
0x40: {  	_ =	shalt  }
0x41: {  	_ =	shalt  }
0x42: {  	_ =	shalt  }
0x43: {  	_ =	shalt  }
0x44: {  	_ =	shalt  }
0x45: {  	_ =	shalt  }
0x46: {  	_ =	shalt  }
0x47: {  	_ =	shalt  }
0x48: {  	_ =	shalt  }
0x49: {  	_ =	shalt  }
0x4a: {  	_ =	shalt  }
0x4b: {  	_ =	shalt  }
0x4c: {  	_ =	shalt  }
0x4d: {  	_ =	shalt  }
0x4e: {  	_ =	shalt  }
0x4f: {  	_ =	shalt  }
0x50: {  	_ =	shalt  }
0x51: {  	_ =	shalt  }
0x52: {  	_ =	shalt  }
0x53: {  	_ =	shalt  }
0x54: {  	_ =	shalt  }
0x55: {  	_ =	shalt  }
0x56: {  	_ =	shalt  }
0x57: {  	_ =	shalt  }
0x58: {  	_ =	shalt  }
0x59: {  	_ =	shalt  }
0x5a: {  	_ =	shalt  }
0x5b: {  	_ =	shalt  }
0x5c: {  	_ =	shalt  }
0x5d: {  	_ =	shalt  }
0x5e: {  	_ =	shalt  }
0x5f: {  	_ =	shalt  }
0x60: {  	_ =	shalt  }
0x61: {  	_ =	shalt  }
0x62: {  	_ =	shalt  }
0x63: {  	_ =	shalt  }
0x64: {  	_ =	shalt  }
0x65: {  	_ =	shalt  }
0x66: {  	_ =	shalt  }
0x67: {  	_ =	shalt  }
0x68: {  	_ =	shalt  }
0x69: {  	_ =	shalt  }
0x6a: {  	_ =	shalt  }
0x6b: {  	_ =	shalt  }
0x6c: {  	_ =	shalt  }
0x6d: {  	_ =	shalt  }
0x6e: {  	_ =	shalt  }
0x6f: {  	_ =	shalt  }
0x70: {  	_ =	shalt  }
0x71: {  	_ =	shalt  }
0x72: {  	_ =	shalt  }
0x73: {  	_ =	shalt  }
0x74: {  	_ =	shalt  }
0x75: {  	_ =	shalt  }
0x76: {  	_ =	shalt  }
0x77: {  	_ =	shalt  }
0x78: {  	_ =	shalt  }
0x79: {  	_ =	shalt  }
0x7a: {  	_ =	shalt  }
0x7b: {  	_ =	shalt  }
0x7c: {  	_ =	shalt  }
0x7d: {  	_ =	shalt  }
0x7e: {  	_ =	shalt  }
0x7f: {  	_ =	shalt  }
0x80: {  	_ =	shalt  }
0x81: {  	_ =	shalt  }
0x82: {  	_ =	shalt  }
0x83: {  	_ =	shalt  }
0x84: {  	_ =	shalt  }
0x85: {  	_ =	shalt  }
0x86: {  	_ =	shalt  }
0x87: {  	_ =	shalt  }
.Lfunc_end0:
.L_simem_size_0:
called_computation.4_lowered:
.L_overlay_start_0:
0x88: {  	s2 =	sld [smem:$0x3FD9]  }
0x89: {  	s3 =	sld [smem:$0x3FFE];
	_ =	sdelay $0x1  }
0x8a: {  	s1 =	srdreg.scid  }
0x8b: {  	s0 =	sand.u32 $0x1, s1  }
0x8c: {  	s16 =	sshll.u32 s0, $0xA;
	s2 =	sadd.s32 s3, s2  }
0x8d: {  	s2 =	sadd.s32 s2, s16  }
0x8e: {  	[smem:$0x3F7D] =	sst s2  }
0x8f: {  	_ = 	snop  }
0x90: {  	(tm) =	ssettm $0x1  }
0x91: {  	s17 =	sld [smem:$0x3FFB];
	_ =	sdelay $0x3  }
0x92: {  	_ =	strace s17  }
0x93: {  	s2 =	sld [smem:$0x3FFC];
	_ =	sdelay $0x3  }
0x94: {  	_ =	strace s2  }
0x95: {  	s2 =	sld [smem:$0x3FFD];
	_ =	sdelay $0x3  }
0x96: {  	_ =	strace s2  }
0x97: {  	_ =	strace $0x8FFFFFFF  }
0x98: {  	s18 =	sld [smem:$0x3FDB];
	_ =	sdelay $0x1  }
0x99: {  	s19 =	simm.s32 $_scs_section_size  }
0x9a: {  	s4 =	simm.s32 $_size__tile_overlayer_lowered;
	s5 =	simm.s32 $_tile_overlayer_lowered  }
0x9b: {  	s22 =	simm.s32 $0x1BFF;
	s21 =	sshll.u32 s5, $0x1;
	s2 =	sadd.s32 s19, s18  }
0x9c: {  	s6 =	simm.s32 $0x0;
	s20 =	sshll.u32 s4, $0x1;
	s4 =	sadd.s32 s21, s2  }
0x9d: {  	[timem:s6], [sflag:s22] =	dma.local [hbm:s4], s20  }
0x9e: {  	_ =	swait.ge [sflag:s22], s20  }
0x9f: {  	s3 =	ssub.s32 $0x0, s20;
	[sflag:s22] =	ssyncset.done $0x0  }
0xa0: {  	[sflag:s22] =	ssyncadd.s32 s3;
	_ =	sdelay $0x1  }
0xa1: {  	s23 =	simm.s32 $0x1B8B  }
0xa2: {  	_ =	swait.ge [sflag:s23], $0x1  }
0xa3: {  	[sflag:s23] =	ssyncset.done $0x0  }
0xa4: {  	s25 =	simm.s32 $0x1B8E;
	s24 =	sld [smem:$0x3FFE];
	[sflag:s23] =	ssyncadd.s32 $0xFFFFFFFF  }
0xa5: {  	s26 =	simm.s32 $execute0_lowered;
	[smem:$0x3FD2] =	sst s25  }
0xa6: {  	s4 =	sshll.u32 s26, $0x1;
	_ =	strace $0x80000052;
	[dreg:$0x1] =	wrdreg $0xFFFFFFFF  }
0xa7: {  	s28 =	simm.s32 $_size_execute0_lowered;
	s2 =	sadd.s32 s2, s4;
	[dreg:$0x0] =	wrdreg $0x0  }
0xa8: {  	s4 =	sshll.u32 s28, $0x1;
	[dreg:$0x2] =	wrdreg s2  }
0xa9: {  	[dreg:$0x3] =	wrdreg s4  }
0xaa: {  	[dreg:$0x4] =	wrdreg $0xC0  }
0xab: {  	_ =	task [dreg:s6], $0x5FFFF  }
0xac: {  	[dreg:$0x1] =	wrdreg $0xFFFFFFFF  }
0xad: {  	[dreg:$0x0] =	wrdreg $0x60  }
0xae: {  	[dreg:$0x2] =	wrdreg s24  }
0xaf: {  	[dreg:$0x3] =	wrdreg $0x0  }
0xb0: {  	[dreg:$0x4] =	wrdreg $0x9  }
0xb1: {  	_ =	task.clear_ibuf [dreg:s6], $0x5FFFF;
	_ =	strace $0x90000052  }
0xb2: {  	s29 =	simm.s32 $0x9;
	_ =	strace $0x80000054  }
0xb3: {  	_ =	swait.ge [sflag:s29], $0x1  }
0xb4: {  	[sflag:s29] =	ssyncadd.s32 $0xFFFFFFFF  }
0xb5: {  	_ =	strace $0x90000054  }
0xb6: {  	_ =	sfence  }
0xb7: {  	s30 =	sld [smem:$0x0];
	_ =	sdelay $0x2  }
0xb8: {  	s31 =	sshll.u32 s1, $0xD;
	s1 =	sshrl.u32 s1, $0x2  }
0xb9: {  	s3 =	sand.u32 $0x4000, s31;
	s1 =	sadd.s32 s1, s30  }
0xba: {  	s0 =	sor.u32 s3, s0;
	s1 =	sshll.u32 s1, $0x11  }
0xbb: {  	s0 =	sor.u32 s1, s0  }
0xbc: {  	s0 =	sadd.s32 $0x8F2B, s0  }
0xbd: {  	[sflag:s0] =	ssyncadd.remote.s32 $0x1  }
0xbe: {  	_ =	sfence.sel $0xFFFF  }
0xbf: {  	[dreg:$0x0] =	wrdreg $0xFFFFFFFF;
	(pc) =	sbr.abs _section_cstart, $3  }
0xc0: {  	[dreg:$0x1] =	wrdreg $0xFFFFFFFF  }
0xc1: {  	_ =	task.clear_ibuf [dreg:s6], $0x2FFFF;
	_ =	strace $0x9FFFFFFF  }
0xc2: {  	(tm) =	ssettm $0x7FFFFFFF  }
0xc3: {  	_ =	shalt  }
tec
execute0_lowered:
.L_overlay_start_1:
0x0: {  	(tag) =	ssettag $0x1  }
0x1: {  	s8 =	rddreg [dreg:$0x0]  }
0x2: {  	s2 =	rddreg [dreg:$0x1];
	s1 =	stileid.u32  }
0x3: {  	s0 =	rddreg [dreg:$0x2];
	s3 =	simm.s32 $0x0;
	s31 =	srdreg.scid  }
0x4: {  	s15 =	simm.s32 $0x14000;
	s16 =	simm.s32 $0x2;
	s17 =	simm.s32 $0x16780  }
0x5: {  	s20 =	simm.s32 $0xC8;
	s21 =	simm.s32 $0x18F00;
	s22 =	simm.s32 $0x1  }
0x6: {  	s4 =	sshrl.u32 s1, $0x3;
	[smem:$0x7FF] =	sst s3;
	s30 =	sshll.u32 s1, $0x7  }
0x7: {  	s13 =	sand.u32 $0x1, s31;
	s14 =	smul.u32 $0x50000, s1;
	s18 =	sshll.u32 s1, $0x6  }
0x8: {  	s5 =	smul.u32 $0x13C00, s4;
	_ =	strace $0x80000053;
	s6 =	sand.u32 $0x380, s30  }
0x9: {  	s4 =	sadd.s32 $0xDA00, s8;
	s9 =	ssub.s32 $0x2, s13;
	p0 =	sne.s32 s13, $0x0  }
0xa: {  	s13 =	simm.s32 $0x80;
	s18 =	sor.u32 $0x1C02, s18;
	s12 =	sshrl.u32 s9, $0x1  }
0xb: {  	s14 =	sshrl.u32 s14, $0x2;
	s5 =	sor.u32 s6, s5;
	s6 =	sadd.s32 $0x34C00, s8  }
.Ltmp0:
0xc: {  	s12 =	ssub.s32 s9, s12;
	s19 =	sadd.s32 s14, s2;
	(pc) =	sbr.rel .LBB2_1-.Ltmp0, $4  }
0xd: {  	s14 =	simm.s32 $0x400;
	s7 =	sshrl.u32 s5, $0x3;
	s5 =	smul.u32 $0x2800, s1  }
0xe: {  	s12 =	smax.u32 s12, $0x1;
	s19 =	sshrl.u32 s19, $0x3;
	s10 =	sadd.s32 s7, s8  }
0xf: {  	s7 =	sadd.s32 $0x67A00, s8;
	s11 =	sadd.s32 s5, s8;
	s8 =	sadd.s32 $0x8FA00, s8  }
0x10: {  	s9 =	sadd.s32 $0x5DA00, s10;
	s10 =	sadd.s32 $0x62A00, s10;
	s11 =	sadd.s32 $0x4FEA00, s11  }
.LBB2_7:
0x11: {  	s24 =	sadd.s32 $0x14000, s23;
	[sflag:s16] =	ssyncadd.s32 $0xFFFF9C00  }
0x12: {  	[tilespmem:s21], [sflag:$0x1] =	stream.indirect.gather [hbm4b:s6+s20], $0x80, s24, s20, $0xb8;
	[tilespmem:$0x1F300] =	vst v63  }
0x13: {  	_ =	swait.ge [sflag:s22], $0x6400  }
0x14: {  	[sflag:s22] =	ssyncset.done $0x0  }
0x15: {  	s31 =	sadd.s32 $0x16780, s23;
	[sflag:s22] =	ssyncadd.s32 $0xFFFF9C00  }
0x16: {  	[spmem:s2] =	stream.indirect.scatter.add.f32 [tilespmem:s21], [sflag:$0x2], $0x80, s31, s20, $0xb8;
	[tilespmem:$0x1F300] =	vst v63  }
0x17: {  	_ =	swait.ge [sflag:s16], $0x6400  }
0x18: {  	[sflag:s16] =	ssyncset.done $0x0  }
0x19: {  	s23 =	smov.u32 s8;
	[sflag:s16] =	ssyncadd.s32 $0xFFFF9C00  }
.LBB2_8:
0x1a: {  	s3 =	sadd.s32 $0x1, s3  }
0x1b: {  	p1 =	sne.s32 s3, s12  }
.Ltmp1:
0x1c: {  	s23 =	sadd.s32 s23, s5;
	[bflag:$0x0] =	sbarrier.arrive $0xFFFF;
	(pc) =	sbr.rel @!p1 .LBB2_9-.Ltmp1, $4  }
0x1d: {  	[hbm:s23], [sflag:s18] =	dma.local [spmem:s19], $0x2800  }
0x1e: {  	_ =	swait.ge [sflag:s16], $0x2800  }
0x1f: {  	[sflag:s16] =	ssyncset.done $0x0  }
0x20: {  	[sflag:s16] =	ssyncadd.s32 $0xFFFFD800  }
.LBB2_1:
0x21: {  	[tilespmem:s15], [sflag:$0x2] =	stream.strided.gather [hbm4b:s9+s13], $0x2780, s14, s13, $0x38;
	[tilespmem:$0x1F300] =	vst v63  }
0x22: {  	_ =	swait.ge [sflag:s16], $0x2780  }
0x23: {  	[sflag:s16] =	ssyncset.done $0x0  }
0x24: {  	[sflag:s16] =	ssyncadd.s32 $0xFFFFD880  }
0x25: {  	[tilespmem:s17], [sflag:$0x2] =	stream.strided.gather [hbm4b:s10+s13], $0x2780, s14, s13, $0x38;
	[tilespmem:$0x1F300] =	vst v63  }
0x26: {  	_ =	swait.ge [sflag:s16], $0x2780  }
0x27: {  	[sflag:s16] =	ssyncset.done $0x0  }
0x28: {  	[sflag:s16] =	ssyncadd.s32 $0xFFFFD880  }
0x29: {  	[spmem:s19], [sflag:s18] =	dma.local [hbm:s11], $0x2800  }
.Ltmp2:
0x2a: {  	_ =	swait.ge [sflag:s16], $0x2800;
	(pc) =	sbr.rel @p0 .LBB2_5-.Ltmp2, $4  }
0x2b: {  	[sflag:s16] =	ssyncset.done $0x0  }
0x2c: {  	[sflag:s16] =	ssyncadd.s32 $0xFFFFD800  }
0x2d: {  	[bflag:$0x0] =	sbarrier.arrive $0xFFFF  }
0x2e: {  	s23 =	simm.s32 $0x14000  }
0x2f: {  	[tilespmem:s21], [sflag:$0x1] =	stream.indirect.gather [hbm4b:s4+s20], $0x80, s23, s20, $0xb8;
	[tilespmem:$0x1F300] =	vst v63  }
0x30: {  	_ =	swait.ge [sflag:s22], $0x6400  }
0x31: {  	[sflag:s22] =	ssyncset.done $0x0  }
0x32: {  	s31 =	simm.s32 $0x16780;
	[sflag:s22] =	ssyncadd.s32 $0xFFFF9C00  }
0x33: {  	[spmem:s2] =	stream.indirect.scatter.add.f32 [tilespmem:s21], [sflag:$0x2], $0x80, s31, s20, $0xb8;
	[tilespmem:$0x1F300] =	vst v63  }
0x34: {  	_ =	swait.ge [sflag:s16], $0x6400  }
0x35: {  	s24 =	simm.s32 $0x640;
	s23 =	simm.s32 $0xC8;
	[sflag:s16] =	ssyncset.done $0x0  }
.LBB2_3:
0x36: {  	s25 =	sadd.s32 $0x14000, s23  }
0x37: {  	[sflag:s16] =	ssyncadd.s32 $0xFFFF9C00;
	s26 =	smov.u32 s24;
	s28 =	sadd.s32 $0x320, s24  }
0x38: {  	[tilespmem:s21], [sflag:$0x1] =	stream.indirect.gather [hbm4b:s4+s20], $0x80, s25, s20, $0xb8;
	[tilespmem:$0x1F300] =	vst v63  }
0x39: {  	p1 =	seq.s32 s24, $0x9920;
	_ =	swait.ge [sflag:s22], $0x6400  }
.Ltmp3:
0x3a: {  	[sflag:s22] =	ssyncset.done $0x0;
	(pc) =	sbr.rel @!p1 .LBB2_3-.Ltmp3, $4  }
0x3b: {  	s23 =	sadd.s32 $0x16780, s23;
	[sflag:s22] =	ssyncadd.s32 $0xFFFF9C00  }
0x3c: {  	[spmem:s2] =	stream.indirect.scatter.add.f32 [tilespmem:s21], [sflag:$0x2], $0x80, s23, s20, $0xb8;
	[tilespmem:$0x1F300] =	vst v63  }
0x3d: {  	_ =	swait.ge [sflag:s16], $0x6400  }
0x3e: {  	s24 =	smov.u32 s28;
	s23 =	sshra.s32 s26, $0x2;
	[sflag:s16] =	ssyncset.done $0x0  }
0x3f: {  	s24 =	sadd.s32 $0x14000, s23;
	[sflag:s16] =	ssyncadd.s32 $0xFFFF9C00  }
0x40: {  	[tilespmem:s21], [sflag:$0x1] =	stream.indirect.gather [hbm4b:s4+s20], $0x80, s24, s20, $0xb8;
	[tilespmem:$0x1F300] =	vst v63  }
0x41: {  	_ =	swait.ge [sflag:s22], $0x6400  }
0x42: {  	[sflag:s22] =	ssyncset.done $0x0  }
.Ltmp4:
0x43: {  	s31 =	sadd.s32 $0x16780, s23;
	[sflag:s22] =	ssyncadd.s32 $0xFFFF9C00;
	(pc) =	sbr.rel .LBB2_8-.Ltmp4, $4  }
0x44: {  	[spmem:s2] =	stream.indirect.scatter.add.f32 [tilespmem:s21], [sflag:$0x2], $0x80, s31, s20, $0xb8;
	[tilespmem:$0x1F300] =	vst v63  }
0x45: {  	_ =	swait.ge [sflag:s16], $0x6400  }
0x46: {  	[sflag:s16] =	ssyncset.done $0x0  }
0x47: {  	s23 =	smov.u32 s7;
	[sflag:s16] =	ssyncadd.s32 $0xFFFF9C00  }
.LBB2_5:
0x48: {  	[tilespmem:s21], [sflag:$0x1] =	stream.indirect.gather [hbm4b:s6+s20], $0x80, s23, s20, $0xb8;
	[tilespmem:$0x1F300] =	vst v63  }
0x49: {  	_ =	swait.ge [sflag:s22], $0x6400  }
0x4a: {  	[sflag:s22] =	ssyncset.done $0x0  }
0x4b: {  	s31 =	simm.s32 $0x16780;
	[sflag:s22] =	ssyncadd.s32 $0xFFFF9C00  }
0x4c: {  	[spmem:s2] =	stream.indirect.scatter.add.f32 [tilespmem:s21], [sflag:$0x2], $0x80, s31, s20, $0xb8;
	[tilespmem:$0x1F300] =	vst v63  }
0x4d: {  	_ =	swait.ge [sflag:s16], $0x6400  }
0x4e: {  	s24 =	simm.s32 $0x640;
	s23 =	simm.s32 $0xC8;
	[sflag:s16] =	ssyncset.done $0x0  }
.LBB2_6:
0x4f: {  	s25 =	sadd.s32 $0x14000, s23  }
0x50: {  	[sflag:s16] =	ssyncadd.s32 $0xFFFF9C00;
	s26 =	smov.u32 s24;
	s28 =	sadd.s32 $0x320, s24  }
0x51: {  	[tilespmem:s21], [sflag:$0x1] =	stream.indirect.gather [hbm4b:s6+s20], $0x80, s25, s20, $0xb8;
	[tilespmem:$0x1F300] =	vst v63  }
0x52: {  	p1 =	sne.s32 s24, $0x9920;
	_ =	swait.ge [sflag:s22], $0x6400  }
.Ltmp5:
0x53: {  	[sflag:s22] =	ssyncset.done $0x0;
	(pc) =	sbr.rel @p1 .LBB2_6-.Ltmp5, $4  }
0x54: {  	s23 =	sadd.s32 $0x16780, s23;
	[sflag:s22] =	ssyncadd.s32 $0xFFFF9C00  }
0x55: {  	[spmem:s2] =	stream.indirect.scatter.add.f32 [tilespmem:s21], [sflag:$0x2], $0x80, s23, s20, $0xb8;
	[tilespmem:$0x1F300] =	vst v63  }
0x56: {  	_ =	swait.ge [sflag:s16], $0x6400  }
0x57: {  	s24 =	smov.u32 s28;
	s23 =	sshra.s32 s26, $0x2;
	[sflag:s16] =	ssyncset.done $0x0  }
.Ltmp6:
0x58: {  	_ = 	snop;
	(pc) =	sbr.rel .LBB2_7-.Ltmp6, $1  }
0x59: {  	_ =	sdelay $0x3  }
.LBB2_9:
0x5a: {  	_ =	sfence.sel $0x180000  }
0x5b: {  	[bflag:$0x0] =	sbarrier.arrive $0xFFFF  }
0x5c: {  	p0 =	sne.s32 s1, $0x0;
	_ =	strace $0x90000053  }
0x5d: {  	s0 =	sadd.s32 @!p0 $0x100000, s0;
	[bflag:$0x2] =	sbarrier.arrive $0xFFFF  }
0x5e: {  	[sflag:s0] =	ssyncadd.tile.s32 @!p0 $0x1;
	_ =	shalt  }
.Lfunc_end2:
_tile_overlayer_lowered:
.L_overlay_start_2:
0x5f: {  	(tag) =	ssettag $0x2  }
0x60: {  	s0 =	rddreg [dreg:$0x0];
	s2 =	stileid.u32  }
0x61: {  	s1 =	rddreg [dreg:$0x1];
	p0 =	sne.s32 s2, $0x0  }
0x62: {  	s3 =	rddreg [dreg:$0x2];
	[bflag:$0x3] =	sbarrier.arrive $0xFFFF;
	s2 =	simm.s32 @!p0 $0x1C02  }
0x63: {  	[timem:s3], [sflag:s2] =	dma.local @!p0 [hbm:s0], s1  }
0x64: {  	s0 =	simm.s32 @!p0 $0x2  }
0x65: {  	_ =	swait.ge @!p0 [sflag:s0], s1  }
0x66: {  	s1 =	ssub.s32 @!p0 $0x0, s1;
	[sflag:s0] =	ssyncset.done @!p0 $0x0  }
0x67: {  	[sflag:s0] =	ssyncadd.s32 @!p0 s1  }
0x68: {  	[bflag:$0x3] =	sbarrier.arrive $0xFFFF  }
0x69: {  	_ =	shalt  }

</sc_bundles>
